<compile_context>
chip_gen: v7x
topology: tpu7x:2x2x1
jax: 0.10.2.dev20260603
libtpu: 0.0.44.dev20260713+nightly
codegen_flags: <defaults>
</compile_context>

<pallas_src>
import functools

import jax
import jax.numpy as jnp
from jax import lax
from jax.experimental import pallas as pl
from jax.experimental.pallas import tpu as pltpu
from jax.experimental.pallas import tpu_sc as plsc

NC = 2
NS = 16
NW = NC * NS
CH = 80
SPLITS = (38400, 102400, 89600, 51200, 38400)


def _sc_mesh():
    return plsc.VectorSubcoreMesh(core_axis_name="c", subcore_axis_name="s")


def _gather_pairs(atom_fea, src, dst):
    E = src.shape[0]
    N, D = atom_fea.shape
    per_w = E // NW
    n_ch = per_w // CH

    @functools.partial(
        pl.kernel,
        out_type=(
            jax.ShapeDtypeStruct((E, D), jnp.float32),
            jax.ShapeDtypeStruct((E, D), jnp.float32),
        ),
        mesh=_sc_mesh(),
        scratch_types=[
            pltpu.VMEM((per_w,), jnp.int32),
            pltpu.VMEM((per_w,), jnp.int32),
            pltpu.VMEM((2, CH, D), jnp.float32),
            pltpu.VMEM((2, CH, D), jnp.float32),
            pltpu.VMEM_SHARED((N, D), jnp.float32),
            pltpu.SemaphoreType.DMA,
            pltpu.SemaphoreType.DMA,
        ],
    )
    def k(atom_hbm, src_hbm, dst_hbm, gs_hbm, gd_hbm,
          idx_s, idx_d, rows_s, rows_d, atom_sp, sem_g, sem_w):
        sid = lax.axis_index("s")
        wid = sid * NC + lax.axis_index("c")
        base = wid * per_w
        pltpu.sync_copy(src_hbm.at[pl.ds(base, per_w)], idx_s)
        pltpu.sync_copy(dst_hbm.at[pl.ds(base, per_w)], idx_d)

        @pl.when(sid == 0)
        def _():
            pltpu.sync_copy(atom_hbm, atom_sp)

        plsc.subcore_barrier()

        def fire_gathers(j, p):
            off = j * CH
            pltpu.async_copy(atom_sp.at[idx_s.at[pl.ds(off, CH)]],
                             rows_s.at[p], sem_g)
            pltpu.async_copy(atom_sp.at[idx_d.at[pl.ds(off, CH)]],
                             rows_d.at[p], sem_g)

        fire_gathers(0, 0)

        def body(j, carry):
            p = lax.rem(j, 2)
            pltpu.make_async_copy(gs_hbm.at[pl.ds(0, CH)], rows_s.at[p], sem_g).wait()
            pltpu.make_async_copy(gs_hbm.at[pl.ds(0, CH)], rows_d.at[p], sem_g).wait()
            pltpu.async_copy(rows_s.at[p], gs_hbm.at[pl.ds(base + j * CH, CH)], sem_w)
            pltpu.async_copy(rows_d.at[p], gd_hbm.at[pl.ds(base + j * CH, CH)], sem_w)

            @pl.when(j >= 1)
            def _():
                pltpu.make_async_copy(gs_hbm.at[pl.ds(0, CH)],
                                      rows_s.at[1 - p], sem_w).wait()
                pltpu.make_async_copy(gs_hbm.at[pl.ds(0, CH)],
                                      rows_d.at[1 - p], sem_w).wait()

            @pl.when(j < n_ch - 1)
            def _():
                fire_gathers(j + 1, 1 - p)

            return carry

        lax.fori_loop(0, n_ch, body, 0)
        pltpu.make_async_copy(gs_hbm.at[pl.ds(0, CH)],
                              rows_s.at[lax.rem(n_ch - 1, 2)], sem_w).wait()
        pltpu.make_async_copy(gs_hbm.at[pl.ds(0, CH)],
                              rows_d.at[lax.rem(n_ch - 1, 2)], sem_w).wait()

    return k(atom_fea, src, dst)


def _edge_mlp(gs, gd, eij, bor, e_off, Ws, Wd, We, bf, W1, b1, W2, b2,
              Wr, br):
    E, D = gs.shape
    NFE = eij.shape[0]
    NFB = bor.shape[0]
    BE = 6400
    grid = (E // BE,)
    blk0 = e_off // BE

    def sig(x):
        return 0.5 * jnp.tanh(0.5 * x) + 0.5

    def body(gs_r, gd_r, eij_r, bor_r, Ws_r, Wd_r, We_r, bf_r,
             W1_r, b1_r, W2_r, b2_r, Wr_r, br_r, out_r):
        dot = functools.partial(jnp.dot, preferred_element_type=jnp.float32)
        dot_t = functools.partial(
            lax.dot_general, dimension_numbers=(((0,), (0,)), ((), ())),
            preferred_element_type=jnp.float32)
        h = (dot(gs_r[...].astype(jnp.bfloat16), Ws_r[...])
             + dot(gd_r[...].astype(jnp.bfloat16), Wd_r[...])
             + dot_t(eij_r[...].astype(jnp.bfloat16), We_r[...]) + bf_r[...])
        h = (h * sig(h)).astype(jnp.bfloat16)
        g1 = dot(h, W1_r[...]) + b1_r[...]
        g2 = dot(h, W2_r[...]) + b2_r[...]
        r = dot_t(bor_r[...].astype(jnp.bfloat16), Wr_r[...]) + br_r[...]
        out_r[...] = g1 * sig(g1) * sig(g2) * r

    eb = lambda w: pl.BlockSpec((BE, w), lambda i: (i, 0))
    ofs = lambda w: pl.BlockSpec((w, BE), lambda i: (0, blk0 + i))
    full = lambda a: pl.BlockSpec(a.shape, lambda i: (0,) * a.ndim)
    return pl.pallas_call(
        body,
        grid=grid,
        in_specs=[eb(D), eb(D), ofs(NFE), ofs(NFB),
                  full(Ws), full(Wd), full(We), full(bf),
                  full(W1), full(b1), full(W2), full(b2), full(Wr), full(br)],
        out_specs=eb(D),
        out_shape=jax.ShapeDtypeStruct((E, D), jnp.float32),
    )(gs, gd, eij, bor, Ws, Wd, We, bf, W1, b1, W2, b2, Wr, br)


def _scatter_add_split(nbr, src3, prev, n_nodes):
    E_c, D = nbr.shape
    per_w = E_c // NW
    n_ch = per_w // CH

    @functools.partial(
        pl.kernel,
        out_type=jax.ShapeDtypeStruct((NC, n_nodes, D), jnp.float32),
        mesh=_sc_mesh(),
        scratch_types=[
            pltpu.VMEM((n_ch, CH), jnp.int32),
            pltpu.VMEM((2, CH, D), jnp.float32),
            pltpu.VMEM_SHARED((n_nodes, D), jnp.float32),
            pltpu.SemaphoreType.DMA,
            pltpu.SemaphoreType.DMA,
        ],
    )
    def k(nbr_hbm, src3_hbm, prev_hbm, out_hbm, idx2, rows, acc,
          sem_r, sem_s):
        cid = lax.axis_index("c")
        sid = lax.axis_index("s")
        wid = sid * NC + cid

        @pl.when(sid == 0)
        def _():
            pltpu.sync_copy(prev_hbm.at[cid], acc)

        pltpu.sync_copy(src3_hbm.at[wid], idx2)
        plsc.subcore_barrier()

        base = wid * per_w
        pltpu.async_copy(nbr_hbm.at[pl.ds(base, CH)], rows.at[0], sem_r)

        def body(j, carry):
            p = lax.rem(j, 2)
            pltpu.make_async_copy(nbr_hbm.at[pl.ds(0, CH)], rows.at[p],
                                  sem_r).wait()
            pltpu.async_copy(rows.at[p], acc.at[idx2.at[j]], sem_s, add=True)

            @pl.when(j >= 1)
            def _():
                pltpu.make_async_copy(nbr_hbm.at[pl.ds(0, CH)],
                                      rows.at[1 - p], sem_s).wait()

            @pl.when(j < n_ch - 1)
            def _():
                pltpu.async_copy(nbr_hbm.at[pl.ds(base + (j + 1) * CH, CH)],
                                 rows.at[1 - p], sem_r)

            return carry

        lax.fori_loop(0, n_ch, body, 0)
        pltpu.make_async_copy(nbr_hbm.at[pl.ds(0, CH)],
                              rows.at[lax.rem(n_ch - 1, 2)], sem_s).wait()

        plsc.subcore_barrier()

        @pl.when(sid == 0)
        def _():
            pltpu.sync_copy(acc, out_hbm.at[cid])

    return k(nbr, src3, prev)


def _combine(atom_fea, parts):
    N, D = atom_fea.shape
    BN = 1000

    def body(a_r, *refs):
        p_refs, o_r = refs[:-1], refs[-1]
        o_r[...] = a_r[...] + sum(p_r[0] + p_r[1] for p_r in p_refs)

    spec = pl.BlockSpec((BN, D), lambda i: (i, 0))
    pspec = pl.BlockSpec((NC, BN, D), lambda i: (0, i, 0))
    return pl.pallas_call(
        body,
        grid=(N // BN,),
        in_specs=[spec] + [pspec] * len(parts),
        out_specs=spec,
        out_shape=jax.ShapeDtypeStruct((N, D), jnp.float32),
    )(atom_fea, *parts)


def kernel(atom_fea, edge_ij, bonds_r, nbr_atoms, W_full, b_full,
           W1, b1, W2, b2, Wr, br):
    n_nodes, D = atom_fea.shape
    E = nbr_atoms.shape[0]
    src = nbr_atoms[:, 0]
    dst = nbr_atoms[:, 1]

    bf16 = lambda a: a.astype(jnp.bfloat16)
    Ws = W_full[:D]
    Wd = W_full[D:2 * D]
    We = W_full[2 * D:]
    mlp_args = (
        bf16(Ws), bf16(Wd), bf16(We), b_full.reshape(1, -1),
        bf16(W1), b1.reshape(1, -1), bf16(W2), b2.reshape(1, -1),
        bf16(Wr), br.reshape(1, -1),
    )

    eij_t = edge_ij.T
    bor_t = bonds_r.T
    nbrs = []
    src3s = []
    off = 0
    for e_c in SPLITS:
        sl = slice(off, off + e_c)
        gs, gd = _gather_pairs(atom_fea, src[sl], dst[sl])
        nbrs.append(_edge_mlp(gs, gd, eij_t, bor_t, off, *mlp_args))
        src3s.append(src[sl].reshape(NW, (e_c // NW) // CH, CH))
        off += e_c

    zeros = jnp.zeros((NC, n_nodes, D), dtype=jnp.float32)
    p_a = zeros
    for c in (0, 2, 4):
        p_a = _scatter_add_split(nbrs[c], src3s[c], p_a, n_nodes)
    p_b = zeros
    for c in (1, 3):
        p_b = _scatter_add_split(nbrs[c], src3s[c], p_b, n_nodes)
    return _combine(atom_fea, [p_a, p_b])

# --- scband reference (transcript-rebuilt; emitter-appended) ---
"""Pipeline reference for scband-conv-layer-19593640804838 (READ-ONLY COPY).

The authoritative reference and input builder live on the scoring server;
editing this copy changes nothing except your own understanding.
"""

import jax, jax.numpy as jnp
import numpy as np

N_NODES = 10000
N_EDGES = 320000
AF = 128
NF = 16


def setup_inputs(seed: int = 0) -> dict:
    key = jax.random.key(seed)
    ks = jax.random.split(key, 12)
    atom_fea = jax.random.normal(ks[0], (N_NODES, AF), dtype=jnp.float32)
    edge_ij = jax.random.normal(ks[1], (N_EDGES, NF), dtype=jnp.float32)
    bonds_r = jax.random.normal(ks[2], (N_EDGES, 16), dtype=jnp.float32)
    nbr_atoms = jax.random.randint(ks[3], (N_EDGES, 2), 0, N_NODES, dtype=jnp.int32)
    # learned parameters (jax convention: y = x @ W + b, W shape [in, out])
    W_full = jax.random.normal(ks[4], (2 * AF + NF, 2 * AF), dtype=jnp.float32) * 0.05
    b_full = jnp.zeros((2 * AF,), dtype=jnp.float32)
    W1 = jax.random.normal(ks[5], (2 * AF, AF), dtype=jnp.float32) * 0.05
    b1 = jnp.zeros((AF,), dtype=jnp.float32)
    W2 = jax.random.normal(ks[6], (2 * AF, AF), dtype=jnp.float32) * 0.05
    b2 = jnp.zeros((AF,), dtype=jnp.float32)
    Wr = jax.random.normal(ks[7], (16, AF), dtype=jnp.float32) * 0.05
    br = jnp.zeros((AF,), dtype=jnp.float32)
    return {
        "atom_fea": atom_fea,
        "edge_ij": edge_ij,
        "bonds_r": bonds_r,
        "nbr_atoms": nbr_atoms,
        "W_full": W_full,
        "b_full": b_full,
        "W1": W1,
        "b1": b1,
        "W2": W2,
        "b2": b2,
        "Wr": Wr,
        "br": br,
    }


def reference(atom_fea, edge_ij, bonds_r, nbr_atoms, W_full, b_full, W1, b1, W2, b2, Wr, br):
    src = nbr_atoms[:, 0]
    dst = nbr_atoms[:, 1]
    # gather endpoint features and concat with edge features
    atom_nbr_fea = jnp.concatenate(
        [jnp.take(atom_fea, src, axis=0), jnp.take(atom_fea, dst, axis=0), edge_ij],
        axis=-1,
    )
    atom_gated_fea = jax.nn.silu(atom_nbr_fea @ W_full + b_full)
    nbr_all = jax.nn.silu(atom_gated_fea @ W1 + b1) * jax.nn.sigmoid(atom_gated_fea @ W2 + b2)
    nbr_all = nbr_all * (bonds_r @ Wr + br)
    # torch.index_add(atom_fea, 0, src, nbr_all) -> scatter-add
    out = atom_fea.at[src].add(nbr_all.astype(jnp.float32))
    return out

if __name__ == "__main__":
    import jax
    _d = setup_inputs()
    print(jax.jit(kernel)(*tuple(_d.values())))

</pallas_src>

<mosaic_0001>
#map = affine_map<(d0, d1) -> (0, 0)>
#map1 = affine_map<(d0, d1) -> (0)>
module attributes {stable_mosaic.version = 14 : i64} {
  func.func @k(%arg0: i32, %arg1: i32, %arg2: memref<10000x128xf32, #tpu.memory_space<hbm>>, %arg3: memref<38400xi32, #tpu.memory_space<hbm>>, %arg4: memref<38400xi32, #tpu.memory_space<hbm>>, %arg5: memref<38400x128xf32, #tpu.memory_space<hbm>>, %arg6: memref<38400x128xf32, #tpu.memory_space<hbm>>, %arg7: memref<1200xi32, #tpu.memory_space<vmem>>, %arg8: memref<1200xi32, #tpu.memory_space<vmem>>, %arg9: memref<2x80x128xf32, #tpu.memory_space<vmem>>, %arg10: memref<2x80x128xf32, #tpu.memory_space<vmem>>, %arg11: memref<10000x128xf32, #tpu.memory_space<vmem_shared>>, %arg12: memref<!tpu.dma_semaphore, #tpu.memory_space<semaphore_mem>>, %arg13: memref<!tpu.dma_semaphore, #tpu.memory_space<semaphore_mem>>) attributes {dimension_semantics = [#tpu.dimension_semantics<core_parallel>, #tpu.dimension_semantics<subcore_parallel>], iteration_bounds = array<i64: 2, 16>, scalar_prefetch = 0 : i64, scratch_operands = 7 : i64, tpu.core_type = #tpu.core_type<sc_vector_subcore>, window_params = [{transform_indices = #map}, {transform_indices = #map1}, {transform_indices = #map1}, {transform_indices = #map}, {transform_indices = #map}]} {
    %mul3A = arith.constant 2 : i32
    %mul3A_0 = arith.muli %arg1, %mul3A : i32
    %add3A = arith.addi %mul3A_0, %arg0 : i32
    %mul3A_1 = arith.constant 1200 : i32
    %mul3A_2 = arith.muli %add3A, %mul3A_1 : i32
    "tpu.region"() ({
      %run_scoped3A = tpu.sem_alloc : memref<!tpu.dma_semaphore, #tpu.memory_space<semaphore_mem>>
      %dma_start3A_61 = tpu.memref_slice %arg3[%mul3A_2] : memref<38400xi32, #tpu.memory_space<hbm>> -> memref<1200xi32, #tpu.memory_space<hbm>>
      %dma_start3A_62 = tpu.memref_slice %arg3[%mul3A_2] : memref<38400xi32, #tpu.memory_space<hbm>> -> memref<1200xi32, #tpu.memory_space<hbm>>
      tpu.enqueue_dma source(%dma_start3A_62 : memref<1200xi32, #tpu.memory_space<hbm>>) target(%arg7 : memref<1200xi32, #tpu.memory_space<vmem>>) target_semaphore(%run_scoped3A : memref<!tpu.dma_semaphore, #tpu.memory_space<semaphore_mem>>)
      %dma_wait3A_63 = tpu.memref_slice %arg3[%mul3A_2] : memref<38400xi32, #tpu.memory_space<hbm>> -> memref<1200xi32, #tpu.memory_space<hbm>>
      %dma_wait3A_64 = tpu.memref_slice %arg3[%mul3A_2] : memref<38400xi32, #tpu.memory_space<hbm>> -> memref<1200xi32, #tpu.memory_space<hbm>>
      tpu.wait_dma2 semaphore(%run_scoped3A : memref<!tpu.dma_semaphore, #tpu.memory_space<semaphore_mem>>) src(%dma_wait3A_64 : memref<1200xi32, #tpu.memory_space<hbm>>) dst(%arg7 : memref<1200xi32, #tpu.memory_space<vmem>>)
      tpu.yield
    }) : () -> ()
    "tpu.region"() ({
      %run_scoped3A = tpu.sem_alloc : memref<!tpu.dma_semaphore, #tpu.memory_space<semaphore_mem>>
      %dma_start3A_61 = tpu.memref_slice %arg4[%mul3A_2] : memref<38400xi32, #tpu.memory_space<hbm>> -> memref<1200xi32, #tpu.memory_space<hbm>>
      %dma_start3A_62 = tpu.memref_slice %arg4[%mul3A_2] : memref<38400xi32, #tpu.memory_space<hbm>> -> memref<1200xi32, #tpu.memory_space<hbm>>
      tpu.enqueue_dma source(%dma_start3A_62 : memref<1200xi32, #tpu.memory_space<hbm>>) target(%arg8 : memref<1200xi32, #tpu.memory_space<vmem>>) target_semaphore(%run_scoped3A : memref<!tpu.dma_semaphore, #tpu.memory_space<semaphore_mem>>)
      %dma_wait3A_63 = tpu.memref_slice %arg4[%mul3A_2] : memref<38400xi32, #tpu.memory_space<hbm>> -> memref<1200xi32, #tpu.memory_space<hbm>>
      %dma_wait3A_64 = tpu.memref_slice %arg4[%mul3A_2] : memref<38400xi32, #tpu.memory_space<hbm>> -> memref<1200xi32, #tpu.memory_space<hbm>>
      tpu.wait_dma2 semaphore(%run_scoped3A : memref<!tpu.dma_semaphore, #tpu.memory_space<semaphore_mem>>) src(%dma_wait3A_64 : memref<1200xi32, #tpu.memory_space<hbm>>) dst(%arg8 : memref<1200xi32, #tpu.memory_space<vmem>>)
      tpu.yield
    }) : () -> ()
    %eq3A = arith.constant 0 : i32
    %eq3A_3 = arith.cmpi eq, %arg1, %eq3A : i32
    %convert_element_type3A = arith.extui %eq3A_3 : i1 to i32
    %cond3A = arith.constant 0 : i32
    %cond3A_4 = arith.cmpi ne, %convert_element_type3A, %cond3A : i32
    scf.if %cond3A_4 {
      "tpu.region"() ({
        %run_scoped3A = tpu.sem_alloc : memref<!tpu.dma_semaphore, #tpu.memory_space<semaphore_mem>>
        tpu.enqueue_dma source(%arg2 : memref<10000x128xf32, #tpu.memory_space<hbm>>) target(%arg11 : memref<10000x128xf32, #tpu.memory_space<vmem_shared>>) target_semaphore(%run_scoped3A : memref<!tpu.dma_semaphore, #tpu.memory_space<semaphore_mem>>)
        tpu.wait_dma2 semaphore(%run_scoped3A : memref<!tpu.dma_semaphore, #tpu.memory_space<semaphore_mem>>) src(%arg2 : memref<10000x128xf32, #tpu.memory_space<hbm>>) dst(%arg11 : memref<10000x128xf32, #tpu.memory_space<vmem_shared>>)
        tpu.yield
      }) : () -> ()
    } else {
    }
    %barrier3A = arith.constant 0 : index
    tpu.barrier barrier_id(%barrier3A)
    %dma_start3A = arith.constant 0 : i32
    %dma_start3A_5 = arith.constant 0 : i32
    %dma_start3A_6 = arith.constant 0 : i32
    %dma_start3A_7 = tpu.memref_slice %arg9[%dma_start3A, %dma_start3A_5, %dma_start3A_6] : memref<2x80x128xf32, #tpu.memory_space<vmem>> -> memref<1x80x128xf32, #tpu.memory_space<vmem>>
    %dma_start3A_8 = tpu.memref_squeeze %dma_start3A_7 : memref<1x80x128xf32, #tpu.memory_space<vmem>> -> memref<80x128xf32, #tpu.memory_space<vmem>>
    %dma_start3A_9 = arith.constant 0 : i32
    %dma_start3A_10 = tpu.memref_slice %arg7[%dma_start3A_9] : memref<1200xi32, #tpu.memory_space<vmem>> -> memref<80xi32, #tpu.memory_space<vmem>>
    %dma_start3A_11 = arith.constant 0 : i32
    %dma_start3A_12 = arith.constant 0 : i32
    %dma_start3A_13 = tpu.memref_slice %arg11[%dma_start3A_11, %dma_start3A_12] : memref<10000x128xf32, #tpu.memory_space<vmem_shared>> -> memref<10000x128xf32, #tpu.memory_space<vmem_shared>>
    tpu.enqueue_indirect_dma source(%dma_start3A_13 : memref<10000x128xf32, #tpu.memory_space<vmem_shared>>) target(%dma_start3A_8 : memref<80x128xf32, #tpu.memory_space<vmem>>) offsets(%dma_start3A_10 : memref<80xi32, #tpu.memory_space<vmem>>) semaphore(%arg12 : memref<!tpu.dma_semaphore, #tpu.memory_space<semaphore_mem>>)
    %dma_start3A_14 = arith.constant 0 : i32
    %dma_start3A_15 = arith.constant 0 : i32
    %dma_start3A_16 = arith.constant 0 : i32
    %dma_start3A_17 = tpu.memref_slice %arg10[%dma_start3A_14, %dma_start3A_15, %dma_start3A_16] : memref<2x80x128xf32, #tpu.memory_space<vmem>> -> memref<1x80x128xf32, #tpu.memory_space<vmem>>
    %dma_start3A_18 = tpu.memref_squeeze %dma_start3A_17 : memref<1x80x128xf32, #tpu.memory_space<vmem>> -> memref<80x128xf32, #tpu.memory_space<vmem>>
    %dma_start3A_19 = arith.constant 0 : i32
    %dma_start3A_20 = tpu.memref_slice %arg8[%dma_start3A_19] : memref<1200xi32, #tpu.memory_space<vmem>> -> memref<80xi32, #tpu.memory_space<vmem>>
    %dma_start3A_21 = arith.constant 0 : i32
    %dma_start3A_22 = arith.constant 0 : i32
    %dma_start3A_23 = tpu.memref_slice %arg11[%dma_start3A_21, %dma_start3A_22] : memref<10000x128xf32, #tpu.memory_space<vmem_shared>> -> memref<10000x128xf32, #tpu.memory_space<vmem_shared>>
    tpu.enqueue_indirect_dma source(%dma_start3A_23 : memref<10000x128xf32, #tpu.memory_space<vmem_shared>>) target(%dma_start3A_18 : memref<80x128xf32, #tpu.memory_space<vmem>>) offsets(%dma_start3A_20 : memref<80xi32, #tpu.memory_space<vmem>>) semaphore(%arg12 : memref<!tpu.dma_semaphore, #tpu.memory_space<semaphore_mem>>)
    %scan3A = arith.constant 0 : i32
    %scan3A_24 = arith.constant 0 : i32
    %scan3A_25 = arith.constant 15 : i32
    %scan3A_26 = arith.addi %scan3A_24, %scan3A_25 : i32
    %scan3A_27 = arith.constant 1 : i32
    scf.for %scan3A_61 = %scan3A_24 to %scan3A_26 step %scan3A_27  : i32 {
      %rem3A_62 = arith.constant 2 : i32
      %rem3A_63 = arith.remsi %scan3A_61, %rem3A_62 : i32
      %dma_wait3A_64 = arith.constant 0 : i32
      %dma_wait3A_65 = arith.constant 0 : i32
      %dma_wait3A_66 = tpu.memref_slice %arg9[%rem3A_63, %dma_wait3A_64, %dma_wait3A_65] : memref<2x80x128xf32, #tpu.memory_space<vmem>> -> memref<1x80x128xf32, #tpu.memory_space<vmem>>
      %dma_wait3A_67 = tpu.memref_squeeze %dma_wait3A_66 : memref<1x80x128xf32, #tpu.memory_space<vmem>> -> memref<80x128xf32, #tpu.memory_space<vmem>>
      %dma_wait3A_68 = arith.constant 0 : i32
      %dma_wait3A_69 = arith.constant 0 : i32
      %dma_wait3A_70 = tpu.memref_slice %arg5[%dma_wait3A_68, %dma_wait3A_69] : memref<38400x128xf32, #tpu.memory_space<hbm>> -> memref<80x128xf32, #tpu.memory_space<hbm>>
      %dma_wait3A_71 = arith.constant 0 : i32
      %dma_wait3A_72 = arith.constant 0 : i32
      %dma_wait3A_73 = tpu.memref_slice %arg9[%rem3A_63, %dma_wait3A_71, %dma_wait3A_72] : memref<2x80x128xf32, #tpu.memory_space<vmem>> -> memref<1x80x128xf32, #tpu.memory_space<vmem>>
      %dma_wait3A_74 = tpu.memref_squeeze %dma_wait3A_73 : memref<1x80x128xf32, #tpu.memory_space<vmem>> -> memref<80x128xf32, #tpu.memory_space<vmem>>
      %dma_wait3A_75 = arith.constant 0 : i32
      %dma_wait3A_76 = arith.constant 0 : i32
      %dma_wait3A_77 = tpu.memref_slice %arg5[%dma_wait3A_75, %dma_wait3A_76] : memref<38400x128xf32, #tpu.memory_space<hbm>> -> memref<80x128xf32, #tpu.memory_space<hbm>>
      tpu.wait_dma2 semaphore(%arg12 : memref<!tpu.dma_semaphore, #tpu.memory_space<semaphore_mem>>) src(%dma_wait3A_77 : memref<80x128xf32, #tpu.memory_space<hbm>>) dst(%dma_wait3A_74 : memref<80x128xf32, #tpu.memory_space<vmem>>)
      %dma_wait3A_78 = arith.constant 0 : i32
      %dma_wait3A_79 = arith.constant 0 : i32
      %dma_wait3A_80 = tpu.memref_slice %arg10[%rem3A_63, %dma_wait3A_78, %dma_wait3A_79] : memref<2x80x128xf32, #tpu.memory_space<vmem>> -> memref<1x80x128xf32, #tpu.memory_space<vmem>>
      %dma_wait3A_81 = tpu.memref_squeeze %dma_wait3A_80 : memref<1x80x128xf32, #tpu.memory_space<vmem>> -> memref<80x128xf32, #tpu.memory_space<vmem>>
      %dma_wait3A_82 = arith.constant 0 : i32
      %dma_wait3A_83 = arith.constant 0 : i32
      %dma_wait3A_84 = tpu.memref_slice %arg5[%dma_wait3A_82, %dma_wait3A_83] : memref<38400x128xf32, #tpu.memory_space<hbm>> -> memref<80x128xf32, #tpu.memory_space<hbm>>
      %dma_wait3A_85 = arith.constant 0 : i32
      %dma_wait3A_86 = arith.constant 0 : i32
      %dma_wait3A_87 = tpu.memref_slice %arg10[%rem3A_63, %dma_wait3A_85, %dma_wait3A_86] : memref<2x80x128xf32, #tpu.memory_space<vmem>> -> memref<1x80x128xf32, #tpu.memory_space<vmem>>
      %dma_wait3A_88 = tpu.memref_squeeze %dma_wait3A_87 : memref<1x80x128xf32, #tpu.memory_space<vmem>> -> memref<80x128xf32, #tpu.memory_space<vmem>>
      %dma_wait3A_89 = arith.constant 0 : i32
      %dma_wait3A_90 = arith.constant 0 : i32
      %dma_wait3A_91 = tpu.memref_slice %arg5[%dma_wait3A_89, %dma_wait3A_90] : memref<38400x128xf32, #tpu.memory_space<hbm>> -> memref<80x128xf32, #tpu.memory_space<hbm>>
      tpu.wait_dma2 semaphore(%arg12 : memref<!tpu.dma_semaphore, #tpu.memory_space<semaphore_mem>>) src(%dma_wait3A_91 : memref<80x128xf32, #tpu.memory_space<hbm>>) dst(%dma_wait3A_88 : memref<80x128xf32, #tpu.memory_space<vmem>>)
      %mul3A_92 = arith.constant 80 : i32
      %mul3A_93 = arith.muli %scan3A_61, %mul3A_92 : i32
      %add3A_94 = arith.addi %mul3A_2, %mul3A_93 : i32
      %dma_start3A_95 = arith.constant 0 : i32
      %dma_start3A_96 = arith.constant 0 : i32
      %dma_start3A_97 = tpu.memref_slice %arg9[%rem3A_63, %dma_start3A_95, %dma_start3A_96] : memref<2x80x128xf32, #tpu.memory_space<vmem>> -> memref<1x80x128xf32, #tpu.memory_space<vmem>>
      %dma_start3A_98 = tpu.memref_squeeze %dma_start3A_97 : memref<1x80x128xf32, #tpu.memory_space<vmem>> -> memref<80x128xf32, #tpu.memory_space<vmem>>
      %dma_start3A_99 = arith.constant 0 : i32
      %dma_start3A_100 = tpu.memref_slice %arg5[%add3A_94, %dma_start3A_99] : memref<38400x128xf32, #tpu.memory_space<hbm>> -> memref<80x128xf32, #tpu.memory_space<hbm>>
      %dma_start3A_101 = arith.constant 0 : i32
      %dma_start3A_102 = tpu.memref_slice %arg5[%add3A_94, %dma_start3A_101] : memref<38400x128xf32, #tpu.memory_space<hbm>> -> memref<80x128xf32, #tpu.memory_space<hbm>>
      %dma_start3A_103 = arith.constant 0 : i32
      %dma_start3A_104 = arith.constant 0 : i32
      %dma_start3A_105 = tpu.memref_slice %arg9[%rem3A_63, %dma_start3A_103, %dma_start3A_104] : memref<2x80x128xf32, #tpu.memory_space<vmem>> -> memref<1x80x128xf32, #tpu.memory_space<vmem>>
      %dma_start3A_106 = tpu.memref_squeeze %dma_start3A_105 : memref<1x80x128xf32, #tpu.memory_space<vmem>> -> memref<80x128xf32, #tpu.memory_space<vmem>>
      tpu.enqueue_dma source(%dma_start3A_106 : memref<80x128xf32, #tpu.memory_space<vmem>>) target(%dma_start3A_102 : memref<80x128xf32, #tpu.memory_space<hbm>>) target_semaphore(%arg13 : memref<!tpu.dma_semaphore, #tpu.memory_space<semaphore_mem>>)
      %mul3A_107 = arith.constant 80 : i32
      %mul3A_108 = arith.muli %scan3A_61, %mul3A_107 : i32
      %add3A_109 = arith.addi %mul3A_2, %mul3A_108 : i32
      %dma_start3A_110 = arith.constant 0 : i32
      %dma_start3A_111 = arith.constant 0 : i32
      %dma_start3A_112 = tpu.memref_slice %arg10[%rem3A_63, %dma_start3A_110, %dma_start3A_111] : memref<2x80x128xf32, #tpu.memory_space<vmem>> -> memref<1x80x128xf32, #tpu.memory_space<vmem>>
      %dma_start3A_113 = tpu.memref_squeeze %dma_start3A_112 : memref<1x80x128xf32, #tpu.memory_space<vmem>> -> memref<80x128xf32, #tpu.memory_space<vmem>>
      %dma_start3A_114 = arith.constant 0 : i32
      %dma_start3A_115 = tpu.memref_slice %arg6[%add3A_109, %dma_start3A_114] : memref<38400x128xf32, #tpu.memory_space<hbm>> -> memref<80x128xf32, #tpu.memory_space<hbm>>
      %dma_start3A_116 = arith.constant 0 : i32
      %dma_start3A_117 = tpu.memref_slice %arg6[%add3A_109, %dma_start3A_116] : memref<38400x128xf32, #tpu.memory_space<hbm>> -> memref<80x128xf32, #tpu.memory_space<hbm>>
      %dma_start3A_118 = arith.constant 0 : i32
      %dma_start3A_119 = arith.constant 0 : i32
      %dma_start3A_120 = tpu.memref_slice %arg10[%rem3A_63, %dma_start3A_118, %dma_start3A_119] : memref<2x80x128xf32, #tpu.memory_space<vmem>> -> memref<1x80x128xf32, #tpu.memory_space<vmem>>
      %dma_start3A_121 = tpu.memref_squeeze %dma_start3A_120 : memref<1x80x128xf32, #tpu.memory_space<vmem>> -> memref<80x128xf32, #tpu.memory_space<vmem>>
      tpu.enqueue_dma source(%dma_start3A_121 : memref<80x128xf32, #tpu.memory_space<vmem>>) target(%dma_start3A_117 : memref<80x128xf32, #tpu.memory_space<hbm>>) target_semaphore(%arg13 : memref<!tpu.dma_semaphore, #tpu.memory_space<semaphore_mem>>)
      %ge3A = arith.constant 1 : i32
      %ge3A_122 = arith.cmpi sge, %scan3A_61, %ge3A : i32
      %convert_element_type3A_123 = arith.extui %ge3A_122 : i1 to i32
      %cond3A_124 = arith.constant 0 : i32
      %cond3A_125 = arith.cmpi ne, %convert_element_type3A_123, %cond3A_124 : i32
      scf.if %cond3A_125 {
        %sub3A = arith.constant 1 : i32
        %sub3A_130 = arith.subi %sub3A, %rem3A_63 : i32
        %dma_wait3A_131 = arith.constant 0 : i32
        %dma_wait3A_132 = arith.constant 0 : i32
        %dma_wait3A_133 = tpu.memref_slice %arg9[%sub3A_130, %dma_wait3A_131, %dma_wait3A_132] : memref<2x80x128xf32, #tpu.memory_space<vmem>> -> memref<1x80x128xf32, #tpu.memory_space<vmem>>
        %dma_wait3A_134 = tpu.memref_squeeze %dma_wait3A_133 : memref<1x80x128xf32, #tpu.memory_space<vmem>> -> memref<80x128xf32, #tpu.memory_space<vmem>>
        %dma_wait3A_135 = arith.constant 0 : i32
        %dma_wait3A_136 = arith.constant 0 : i32
        %dma_wait3A_137 = tpu.memref_slice %arg5[%dma_wait3A_135, %dma_wait3A_136] : memref<38400x128xf32, #tpu.memory_space<hbm>> -> memref<80x128xf32, #tpu.memory_space<hbm>>
        %dma_wait3A_138 = arith.constant 0 : i32
        %dma_wait3A_139 = arith.constant 0 : i32
        %dma_wait3A_140 = tpu.memref_slice %arg9[%sub3A_130, %dma_wait3A_138, %dma_wait3A_139] : memref<2x80x128xf32, #tpu.memory_space<vmem>> -> memref<1x80x128xf32, #tpu.memory_space<vmem>>
        %dma_wait3A_141 = tpu.memref_squeeze %dma_wait3A_140 : memref<1x80x128xf32, #tpu.memory_space<vmem>> -> memref<80x128xf32, #tpu.memory_space<vmem>>
        %dma_wait3A_142 = arith.constant 0 : i32
        %dma_wait3A_143 = arith.constant 0 : i32
        %dma_wait3A_144 = tpu.memref_slice %arg5[%dma_wait3A_142, %dma_wait3A_143] : memref<38400x128xf32, #tpu.memory_space<hbm>> -> memref<80x128xf32, #tpu.memory_space<hbm>>
        tpu.wait_dma2 semaphore(%arg13 : memref<!tpu.dma_semaphore, #tpu.memory_space<semaphore_mem>>) src(%dma_wait3A_144 : memref<80x128xf32, #tpu.memory_space<hbm>>) dst(%dma_wait3A_141 : memref<80x128xf32, #tpu.memory_space<vmem>>)
        %sub3A_145 = arith.constant 1 : i32
        %sub3A_146 = arith.subi %sub3A_145, %rem3A_63 : i32
        %dma_wait3A_147 = arith.constant 0 : i32
        %dma_wait3A_148 = arith.constant 0 : i32
        %dma_wait3A_149 = tpu.memref_slice %arg10[%sub3A_146, %dma_wait3A_147, %dma_wait3A_148] : memref<2x80x128xf32, #tpu.memory_space<vmem>> -> memref<1x80x128xf32, #tpu.memory_space<vmem>>
        %dma_wait3A_150 = tpu.memref_squeeze %dma_wait3A_149 : memref<1x80x128xf32, #tpu.memory_space<vmem>> -> memref<80x128xf32, #tpu.memory_space<vmem>>
        %dma_wait3A_151 = arith.constant 0 : i32
        %dma_wait3A_152 = arith.constant 0 : i32
        %dma_wait3A_153 = tpu.memref_slice %arg5[%dma_wait3A_151, %dma_wait3A_152] : memref<38400x128xf32, #tpu.memory_space<hbm>> -> memref<80x128xf32, #tpu.memory_space<hbm>>
        %dma_wait3A_154 = arith.constant 0 : i32
        %dma_wait3A_155 = arith.constant 0 : i32
        %dma_wait3A_156 = tpu.memref_slice %arg10[%sub3A_146, %dma_wait3A_154, %dma_wait3A_155] : memref<2x80x128xf32, #tpu.memory_space<vmem>> -> memref<1x80x128xf32, #tpu.memory_space<vmem>>
        %dma_wait3A_157 = tpu.memref_squeeze %dma_wait3A_156 : memref<1x80x128xf32, #tpu.memory_space<vmem>> -> memref<80x128xf32, #tpu.memory_space<vmem>>
        %dma_wait3A_158 = arith.constant 0 : i32
        %dma_wait3A_159 = arith.constant 0 : i32
        %dma_wait3A_160 = tpu.memref_slice %arg5[%dma_wait3A_158, %dma_wait3A_159] : memref<38400x128xf32, #tpu.memory_space<hbm>> -> memref<80x128xf32, #tpu.memory_space<hbm>>
        tpu.wait_dma2 semaphore(%arg13 : memref<!tpu.dma_semaphore, #tpu.memory_space<semaphore_mem>>) src(%dma_wait3A_160 : memref<80x128xf32, #tpu.memory_space<hbm>>) dst(%dma_wait3A_157 : memref<80x128xf32, #tpu.memory_space<vmem>>)
      } else {
      }
      %lt3A = arith.constant 14 : i32
      %lt3A_126 = arith.cmpi slt, %scan3A_61, %lt3A : i32
      %convert_element_type3A_127 = arith.extui %lt3A_126 : i1 to i32
      %cond3A_128 = arith.constant 0 : i32
      %cond3A_129 = arith.cmpi ne, %convert_element_type3A_127, %cond3A_128 : i32
      scf.if %cond3A_129 {
        %add3A_130 = arith.constant 1 : i32
        %add3A_131 = arith.addi %scan3A_61, %add3A_130 : i32
        %sub3A = arith.constant 1 : i32
        %sub3A_132 = arith.subi %sub3A, %rem3A_63 : i32
        %mul3A_133 = arith.constant 80 : i32
        %mul3A_134 = arith.muli %add3A_131, %mul3A_133 : i32
        %dma_start3A_135 = arith.constant 0 : i32
        %dma_start3A_136 = arith.constant 0 : i32
        %dma_start3A_137 = tpu.memref_slice %arg9[%sub3A_132, %dma_start3A_135, %dma_start3A_136] : memref<2x80x128xf32, #tpu.memory_space<vmem>> -> memref<1x80x128xf32, #tpu.memory_space<vmem>>
        %dma_start3A_138 = tpu.memref_squeeze %dma_start3A_137 : memref<1x80x128xf32, #tpu.memory_space<vmem>> -> memref<80x128xf32, #tpu.memory_space<vmem>>
        %dma_start3A_139 = tpu.memref_slice %arg7[%mul3A_134] : memref<1200xi32, #tpu.memory_space<vmem>> -> memref<80xi32, #tpu.memory_space<vmem>>
        %dma_start3A_140 = arith.constant 0 : i32
        %dma_start3A_141 = arith.constant 0 : i32
        %dma_start3A_142 = tpu.memref_slice %arg11[%dma_start3A_140, %dma_start3A_141] : memref<10000x128xf32, #tpu.memory_space<vmem_shared>> -> memref<10000x128xf32, #tpu.memory_space<vmem_shared>>
        tpu.enqueue_indirect_dma source(%dma_start3A_142 : memref<10000x128xf32, #tpu.memory_space<vmem_shared>>) target(%dma_start3A_138 : memref<80x128xf32, #tpu.memory_space<vmem>>) offsets(%dma_start3A_139 : memref<80xi32, #tpu.memory_space<vmem>>) semaphore(%arg12 : memref<!tpu.dma_semaphore, #tpu.memory_space<semaphore_mem>>)
        %dma_start3A_143 = arith.constant 0 : i32
        %dma_start3A_144 = arith.constant 0 : i32
        %dma_start3A_145 = tpu.memref_slice %arg10[%sub3A_132, %dma_start3A_143, %dma_start3A_144] : memref<2x80x128xf32, #tpu.memory_space<vmem>> -> memref<1x80x128xf32, #tpu.memory_space<vmem>>
        %dma_start3A_146 = tpu.memref_squeeze %dma_start3A_145 : memref<1x80x128xf32, #tpu.memory_space<vmem>> -> memref<80x128xf32, #tpu.memory_space<vmem>>
        %dma_start3A_147 = tpu.memref_slice %arg8[%mul3A_134] : memref<1200xi32, #tpu.memory_space<vmem>> -> memref<80xi32, #tpu.memory_space<vmem>>
        %dma_start3A_148 = arith.constant 0 : i32
        %dma_start3A_149 = arith.constant 0 : i32
        %dma_start3A_150 = tpu.memref_slice %arg11[%dma_start3A_148, %dma_start3A_149] : memref<10000x128xf32, #tpu.memory_space<vmem_shared>> -> memref<10000x128xf32, #tpu.memory_space<vmem_shared>>
        tpu.enqueue_indirect_dma source(%dma_start3A_150 : memref<10000x128xf32, #tpu.memory_space<vmem_shared>>) target(%dma_start3A_146 : memref<80x128xf32, #tpu.memory_space<vmem>>) offsets(%dma_start3A_147 : memref<80xi32, #tpu.memory_space<vmem>>) semaphore(%arg12 : memref<!tpu.dma_semaphore, #tpu.memory_space<semaphore_mem>>)
      } else {
      }
    }
    %scan3A_28 = arith.constant 15 : i32
    %rem3A = arith.constant 14 : i32
    %rem3A_29 = arith.constant 2 : i32
    %rem3A_30 = arith.remsi %rem3A, %rem3A_29 : i32
    %dma_wait3A = arith.constant 0 : i32
    %dma_wait3A_31 = arith.constant 0 : i32
    %dma_wait3A_32 = tpu.memref_slice %arg9[%rem3A_30, %dma_wait3A, %dma_wait3A_31] : memref<2x80x128xf32, #tpu.memory_space<vmem>> -> memref<1x80x128xf32, #tpu.memory_space<vmem>>
    %dma_wait3A_33 = tpu.memref_squeeze %dma_wait3A_32 : memref<1x80x128xf32, #tpu.memory_space<vmem>> -> memref<80x128xf32, #tpu.memory_space<vmem>>
    %dma_wait3A_34 = arith.constant 0 : i32
    %dma_wait3A_35 = arith.constant 0 : i32
    %dma_wait3A_36 = tpu.memref_slice %arg5[%dma_wait3A_34, %dma_wait3A_35] : memref<38400x128xf32, #tpu.memory_space<hbm>> -> memref<80x128xf32, #tpu.memory_space<hbm>>
    %dma_wait3A_37 = arith.constant 0 : i32
    %dma_wait3A_38 = arith.constant 0 : i32
    %dma_wait3A_39 = tpu.memref_slice %arg9[%rem3A_30, %dma_wait3A_37, %dma_wait3A_38] : memref<2x80x128xf32, #tpu.memory_space<vmem>> -> memref<1x80x128xf32, #tpu.memory_space<vmem>>
    %dma_wait3A_40 = tpu.memref_squeeze %dma_wait3A_39 : memref<1x80x128xf32, #tpu.memory_space<vmem>> -> memref<80x128xf32, #tpu.memory_space<vmem>>
    %dma_wait3A_41 = arith.constant 0 : i32
    %dma_wait3A_42 = arith.constant 0 : i32
    %dma_wait3A_43 = tpu.memref_slice %arg5[%dma_wait3A_41, %dma_wait3A_42] : memref<38400x128xf32, #tpu.memory_space<hbm>> -> memref<80x128xf32, #tpu.memory_space<hbm>>
    tpu.wait_dma2 semaphore(%arg13 : memref<!tpu.dma_semaphore, #tpu.memory_space<semaphore_mem>>) src(%dma_wait3A_43 : memref<80x128xf32, #tpu.memory_space<hbm>>) dst(%dma_wait3A_40 : memref<80x128xf32, #tpu.memory_space<vmem>>)
    %rem3A_44 = arith.constant 14 : i32
    %rem3A_45 = arith.constant 2 : i32
    %rem3A_46 = arith.remsi %rem3A_44, %rem3A_45 : i32
    %dma_wait3A_47 = arith.constant 0 : i32
    %dma_wait3A_48 = arith.constant 0 : i32
    %dma_wait3A_49 = tpu.memref_slice %arg10[%rem3A_46, %dma_wait3A_47, %dma_wait3A_48] : memref<2x80x128xf32, #tpu.memory_space<vmem>> -> memref<1x80x128xf32, #tpu.memory_space<vmem>>
    %dma_wait3A_50 = tpu.memref_squeeze %dma_wait3A_49 : memref<1x80x128xf32, #tpu.memory_space<vmem>> -> memref<80x128xf32, #tpu.memory_space<vmem>>
    %dma_wait3A_51 = arith.constant 0 : i32
    %dma_wait3A_52 = arith.constant 0 : i32
    %dma_wait3A_53 = tpu.memref_slice %arg5[%dma_wait3A_51, %dma_wait3A_52] : memref<38400x128xf32, #tpu.memory_space<hbm>> -> memref<80x128xf32, #tpu.memory_space<hbm>>
    %dma_wait3A_54 = arith.constant 0 : i32
    %dma_wait3A_55 = arith.constant 0 : i32
    %dma_wait3A_56 = tpu.memref_slice %arg10[%rem3A_46, %dma_wait3A_54, %dma_wait3A_55] : memref<2x80x128xf32, #tpu.memory_space<vmem>> -> memref<1x80x128xf32, #tpu.memory_space<vmem>>
    %dma_wait3A_57 = tpu.memref_squeeze %dma_wait3A_56 : memref<1x80x128xf32, #tpu.memory_space<vmem>> -> memref<80x128xf32, #tpu.memory_space<vmem>>
    %dma_wait3A_58 = arith.constant 0 : i32
    %dma_wait3A_59 = arith.constant 0 : i32
    %dma_wait3A_60 = tpu.memref_slice %arg5[%dma_wait3A_58, %dma_wait3A_59] : memref<38400x128xf32, #tpu.memory_space<hbm>> -> memref<80x128xf32, #tpu.memory_space<hbm>>
    tpu.wait_dma2 semaphore(%arg13 : memref<!tpu.dma_semaphore, #tpu.memory_space<semaphore_mem>>) src(%dma_wait3A_60 : memref<80x128xf32, #tpu.memory_space<hbm>>) dst(%dma_wait3A_57 : memref<80x128xf32, #tpu.memory_space<vmem>>)
    return
  }
}

#map = affine_map<(d0, d1) -> (0, 0)>
#map1 = affine_map<(d0, d1) -> (0)>
module attributes {stable_mosaic.version = 14 : i64} {
  func.func @k(%arg0: i32, %arg1: i32, %arg2: memref<10000x128xf32, #tpu.memory_space<hbm>>, %arg3: memref<102400xi32, #tpu.memory_space<hbm>>, %arg4: memref<102400xi32, #tpu.memory_space<hbm>>, %arg5: memref<102400x128xf32, #tpu.memory_space<hbm>>, %arg6: memref<102400x128xf32, #tpu.memory_space<hbm>>, %arg7: memref<3200xi32, #tpu.memory_space<vmem>>, %arg8: memref<3200xi32, #tpu.memory_space<vmem>>, %arg9: memref<2x80x128xf32, #tpu.memory_space<vmem>>, %arg10: memref<2x80x128xf32, #tpu.memory_space<vmem>>, %arg11: memref<10000x128xf32, #tpu.memory_space<vmem_shared>>, %arg12: memref<!tpu.dma_semaphore, #tpu.memory_space<semaphore_mem>>, %arg13: memref<!tpu.dma_semaphore, #tpu.memory_space<semaphore_mem>>) attributes {dimension_semantics = [#tpu.dimension_semantics<core_parallel>, #tpu.dimension_semantics<subcore_parallel>], iteration_bounds = array<i64: 2, 16>, scalar_prefetch = 0 : i64, scratch_operands = 7 : i64, tpu.core_type = #tpu.core_type<sc_vector_subcore>, window_params = [{transform_indices = #map}, {transform_indices = #map1}, {transform_indices = #map1}, {transform_indices = #map}, {transform_indices = #map}]} {
    %mul3A = arith.constant 2 : i32
    %mul3A_0 = arith.muli %arg1, %mul3A : i32
    %add3A = arith.addi %mul3A_0, %arg0 : i32
    %mul3A_1 = arith.constant 3200 : i32
    %mul3A_2 = arith.muli %add3A, %mul3A_1 : i32
    "tpu.region"() ({
      %run_scoped3A = tpu.sem_alloc : memref<!tpu.dma_semaphore, #tpu.memory_space<semaphore_mem>>
      %dma_start3A_61 = tpu.memref_slice %arg3[%mul3A_2] : memref<102400xi32, #tpu.memory_space<hbm>> -> memref<3200xi32, #tpu.memory_space<hbm>>
      %dma_start3A_62 = tpu.memref_slice %arg3[%mul3A_2] : memref<102400xi32, #tpu.memory_space<hbm>> -> memref<3200xi32, #tpu.memory_space<hbm>>
      tpu.enqueue_dma source(%dma_start3A_62 : memref<3200xi32, #tpu.memory_space<hbm>>) target(%arg7 : memref<3200xi32, #tpu.memory_space<vmem>>) target_semaphore(%run_scoped3A : memref<!tpu.dma_semaphore, #tpu.memory_space<semaphore_mem>>)
      %dma_wait3A_63 = tpu.memref_slice %arg3[%mul3A_2] : memref<102400xi32, #tpu.memory_space<hbm>> -> memref<3200xi32, #tpu.memory_space<hbm>>
      %dma_wait3A_64 = tpu.memref_slice %arg3[%mul3A_2] : memref<102400xi32, #tpu.memory_space<hbm>> -> memref<3200xi32, #tpu.memory_space<hbm>>
      tpu.wait_dma2 semaphore(%run_scoped3A : memref<!tpu.dma_semaphore, #tpu.memory_space<semaphore_mem>>) src(%dma_wait3A_64 : memref<3200xi32, #tpu.memory_space<hbm>>) dst(%arg7 : memref<3200xi32, #tpu.memory_space<vmem>>)
      tpu.yield
    }) : () -> ()
    "tpu.region"() ({
      %run_scoped3A = tpu.sem_alloc : memref<!tpu.dma_semaphore, #tpu.memory_space<semaphore_mem>>
      %dma_start3A_61 = tpu.memref_slice %arg4[%mul3A_2] : memref<102400xi32, #tpu.memory_space<hbm>> -> memref<3200xi32, #tpu.memory_space<hbm>>
      %dma_start3A_62 = tpu.memref_slice %arg4[%mul3A_2] : memref<102400xi32, #tpu.memory_space<hbm>> -> memref<3200xi32, #tpu.memory_space<hbm>>
      tpu.enqueue_dma source(%dma_start3A_62 : memref<3200xi32, #tpu.memory_space<hbm>>) target(%arg8 : memref<3200xi32, #tpu.memory_space<vmem>>) target_semaphore(%run_scoped3A : memref<!tpu.dma_semaphore, #tpu.memory_space<semaphore_mem>>)
      %dma_wait3A_63 = tpu.memref_slice %arg4[%mul3A_2] : memref<102400xi32, #tpu.memory_space<hbm>> -> memref<3200xi32, #tpu.memory_space<hbm>>
      %dma_wait3A_64 = tpu.memref_slice %arg4[%mul3A_2] : memref<102400xi32, #tpu.memory_space<hbm>> -> memref<3200xi32, #tpu.memory_space<hbm>>
      tpu.wait_dma2 semaphore(%run_scoped3A : memref<!tpu.dma_semaphore, #tpu.memory_space<semaphore_mem>>) src(%dma_wait3A_64 : memref<3200xi32, #tpu.memory_space<hbm>>) dst(%arg8 : memref<3200xi32, #tpu.memory_space<vmem>>)
      tpu.yield
    }) : () -> ()
    %eq3A = arith.constant 0 : i32
    %eq3A_3 = arith.cmpi eq, %arg1, %eq3A : i32
    %convert_element_type3A = arith.extui %eq3A_3 : i1 to i32
    %cond3A = arith.constant 0 : i32
    %cond3A_4 = arith.cmpi ne, %convert_element_type3A, %cond3A : i32
    scf.if %cond3A_4 {
      "tpu.region"() ({
        %run_scoped3A = tpu.sem_alloc : memref<!tpu.dma_semaphore, #tpu.memory_space<semaphore_mem>>
        tpu.enqueue_dma source(%arg2 : memref<10000x128xf32, #tpu.memory_space<hbm>>) target(%arg11 : memref<10000x128xf32, #tpu.memory_space<vmem_shared>>) target_semaphore(%run_scoped3A : memref<!tpu.dma_semaphore, #tpu.memory_space<semaphore_mem>>)
        tpu.wait_dma2 semaphore(%run_scoped3A : memref<!tpu.dma_semaphore, #tpu.memory_space<semaphore_mem>>) src(%arg2 : memref<10000x128xf32, #tpu.memory_space<hbm>>) dst(%arg11 : memref<10000x128xf32, #tpu.memory_space<vmem_shared>>)
        tpu.yield
      }) : () -> ()
    } else {
    }
    %barrier3A = arith.constant 0 : index
    tpu.barrier barrier_id(%barrier3A)
    %dma_start3A = arith.constant 0 : i32
    %dma_start3A_5 = arith.constant 0 : i32
    %dma_start3A_6 = arith.constant 0 : i32
    %dma_start3A_7 = tpu.memref_slice %arg9[%dma_start3A, %dma_start3A_5, %dma_start3A_6] : memref<2x80x128xf32, #tpu.memory_space<vmem>> -> memref<1x80x128xf32, #tpu.memory_space<vmem>>
    %dma_start3A_8 = tpu.memref_squeeze %dma_start3A_7 : memref<1x80x128xf32, #tpu.memory_space<vmem>> -> memref<80x128xf32, #tpu.memory_space<vmem>>
    %dma_start3A_9 = arith.constant 0 : i32
    %dma_start3A_10 = tpu.memref_slice %arg7[%dma_start3A_9] : memref<3200xi32, #tpu.memory_space<vmem>> -> memref<80xi32, #tpu.memory_space<vmem>>
    %dma_start3A_11 = arith.constant 0 : i32
    %dma_start3A_12 = arith.constant 0 : i32
    %dma_start3A_13 = tpu.memref_slice %arg11[%dma_start3A_11, %dma_start3A_12] : memref<10000x128xf32, #tpu.memory_space<vmem_shared>> -> memref<10000x128xf32, #tpu.memory_space<vmem_shared>>
    tpu.enqueue_indirect_dma source(%dma_start3A_13 : memref<10000x128xf32, #tpu.memory_space<vmem_shared>>) target(%dma_start3A_8 : memref<80x128xf32, #tpu.memory_space<vmem>>) offsets(%dma_start3A_10 : memref<80xi32, #tpu.memory_space<vmem>>) semaphore(%arg12 : memref<!tpu.dma_semaphore, #tpu.memory_space<semaphore_mem>>)
    %dma_start3A_14 = arith.constant 0 : i32
    %dma_start3A_15 = arith.constant 0 : i32
    %dma_start3A_16 = arith.constant 0 : i32
    %dma_start3A_17 = tpu.memref_slice %arg10[%dma_start3A_14, %dma_start3A_15, %dma_start3A_16] : memref<2x80x128xf32, #tpu.memory_space<vmem>> -> memref<1x80x128xf32, #tpu.memory_space<vmem>>
    %dma_start3A_18 = tpu.memref_squeeze %dma_start3A_17 : memref<1x80x128xf32, #tpu.memory_space<vmem>> -> memref<80x128xf32, #tpu.memory_space<vmem>>
    %dma_start3A_19 = arith.constant 0 : i32
    %dma_start3A_20 = tpu.memref_slice %arg8[%dma_start3A_19] : memref<3200xi32, #tpu.memory_space<vmem>> -> memref<80xi32, #tpu.memory_space<vmem>>
    %dma_start3A_21 = arith.constant 0 : i32
    %dma_start3A_22 = arith.constant 0 : i32
    %dma_start3A_23 = tpu.memref_slice %arg11[%dma_start3A_21, %dma_start3A_22] : memref<10000x128xf32, #tpu.memory_space<vmem_shared>> -> memref<10000x128xf32, #tpu.memory_space<vmem_shared>>
    tpu.enqueue_indirect_dma source(%dma_start3A_23 : memref<10000x128xf32, #tpu.memory_space<vmem_shared>>) target(%dma_start3A_18 : memref<80x128xf32, #tpu.memory_space<vmem>>) offsets(%dma_start3A_20 : memref<80xi32, #tpu.memory_space<vmem>>) semaphore(%arg12 : memref<!tpu.dma_semaphore, #tpu.memory_space<semaphore_mem>>)
    %scan3A = arith.constant 0 : i32
    %scan3A_24 = arith.constant 0 : i32
    %scan3A_25 = arith.constant 40 : i32
    %scan3A_26 = arith.addi %scan3A_24, %scan3A_25 : i32
    %scan3A_27 = arith.constant 1 : i32
    scf.for %scan3A_61 = %scan3A_24 to %scan3A_26 step %scan3A_27  : i32 {
      %rem3A_62 = arith.constant 2 : i32
      %rem3A_63 = arith.remsi %scan3A_61, %rem3A_62 : i32
      %dma_wait3A_64 = arith.constant 0 : i32
      %dma_wait3A_65 = arith.constant 0 : i32
      %dma_wait3A_66 = tpu.memref_slice %arg9[%rem3A_63, %dma_wait3A_64, %dma_wait3A_65] : memref<2x80x128xf32, #tpu.memory_space<vmem>> -> memref<1x80x128xf32, #tpu.memory_space<vmem>>
      %dma_wait3A_67 = tpu.memref_squeeze %dma_wait3A_66 : memref<1x80x128xf32, #tpu.memory_space<vmem>> -> memref<80x128xf32, #tpu.memory_space<vmem>>
      %dma_wait3A_68 = arith.constant 0 : i32
      %dma_wait3A_69 = arith.constant 0 : i32
      %dma_wait3A_70 = tpu.memref_slice %arg5[%dma_wait3A_68, %dma_wait3A_69] : memref<102400x128xf32, #tpu.memory_space<hbm>> -> memref<80x128xf32, #tpu.memory_space<hbm>>
      %dma_wait3A_71 = arith.constant 0 : i32
      %dma_wait3A_72 = arith.constant 0 : i32
      %dma_wait3A_73 = tpu.memref_slice %arg9[%rem3A_63, %dma_wait3A_71, %dma_wait3A_72] : memref<2x80x128xf32, #tpu.memory_space<vmem>> -> memref<1x80x128xf32, #tpu.memory_space<vmem>>
      %dma_wait3A_74 = tpu.memref_squeeze %dma_wait3A_73 : memref<1x80x128xf32, #tpu.memory_space<vmem>> -> memref<80x128xf32, #tpu.memory_space<vmem>>
      %dma_wait3A_75 = arith.constant 0 : i32
      %dma_wait3A_76 = arith.constant 0 : i32
      %dma_wait3A_77 = tpu.memref_slice %arg5[%dma_wait3A_75, %dma_wait3A_76] : memref<102400x128xf32, #tpu.memory_space<hbm>> -> memref<80x128xf32, #tpu.memory_space<hbm>>
      tpu.wait_dma2 semaphore(%arg12 : memref<!tpu.dma_semaphore, #tpu.memory_space<semaphore_mem>>) src(%dma_wait3A_77 : memref<80x128xf32, #tpu.memory_space<hbm>>) dst(%dma_wait3A_74 : memref<80x128xf32, #tpu.memory_space<vmem>>)
      %dma_wait3A_78 = arith.constant 0 : i32
      %dma_wait3A_79 = arith.constant 0 : i32
      %dma_wait3A_80 = tpu.memref_slice %arg10[%rem3A_63, %dma_wait3A_78, %dma_wait3A_79] : memref<2x80x128xf32, #tpu.memory_space<vmem>> -> memref<1x80x128xf32, #tpu.memory_space<vmem>>
      %dma_wait3A_81 = tpu.memref_squeeze %dma_wait3A_80 : memref<1x80x128xf32, #tpu.memory_space<vmem>> -> memref<80x128xf32, #tpu.memory_space<vmem>>
      %dma_wait3A_82 = arith.constant 0 : i32
      %dma_wait3A_83 = arith.constant 0 : i32
      %dma_wait3A_84 = tpu.memref_slice %arg5[%dma_wait3A_82, %dma_wait3A_83] : memref<102400x128xf32, #tpu.memory_space<hbm>> -> memref<80x128xf32, #tpu.memory_space<hbm>>
      %dma_wait3A_85 = arith.constant 0 : i32
      %dma_wait3A_86 = arith.constant 0 : i32
      %dma_wait3A_87 = tpu.memref_slice %arg10[%rem3A_63, %dma_wait3A_85, %dma_wait3A_86] : memref<2x80x128xf32, #tpu.memory_space<vmem>> -> memref<1x80x128xf32, #tpu.memory_space<vmem>>
      %dma_wait3A_88 = tpu.memref_squeeze %dma_wait3A_87 : memref<1x80x128xf32, #tpu.memory_space<vmem>> -> memref<80x128xf32, #tpu.memory_space<vmem>>
      %dma_wait3A_89 = arith.constant 0 : i32
      %dma_wait3A_90 = arith.constant 0 : i32
      %dma_wait3A_91 = tpu.memref_slice %arg5[%dma_wait3A_89, %dma_wait3A_90] : memref<102400x128xf32, #tpu.memory_space<hbm>> -> memref<80x128xf32, #tpu.memory_space<hbm>>
      tpu.wait_dma2 semaphore(%arg12 : memref<!tpu.dma_semaphore, #tpu.memory_space<semaphore_mem>>) src(%dma_wait3A_91 : memref<80x128xf32, #tpu.memory_space<hbm>>) dst(%dma_wait3A_88 : memref<80x128xf32, #tpu.memory_space<vmem>>)
      %mul3A_92 = arith.constant 80 : i32
      %mul3A_93 = arith.muli %scan3A_61, %mul3A_92 : i32
      %add3A_94 = arith.addi %mul3A_2, %mul3A_93 : i32
      %dma_start3A_95 = arith.constant 0 : i32
      %dma_start3A_96 = arith.constant 0 : i32
      %dma_start3A_97 = tpu.memref_slice %arg9[%rem3A_63, %dma_start3A_95, %dma_start3A_96] : memref<2x80x128xf32, #tpu.memory_space<vmem>> -> memref<1x80x128xf32, #tpu.memory_space<vmem>>
      %dma_start3A_98 = tpu.memref_squeeze %dma_start3A_97 : memref<1x80x128xf32, #tpu.memory_space<vmem>> -> memref<80x128xf32, #tpu.memory_space<vmem>>
      %dma_start3A_99 = arith.constant 0 : i32
      %dma_start3A_100 = tpu.memref_slice %arg5[%add3A_94, %dma_start3A_99] : memref<102400x128xf32, #tpu.memory_space<hbm>> -> memref<80x128xf32, #tpu.memory_space<hbm>>
      %dma_start3A_101 = arith.constant 0 : i32
      %dma_start3A_102 = tpu.memref_slice %arg5[%add3A_94, %dma_start3A_101] : memref<102400x128xf32, #tpu.memory_space<hbm>> -> memref<80x128xf32, #tpu.memory_space<hbm>>
      %dma_start3A_103 = arith.constant 0 : i32
      %dma_start3A_104 = arith.constant 0 : i32
      %dma_start3A_105 = tpu.memref_slice %arg9[%rem3A_63, %dma_start3A_103, %dma_start3A_104] : memref<2x80x128xf32, #tpu.memory_space<vmem>> -> memref<1x80x128xf32, #tpu.memory_space<vmem>>
      %dma_start3A_106 = tpu.memref_squeeze %dma_start3A_105 : memref<1x80x128xf32, #tpu.memory_space<vmem>> -> memref<80x128xf32, #tpu.memory_space<vmem>>
      tpu.enqueue_dma source(%dma_start3A_106 : memref<80x128xf32, #tpu.memory_space<vmem>>) target(%dma_start3A_102 : memref<80x128xf32, #tpu.memory_space<hbm>>) target_semaphore(%arg13 : memref<!tpu.dma_semaphore, #tpu.memory_space<semaphore_mem>>)
      %mul3A_107 = arith.constant 80 : i32
      %mul3A_108 = arith.muli %scan3A_61, %mul3A_107 : i32
      %add3A_109 = arith.addi %mul3A_2, %mul3A_108 : i32
      %dma_start3A_110 = arith.constant 0 : i32
      %dma_start3A_111 = arith.constant 0 : i32
      %dma_start3A_112 = tpu.memref_slice %arg10[%rem3A_63, %dma_start3A_110, %dma_start3A_111] : memref<2x80x128xf32, #tpu.memory_space<vmem>> -> memref<1x80x128xf32, #tpu.memory_space<vmem>>
      %dma_start3A_113 = tpu.memref_squeeze %dma_start3A_112 : memref<1x80x128xf32, #tpu.memory_space<vmem>> -> memref<80x128xf32, #tpu.memory_space<vmem>>
      %dma_start3A_114 = arith.constant 0 : i32
      %dma_start3A_115 = tpu.memref_slice %arg6[%add3A_109, %dma_start3A_114] : memref<102400x128xf32, #tpu.memory_space<hbm>> -> memref<80x128xf32, #tpu.memory_space<hbm>>
      %dma_start3A_116 = arith.constant 0 : i32
      %dma_start3A_117 = tpu.memref_slice %arg6[%add3A_109, %dma_start3A_116] : memref<102400x128xf32, #tpu.memory_space<hbm>> -> memref<80x128xf32, #tpu.memory_space<hbm>>
      %dma_start3A_118 = arith.constant 0 : i32
      %dma_start3A_119 = arith.constant 0 : i32
      %dma_start3A_120 = tpu.memref_slice %arg10[%rem3A_63, %dma_start3A_118, %dma_start3A_119] : memref<2x80x128xf32, #tpu.memory_space<vmem>> -> memref<1x80x128xf32, #tpu.memory_space<vmem>>
      %dma_start3A_121 = tpu.memref_squeeze %dma_start3A_120 : memref<1x80x128xf32, #tpu.memory_space<vmem>> -> memref<80x128xf32, #tpu.memory_space<vmem>>
      tpu.enqueue_dma source(%dma_start3A_121 : memref<80x128xf32, #tpu.memory_space<vmem>>) target(%dma_start3A_117 : memref<80x128xf32, #tpu.memory_space<hbm>>) target_semaphore(%arg13 : memref<!tpu.dma_semaphore, #tpu.memory_space<semaphore_mem>>)
      %ge3A = arith.constant 1 : i32
      %ge3A_122 = arith.cmpi sge, %scan3A_61, %ge3A : i32
      %convert_element_type3A_123 = arith.extui %ge3A_122 : i1 to i32
      %cond3A_124 = arith.constant 0 : i32
      %cond3A_125 = arith.cmpi ne, %convert_element_type3A_123, %cond3A_124 : i32
      scf.if %cond3A_125 {
        %sub3A = arith.constant 1 : i32
        %sub3A_130 = arith.subi %sub3A, %rem3A_63 : i32
        %dma_wait3A_131 = arith.constant 0 : i32
        %dma_wait3A_132 = arith.constant 0 : i32
        %dma_wait3A_133 = tpu.memref_slice %arg9[%sub3A_130, %dma_wait3A_131, %dma_wait3A_132] : memref<2x80x128xf32, #tpu.memory_space<vmem>> -> memref<1x80x128xf32, #tpu.memory_space<vmem>>
        %dma_wait3A_134 = tpu.memref_squeeze %dma_wait3A_133 : memref<1x80x128xf32, #tpu.memory_space<vmem>> -> memref<80x128xf32, #tpu.memory_space<vmem>>
        %dma_wait3A_135 = arith.constant 0 : i32
        %dma_wait3A_136 = arith.constant 0 : i32
        %dma_wait3A_137 = tpu.memref_slice %arg5[%dma_wait3A_135, %dma_wait3A_136] : memref<102400x128xf32, #tpu.memory_space<hbm>> -> memref<80x128xf32, #tpu.memory_space<hbm>>
        %dma_wait3A_138 = arith.constant 0 : i32
        %dma_wait3A_139 = arith.constant 0 : i32
        %dma_wait3A_140 = tpu.memref_slice %arg9[%sub3A_130, %dma_wait3A_138, %dma_wait3A_139] : memref<2x80x128xf32, #tpu.memory_space<vmem>> -> memref<1x80x128xf32, #tpu.memory_space<vmem>>
        %dma_wait3A_141 = tpu.memref_squeeze %dma_wait3A_140 : memref<1x80x128xf32, #tpu.memory_space<vmem>> -> memref<80x128xf32, #tpu.memory_space<vmem>>
        %dma_wait3A_142 = arith.constant 0 : i32
        %dma_wait3A_143 = arith.constant 0 : i32
        %dma_wait3A_144 = tpu.memref_slice %arg5[%dma_wait3A_142, %dma_wait3A_143] : memref<102400x128xf32, #tpu.memory_space<hbm>> -> memref<80x128xf32, #tpu.memory_space<hbm>>
        tpu.wait_dma2 semaphore(%arg13 : memref<!tpu.dma_semaphore, #tpu.memory_space<semaphore_mem>>) src(%dma_wait3A_144 : memref<80x128xf32, #tpu.memory_space<hbm>>) dst(%dma_wait3A_141 : memref<80x128xf32, #tpu.memory_space<vmem>>)
        %sub3A_145 = arith.constant 1 : i32
        %sub3A_146 = arith.subi %sub3A_145, %rem3A_63 : i32
        %dma_wait3A_147 = arith.constant 0 : i32
        %dma_wait3A_148 = arith.constant 0 : i32
        %dma_wait3A_149 = tpu.memref_slice %arg10[%sub3A_146, %dma_wait3A_147, %dma_wait3A_148] : memref<2x80x128xf32, #tpu.memory_space<vmem>> -> memref<1x80x128xf32, #tpu.memory_space<vmem>>
        %dma_wait3A_150 = tpu.memref_squeeze %dma_wait3A_149 : memref<1x80x128xf32, #tpu.memory_space<vmem>> -> memref<80x128xf32, #tpu.memory_space<vmem>>
        %dma_wait3A_151 = arith.constant 0 : i32
        %dma_wait3A_152 = arith.constant 0 : i32
        %dma_wait3A_153 = tpu.memref_slice %arg5[%dma_wait3A_151, %dma_wait3A_152] : memref<102400x128xf32, #tpu.memory_space<hbm>> -> memref<80x128xf32, #tpu.memory_space<hbm>>
        %dma_wait3A_154 = arith.constant 0 : i32
        %dma_wait3A_155 = arith.constant 0 : i32
        %dma_wait3A_156 = tpu.memref_slice %arg10[%sub3A_146, %dma_wait3A_154, %dma_wait3A_155] : memref<2x80x128xf32, #tpu.memory_space<vmem>> -> memref<1x80x128xf32, #tpu.memory_space<vmem>>
        %dma_wait3A_157 = tpu.memref_squeeze %dma_wait3A_156 : memref<1x80x128xf32, #tpu.memory_space<vmem>> -> memref<80x128xf32, #tpu.memory_space<vmem>>
        %dma_wait3A_158 = arith.constant 0 : i32
        %dma_wait3A_159 = arith.constant 0 : i32
        %dma_wait3A_160 = tpu.memref_slice %arg5[%dma_wait3A_158, %dma_wait3A_159] : memref<102400x128xf32, #tpu.memory_space<hbm>> -> memref<80x128xf32, #tpu.memory_space<hbm>>
        tpu.wait_dma2 semaphore(%arg13 : memref<!tpu.dma_semaphore, #tpu.memory_space<semaphore_mem>>) src(%dma_wait3A_160 : memref<80x128xf32, #tpu.memory_space<hbm>>) dst(%dma_wait3A_157 : memref<80x128xf32, #tpu.memory_space<vmem>>)
      } else {
      }
      %lt3A = arith.constant 39 : i32
      %lt3A_126 = arith.cmpi slt, %scan3A_61, %lt3A : i32
      %convert_element_type3A_127 = arith.extui %lt3A_126 : i1 to i32
      %cond3A_128 = arith.constant 0 : i32
      %cond3A_129 = arith.cmpi ne, %convert_element_type3A_127, %cond3A_128 : i32
      scf.if %cond3A_129 {
        %add3A_130 = arith.constant 1 : i32
        %add3A_131 = arith.addi %scan3A_61, %add3A_130 : i32
        %sub3A = arith.constant 1 : i32
        %sub3A_132 = arith.subi %sub3A, %rem3A_63 : i32
        %mul3A_133 = arith.constant 80 : i32
        %mul3A_134 = arith.muli %add3A_131, %mul3A_133 : i32
        %dma_start3A_135 = arith.constant 0 : i32
        %dma_start3A_136 = arith.constant 0 : i32
        %dma_start3A_137 = tpu.memref_slice %arg9[%sub3A_132, %dma_start3A_135, %dma_start3A_136] : memref<2x80x128xf32, #tpu.memory_space<vmem>> -> memref<1x80x128xf32, #tpu.memory_space<vmem>>
        %dma_start3A_138 = tpu.memref_squeeze %dma_start3A_137 : memref<1x80x128xf32, #tpu.memory_space<vmem>> -> memref<80x128xf32, #tpu.memory_space<vmem>>
        %dma_start3A_139 = tpu.memref_slice %arg7[%mul3A_134] : memref<3200xi32, #tpu.memory_space<vmem>> -> memref<80xi32, #tpu.memory_space<vmem>>
        %dma_start3A_140 = arith.constant 0 : i32
        %dma_start3A_141 = arith.constant 0 : i32
        %dma_start3A_142 = tpu.memref_slice %arg11[%dma_start3A_140, %dma_start3A_141] : memref<10000x128xf32, #tpu.memory_space<vmem_shared>> -> memref<10000x128xf32, #tpu.memory_space<vmem_shared>>
        tpu.enqueue_indirect_dma source(%dma_start3A_142 : memref<10000x128xf32, #tpu.memory_space<vmem_shared>>) target(%dma_start3A_138 : memref<80x128xf32, #tpu.memory_space<vmem>>) offsets(%dma_start3A_139 : memref<80xi32, #tpu.memory_space<vmem>>) semaphore(%arg12 : memref<!tpu.dma_semaphore, #tpu.memory_space<semaphore_mem>>)
        %dma_start3A_143 = arith.constant 0 : i32
        %dma_start3A_144 = arith.constant 0 : i32
        %dma_start3A_145 = tpu.memref_slice %arg10[%sub3A_132, %dma_start3A_143, %dma_start3A_144] : memref<2x80x128xf32, #tpu.memory_space<vmem>> -> memref<1x80x128xf32, #tpu.memory_space<vmem>>
        %dma_start3A_146 = tpu.memref_squeeze %dma_start3A_145 : memref<1x80x128xf32, #tpu.memory_space<vmem>> -> memref<80x128xf32, #tpu.memory_space<vmem>>
        %dma_start3A_147 = tpu.memref_slice %arg8[%mul3A_134] : memref<3200xi32, #tpu.memory_space<vmem>> -> memref<80xi32, #tpu.memory_space<vmem>>
        %dma_start3A_148 = arith.constant 0 : i32
        %dma_start3A_149 = arith.constant 0 : i32
        %dma_start3A_150 = tpu.memref_slice %arg11[%dma_start3A_148, %dma_start3A_149] : memref<10000x128xf32, #tpu.memory_space<vmem_shared>> -> memref<10000x128xf32, #tpu.memory_space<vmem_shared>>
        tpu.enqueue_indirect_dma source(%dma_start3A_150 : memref<10000x128xf32, #tpu.memory_space<vmem_shared>>) target(%dma_start3A_146 : memref<80x128xf32, #tpu.memory_space<vmem>>) offsets(%dma_start3A_147 : memref<80xi32, #tpu.memory_space<vmem>>) semaphore(%arg12 : memref<!tpu.dma_semaphore, #tpu.memory_space<semaphore_mem>>)
      } else {
      }
    }
    %scan3A_28 = arith.constant 40 : i32
    %rem3A = arith.constant 39 : i32
    %rem3A_29 = arith.constant 2 : i32
    %rem3A_30 = arith.remsi %rem3A, %rem3A_29 : i32
    %dma_wait3A = arith.constant 0 : i32
    %dma_wait3A_31 = arith.constant 0 : i32
    %dma_wait3A_32 = tpu.memref_slice %arg9[%rem3A_30, %dma_wait3A, %dma_wait3A_31] : memref<2x80x128xf32, #tpu.memory_space<vmem>> -> memref<1x80x128xf32, #tpu.memory_space<vmem>>
    %dma_wait3A_33 = tpu.memref_squeeze %dma_wait3A_32 : memref<1x80x128xf32, #tpu.memory_space<vmem>> -> memref<80x128xf32, #tpu.memory_space<vmem>>
    %dma_wait3A_34 = arith.constant 0 : i32
    %dma_wait3A_35 = arith.constant 0 : i32
    %dma_wait3A_36 = tpu.memref_slice %arg5[%dma_wait3A_34, %dma_wait3A_35] : memref<102400x128xf32, #tpu.memory_space<hbm>> -> memref<80x128xf32, #tpu.memory_space<hbm>>
    %dma_wait3A_37 = arith.constant 0 : i32
    %dma_wait3A_38 = arith.constant 0 : i32
    %dma_wait3A_39 = tpu.memref_slice %arg9[%rem3A_30, %dma_wait3A_37, %dma_wait3A_38] : memref<2x80x128xf32, #tpu.memory_space<vmem>> -> memref<1x80x128xf32, #tpu.memory_space<vmem>>
    %dma_wait3A_40 = tpu.memref_squeeze %dma_wait3A_39 : memref<1x80x128xf32, #tpu.memory_space<vmem>> -> memref<80x128xf32, #tpu.memory_space<vmem>>
    %dma_wait3A_41 = arith.constant 0 : i32
    %dma_wait3A_42 = arith.constant 0 : i32
    %dma_wait3A_43 = tpu.memref_slice %arg5[%dma_wait3A_41, %dma_wait3A_42] : memref<102400x128xf32, #tpu.memory_space<hbm>> -> memref<80x128xf32, #tpu.memory_space<hbm>>
    tpu.wait_dma2 semaphore(%arg13 : memref<!tpu.dma_semaphore, #tpu.memory_space<semaphore_mem>>) src(%dma_wait3A_43 : memref<80x128xf32, #tpu.memory_space<hbm>>) dst(%dma_wait3A_40 : memref<80x128xf32, #tpu.memory_space<vmem>>)
    %rem3A_44 = arith.constant 39 : i32
    %rem3A_45 = arith.constant 2 : i32
    %rem3A_46 = arith.remsi %rem3A_44, %rem3A_45 : i32
    %dma_wait3A_47 = arith.constant 0 : i32
    %dma_wait3A_48 = arith.constant 0 : i32
    %dma_wait3A_49 = tpu.memref_slice %arg10[%rem3A_46, %dma_wait3A_47, %dma_wait3A_48] : memref<2x80x128xf32, #tpu.memory_space<vmem>> -> memref<1x80x128xf32, #tpu.memory_space<vmem>>
    %dma_wait3A_50 = tpu.memref_squeeze %dma_wait3A_49 : memref<1x80x128xf32, #tpu.memory_space<vmem>> -> memref<80x128xf32, #tpu.memory_space<vmem>>
    %dma_wait3A_51 = arith.constant 0 : i32
    %dma_wait3A_52 = arith.constant 0 : i32
    %dma_wait3A_53 = tpu.memref_slice %arg5[%dma_wait3A_51, %dma_wait3A_52] : memref<102400x128xf32, #tpu.memory_space<hbm>> -> memref<80x128xf32, #tpu.memory_space<hbm>>
    %dma_wait3A_54 = arith.constant 0 : i32
    %dma_wait3A_55 = arith.constant 0 : i32
    %dma_wait3A_56 = tpu.memref_slice %arg10[%rem3A_46, %dma_wait3A_54, %dma_wait3A_55] : memref<2x80x128xf32, #tpu.memory_space<vmem>> -> memref<1x80x128xf32, #tpu.memory_space<vmem>>
    %dma_wait3A_57 = tpu.memref_squeeze %dma_wait3A_56 : memref<1x80x128xf32, #tpu.memory_space<vmem>> -> memref<80x128xf32, #tpu.memory_space<vmem>>
    %dma_wait3A_58 = arith.constant 0 : i32
    %dma_wait3A_59 = arith.constant 0 : i32
    %dma_wait3A_60 = tpu.memref_slice %arg5[%dma_wait3A_58, %dma_wait3A_59] : memref<102400x128xf32, #tpu.memory_space<hbm>> -> memref<80x128xf32, #tpu.memory_space<hbm>>
    tpu.wait_dma2 semaphore(%arg13 : memref<!tpu.dma_semaphore, #tpu.memory_space<semaphore_mem>>) src(%dma_wait3A_60 : memref<80x128xf32, #tpu.memory_space<hbm>>) dst(%dma_wait3A_57 : memref<80x128xf32, #tpu.memory_space<vmem>>)
    return
  }
}

#map = affine_map<(d0, d1) -> (0, 0)>
#map1 = affine_map<(d0, d1) -> (0)>
module attributes {stable_mosaic.version = 14 : i64} {
  func.func @k(%arg0: i32, %arg1: i32, %arg2: memref<10000x128xf32, #tpu.memory_space<hbm>>, %arg3: memref<89600xi32, #tpu.memory_space<hbm>>, %arg4: memref<89600xi32, #tpu.memory_space<hbm>>, %arg5: memref<89600x128xf32, #tpu.memory_space<hbm>>, %arg6: memref<89600x128xf32, #tpu.memory_space<hbm>>, %arg7: memref<2800xi32, #tpu.memory_space<vmem>>, %arg8: memref<2800xi32, #tpu.memory_space<vmem>>, %arg9: memref<2x80x128xf32, #tpu.memory_space<vmem>>, %arg10: memref<2x80x128xf32, #tpu.memory_space<vmem>>, %arg11: memref<10000x128xf32, #tpu.memory_space<vmem_shared>>, %arg12: memref<!tpu.dma_semaphore, #tpu.memory_space<semaphore_mem>>, %arg13: memref<!tpu.dma_semaphore, #tpu.memory_space<semaphore_mem>>) attributes {dimension_semantics = [#tpu.dimension_semantics<core_parallel>, #tpu.dimension_semantics<subcore_parallel>], iteration_bounds = array<i64: 2, 16>, scalar_prefetch = 0 : i64, scratch_operands = 7 : i64, tpu.core_type = #tpu.core_type<sc_vector_subcore>, window_params = [{transform_indices = #map}, {transform_indices = #map1}, {transform_indices = #map1}, {transform_indices = #map}, {transform_indices = #map}]} {
    %mul3A = arith.constant 2 : i32
    %mul3A_0 = arith.muli %arg1, %mul3A : i32
    %add3A = arith.addi %mul3A_0, %arg0 : i32
    %mul3A_1 = arith.constant 2800 : i32
    %mul3A_2 = arith.muli %add3A, %mul3A_1 : i32
    "tpu.region"() ({
      %run_scoped3A = tpu.sem_alloc : memref<!tpu.dma_semaphore, #tpu.memory_space<semaphore_mem>>
      %dma_start3A_61 = tpu.memref_slice %arg3[%mul3A_2] : memref<89600xi32, #tpu.memory_space<hbm>> -> memref<2800xi32, #tpu.memory_space<hbm>>
      %dma_start3A_62 = tpu.memref_slice %arg3[%mul3A_2] : memref<89600xi32, #tpu.memory_space<hbm>> -> memref<2800xi32, #tpu.memory_space<hbm>>
      tpu.enqueue_dma source(%dma_start3A_62 : memref<2800xi32, #tpu.memory_space<hbm>>) target(%arg7 : memref<2800xi32, #tpu.memory_space<vmem>>) target_semaphore(%run_scoped3A : memref<!tpu.dma_semaphore, #tpu.memory_space<semaphore_mem>>)
      %dma_wait3A_63 = tpu.memref_slice %arg3[%mul3A_2] : memref<89600xi32, #tpu.memory_space<hbm>> -> memref<2800xi32, #tpu.memory_space<hbm>>
      %dma_wait3A_64 = tpu.memref_slice %arg3[%mul3A_2] : memref<89600xi32, #tpu.memory_space<hbm>> -> memref<2800xi32, #tpu.memory_space<hbm>>
      tpu.wait_dma2 semaphore(%run_scoped3A : memref<!tpu.dma_semaphore, #tpu.memory_space<semaphore_mem>>) src(%dma_wait3A_64 : memref<2800xi32, #tpu.memory_space<hbm>>) dst(%arg7 : memref<2800xi32, #tpu.memory_space<vmem>>)
      tpu.yield
    }) : () -> ()
    "tpu.region"() ({
      %run_scoped3A = tpu.sem_alloc : memref<!tpu.dma_semaphore, #tpu.memory_space<semaphore_mem>>
      %dma_start3A_61 = tpu.memref_slice %arg4[%mul3A_2] : memref<89600xi32, #tpu.memory_space<hbm>> -> memref<2800xi32, #tpu.memory_space<hbm>>
      %dma_start3A_62 = tpu.memref_slice %arg4[%mul3A_2] : memref<89600xi32, #tpu.memory_space<hbm>> -> memref<2800xi32, #tpu.memory_space<hbm>>
      tpu.enqueue_dma source(%dma_start3A_62 : memref<2800xi32, #tpu.memory_space<hbm>>) target(%arg8 : memref<2800xi32, #tpu.memory_space<vmem>>) target_semaphore(%run_scoped3A : memref<!tpu.dma_semaphore, #tpu.memory_space<semaphore_mem>>)
      %dma_wait3A_63 = tpu.memref_slice %arg4[%mul3A_2] : memref<89600xi32, #tpu.memory_space<hbm>> -> memref<2800xi32, #tpu.memory_space<hbm>>
      %dma_wait3A_64 = tpu.memref_slice %arg4[%mul3A_2] : memref<89600xi32, #tpu.memory_space<hbm>> -> memref<2800xi32, #tpu.memory_space<hbm>>
      tpu.wait_dma2 semaphore(%run_scoped3A : memref<!tpu.dma_semaphore, #tpu.memory_space<semaphore_mem>>) src(%dma_wait3A_64 : memref<2800xi32, #tpu.memory_space<hbm>>) dst(%arg8 : memref<2800xi32, #tpu.memory_space<vmem>>)
      tpu.yield
    }) : () -> ()
    %eq3A = arith.constant 0 : i32
    %eq3A_3 = arith.cmpi eq, %arg1, %eq3A : i32
    %convert_element_type3A = arith.extui %eq3A_3 : i1 to i32
    %cond3A = arith.constant 0 : i32
    %cond3A_4 = arith.cmpi ne, %convert_element_type3A, %cond3A : i32
    scf.if %cond3A_4 {
      "tpu.region"() ({
        %run_scoped3A = tpu.sem_alloc : memref<!tpu.dma_semaphore, #tpu.memory_space<semaphore_mem>>
        tpu.enqueue_dma source(%arg2 : memref<10000x128xf32, #tpu.memory_space<hbm>>) target(%arg11 : memref<10000x128xf32, #tpu.memory_space<vmem_shared>>) target_semaphore(%run_scoped3A : memref<!tpu.dma_semaphore, #tpu.memory_space<semaphore_mem>>)
        tpu.wait_dma2 semaphore(%run_scoped3A : memref<!tpu.dma_semaphore, #tpu.memory_space<semaphore_mem>>) src(%arg2 : memref<10000x128xf32, #tpu.memory_space<hbm>>) dst(%arg11 : memref<10000x128xf32, #tpu.memory_space<vmem_shared>>)
        tpu.yield
      }) : () -> ()
    } else {
    }
    %barrier3A = arith.constant 0 : index
    tpu.barrier barrier_id(%barrier3A)
    %dma_start3A = arith.constant 0 : i32
    %dma_start3A_5 = arith.constant 0 : i32
    %dma_start3A_6 = arith.constant 0 : i32
    %dma_start3A_7 = tpu.memref_slice %arg9[%dma_start3A, %dma_start3A_5, %dma_start3A_6] : memref<2x80x128xf32, #tpu.memory_space<vmem>> -> memref<1x80x128xf32, #tpu.memory_space<vmem>>
    %dma_start3A_8 = tpu.memref_squeeze %dma_start3A_7 : memref<1x80x128xf32, #tpu.memory_space<vmem>> -> memref<80x128xf32, #tpu.memory_space<vmem>>
    %dma_start3A_9 = arith.constant 0 : i32
    %dma_start3A_10 = tpu.memref_slice %arg7[%dma_start3A_9] : memref<2800xi32, #tpu.memory_space<vmem>> -> memref<80xi32, #tpu.memory_space<vmem>>
    %dma_start3A_11 = arith.constant 0 : i32
    %dma_start3A_12 = arith.constant 0 : i32
    %dma_start3A_13 = tpu.memref_slice %arg11[%dma_start3A_11, %dma_start3A_12] : memref<10000x128xf32, #tpu.memory_space<vmem_shared>> -> memref<10000x128xf32, #tpu.memory_space<vmem_shared>>
    tpu.enqueue_indirect_dma source(%dma_start3A_13 : memref<10000x128xf32, #tpu.memory_space<vmem_shared>>) target(%dma_start3A_8 : memref<80x128xf32, #tpu.memory_space<vmem>>) offsets(%dma_start3A_10 : memref<80xi32, #tpu.memory_space<vmem>>) semaphore(%arg12 : memref<!tpu.dma_semaphore, #tpu.memory_space<semaphore_mem>>)
    %dma_start3A_14 = arith.constant 0 : i32
    %dma_start3A_15 = arith.constant 0 : i32
    %dma_start3A_16 = arith.constant 0 : i32
    %dma_start3A_17 = tpu.memref_slice %arg10[%dma_start3A_14, %dma_start3A_15, %dma_start3A_16] : memref<2x80x128xf32, #tpu.memory_space<vmem>> -> memref<1x80x128xf32, #tpu.memory_space<vmem>>
    %dma_start3A_18 = tpu.memref_squeeze %dma_start3A_17 : memref<1x80x128xf32, #tpu.memory_space<vmem>> -> memref<80x128xf32, #tpu.memory_space<vmem>>
    %dma_start3A_19 = arith.constant 0 : i32
    %dma_start3A_20 = tpu.memref_slice %arg8[%dma_start3A_19] : memref<2800xi32, #tpu.memory_space<vmem>> -> memref<80xi32, #tpu.memory_space<vmem>>
    %dma_start3A_21 = arith.constant 0 : i32
    %dma_start3A_22 = arith.constant 0 : i32
    %dma_start3A_23 = tpu.memref_slice %arg11[%dma_start3A_21, %dma_start3A_22] : memref<10000x128xf32, #tpu.memory_space<vmem_shared>> -> memref<10000x128xf32, #tpu.memory_space<vmem_shared>>
    tpu.enqueue_indirect_dma source(%dma_start3A_23 : memref<10000x128xf32, #tpu.memory_space<vmem_shared>>) target(%dma_start3A_18 : memref<80x128xf32, #tpu.memory_space<vmem>>) offsets(%dma_start3A_20 : memref<80xi32, #tpu.memory_space<vmem>>) semaphore(%arg12 : memref<!tpu.dma_semaphore, #tpu.memory_space<semaphore_mem>>)
    %scan3A = arith.constant 0 : i32
    %scan3A_24 = arith.constant 0 : i32
    %scan3A_25 = arith.constant 35 : i32
    %scan3A_26 = arith.addi %scan3A_24, %scan3A_25 : i32
    %scan3A_27 = arith.constant 1 : i32
    scf.for %scan3A_61 = %scan3A_24 to %scan3A_26 step %scan3A_27  : i32 {
      %rem3A_62 = arith.constant 2 : i32
      %rem3A_63 = arith.remsi %scan3A_61, %rem3A_62 : i32
      %dma_wait3A_64 = arith.constant 0 : i32
      %dma_wait3A_65 = arith.constant 0 : i32
      %dma_wait3A_66 = tpu.memref_slice %arg9[%rem3A_63, %dma_wait3A_64, %dma_wait3A_65] : memref<2x80x128xf32, #tpu.memory_space<vmem>> -> memref<1x80x128xf32, #tpu.memory_space<vmem>>
      %dma_wait3A_67 = tpu.memref_squeeze %dma_wait3A_66 : memref<1x80x128xf32, #tpu.memory_space<vmem>> -> memref<80x128xf32, #tpu.memory_space<vmem>>
      %dma_wait3A_68 = arith.constant 0 : i32
      %dma_wait3A_69 = arith.constant 0 : i32
      %dma_wait3A_70 = tpu.memref_slice %arg5[%dma_wait3A_68, %dma_wait3A_69] : memref<89600x128xf32, #tpu.memory_space<hbm>> -> memref<80x128xf32, #tpu.memory_space<hbm>>
      %dma_wait3A_71 = arith.constant 0 : i32
      %dma_wait3A_72 = arith.constant 0 : i32
      %dma_wait3A_73 = tpu.memref_slice %arg9[%rem3A_63, %dma_wait3A_71, %dma_wait3A_72] : memref<2x80x128xf32, #tpu.memory_space<vmem>> -> memref<1x80x128xf32, #tpu.memory_space<vmem>>
      %dma_wait3A_74 = tpu.memref_squeeze %dma_wait3A_73 : memref<1x80x128xf32, #tpu.memory_space<vmem>> -> memref<80x128xf32, #tpu.memory_space<vmem>>
      %dma_wait3A_75 = arith.constant 0 : i32
      %dma_wait3A_76 = arith.constant 0 : i32
      %dma_wait3A_77 = tpu.memref_slice %arg5[%dma_wait3A_75, %dma_wait3A_76] : memref<89600x128xf32, #tpu.memory_space<hbm>> -> memref<80x128xf32, #tpu.memory_space<hbm>>
      tpu.wait_dma2 semaphore(%arg12 : memref<!tpu.dma_semaphore, #tpu.memory_space<semaphore_mem>>) src(%dma_wait3A_77 : memref<80x128xf32, #tpu.memory_space<hbm>>) dst(%dma_wait3A_74 : memref<80x128xf32, #tpu.memory_space<vmem>>)
      %dma_wait3A_78 = arith.constant 0 : i32
      %dma_wait3A_79 = arith.constant 0 : i32
      %dma_wait3A_80 = tpu.memref_slice %arg10[%rem3A_63, %dma_wait3A_78, %dma_wait3A_79] : memref<2x80x128xf32, #tpu.memory_space<vmem>> -> memref<1x80x128xf32, #tpu.memory_space<vmem>>
      %dma_wait3A_81 = tpu.memref_squeeze %dma_wait3A_80 : memref<1x80x128xf32, #tpu.memory_space<vmem>> -> memref<80x128xf32, #tpu.memory_space<vmem>>
      %dma_wait3A_82 = arith.constant 0 : i32
      %dma_wait3A_83 = arith.constant 0 : i32
      %dma_wait3A_84 = tpu.memref_slice %arg5[%dma_wait3A_82, %dma_wait3A_83] : memref<89600x128xf32, #tpu.memory_space<hbm>> -> memref<80x128xf32, #tpu.memory_space<hbm>>
      %dma_wait3A_85 = arith.constant 0 : i32
      %dma_wait3A_86 = arith.constant 0 : i32
      %dma_wait3A_87 = tpu.memref_slice %arg10[%rem3A_63, %dma_wait3A_85, %dma_wait3A_86] : memref<2x80x128xf32, #tpu.memory_space<vmem>> -> memref<1x80x128xf32, #tpu.memory_space<vmem>>
      %dma_wait3A_88 = tpu.memref_squeeze %dma_wait3A_87 : memref<1x80x128xf32, #tpu.memory_space<vmem>> -> memref<80x128xf32, #tpu.memory_space<vmem>>
      %dma_wait3A_89 = arith.constant 0 : i32
      %dma_wait3A_90 = arith.constant 0 : i32
      %dma_wait3A_91 = tpu.memref_slice %arg5[%dma_wait3A_89, %dma_wait3A_90] : memref<89600x128xf32, #tpu.memory_space<hbm>> -> memref<80x128xf32, #tpu.memory_space<hbm>>
      tpu.wait_dma2 semaphore(%arg12 : memref<!tpu.dma_semaphore, #tpu.memory_space<semaphore_mem>>) src(%dma_wait3A_91 : memref<80x128xf32, #tpu.memory_space<hbm>>) dst(%dma_wait3A_88 : memref<80x128xf32, #tpu.memory_space<vmem>>)
      %mul3A_92 = arith.constant 80 : i32
      %mul3A_93 = arith.muli %scan3A_61, %mul3A_92 : i32
      %add3A_94 = arith.addi %mul3A_2, %mul3A_93 : i32
      %dma_start3A_95 = arith.constant 0 : i32
      %dma_start3A_96 = arith.constant 0 : i32
      %dma_start3A_97 = tpu.memref_slice %arg9[%rem3A_63, %dma_start3A_95, %dma_start3A_96] : memref<2x80x128xf32, #tpu.memory_space<vmem>> -> memref<1x80x128xf32, #tpu.memory_space<vmem>>
      %dma_start3A_98 = tpu.memref_squeeze %dma_start3A_97 : memref<1x80x128xf32, #tpu.memory_space<vmem>> -> memref<80x128xf32, #tpu.memory_space<vmem>>
      %dma_start3A_99 = arith.constant 0 : i32
      %dma_start3A_100 = tpu.memref_slice %arg5[%add3A_94, %dma_start3A_99] : memref<89600x128xf32, #tpu.memory_space<hbm>> -> memref<80x128xf32, #tpu.memory_space<hbm>>
      %dma_start3A_101 = arith.constant 0 : i32
      %dma_start3A_102 = tpu.memref_slice %arg5[%add3A_94, %dma_start3A_101] : memref<89600x128xf32, #tpu.memory_space<hbm>> -> memref<80x128xf32, #tpu.memory_space<hbm>>
      %dma_start3A_103 = arith.constant 0 : i32
      %dma_start3A_104 = arith.constant 0 : i32
      %dma_start3A_105 = tpu.memref_slice %arg9[%rem3A_63, %dma_start3A_103, %dma_start3A_104] : memref<2x80x128xf32, #tpu.memory_space<vmem>> -> memref<1x80x128xf32, #tpu.memory_space<vmem>>
      %dma_start3A_106 = tpu.memref_squeeze %dma_start3A_105 : memref<1x80x128xf32, #tpu.memory_space<vmem>> -> memref<80x128xf32, #tpu.memory_space<vmem>>
      tpu.enqueue_dma source(%dma_start3A_106 : memref<80x128xf32, #tpu.memory_space<vmem>>) target(%dma_start3A_102 : memref<80x128xf32, #tpu.memory_space<hbm>>) target_semaphore(%arg13 : memref<!tpu.dma_semaphore, #tpu.memory_space<semaphore_mem>>)
      %mul3A_107 = arith.constant 80 : i32
      %mul3A_108 = arith.muli %scan3A_61, %mul3A_107 : i32
      %add3A_109 = arith.addi %mul3A_2, %mul3A_108 : i32
      %dma_start3A_110 = arith.constant 0 : i32
      %dma_start3A_111 = arith.constant 0 : i32
      %dma_start3A_112 = tpu.memref_slice %arg10[%rem3A_63, %dma_start3A_110, %dma_start3A_111] : memref<2x80x128xf32, #tpu.memory_space<vmem>> -> memref<1x80x128xf32, #tpu.memory_space<vmem>>
      %dma_start3A_113 = tpu.memref_squeeze %dma_start3A_112 : memref<1x80x128xf32, #tpu.memory_space<vmem>> -> memref<80x128xf32, #tpu.memory_space<vmem>>
      %dma_start3A_114 = arith.constant 0 : i32
      %dma_start3A_115 = tpu.memref_slice %arg6[%add3A_109, %dma_start3A_114] : memref<89600x128xf32, #tpu.memory_space<hbm>> -> memref<80x128xf32, #tpu.memory_space<hbm>>
      %dma_start3A_116 = arith.constant 0 : i32
      %dma_start3A_117 = tpu.memref_slice %arg6[%add3A_109, %dma_start3A_116] : memref<89600x128xf32, #tpu.memory_space<hbm>> -> memref<80x128xf32, #tpu.memory_space<hbm>>
      %dma_start3A_118 = arith.constant 0 : i32
      %dma_start3A_119 = arith.constant 0 : i32
      %dma_start3A_120 = tpu.memref_slice %arg10[%rem3A_63, %dma_start3A_118, %dma_start3A_119] : memref<2x80x128xf32, #tpu.memory_space<vmem>> -> memref<1x80x128xf32, #tpu.memory_space<vmem>>
      %dma_start3A_121 = tpu.memref_squeeze %dma_start3A_120 : memref<1x80x128xf32, #tpu.memory_space<vmem>> -> memref<80x128xf32, #tpu.memory_space<vmem>>
      tpu.enqueue_dma source(%dma_start3A_121 : memref<80x128xf32, #tpu.memory_space<vmem>>) target(%dma_start3A_117 : memref<80x128xf32, #tpu.memory_space<hbm>>) target_semaphore(%arg13 : memref<!tpu.dma_semaphore, #tpu.memory_space<semaphore_mem>>)
      %ge3A = arith.constant 1 : i32
      %ge3A_122 = arith.cmpi sge, %scan3A_61, %ge3A : i32
      %convert_element_type3A_123 = arith.extui %ge3A_122 : i1 to i32
      %cond3A_124 = arith.constant 0 : i32
      %cond3A_125 = arith.cmpi ne, %convert_element_type3A_123, %cond3A_124 : i32
      scf.if %cond3A_125 {
        %sub3A = arith.constant 1 : i32
        %sub3A_130 = arith.subi %sub3A, %rem3A_63 : i32
        %dma_wait3A_131 = arith.constant 0 : i32
        %dma_wait3A_132 = arith.constant 0 : i32
        %dma_wait3A_133 = tpu.memref_slice %arg9[%sub3A_130, %dma_wait3A_131, %dma_wait3A_132] : memref<2x80x128xf32, #tpu.memory_space<vmem>> -> memref<1x80x128xf32, #tpu.memory_space<vmem>>
        %dma_wait3A_134 = tpu.memref_squeeze %dma_wait3A_133 : memref<1x80x128xf32, #tpu.memory_space<vmem>> -> memref<80x128xf32, #tpu.memory_space<vmem>>
        %dma_wait3A_135 = arith.constant 0 : i32
        %dma_wait3A_136 = arith.constant 0 : i32
        %dma_wait3A_137 = tpu.memref_slice %arg5[%dma_wait3A_135, %dma_wait3A_136] : memref<89600x128xf32, #tpu.memory_space<hbm>> -> memref<80x128xf32, #tpu.memory_space<hbm>>
        %dma_wait3A_138 = arith.constant 0 : i32
        %dma_wait3A_139 = arith.constant 0 : i32
        %dma_wait3A_140 = tpu.memref_slice %arg9[%sub3A_130, %dma_wait3A_138, %dma_wait3A_139] : memref<2x80x128xf32, #tpu.memory_space<vmem>> -> memref<1x80x128xf32, #tpu.memory_space<vmem>>
        %dma_wait3A_141 = tpu.memref_squeeze %dma_wait3A_140 : memref<1x80x128xf32, #tpu.memory_space<vmem>> -> memref<80x128xf32, #tpu.memory_space<vmem>>
        %dma_wait3A_142 = arith.constant 0 : i32
        %dma_wait3A_143 = arith.constant 0 : i32
        %dma_wait3A_144 = tpu.memref_slice %arg5[%dma_wait3A_142, %dma_wait3A_143] : memref<89600x128xf32, #tpu.memory_space<hbm>> -> memref<80x128xf32, #tpu.memory_space<hbm>>
        tpu.wait_dma2 semaphore(%arg13 : memref<!tpu.dma_semaphore, #tpu.memory_space<semaphore_mem>>) src(%dma_wait3A_144 : memref<80x128xf32, #tpu.memory_space<hbm>>) dst(%dma_wait3A_141 : memref<80x128xf32, #tpu.memory_space<vmem>>)
        %sub3A_145 = arith.constant 1 : i32
        %sub3A_146 = arith.subi %sub3A_145, %rem3A_63 : i32
        %dma_wait3A_147 = arith.constant 0 : i32
        %dma_wait3A_148 = arith.constant 0 : i32
        %dma_wait3A_149 = tpu.memref_slice %arg10[%sub3A_146, %dma_wait3A_147, %dma_wait3A_148] : memref<2x80x128xf32, #tpu.memory_space<vmem>> -> memref<1x80x128xf32, #tpu.memory_space<vmem>>
        %dma_wait3A_150 = tpu.memref_squeeze %dma_wait3A_149 : memref<1x80x128xf32, #tpu.memory_space<vmem>> -> memref<80x128xf32, #tpu.memory_space<vmem>>
        %dma_wait3A_151 = arith.constant 0 : i32
        %dma_wait3A_152 = arith.constant 0 : i32
        %dma_wait3A_153 = tpu.memref_slice %arg5[%dma_wait3A_151, %dma_wait3A_152] : memref<89600x128xf32, #tpu.memory_space<hbm>> -> memref<80x128xf32, #tpu.memory_space<hbm>>
        %dma_wait3A_154 = arith.constant 0 : i32
        %dma_wait3A_155 = arith.constant 0 : i32
        %dma_wait3A_156 = tpu.memref_slice %arg10[%sub3A_146, %dma_wait3A_154, %dma_wait3A_155] : memref<2x80x128xf32, #tpu.memory_space<vmem>> -> memref<1x80x128xf32, #tpu.memory_space<vmem>>
        %dma_wait3A_157 = tpu.memref_squeeze %dma_wait3A_156 : memref<1x80x128xf32, #tpu.memory_space<vmem>> -> memref<80x128xf32, #tpu.memory_space<vmem>>
        %dma_wait3A_158 = arith.constant 0 : i32
        %dma_wait3A_159 = arith.constant 0 : i32
        %dma_wait3A_160 = tpu.memref_slice %arg5[%dma_wait3A_158, %dma_wait3A_159] : memref<89600x128xf32, #tpu.memory_space<hbm>> -> memref<80x128xf32, #tpu.memory_space<hbm>>
        tpu.wait_dma2 semaphore(%arg13 : memref<!tpu.dma_semaphore, #tpu.memory_space<semaphore_mem>>) src(%dma_wait3A_160 : memref<80x128xf32, #tpu.memory_space<hbm>>) dst(%dma_wait3A_157 : memref<80x128xf32, #tpu.memory_space<vmem>>)
      } else {
      }
      %lt3A = arith.constant 34 : i32
      %lt3A_126 = arith.cmpi slt, %scan3A_61, %lt3A : i32
      %convert_element_type3A_127 = arith.extui %lt3A_126 : i1 to i32
      %cond3A_128 = arith.constant 0 : i32
      %cond3A_129 = arith.cmpi ne, %convert_element_type3A_127, %cond3A_128 : i32
      scf.if %cond3A_129 {
        %add3A_130 = arith.constant 1 : i32
        %add3A_131 = arith.addi %scan3A_61, %add3A_130 : i32
        %sub3A = arith.constant 1 : i32
        %sub3A_132 = arith.subi %sub3A, %rem3A_63 : i32
        %mul3A_133 = arith.constant 80 : i32
        %mul3A_134 = arith.muli %add3A_131, %mul3A_133 : i32
        %dma_start3A_135 = arith.constant 0 : i32
        %dma_start3A_136 = arith.constant 0 : i32
        %dma_start3A_137 = tpu.memref_slice %arg9[%sub3A_132, %dma_start3A_135, %dma_start3A_136] : memref<2x80x128xf32, #tpu.memory_space<vmem>> -> memref<1x80x128xf32, #tpu.memory_space<vmem>>
        %dma_start3A_138 = tpu.memref_squeeze %dma_start3A_137 : memref<1x80x128xf32, #tpu.memory_space<vmem>> -> memref<80x128xf32, #tpu.memory_space<vmem>>
        %dma_start3A_139 = tpu.memref_slice %arg7[%mul3A_134] : memref<2800xi32, #tpu.memory_space<vmem>> -> memref<80xi32, #tpu.memory_space<vmem>>
        %dma_start3A_140 = arith.constant 0 : i32
        %dma_start3A_141 = arith.constant 0 : i32
        %dma_start3A_142 = tpu.memref_slice %arg11[%dma_start3A_140, %dma_start3A_141] : memref<10000x128xf32, #tpu.memory_space<vmem_shared>> -> memref<10000x128xf32, #tpu.memory_space<vmem_shared>>
        tpu.enqueue_indirect_dma source(%dma_start3A_142 : memref<10000x128xf32, #tpu.memory_space<vmem_shared>>) target(%dma_start3A_138 : memref<80x128xf32, #tpu.memory_space<vmem>>) offsets(%dma_start3A_139 : memref<80xi32, #tpu.memory_space<vmem>>) semaphore(%arg12 : memref<!tpu.dma_semaphore, #tpu.memory_space<semaphore_mem>>)
        %dma_start3A_143 = arith.constant 0 : i32
        %dma_start3A_144 = arith.constant 0 : i32
        %dma_start3A_145 = tpu.memref_slice %arg10[%sub3A_132, %dma_start3A_143, %dma_start3A_144] : memref<2x80x128xf32, #tpu.memory_space<vmem>> -> memref<1x80x128xf32, #tpu.memory_space<vmem>>
        %dma_start3A_146 = tpu.memref_squeeze %dma_start3A_145 : memref<1x80x128xf32, #tpu.memory_space<vmem>> -> memref<80x128xf32, #tpu.memory_space<vmem>>
        %dma_start3A_147 = tpu.memref_slice %arg8[%mul3A_134] : memref<2800xi32, #tpu.memory_space<vmem>> -> memref<80xi32, #tpu.memory_space<vmem>>
        %dma_start3A_148 = arith.constant 0 : i32
        %dma_start3A_149 = arith.constant 0 : i32
        %dma_start3A_150 = tpu.memref_slice %arg11[%dma_start3A_148, %dma_start3A_149] : memref<10000x128xf32, #tpu.memory_space<vmem_shared>> -> memref<10000x128xf32, #tpu.memory_space<vmem_shared>>
        tpu.enqueue_indirect_dma source(%dma_start3A_150 : memref<10000x128xf32, #tpu.memory_space<vmem_shared>>) target(%dma_start3A_146 : memref<80x128xf32, #tpu.memory_space<vmem>>) offsets(%dma_start3A_147 : memref<80xi32, #tpu.memory_space<vmem>>) semaphore(%arg12 : memref<!tpu.dma_semaphore, #tpu.memory_space<semaphore_mem>>)
      } else {
      }
    }
    %scan3A_28 = arith.constant 35 : i32
    %rem3A = arith.constant 34 : i32
    %rem3A_29 = arith.constant 2 : i32
    %rem3A_30 = arith.remsi %rem3A, %rem3A_29 : i32
    %dma_wait3A = arith.constant 0 : i32
    %dma_wait3A_31 = arith.constant 0 : i32
    %dma_wait3A_32 = tpu.memref_slice %arg9[%rem3A_30, %dma_wait3A, %dma_wait3A_31] : memref<2x80x128xf32, #tpu.memory_space<vmem>> -> memref<1x80x128xf32, #tpu.memory_space<vmem>>
    %dma_wait3A_33 = tpu.memref_squeeze %dma_wait3A_32 : memref<1x80x128xf32, #tpu.memory_space<vmem>> -> memref<80x128xf32, #tpu.memory_space<vmem>>
    %dma_wait3A_34 = arith.constant 0 : i32
    %dma_wait3A_35 = arith.constant 0 : i32
    %dma_wait3A_36 = tpu.memref_slice %arg5[%dma_wait3A_34, %dma_wait3A_35] : memref<89600x128xf32, #tpu.memory_space<hbm>> -> memref<80x128xf32, #tpu.memory_space<hbm>>
    %dma_wait3A_37 = arith.constant 0 : i32
    %dma_wait3A_38 = arith.constant 0 : i32
    %dma_wait3A_39 = tpu.memref_slice %arg9[%rem3A_30, %dma_wait3A_37, %dma_wait3A_38] : memref<2x80x128xf32, #tpu.memory_space<vmem>> -> memref<1x80x128xf32, #tpu.memory_space<vmem>>
    %dma_wait3A_40 = tpu.memref_squeeze %dma_wait3A_39 : memref<1x80x128xf32, #tpu.memory_space<vmem>> -> memref<80x128xf32, #tpu.memory_space<vmem>>
    %dma_wait3A_41 = arith.constant 0 : i32
    %dma_wait3A_42 = arith.constant 0 : i32
    %dma_wait3A_43 = tpu.memref_slice %arg5[%dma_wait3A_41, %dma_wait3A_42] : memref<89600x128xf32, #tpu.memory_space<hbm>> -> memref<80x128xf32, #tpu.memory_space<hbm>>
    tpu.wait_dma2 semaphore(%arg13 : memref<!tpu.dma_semaphore, #tpu.memory_space<semaphore_mem>>) src(%dma_wait3A_43 : memref<80x128xf32, #tpu.memory_space<hbm>>) dst(%dma_wait3A_40 : memref<80x128xf32, #tpu.memory_space<vmem>>)
    %rem3A_44 = arith.constant 34 : i32
    %rem3A_45 = arith.constant 2 : i32
    %rem3A_46 = arith.remsi %rem3A_44, %rem3A_45 : i32
    %dma_wait3A_47 = arith.constant 0 : i32
    %dma_wait3A_48 = arith.constant 0 : i32
    %dma_wait3A_49 = tpu.memref_slice %arg10[%rem3A_46, %dma_wait3A_47, %dma_wait3A_48] : memref<2x80x128xf32, #tpu.memory_space<vmem>> -> memref<1x80x128xf32, #tpu.memory_space<vmem>>
    %dma_wait3A_50 = tpu.memref_squeeze %dma_wait3A_49 : memref<1x80x128xf32, #tpu.memory_space<vmem>> -> memref<80x128xf32, #tpu.memory_space<vmem>>
    %dma_wait3A_51 = arith.constant 0 : i32
    %dma_wait3A_52 = arith.constant 0 : i32
    %dma_wait3A_53 = tpu.memref_slice %arg5[%dma_wait3A_51, %dma_wait3A_52] : memref<89600x128xf32, #tpu.memory_space<hbm>> -> memref<80x128xf32, #tpu.memory_space<hbm>>
    %dma_wait3A_54 = arith.constant 0 : i32
    %dma_wait3A_55 = arith.constant 0 : i32
    %dma_wait3A_56 = tpu.memref_slice %arg10[%rem3A_46, %dma_wait3A_54, %dma_wait3A_55] : memref<2x80x128xf32, #tpu.memory_space<vmem>> -> memref<1x80x128xf32, #tpu.memory_space<vmem>>
    %dma_wait3A_57 = tpu.memref_squeeze %dma_wait3A_56 : memref<1x80x128xf32, #tpu.memory_space<vmem>> -> memref<80x128xf32, #tpu.memory_space<vmem>>
    %dma_wait3A_58 = arith.constant 0 : i32
    %dma_wait3A_59 = arith.constant 0 : i32
    %dma_wait3A_60 = tpu.memref_slice %arg5[%dma_wait3A_58, %dma_wait3A_59] : memref<89600x128xf32, #tpu.memory_space<hbm>> -> memref<80x128xf32, #tpu.memory_space<hbm>>
    tpu.wait_dma2 semaphore(%arg13 : memref<!tpu.dma_semaphore, #tpu.memory_space<semaphore_mem>>) src(%dma_wait3A_60 : memref<80x128xf32, #tpu.memory_space<hbm>>) dst(%dma_wait3A_57 : memref<80x128xf32, #tpu.memory_space<vmem>>)
    return
  }
}

#map = affine_map<(d0, d1) -> (0, 0)>
#map1 = affine_map<(d0, d1) -> (0, 0, 0)>
module attributes {stable_mosaic.version = 14 : i64} {
  func.func @k(%arg0: i32, %arg1: i32, %arg2: memref<38400x128xf32, #tpu.memory_space<hbm>>, %arg3: memref<32x15x80xi32, #tpu.memory_space<hbm>>, %arg4: memref<2x10000x128xf32, #tpu.memory_space<hbm>>, %arg5: memref<2x10000x128xf32, #tpu.memory_space<hbm>>, %arg6: memref<15x80xi32, #tpu.memory_space<vmem>>, %arg7: memref<2x80x128xf32, #tpu.memory_space<vmem>>, %arg8: memref<10000x128xf32, #tpu.memory_space<vmem_shared>>, %arg9: memref<!tpu.dma_semaphore, #tpu.memory_space<semaphore_mem>>, %arg10: memref<!tpu.dma_semaphore, #tpu.memory_space<semaphore_mem>>) attributes {dimension_semantics = [#tpu.dimension_semantics<core_parallel>, #tpu.dimension_semantics<subcore_parallel>], iteration_bounds = array<i64: 2, 16>, scalar_prefetch = 0 : i64, scratch_operands = 5 : i64, tpu.core_type = #tpu.core_type<sc_vector_subcore>, window_params = [{transform_indices = #map}, {transform_indices = #map1}, {transform_indices = #map1}, {transform_indices = #map1}]} {
    %mul3A = arith.constant 2 : i32
    %mul3A_0 = arith.muli %arg1, %mul3A : i32
    %add3A = arith.addi %mul3A_0, %arg0 : i32
    %eq3A = arith.constant 0 : i32
    %eq3A_1 = arith.cmpi eq, %arg1, %eq3A : i32
    %convert_element_type3A = arith.extui %eq3A_1 : i1 to i32
    %cond3A = arith.constant 0 : i32
    %cond3A_2 = arith.cmpi ne, %convert_element_type3A, %cond3A : i32
    scf.if %cond3A_2 {
      "tpu.region"() ({
        %run_scoped3A = tpu.sem_alloc : memref<!tpu.dma_semaphore, #tpu.memory_space<semaphore_mem>>
        %dma_start3A_43 = arith.constant 0 : i32
        %dma_start3A_44 = arith.constant 0 : i32
        %dma_start3A_45 = tpu.memref_slice %arg4[%arg0, %dma_start3A_43, %dma_start3A_44] : memref<2x10000x128xf32, #tpu.memory_space<hbm>> -> memref<1x10000x128xf32, #tpu.memory_space<hbm>>
        %dma_start3A_46 = tpu.memref_squeeze %dma_start3A_45 : memref<1x10000x128xf32, #tpu.memory_space<hbm>> -> memref<10000x128xf32, #tpu.memory_space<hbm>>
        tpu.enqueue_dma source(%dma_start3A_46 : memref<10000x128xf32, #tpu.memory_space<hbm>>) target(%arg8 : memref<10000x128xf32, #tpu.memory_space<vmem_shared>>) target_semaphore(%run_scoped3A : memref<!tpu.dma_semaphore, #tpu.memory_space<semaphore_mem>>)
        %dma_wait3A_47 = arith.constant 0 : i32
        %dma_wait3A_48 = arith.constant 0 : i32
        %dma_wait3A_49 = tpu.memref_slice %arg4[%arg0, %dma_wait3A_47, %dma_wait3A_48] : memref<2x10000x128xf32, #tpu.memory_space<hbm>> -> memref<1x10000x128xf32, #tpu.memory_space<hbm>>
        %dma_wait3A_50 = tpu.memref_squeeze %dma_wait3A_49 : memref<1x10000x128xf32, #tpu.memory_space<hbm>> -> memref<10000x128xf32, #tpu.memory_space<hbm>>
        tpu.wait_dma2 semaphore(%run_scoped3A : memref<!tpu.dma_semaphore, #tpu.memory_space<semaphore_mem>>) src(%dma_wait3A_50 : memref<10000x128xf32, #tpu.memory_space<hbm>>) dst(%arg8 : memref<10000x128xf32, #tpu.memory_space<vmem_shared>>)
        tpu.yield
      }) : () -> ()
    } else {
    }
    "tpu.region"() ({
      %run_scoped3A = tpu.sem_alloc : memref<!tpu.dma_semaphore, #tpu.memory_space<semaphore_mem>>
      %dma_start3A_43 = arith.constant 0 : i32
      %dma_start3A_44 = arith.constant 0 : i32
      %dma_start3A_45 = tpu.memref_slice %arg3[%add3A, %dma_start3A_43, %dma_start3A_44] : memref<32x15x80xi32, #tpu.memory_space<hbm>> -> memref<1x15x80xi32, #tpu.memory_space<hbm>>
      %dma_start3A_46 = tpu.memref_squeeze %dma_start3A_45 : memref<1x15x80xi32, #tpu.memory_space<hbm>> -> memref<15x80xi32, #tpu.memory_space<hbm>>
      %dma_start3A_47 = arith.constant 0 : i32
      %dma_start3A_48 = arith.constant 0 : i32
      %dma_start3A_49 = tpu.memref_slice %arg3[%add3A, %dma_start3A_47, %dma_start3A_48] : memref<32x15x80xi32, #tpu.memory_space<hbm>> -> memref<1x15x80xi32, #tpu.memory_space<hbm>>
      %dma_start3A_50 = tpu.memref_squeeze %dma_start3A_49 : memref<1x15x80xi32, #tpu.memory_space<hbm>> -> memref<15x80xi32, #tpu.memory_space<hbm>>
      tpu.enqueue_dma source(%dma_start3A_50 : memref<15x80xi32, #tpu.memory_space<hbm>>) target(%arg6 : memref<15x80xi32, #tpu.memory_space<vmem>>) target_semaphore(%run_scoped3A : memref<!tpu.dma_semaphore, #tpu.memory_space<semaphore_mem>>)
      %dma_wait3A_51 = arith.constant 0 : i32
      %dma_wait3A_52 = arith.constant 0 : i32
      %dma_wait3A_53 = tpu.memref_slice %arg3[%add3A, %dma_wait3A_51, %dma_wait3A_52] : memref<32x15x80xi32, #tpu.memory_space<hbm>> -> memref<1x15x80xi32, #tpu.memory_space<hbm>>
      %dma_wait3A_54 = tpu.memref_squeeze %dma_wait3A_53 : memref<1x15x80xi32, #tpu.memory_space<hbm>> -> memref<15x80xi32, #tpu.memory_space<hbm>>
      %dma_wait3A_55 = arith.constant 0 : i32
      %dma_wait3A_56 = arith.constant 0 : i32
      %dma_wait3A_57 = tpu.memref_slice %arg3[%add3A, %dma_wait3A_55, %dma_wait3A_56] : memref<32x15x80xi32, #tpu.memory_space<hbm>> -> memref<1x15x80xi32, #tpu.memory_space<hbm>>
      %dma_wait3A_58 = tpu.memref_squeeze %dma_wait3A_57 : memref<1x15x80xi32, #tpu.memory_space<hbm>> -> memref<15x80xi32, #tpu.memory_space<hbm>>
      tpu.wait_dma2 semaphore(%run_scoped3A : memref<!tpu.dma_semaphore, #tpu.memory_space<semaphore_mem>>) src(%dma_wait3A_58 : memref<15x80xi32, #tpu.memory_space<hbm>>) dst(%arg6 : memref<15x80xi32, #tpu.memory_space<vmem>>)
      tpu.yield
    }) : () -> ()
    %barrier3A = arith.constant 0 : index
    tpu.barrier barrier_id(%barrier3A)
    %mul3A_3 = arith.constant 1200 : i32
    %mul3A_4 = arith.muli %add3A, %mul3A_3 : i32
    %dma_start3A = arith.constant 0 : i32
    %dma_start3A_5 = arith.constant 0 : i32
    %dma_start3A_6 = arith.constant 0 : i32
    %dma_start3A_7 = tpu.memref_slice %arg7[%dma_start3A, %dma_start3A_5, %dma_start3A_6] : memref<2x80x128xf32, #tpu.memory_space<vmem>> -> memref<1x80x128xf32, #tpu.memory_space<vmem>>
    %dma_start3A_8 = tpu.memref_squeeze %dma_start3A_7 : memref<1x80x128xf32, #tpu.memory_space<vmem>> -> memref<80x128xf32, #tpu.memory_space<vmem>>
    %dma_start3A_9 = arith.constant 0 : i32
    %dma_start3A_10 = tpu.memref_slice %arg2[%mul3A_4, %dma_start3A_9] : memref<38400x128xf32, #tpu.memory_space<hbm>> -> memref<80x128xf32, #tpu.memory_space<hbm>>
    %dma_start3A_11 = arith.constant 0 : i32
    %dma_start3A_12 = arith.constant 0 : i32
    %dma_start3A_13 = tpu.memref_slice %arg7[%dma_start3A, %dma_start3A_11, %dma_start3A_12] : memref<2x80x128xf32, #tpu.memory_space<vmem>> -> memref<1x80x128xf32, #tpu.memory_space<vmem>>
    %dma_start3A_14 = tpu.memref_squeeze %dma_start3A_13 : memref<1x80x128xf32, #tpu.memory_space<vmem>> -> memref<80x128xf32, #tpu.memory_space<vmem>>
    %dma_start3A_15 = arith.constant 0 : i32
    %dma_start3A_16 = tpu.memref_slice %arg2[%mul3A_4, %dma_start3A_15] : memref<38400x128xf32, #tpu.memory_space<hbm>> -> memref<80x128xf32, #tpu.memory_space<hbm>>
    tpu.enqueue_dma source(%dma_start3A_16 : memref<80x128xf32, #tpu.memory_space<hbm>>) target(%dma_start3A_14 : memref<80x128xf32, #tpu.memory_space<vmem>>) target_semaphore(%arg9 : memref<!tpu.dma_semaphore, #tpu.memory_space<semaphore_mem>>)
    %scan3A = arith.constant 0 : i32
    %scan3A_17 = arith.constant 0 : i32
    %scan3A_18 = arith.constant 15 : i32
    %scan3A_19 = arith.addi %scan3A_17, %scan3A_18 : i32
    %scan3A_20 = arith.constant 1 : i32
    scf.for %scan3A_43 = %scan3A_17 to %scan3A_19 step %scan3A_20  : i32 {
      %rem3A_44 = arith.constant 2 : i32
      %rem3A_45 = arith.remsi %scan3A_43, %rem3A_44 : i32
      %dma_wait3A_46 = arith.constant 0 : i32
      %dma_wait3A_47 = arith.constant 0 : i32
      %dma_wait3A_48 = tpu.memref_slice %arg7[%rem3A_45, %dma_wait3A_46, %dma_wait3A_47] : memref<2x80x128xf32, #tpu.memory_space<vmem>> -> memref<1x80x128xf32, #tpu.memory_space<vmem>>
      %dma_wait3A_49 = tpu.memref_squeeze %dma_wait3A_48 : memref<1x80x128xf32, #tpu.memory_space<vmem>> -> memref<80x128xf32, #tpu.memory_space<vmem>>
      %dma_wait3A_50 = arith.constant 0 : i32
      %dma_wait3A_51 = arith.constant 0 : i32
      %dma_wait3A_52 = tpu.memref_slice %arg2[%dma_wait3A_50, %dma_wait3A_51] : memref<38400x128xf32, #tpu.memory_space<hbm>> -> memref<80x128xf32, #tpu.memory_space<hbm>>
      %dma_wait3A_53 = arith.constant 0 : i32
      %dma_wait3A_54 = arith.constant 0 : i32
      %dma_wait3A_55 = tpu.memref_slice %arg7[%rem3A_45, %dma_wait3A_53, %dma_wait3A_54] : memref<2x80x128xf32, #tpu.memory_space<vmem>> -> memref<1x80x128xf32, #tpu.memory_space<vmem>>
      %dma_wait3A_56 = tpu.memref_squeeze %dma_wait3A_55 : memref<1x80x128xf32, #tpu.memory_space<vmem>> -> memref<80x128xf32, #tpu.memory_space<vmem>>
      %dma_wait3A_57 = arith.constant 0 : i32
      %dma_wait3A_58 = arith.constant 0 : i32
      %dma_wait3A_59 = tpu.memref_slice %arg2[%dma_wait3A_57, %dma_wait3A_58] : memref<38400x128xf32, #tpu.memory_space<hbm>> -> memref<80x128xf32, #tpu.memory_space<hbm>>
      tpu.wait_dma2 semaphore(%arg9 : memref<!tpu.dma_semaphore, #tpu.memory_space<semaphore_mem>>) src(%dma_wait3A_59 : memref<80x128xf32, #tpu.memory_space<hbm>>) dst(%dma_wait3A_56 : memref<80x128xf32, #tpu.memory_space<vmem>>)
      %dma_start3A_60 = arith.constant 0 : i32
      %dma_start3A_61 = arith.constant 0 : i32
      %dma_start3A_62 = tpu.memref_slice %arg7[%rem3A_45, %dma_start3A_60, %dma_start3A_61] : memref<2x80x128xf32, #tpu.memory_space<vmem>> -> memref<1x80x128xf32, #tpu.memory_space<vmem>>
      %dma_start3A_63 = tpu.memref_squeeze %dma_start3A_62 : memref<1x80x128xf32, #tpu.memory_space<vmem>> -> memref<80x128xf32, #tpu.memory_space<vmem>>
      %dma_start3A_64 = arith.constant 0 : i32
      %dma_start3A_65 = tpu.memref_slice %arg6[%scan3A_43, %dma_start3A_64] : memref<15x80xi32, #tpu.memory_space<vmem>> -> memref<1x80xi32, #tpu.memory_space<vmem>>
      %dma_start3A_66 = tpu.memref_squeeze %dma_start3A_65 : memref<1x80xi32, #tpu.memory_space<vmem>> -> memref<80xi32, #tpu.memory_space<vmem>>
      %dma_start3A_67 = arith.constant 0 : i32
      %dma_start3A_68 = arith.constant 0 : i32
      %dma_start3A_69 = tpu.memref_slice %arg8[%dma_start3A_67, %dma_start3A_68] : memref<10000x128xf32, #tpu.memory_space<vmem_shared>> -> memref<10000x128xf32, #tpu.memory_space<vmem_shared>>
      tpu.enqueue_indirect_dma source(%dma_start3A_63 : memref<80x128xf32, #tpu.memory_space<vmem>>) target(%dma_start3A_69 : memref<10000x128xf32, #tpu.memory_space<vmem_shared>>) offsets(%dma_start3A_66 : memref<80xi32, #tpu.memory_space<vmem>>) semaphore(%arg10 : memref<!tpu.dma_semaphore, #tpu.memory_space<semaphore_mem>>) {add = true}
      %ge3A = arith.constant 1 : i32
      %ge3A_70 = arith.cmpi sge, %scan3A_43, %ge3A : i32
      %convert_element_type3A_71 = arith.extui %ge3A_70 : i1 to i32
      %cond3A_72 = arith.constant 0 : i32
      %cond3A_73 = arith.cmpi ne, %convert_element_type3A_71, %cond3A_72 : i32
      scf.if %cond3A_73 {
        %sub3A = arith.constant 1 : i32
        %sub3A_78 = arith.subi %sub3A, %rem3A_45 : i32
        %dma_wait3A_79 = arith.constant 0 : i32
        %dma_wait3A_80 = arith.constant 0 : i32
        %dma_wait3A_81 = tpu.memref_slice %arg7[%sub3A_78, %dma_wait3A_79, %dma_wait3A_80] : memref<2x80x128xf32, #tpu.memory_space<vmem>> -> memref<1x80x128xf32, #tpu.memory_space<vmem>>
        %dma_wait3A_82 = tpu.memref_squeeze %dma_wait3A_81 : memref<1x80x128xf32, #tpu.memory_space<vmem>> -> memref<80x128xf32, #tpu.memory_space<vmem>>
        %dma_wait3A_83 = arith.constant 0 : i32
        %dma_wait3A_84 = arith.constant 0 : i32
        %dma_wait3A_85 = tpu.memref_slice %arg2[%dma_wait3A_83, %dma_wait3A_84] : memref<38400x128xf32, #tpu.memory_space<hbm>> -> memref<80x128xf32, #tpu.memory_space<hbm>>
        %dma_wait3A_86 = arith.constant 0 : i32
        %dma_wait3A_87 = arith.constant 0 : i32
        %dma_wait3A_88 = tpu.memref_slice %arg7[%sub3A_78, %dma_wait3A_86, %dma_wait3A_87] : memref<2x80x128xf32, #tpu.memory_space<vmem>> -> memref<1x80x128xf32, #tpu.memory_space<vmem>>
        %dma_wait3A_89 = tpu.memref_squeeze %dma_wait3A_88 : memref<1x80x128xf32, #tpu.memory_space<vmem>> -> memref<80x128xf32, #tpu.memory_space<vmem>>
        %dma_wait3A_90 = arith.constant 0 : i32
        %dma_wait3A_91 = arith.constant 0 : i32
        %dma_wait3A_92 = tpu.memref_slice %arg2[%dma_wait3A_90, %dma_wait3A_91] : memref<38400x128xf32, #tpu.memory_space<hbm>> -> memref<80x128xf32, #tpu.memory_space<hbm>>
        tpu.wait_dma2 semaphore(%arg10 : memref<!tpu.dma_semaphore, #tpu.memory_space<semaphore_mem>>) src(%dma_wait3A_92 : memref<80x128xf32, #tpu.memory_space<hbm>>) dst(%dma_wait3A_89 : memref<80x128xf32, #tpu.memory_space<vmem>>)
      } else {
      }
      %lt3A = arith.constant 14 : i32
      %lt3A_74 = arith.cmpi slt, %scan3A_43, %lt3A : i32
      %convert_element_type3A_75 = arith.extui %lt3A_74 : i1 to i32
      %cond3A_76 = arith.constant 0 : i32
      %cond3A_77 = arith.cmpi ne, %convert_element_type3A_75, %cond3A_76 : i32
      scf.if %cond3A_77 {
        %add3A_78 = arith.constant 1 : i32
        %add3A_79 = arith.addi %scan3A_43, %add3A_78 : i32
        %mul3A_80 = arith.constant 80 : i32
        %mul3A_81 = arith.muli %add3A_79, %mul3A_80 : i32
        %add3A_82 = arith.addi %mul3A_4, %mul3A_81 : i32
        %sub3A = arith.constant 1 : i32
        %sub3A_83 = arith.subi %sub3A, %rem3A_45 : i32
        %dma_start3A_84 = arith.constant 0 : i32
        %dma_start3A_85 = arith.constant 0 : i32
        %dma_start3A_86 = tpu.memref_slice %arg7[%sub3A_83, %dma_start3A_84, %dma_start3A_85] : memref<2x80x128xf32, #tpu.memory_space<vmem>> -> memref<1x80x128xf32, #tpu.memory_space<vmem>>
        %dma_start3A_87 = tpu.memref_squeeze %dma_start3A_86 : memref<1x80x128xf32, #tpu.memory_space<vmem>> -> memref<80x128xf32, #tpu.memory_space<vmem>>
        %dma_start3A_88 = arith.constant 0 : i32
        %dma_start3A_89 = tpu.memref_slice %arg2[%add3A_82, %dma_start3A_88] : memref<38400x128xf32, #tpu.memory_space<hbm>> -> memref<80x128xf32, #tpu.memory_space<hbm>>
        %dma_start3A_90 = arith.constant 0 : i32
        %dma_start3A_91 = arith.constant 0 : i32
        %dma_start3A_92 = tpu.memref_slice %arg7[%sub3A_83, %dma_start3A_90, %dma_start3A_91] : memref<2x80x128xf32, #tpu.memory_space<vmem>> -> memref<1x80x128xf32, #tpu.memory_space<vmem>>
        %dma_start3A_93 = tpu.memref_squeeze %dma_start3A_92 : memref<1x80x128xf32, #tpu.memory_space<vmem>> -> memref<80x128xf32, #tpu.memory_space<vmem>>
        %dma_start3A_94 = arith.constant 0 : i32
        %dma_start3A_95 = tpu.memref_slice %arg2[%add3A_82, %dma_start3A_94] : memref<38400x128xf32, #tpu.memory_space<hbm>> -> memref<80x128xf32, #tpu.memory_space<hbm>>
        tpu.enqueue_dma source(%dma_start3A_95 : memref<80x128xf32, #tpu.memory_space<hbm>>) target(%dma_start3A_93 : memref<80x128xf32, #tpu.memory_space<vmem>>) target_semaphore(%arg9 : memref<!tpu.dma_semaphore, #tpu.memory_space<semaphore_mem>>)
      } else {
      }
    }
    %scan3A_21 = arith.constant 15 : i32
    %rem3A = arith.constant 14 : i32
    %rem3A_22 = arith.constant 2 : i32
    %rem3A_23 = arith.remsi %rem3A, %rem3A_22 : i32
    %dma_wait3A = arith.constant 0 : i32
    %dma_wait3A_24 = arith.constant 0 : i32
    %dma_wait3A_25 = tpu.memref_slice %arg7[%rem3A_23, %dma_wait3A, %dma_wait3A_24] : memref<2x80x128xf32, #tpu.memory_space<vmem>> -> memref<1x80x128xf32, #tpu.memory_space<vmem>>
    %dma_wait3A_26 = tpu.memref_squeeze %dma_wait3A_25 : memref<1x80x128xf32, #tpu.memory_space<vmem>> -> memref<80x128xf32, #tpu.memory_space<vmem>>
    %dma_wait3A_27 = arith.constant 0 : i32
    %dma_wait3A_28 = arith.constant 0 : i32
    %dma_wait3A_29 = tpu.memref_slice %arg2[%dma_wait3A_27, %dma_wait3A_28] : memref<38400x128xf32, #tpu.memory_space<hbm>> -> memref<80x128xf32, #tpu.memory_space<hbm>>
    %dma_wait3A_30 = arith.constant 0 : i32
    %dma_wait3A_31 = arith.constant 0 : i32
    %dma_wait3A_32 = tpu.memref_slice %arg7[%rem3A_23, %dma_wait3A_30, %dma_wait3A_31] : memref<2x80x128xf32, #tpu.memory_space<vmem>> -> memref<1x80x128xf32, #tpu.memory_space<vmem>>
    %dma_wait3A_33 = tpu.memref_squeeze %dma_wait3A_32 : memref<1x80x128xf32, #tpu.memory_space<vmem>> -> memref<80x128xf32, #tpu.memory_space<vmem>>
    %dma_wait3A_34 = arith.constant 0 : i32
    %dma_wait3A_35 = arith.constant 0 : i32
    %dma_wait3A_36 = tpu.memref_slice %arg2[%dma_wait3A_34, %dma_wait3A_35] : memref<38400x128xf32, #tpu.memory_space<hbm>> -> memref<80x128xf32, #tpu.memory_space<hbm>>
    tpu.wait_dma2 semaphore(%arg10 : memref<!tpu.dma_semaphore, #tpu.memory_space<semaphore_mem>>) src(%dma_wait3A_36 : memref<80x128xf32, #tpu.memory_space<hbm>>) dst(%dma_wait3A_33 : memref<80x128xf32, #tpu.memory_space<vmem>>)
    %barrier3A_37 = arith.constant 0 : index
    tpu.barrier barrier_id(%barrier3A_37)
    %eq3A_38 = arith.constant 0 : i32
    %eq3A_39 = arith.cmpi eq, %arg1, %eq3A_38 : i32
    %convert_element_type3A_40 = arith.extui %eq3A_39 : i1 to i32
    %cond3A_41 = arith.constant 0 : i32
    %cond3A_42 = arith.cmpi ne, %convert_element_type3A_40, %cond3A_41 : i32
    scf.if %cond3A_42 {
      "tpu.region"() ({
        %run_scoped3A = tpu.sem_alloc : memref<!tpu.dma_semaphore, #tpu.memory_space<semaphore_mem>>
        %dma_start3A_43 = arith.constant 0 : i32
        %dma_start3A_44 = arith.constant 0 : i32
        %dma_start3A_45 = tpu.memref_slice %arg5[%arg0, %dma_start3A_43, %dma_start3A_44] : memref<2x10000x128xf32, #tpu.memory_space<hbm>> -> memref<1x10000x128xf32, #tpu.memory_space<hbm>>
        %dma_start3A_46 = tpu.memref_squeeze %dma_start3A_45 : memref<1x10000x128xf32, #tpu.memory_space<hbm>> -> memref<10000x128xf32, #tpu.memory_space<hbm>>
        tpu.enqueue_dma source(%arg8 : memref<10000x128xf32, #tpu.memory_space<vmem_shared>>) target(%dma_start3A_46 : memref<10000x128xf32, #tpu.memory_space<hbm>>) target_semaphore(%run_scoped3A : memref<!tpu.dma_semaphore, #tpu.memory_space<semaphore_mem>>)
        %dma_wait3A_47 = arith.constant 0 : i32
        %dma_wait3A_48 = arith.constant 0 : i32
        %dma_wait3A_49 = tpu.memref_slice %arg5[%arg0, %dma_wait3A_47, %dma_wait3A_48] : memref<2x10000x128xf32, #tpu.memory_space<hbm>> -> memref<1x10000x128xf32, #tpu.memory_space<hbm>>
        %dma_wait3A_50 = tpu.memref_squeeze %dma_wait3A_49 : memref<1x10000x128xf32, #tpu.memory_space<hbm>> -> memref<10000x128xf32, #tpu.memory_space<hbm>>
        tpu.wait_dma2 semaphore(%run_scoped3A : memref<!tpu.dma_semaphore, #tpu.memory_space<semaphore_mem>>) src(%arg8 : memref<10000x128xf32, #tpu.memory_space<vmem_shared>>) dst(%dma_wait3A_50 : memref<10000x128xf32, #tpu.memory_space<hbm>>)
        tpu.yield
      }) : () -> ()
    } else {
    }
    return
  }
}

#map = affine_map<(d0, d1) -> (0, 0)>
#map1 = affine_map<(d0, d1) -> (0)>
module attributes {stable_mosaic.version = 14 : i64} {
  func.func @k(%arg0: i32, %arg1: i32, %arg2: memref<10000x128xf32, #tpu.memory_space<hbm>>, %arg3: memref<51200xi32, #tpu.memory_space<hbm>>, %arg4: memref<51200xi32, #tpu.memory_space<hbm>>, %arg5: memref<51200x128xf32, #tpu.memory_space<hbm>>, %arg6: memref<51200x128xf32, #tpu.memory_space<hbm>>, %arg7: memref<1600xi32, #tpu.memory_space<vmem>>, %arg8: memref<1600xi32, #tpu.memory_space<vmem>>, %arg9: memref<2x80x128xf32, #tpu.memory_space<vmem>>, %arg10: memref<2x80x128xf32, #tpu.memory_space<vmem>>, %arg11: memref<10000x128xf32, #tpu.memory_space<vmem_shared>>, %arg12: memref<!tpu.dma_semaphore, #tpu.memory_space<semaphore_mem>>, %arg13: memref<!tpu.dma_semaphore, #tpu.memory_space<semaphore_mem>>) attributes {dimension_semantics = [#tpu.dimension_semantics<core_parallel>, #tpu.dimension_semantics<subcore_parallel>], iteration_bounds = array<i64: 2, 16>, scalar_prefetch = 0 : i64, scratch_operands = 7 : i64, tpu.core_type = #tpu.core_type<sc_vector_subcore>, window_params = [{transform_indices = #map}, {transform_indices = #map1}, {transform_indices = #map1}, {transform_indices = #map}, {transform_indices = #map}]} {
    %mul3A = arith.constant 2 : i32
    %mul3A_0 = arith.muli %arg1, %mul3A : i32
    %add3A = arith.addi %mul3A_0, %arg0 : i32
    %mul3A_1 = arith.constant 1600 : i32
    %mul3A_2 = arith.muli %add3A, %mul3A_1 : i32
    "tpu.region"() ({
      %run_scoped3A = tpu.sem_alloc : memref<!tpu.dma_semaphore, #tpu.memory_space<semaphore_mem>>
      %dma_start3A_61 = tpu.memref_slice %arg3[%mul3A_2] : memref<51200xi32, #tpu.memory_space<hbm>> -> memref<1600xi32, #tpu.memory_space<hbm>>
      %dma_start3A_62 = tpu.memref_slice %arg3[%mul3A_2] : memref<51200xi32, #tpu.memory_space<hbm>> -> memref<1600xi32, #tpu.memory_space<hbm>>
      tpu.enqueue_dma source(%dma_start3A_62 : memref<1600xi32, #tpu.memory_space<hbm>>) target(%arg7 : memref<1600xi32, #tpu.memory_space<vmem>>) target_semaphore(%run_scoped3A : memref<!tpu.dma_semaphore, #tpu.memory_space<semaphore_mem>>)
      %dma_wait3A_63 = tpu.memref_slice %arg3[%mul3A_2] : memref<51200xi32, #tpu.memory_space<hbm>> -> memref<1600xi32, #tpu.memory_space<hbm>>
      %dma_wait3A_64 = tpu.memref_slice %arg3[%mul3A_2] : memref<51200xi32, #tpu.memory_space<hbm>> -> memref<1600xi32, #tpu.memory_space<hbm>>
      tpu.wait_dma2 semaphore(%run_scoped3A : memref<!tpu.dma_semaphore, #tpu.memory_space<semaphore_mem>>) src(%dma_wait3A_64 : memref<1600xi32, #tpu.memory_space<hbm>>) dst(%arg7 : memref<1600xi32, #tpu.memory_space<vmem>>)
      tpu.yield
    }) : () -> ()
    "tpu.region"() ({
      %run_scoped3A = tpu.sem_alloc : memref<!tpu.dma_semaphore, #tpu.memory_space<semaphore_mem>>
      %dma_start3A_61 = tpu.memref_slice %arg4[%mul3A_2] : memref<51200xi32, #tpu.memory_space<hbm>> -> memref<1600xi32, #tpu.memory_space<hbm>>
      %dma_start3A_62 = tpu.memref_slice %arg4[%mul3A_2] : memref<51200xi32, #tpu.memory_space<hbm>> -> memref<1600xi32, #tpu.memory_space<hbm>>
      tpu.enqueue_dma source(%dma_start3A_62 : memref<1600xi32, #tpu.memory_space<hbm>>) target(%arg8 : memref<1600xi32, #tpu.memory_space<vmem>>) target_semaphore(%run_scoped3A : memref<!tpu.dma_semaphore, #tpu.memory_space<semaphore_mem>>)
      %dma_wait3A_63 = tpu.memref_slice %arg4[%mul3A_2] : memref<51200xi32, #tpu.memory_space<hbm>> -> memref<1600xi32, #tpu.memory_space<hbm>>
      %dma_wait3A_64 = tpu.memref_slice %arg4[%mul3A_2] : memref<51200xi32, #tpu.memory_space<hbm>> -> memref<1600xi32, #tpu.memory_space<hbm>>
      tpu.wait_dma2 semaphore(%run_scoped3A : memref<!tpu.dma_semaphore, #tpu.memory_space<semaphore_mem>>) src(%dma_wait3A_64 : memref<1600xi32, #tpu.memory_space<hbm>>) dst(%arg8 : memref<1600xi32, #tpu.memory_space<vmem>>)
      tpu.yield
    }) : () -> ()
    %eq3A = arith.constant 0 : i32
    %eq3A_3 = arith.cmpi eq, %arg1, %eq3A : i32
    %convert_element_type3A = arith.extui %eq3A_3 : i1 to i32
    %cond3A = arith.constant 0 : i32
    %cond3A_4 = arith.cmpi ne, %convert_element_type3A, %cond3A : i32
    scf.if %cond3A_4 {
      "tpu.region"() ({
        %run_scoped3A = tpu.sem_alloc : memref<!tpu.dma_semaphore, #tpu.memory_space<semaphore_mem>>
        tpu.enqueue_dma source(%arg2 : memref<10000x128xf32, #tpu.memory_space<hbm>>) target(%arg11 : memref<10000x128xf32, #tpu.memory_space<vmem_shared>>) target_semaphore(%run_scoped3A : memref<!tpu.dma_semaphore, #tpu.memory_space<semaphore_mem>>)
        tpu.wait_dma2 semaphore(%run_scoped3A : memref<!tpu.dma_semaphore, #tpu.memory_space<semaphore_mem>>) src(%arg2 : memref<10000x128xf32, #tpu.memory_space<hbm>>) dst(%arg11 : memref<10000x128xf32, #tpu.memory_space<vmem_shared>>)
        tpu.yield
      }) : () -> ()
    } else {
    }
    %barrier3A = arith.constant 0 : index
    tpu.barrier barrier_id(%barrier3A)
    %dma_start3A = arith.constant 0 : i32
    %dma_start3A_5 = arith.constant 0 : i32
    %dma_start3A_6 = arith.constant 0 : i32
    %dma_start3A_7 = tpu.memref_slice %arg9[%dma_start3A, %dma_start3A_5, %dma_start3A_6] : memref<2x80x128xf32, #tpu.memory_space<vmem>> -> memref<1x80x128xf32, #tpu.memory_space<vmem>>
    %dma_start3A_8 = tpu.memref_squeeze %dma_start3A_7 : memref<1x80x128xf32, #tpu.memory_space<vmem>> -> memref<80x128xf32, #tpu.memory_space<vmem>>
    %dma_start3A_9 = arith.constant 0 : i32
    %dma_start3A_10 = tpu.memref_slice %arg7[%dma_start3A_9] : memref<1600xi32, #tpu.memory_space<vmem>> -> memref<80xi32, #tpu.memory_space<vmem>>
    %dma_start3A_11 = arith.constant 0 : i32
    %dma_start3A_12 = arith.constant 0 : i32
    %dma_start3A_13 = tpu.memref_slice %arg11[%dma_start3A_11, %dma_start3A_12] : memref<10000x128xf32, #tpu.memory_space<vmem_shared>> -> memref<10000x128xf32, #tpu.memory_space<vmem_shared>>
    tpu.enqueue_indirect_dma source(%dma_start3A_13 : memref<10000x128xf32, #tpu.memory_space<vmem_shared>>) target(%dma_start3A_8 : memref<80x128xf32, #tpu.memory_space<vmem>>) offsets(%dma_start3A_10 : memref<80xi32, #tpu.memory_space<vmem>>) semaphore(%arg12 : memref<!tpu.dma_semaphore, #tpu.memory_space<semaphore_mem>>)
    %dma_start3A_14 = arith.constant 0 : i32
    %dma_start3A_15 = arith.constant 0 : i32
    %dma_start3A_16 = arith.constant 0 : i32
    %dma_start3A_17 = tpu.memref_slice %arg10[%dma_start3A_14, %dma_start3A_15, %dma_start3A_16] : memref<2x80x128xf32, #tpu.memory_space<vmem>> -> memref<1x80x128xf32, #tpu.memory_space<vmem>>
    %dma_start3A_18 = tpu.memref_squeeze %dma_start3A_17 : memref<1x80x128xf32, #tpu.memory_space<vmem>> -> memref<80x128xf32, #tpu.memory_space<vmem>>
    %dma_start3A_19 = arith.constant 0 : i32
    %dma_start3A_20 = tpu.memref_slice %arg8[%dma_start3A_19] : memref<1600xi32, #tpu.memory_space<vmem>> -> memref<80xi32, #tpu.memory_space<vmem>>
    %dma_start3A_21 = arith.constant 0 : i32
    %dma_start3A_22 = arith.constant 0 : i32
    %dma_start3A_23 = tpu.memref_slice %arg11[%dma_start3A_21, %dma_start3A_22] : memref<10000x128xf32, #tpu.memory_space<vmem_shared>> -> memref<10000x128xf32, #tpu.memory_space<vmem_shared>>
    tpu.enqueue_indirect_dma source(%dma_start3A_23 : memref<10000x128xf32, #tpu.memory_space<vmem_shared>>) target(%dma_start3A_18 : memref<80x128xf32, #tpu.memory_space<vmem>>) offsets(%dma_start3A_20 : memref<80xi32, #tpu.memory_space<vmem>>) semaphore(%arg12 : memref<!tpu.dma_semaphore, #tpu.memory_space<semaphore_mem>>)
    %scan3A = arith.constant 0 : i32
    %scan3A_24 = arith.constant 0 : i32
    %scan3A_25 = arith.constant 20 : i32
    %scan3A_26 = arith.addi %scan3A_24, %scan3A_25 : i32
    %scan3A_27 = arith.constant 1 : i32
    scf.for %scan3A_61 = %scan3A_24 to %scan3A_26 step %scan3A_27  : i32 {
      %rem3A_62 = arith.constant 2 : i32
      %rem3A_63 = arith.remsi %scan3A_61, %rem3A_62 : i32
      %dma_wait3A_64 = arith.constant 0 : i32
      %dma_wait3A_65 = arith.constant 0 : i32
      %dma_wait3A_66 = tpu.memref_slice %arg9[%rem3A_63, %dma_wait3A_64, %dma_wait3A_65] : memref<2x80x128xf32, #tpu.memory_space<vmem>> -> memref<1x80x128xf32, #tpu.memory_space<vmem>>
      %dma_wait3A_67 = tpu.memref_squeeze %dma_wait3A_66 : memref<1x80x128xf32, #tpu.memory_space<vmem>> -> memref<80x128xf32, #tpu.memory_space<vmem>>
      %dma_wait3A_68 = arith.constant 0 : i32
      %dma_wait3A_69 = arith.constant 0 : i32
      %dma_wait3A_70 = tpu.memref_slice %arg5[%dma_wait3A_68, %dma_wait3A_69] : memref<51200x128xf32, #tpu.memory_space<hbm>> -> memref<80x128xf32, #tpu.memory_space<hbm>>
      %dma_wait3A_71 = arith.constant 0 : i32
      %dma_wait3A_72 = arith.constant 0 : i32
      %dma_wait3A_73 = tpu.memref_slice %arg9[%rem3A_63, %dma_wait3A_71, %dma_wait3A_72] : memref<2x80x128xf32, #tpu.memory_space<vmem>> -> memref<1x80x128xf32, #tpu.memory_space<vmem>>
      %dma_wait3A_74 = tpu.memref_squeeze %dma_wait3A_73 : memref<1x80x128xf32, #tpu.memory_space<vmem>> -> memref<80x128xf32, #tpu.memory_space<vmem>>
      %dma_wait3A_75 = arith.constant 0 : i32
      %dma_wait3A_76 = arith.constant 0 : i32
      %dma_wait3A_77 = tpu.memref_slice %arg5[%dma_wait3A_75, %dma_wait3A_76] : memref<51200x128xf32, #tpu.memory_space<hbm>> -> memref<80x128xf32, #tpu.memory_space<hbm>>
      tpu.wait_dma2 semaphore(%arg12 : memref<!tpu.dma_semaphore, #tpu.memory_space<semaphore_mem>>) src(%dma_wait3A_77 : memref<80x128xf32, #tpu.memory_space<hbm>>) dst(%dma_wait3A_74 : memref<80x128xf32, #tpu.memory_space<vmem>>)
      %dma_wait3A_78 = arith.constant 0 : i32
      %dma_wait3A_79 = arith.constant 0 : i32
      %dma_wait3A_80 = tpu.memref_slice %arg10[%rem3A_63, %dma_wait3A_78, %dma_wait3A_79] : memref<2x80x128xf32, #tpu.memory_space<vmem>> -> memref<1x80x128xf32, #tpu.memory_space<vmem>>
      %dma_wait3A_81 = tpu.memref_squeeze %dma_wait3A_80 : memref<1x80x128xf32, #tpu.memory_space<vmem>> -> memref<80x128xf32, #tpu.memory_space<vmem>>
      %dma_wait3A_82 = arith.constant 0 : i32
      %dma_wait3A_83 = arith.constant 0 : i32
      %dma_wait3A_84 = tpu.memref_slice %arg5[%dma_wait3A_82, %dma_wait3A_83] : memref<51200x128xf32, #tpu.memory_space<hbm>> -> memref<80x128xf32, #tpu.memory_space<hbm>>
      %dma_wait3A_85 = arith.constant 0 : i32
      %dma_wait3A_86 = arith.constant 0 : i32
      %dma_wait3A_87 = tpu.memref_slice %arg10[%rem3A_63, %dma_wait3A_85, %dma_wait3A_86] : memref<2x80x128xf32, #tpu.memory_space<vmem>> -> memref<1x80x128xf32, #tpu.memory_space<vmem>>
      %dma_wait3A_88 = tpu.memref_squeeze %dma_wait3A_87 : memref<1x80x128xf32, #tpu.memory_space<vmem>> -> memref<80x128xf32, #tpu.memory_space<vmem>>
      %dma_wait3A_89 = arith.constant 0 : i32
      %dma_wait3A_90 = arith.constant 0 : i32
      %dma_wait3A_91 = tpu.memref_slice %arg5[%dma_wait3A_89, %dma_wait3A_90] : memref<51200x128xf32, #tpu.memory_space<hbm>> -> memref<80x128xf32, #tpu.memory_space<hbm>>
      tpu.wait_dma2 semaphore(%arg12 : memref<!tpu.dma_semaphore, #tpu.memory_space<semaphore_mem>>) src(%dma_wait3A_91 : memref<80x128xf32, #tpu.memory_space<hbm>>) dst(%dma_wait3A_88 : memref<80x128xf32, #tpu.memory_space<vmem>>)
      %mul3A_92 = arith.constant 80 : i32
      %mul3A_93 = arith.muli %scan3A_61, %mul3A_92 : i32
      %add3A_94 = arith.addi %mul3A_2, %mul3A_93 : i32
      %dma_start3A_95 = arith.constant 0 : i32
      %dma_start3A_96 = arith.constant 0 : i32
      %dma_start3A_97 = tpu.memref_slice %arg9[%rem3A_63, %dma_start3A_95, %dma_start3A_96] : memref<2x80x128xf32, #tpu.memory_space<vmem>> -> memref<1x80x128xf32, #tpu.memory_space<vmem>>
      %dma_start3A_98 = tpu.memref_squeeze %dma_start3A_97 : memref<1x80x128xf32, #tpu.memory_space<vmem>> -> memref<80x128xf32, #tpu.memory_space<vmem>>
      %dma_start3A_99 = arith.constant 0 : i32
      %dma_start3A_100 = tpu.memref_slice %arg5[%add3A_94, %dma_start3A_99] : memref<51200x128xf32, #tpu.memory_space<hbm>> -> memref<80x128xf32, #tpu.memory_space<hbm>>
      %dma_start3A_101 = arith.constant 0 : i32
      %dma_start3A_102 = tpu.memref_slice %arg5[%add3A_94, %dma_start3A_101] : memref<51200x128xf32, #tpu.memory_space<hbm>> -> memref<80x128xf32, #tpu.memory_space<hbm>>
      %dma_start3A_103 = arith.constant 0 : i32
      %dma_start3A_104 = arith.constant 0 : i32
      %dma_start3A_105 = tpu.memref_slice %arg9[%rem3A_63, %dma_start3A_103, %dma_start3A_104] : memref<2x80x128xf32, #tpu.memory_space<vmem>> -> memref<1x80x128xf32, #tpu.memory_space<vmem>>
      %dma_start3A_106 = tpu.memref_squeeze %dma_start3A_105 : memref<1x80x128xf32, #tpu.memory_space<vmem>> -> memref<80x128xf32, #tpu.memory_space<vmem>>
      tpu.enqueue_dma source(%dma_start3A_106 : memref<80x128xf32, #tpu.memory_space<vmem>>) target(%dma_start3A_102 : memref<80x128xf32, #tpu.memory_space<hbm>>) target_semaphore(%arg13 : memref<!tpu.dma_semaphore, #tpu.memory_space<semaphore_mem>>)
      %mul3A_107 = arith.constant 80 : i32
      %mul3A_108 = arith.muli %scan3A_61, %mul3A_107 : i32
      %add3A_109 = arith.addi %mul3A_2, %mul3A_108 : i32
      %dma_start3A_110 = arith.constant 0 : i32
      %dma_start3A_111 = arith.constant 0 : i32
      %dma_start3A_112 = tpu.memref_slice %arg10[%rem3A_63, %dma_start3A_110, %dma_start3A_111] : memref<2x80x128xf32, #tpu.memory_space<vmem>> -> memref<1x80x128xf32, #tpu.memory_space<vmem>>
      %dma_start3A_113 = tpu.memref_squeeze %dma_start3A_112 : memref<1x80x128xf32, #tpu.memory_space<vmem>> -> memref<80x128xf32, #tpu.memory_space<vmem>>
      %dma_start3A_114 = arith.constant 0 : i32
      %dma_start3A_115 = tpu.memref_slice %arg6[%add3A_109, %dma_start3A_114] : memref<51200x128xf32, #tpu.memory_space<hbm>> -> memref<80x128xf32, #tpu.memory_space<hbm>>
      %dma_start3A_116 = arith.constant 0 : i32
      %dma_start3A_117 = tpu.memref_slice %arg6[%add3A_109, %dma_start3A_116] : memref<51200x128xf32, #tpu.memory_space<hbm>> -> memref<80x128xf32, #tpu.memory_space<hbm>>
      %dma_start3A_118 = arith.constant 0 : i32
      %dma_start3A_119 = arith.constant 0 : i32
      %dma_start3A_120 = tpu.memref_slice %arg10[%rem3A_63, %dma_start3A_118, %dma_start3A_119] : memref<2x80x128xf32, #tpu.memory_space<vmem>> -> memref<1x80x128xf32, #tpu.memory_space<vmem>>
      %dma_start3A_121 = tpu.memref_squeeze %dma_start3A_120 : memref<1x80x128xf32, #tpu.memory_space<vmem>> -> memref<80x128xf32, #tpu.memory_space<vmem>>
      tpu.enqueue_dma source(%dma_start3A_121 : memref<80x128xf32, #tpu.memory_space<vmem>>) target(%dma_start3A_117 : memref<80x128xf32, #tpu.memory_space<hbm>>) target_semaphore(%arg13 : memref<!tpu.dma_semaphore, #tpu.memory_space<semaphore_mem>>)
      %ge3A = arith.constant 1 : i32
      %ge3A_122 = arith.cmpi sge, %scan3A_61, %ge3A : i32
      %convert_element_type3A_123 = arith.extui %ge3A_122 : i1 to i32
      %cond3A_124 = arith.constant 0 : i32
      %cond3A_125 = arith.cmpi ne, %convert_element_type3A_123, %cond3A_124 : i32
      scf.if %cond3A_125 {
        %sub3A = arith.constant 1 : i32
        %sub3A_130 = arith.subi %sub3A, %rem3A_63 : i32
        %dma_wait3A_131 = arith.constant 0 : i32
        %dma_wait3A_132 = arith.constant 0 : i32
        %dma_wait3A_133 = tpu.memref_slice %arg9[%sub3A_130, %dma_wait3A_131, %dma_wait3A_132] : memref<2x80x128xf32, #tpu.memory_space<vmem>> -> memref<1x80x128xf32, #tpu.memory_space<vmem>>
        %dma_wait3A_134 = tpu.memref_squeeze %dma_wait3A_133 : memref<1x80x128xf32, #tpu.memory_space<vmem>> -> memref<80x128xf32, #tpu.memory_space<vmem>>
        %dma_wait3A_135 = arith.constant 0 : i32
        %dma_wait3A_136 = arith.constant 0 : i32
        %dma_wait3A_137 = tpu.memref_slice %arg5[%dma_wait3A_135, %dma_wait3A_136] : memref<51200x128xf32, #tpu.memory_space<hbm>> -> memref<80x128xf32, #tpu.memory_space<hbm>>
        %dma_wait3A_138 = arith.constant 0 : i32
        %dma_wait3A_139 = arith.constant 0 : i32
        %dma_wait3A_140 = tpu.memref_slice %arg9[%sub3A_130, %dma_wait3A_138, %dma_wait3A_139] : memref<2x80x128xf32, #tpu.memory_space<vmem>> -> memref<1x80x128xf32, #tpu.memory_space<vmem>>
        %dma_wait3A_141 = tpu.memref_squeeze %dma_wait3A_140 : memref<1x80x128xf32, #tpu.memory_space<vmem>> -> memref<80x128xf32, #tpu.memory_space<vmem>>
        %dma_wait3A_142 = arith.constant 0 : i32
        %dma_wait3A_143 = arith.constant 0 : i32
        %dma_wait3A_144 = tpu.memref_slice %arg5[%dma_wait3A_142, %dma_wait3A_143] : memref<51200x128xf32, #tpu.memory_space<hbm>> -> memref<80x128xf32, #tpu.memory_space<hbm>>
        tpu.wait_dma2 semaphore(%arg13 : memref<!tpu.dma_semaphore, #tpu.memory_space<semaphore_mem>>) src(%dma_wait3A_144 : memref<80x128xf32, #tpu.memory_space<hbm>>) dst(%dma_wait3A_141 : memref<80x128xf32, #tpu.memory_space<vmem>>)
        %sub3A_145 = arith.constant 1 : i32
        %sub3A_146 = arith.subi %sub3A_145, %rem3A_63 : i32
        %dma_wait3A_147 = arith.constant 0 : i32
        %dma_wait3A_148 = arith.constant 0 : i32
        %dma_wait3A_149 = tpu.memref_slice %arg10[%sub3A_146, %dma_wait3A_147, %dma_wait3A_148] : memref<2x80x128xf32, #tpu.memory_space<vmem>> -> memref<1x80x128xf32, #tpu.memory_space<vmem>>
        %dma_wait3A_150 = tpu.memref_squeeze %dma_wait3A_149 : memref<1x80x128xf32, #tpu.memory_space<vmem>> -> memref<80x128xf32, #tpu.memory_space<vmem>>
        %dma_wait3A_151 = arith.constant 0 : i32
        %dma_wait3A_152 = arith.constant 0 : i32
        %dma_wait3A_153 = tpu.memref_slice %arg5[%dma_wait3A_151, %dma_wait3A_152] : memref<51200x128xf32, #tpu.memory_space<hbm>> -> memref<80x128xf32, #tpu.memory_space<hbm>>
        %dma_wait3A_154 = arith.constant 0 : i32
        %dma_wait3A_155 = arith.constant 0 : i32
        %dma_wait3A_156 = tpu.memref_slice %arg10[%sub3A_146, %dma_wait3A_154, %dma_wait3A_155] : memref<2x80x128xf32, #tpu.memory_space<vmem>> -> memref<1x80x128xf32, #tpu.memory_space<vmem>>
        %dma_wait3A_157 = tpu.memref_squeeze %dma_wait3A_156 : memref<1x80x128xf32, #tpu.memory_space<vmem>> -> memref<80x128xf32, #tpu.memory_space<vmem>>
        %dma_wait3A_158 = arith.constant 0 : i32
        %dma_wait3A_159 = arith.constant 0 : i32
        %dma_wait3A_160 = tpu.memref_slice %arg5[%dma_wait3A_158, %dma_wait3A_159] : memref<51200x128xf32, #tpu.memory_space<hbm>> -> memref<80x128xf32, #tpu.memory_space<hbm>>
        tpu.wait_dma2 semaphore(%arg13 : memref<!tpu.dma_semaphore, #tpu.memory_space<semaphore_mem>>) src(%dma_wait3A_160 : memref<80x128xf32, #tpu.memory_space<hbm>>) dst(%dma_wait3A_157 : memref<80x128xf32, #tpu.memory_space<vmem>>)
      } else {
      }
      %lt3A = arith.constant 19 : i32
      %lt3A_126 = arith.cmpi slt, %scan3A_61, %lt3A : i32
      %convert_element_type3A_127 = arith.extui %lt3A_126 : i1 to i32
      %cond3A_128 = arith.constant 0 : i32
      %cond3A_129 = arith.cmpi ne, %convert_element_type3A_127, %cond3A_128 : i32
      scf.if %cond3A_129 {
        %add3A_130 = arith.constant 1 : i32
        %add3A_131 = arith.addi %scan3A_61, %add3A_130 : i32
        %sub3A = arith.constant 1 : i32
        %sub3A_132 = arith.subi %sub3A, %rem3A_63 : i32
        %mul3A_133 = arith.constant 80 : i32
        %mul3A_134 = arith.muli %add3A_131, %mul3A_133 : i32
        %dma_start3A_135 = arith.constant 0 : i32
        %dma_start3A_136 = arith.constant 0 : i32
        %dma_start3A_137 = tpu.memref_slice %arg9[%sub3A_132, %dma_start3A_135, %dma_start3A_136] : memref<2x80x128xf32, #tpu.memory_space<vmem>> -> memref<1x80x128xf32, #tpu.memory_space<vmem>>
        %dma_start3A_138 = tpu.memref_squeeze %dma_start3A_137 : memref<1x80x128xf32, #tpu.memory_space<vmem>> -> memref<80x128xf32, #tpu.memory_space<vmem>>
        %dma_start3A_139 = tpu.memref_slice %arg7[%mul3A_134] : memref<1600xi32, #tpu.memory_space<vmem>> -> memref<80xi32, #tpu.memory_space<vmem>>
        %dma_start3A_140 = arith.constant 0 : i32
        %dma_start3A_141 = arith.constant 0 : i32
        %dma_start3A_142 = tpu.memref_slice %arg11[%dma_start3A_140, %dma_start3A_141] : memref<10000x128xf32, #tpu.memory_space<vmem_shared>> -> memref<10000x128xf32, #tpu.memory_space<vmem_shared>>
        tpu.enqueue_indirect_dma source(%dma_start3A_142 : memref<10000x128xf32, #tpu.memory_space<vmem_shared>>) target(%dma_start3A_138 : memref<80x128xf32, #tpu.memory_space<vmem>>) offsets(%dma_start3A_139 : memref<80xi32, #tpu.memory_space<vmem>>) semaphore(%arg12 : memref<!tpu.dma_semaphore, #tpu.memory_space<semaphore_mem>>)
        %dma_start3A_143 = arith.constant 0 : i32
        %dma_start3A_144 = arith.constant 0 : i32
        %dma_start3A_145 = tpu.memref_slice %arg10[%sub3A_132, %dma_start3A_143, %dma_start3A_144] : memref<2x80x128xf32, #tpu.memory_space<vmem>> -> memref<1x80x128xf32, #tpu.memory_space<vmem>>
        %dma_start3A_146 = tpu.memref_squeeze %dma_start3A_145 : memref<1x80x128xf32, #tpu.memory_space<vmem>> -> memref<80x128xf32, #tpu.memory_space<vmem>>
        %dma_start3A_147 = tpu.memref_slice %arg8[%mul3A_134] : memref<1600xi32, #tpu.memory_space<vmem>> -> memref<80xi32, #tpu.memory_space<vmem>>
        %dma_start3A_148 = arith.constant 0 : i32
        %dma_start3A_149 = arith.constant 0 : i32
        %dma_start3A_150 = tpu.memref_slice %arg11[%dma_start3A_148, %dma_start3A_149] : memref<10000x128xf32, #tpu.memory_space<vmem_shared>> -> memref<10000x128xf32, #tpu.memory_space<vmem_shared>>
        tpu.enqueue_indirect_dma source(%dma_start3A_150 : memref<10000x128xf32, #tpu.memory_space<vmem_shared>>) target(%dma_start3A_146 : memref<80x128xf32, #tpu.memory_space<vmem>>) offsets(%dma_start3A_147 : memref<80xi32, #tpu.memory_space<vmem>>) semaphore(%arg12 : memref<!tpu.dma_semaphore, #tpu.memory_space<semaphore_mem>>)
      } else {
      }
    }
    %scan3A_28 = arith.constant 20 : i32
    %rem3A = arith.constant 19 : i32
    %rem3A_29 = arith.constant 2 : i32
    %rem3A_30 = arith.remsi %rem3A, %rem3A_29 : i32
    %dma_wait3A = arith.constant 0 : i32
    %dma_wait3A_31 = arith.constant 0 : i32
    %dma_wait3A_32 = tpu.memref_slice %arg9[%rem3A_30, %dma_wait3A, %dma_wait3A_31] : memref<2x80x128xf32, #tpu.memory_space<vmem>> -> memref<1x80x128xf32, #tpu.memory_space<vmem>>
    %dma_wait3A_33 = tpu.memref_squeeze %dma_wait3A_32 : memref<1x80x128xf32, #tpu.memory_space<vmem>> -> memref<80x128xf32, #tpu.memory_space<vmem>>
    %dma_wait3A_34 = arith.constant 0 : i32
    %dma_wait3A_35 = arith.constant 0 : i32
    %dma_wait3A_36 = tpu.memref_slice %arg5[%dma_wait3A_34, %dma_wait3A_35] : memref<51200x128xf32, #tpu.memory_space<hbm>> -> memref<80x128xf32, #tpu.memory_space<hbm>>
    %dma_wait3A_37 = arith.constant 0 : i32
    %dma_wait3A_38 = arith.constant 0 : i32
    %dma_wait3A_39 = tpu.memref_slice %arg9[%rem3A_30, %dma_wait3A_37, %dma_wait3A_38] : memref<2x80x128xf32, #tpu.memory_space<vmem>> -> memref<1x80x128xf32, #tpu.memory_space<vmem>>
    %dma_wait3A_40 = tpu.memref_squeeze %dma_wait3A_39 : memref<1x80x128xf32, #tpu.memory_space<vmem>> -> memref<80x128xf32, #tpu.memory_space<vmem>>
    %dma_wait3A_41 = arith.constant 0 : i32
    %dma_wait3A_42 = arith.constant 0 : i32
    %dma_wait3A_43 = tpu.memref_slice %arg5[%dma_wait3A_41, %dma_wait3A_42] : memref<51200x128xf32, #tpu.memory_space<hbm>> -> memref<80x128xf32, #tpu.memory_space<hbm>>
    tpu.wait_dma2 semaphore(%arg13 : memref<!tpu.dma_semaphore, #tpu.memory_space<semaphore_mem>>) src(%dma_wait3A_43 : memref<80x128xf32, #tpu.memory_space<hbm>>) dst(%dma_wait3A_40 : memref<80x128xf32, #tpu.memory_space<vmem>>)
    %rem3A_44 = arith.constant 19 : i32
    %rem3A_45 = arith.constant 2 : i32
    %rem3A_46 = arith.remsi %rem3A_44, %rem3A_45 : i32
    %dma_wait3A_47 = arith.constant 0 : i32
    %dma_wait3A_48 = arith.constant 0 : i32
    %dma_wait3A_49 = tpu.memref_slice %arg10[%rem3A_46, %dma_wait3A_47, %dma_wait3A_48] : memref<2x80x128xf32, #tpu.memory_space<vmem>> -> memref<1x80x128xf32, #tpu.memory_space<vmem>>
    %dma_wait3A_50 = tpu.memref_squeeze %dma_wait3A_49 : memref<1x80x128xf32, #tpu.memory_space<vmem>> -> memref<80x128xf32, #tpu.memory_space<vmem>>
    %dma_wait3A_51 = arith.constant 0 : i32
    %dma_wait3A_52 = arith.constant 0 : i32
    %dma_wait3A_53 = tpu.memref_slice %arg5[%dma_wait3A_51, %dma_wait3A_52] : memref<51200x128xf32, #tpu.memory_space<hbm>> -> memref<80x128xf32, #tpu.memory_space<hbm>>
    %dma_wait3A_54 = arith.constant 0 : i32
    %dma_wait3A_55 = arith.constant 0 : i32
    %dma_wait3A_56 = tpu.memref_slice %arg10[%rem3A_46, %dma_wait3A_54, %dma_wait3A_55] : memref<2x80x128xf32, #tpu.memory_space<vmem>> -> memref<1x80x128xf32, #tpu.memory_space<vmem>>
    %dma_wait3A_57 = tpu.memref_squeeze %dma_wait3A_56 : memref<1x80x128xf32, #tpu.memory_space<vmem>> -> memref<80x128xf32, #tpu.memory_space<vmem>>
    %dma_wait3A_58 = arith.constant 0 : i32
    %dma_wait3A_59 = arith.constant 0 : i32
    %dma_wait3A_60 = tpu.memref_slice %arg5[%dma_wait3A_58, %dma_wait3A_59] : memref<51200x128xf32, #tpu.memory_space<hbm>> -> memref<80x128xf32, #tpu.memory_space<hbm>>
    tpu.wait_dma2 semaphore(%arg13 : memref<!tpu.dma_semaphore, #tpu.memory_space<semaphore_mem>>) src(%dma_wait3A_60 : memref<80x128xf32, #tpu.memory_space<hbm>>) dst(%dma_wait3A_57 : memref<80x128xf32, #tpu.memory_space<vmem>>)
    return
  }
}

#map = affine_map<(d0, d1) -> (0, 0)>
#map1 = affine_map<(d0, d1) -> (0, 0, 0)>
module attributes {stable_mosaic.version = 14 : i64} {
  func.func @k(%arg0: i32, %arg1: i32, %arg2: memref<102400x128xf32, #tpu.memory_space<hbm>>, %arg3: memref<32x40x80xi32, #tpu.memory_space<hbm>>, %arg4: memref<2x10000x128xf32, #tpu.memory_space<hbm>>, %arg5: memref<2x10000x128xf32, #tpu.memory_space<hbm>>, %arg6: memref<40x80xi32, #tpu.memory_space<vmem>>, %arg7: memref<2x80x128xf32, #tpu.memory_space<vmem>>, %arg8: memref<10000x128xf32, #tpu.memory_space<vmem_shared>>, %arg9: memref<!tpu.dma_semaphore, #tpu.memory_space<semaphore_mem>>, %arg10: memref<!tpu.dma_semaphore, #tpu.memory_space<semaphore_mem>>) attributes {dimension_semantics = [#tpu.dimension_semantics<core_parallel>, #tpu.dimension_semantics<subcore_parallel>], iteration_bounds = array<i64: 2, 16>, scalar_prefetch = 0 : i64, scratch_operands = 5 : i64, tpu.core_type = #tpu.core_type<sc_vector_subcore>, window_params = [{transform_indices = #map}, {transform_indices = #map1}, {transform_indices = #map1}, {transform_indices = #map1}]} {
    %mul3A = arith.constant 2 : i32
    %mul3A_0 = arith.muli %arg1, %mul3A : i32
    %add3A = arith.addi %mul3A_0, %arg0 : i32
    %eq3A = arith.constant 0 : i32
    %eq3A_1 = arith.cmpi eq, %arg1, %eq3A : i32
    %convert_element_type3A = arith.extui %eq3A_1 : i1 to i32
    %cond3A = arith.constant 0 : i32
    %cond3A_2 = arith.cmpi ne, %convert_element_type3A, %cond3A : i32
    scf.if %cond3A_2 {
      "tpu.region"() ({
        %run_scoped3A = tpu.sem_alloc : memref<!tpu.dma_semaphore, #tpu.memory_space<semaphore_mem>>
        %dma_start3A_43 = arith.constant 0 : i32
        %dma_start3A_44 = arith.constant 0 : i32
        %dma_start3A_45 = tpu.memref_slice %arg4[%arg0, %dma_start3A_43, %dma_start3A_44] : memref<2x10000x128xf32, #tpu.memory_space<hbm>> -> memref<1x10000x128xf32, #tpu.memory_space<hbm>>
        %dma_start3A_46 = tpu.memref_squeeze %dma_start3A_45 : memref<1x10000x128xf32, #tpu.memory_space<hbm>> -> memref<10000x128xf32, #tpu.memory_space<hbm>>
        tpu.enqueue_dma source(%dma_start3A_46 : memref<10000x128xf32, #tpu.memory_space<hbm>>) target(%arg8 : memref<10000x128xf32, #tpu.memory_space<vmem_shared>>) target_semaphore(%run_scoped3A : memref<!tpu.dma_semaphore, #tpu.memory_space<semaphore_mem>>)
        %dma_wait3A_47 = arith.constant 0 : i32
        %dma_wait3A_48 = arith.constant 0 : i32
        %dma_wait3A_49 = tpu.memref_slice %arg4[%arg0, %dma_wait3A_47, %dma_wait3A_48] : memref<2x10000x128xf32, #tpu.memory_space<hbm>> -> memref<1x10000x128xf32, #tpu.memory_space<hbm>>
        %dma_wait3A_50 = tpu.memref_squeeze %dma_wait3A_49 : memref<1x10000x128xf32, #tpu.memory_space<hbm>> -> memref<10000x128xf32, #tpu.memory_space<hbm>>
        tpu.wait_dma2 semaphore(%run_scoped3A : memref<!tpu.dma_semaphore, #tpu.memory_space<semaphore_mem>>) src(%dma_wait3A_50 : memref<10000x128xf32, #tpu.memory_space<hbm>>) dst(%arg8 : memref<10000x128xf32, #tpu.memory_space<vmem_shared>>)
        tpu.yield
      }) : () -> ()
    } else {
    }
    "tpu.region"() ({
      %run_scoped3A = tpu.sem_alloc : memref<!tpu.dma_semaphore, #tpu.memory_space<semaphore_mem>>
      %dma_start3A_43 = arith.constant 0 : i32
      %dma_start3A_44 = arith.constant 0 : i32
      %dma_start3A_45 = tpu.memref_slice %arg3[%add3A, %dma_start3A_43, %dma_start3A_44] : memref<32x40x80xi32, #tpu.memory_space<hbm>> -> memref<1x40x80xi32, #tpu.memory_space<hbm>>
      %dma_start3A_46 = tpu.memref_squeeze %dma_start3A_45 : memref<1x40x80xi32, #tpu.memory_space<hbm>> -> memref<40x80xi32, #tpu.memory_space<hbm>>
      %dma_start3A_47 = arith.constant 0 : i32
      %dma_start3A_48 = arith.constant 0 : i32
      %dma_start3A_49 = tpu.memref_slice %arg3[%add3A, %dma_start3A_47, %dma_start3A_48] : memref<32x40x80xi32, #tpu.memory_space<hbm>> -> memref<1x40x80xi32, #tpu.memory_space<hbm>>
      %dma_start3A_50 = tpu.memref_squeeze %dma_start3A_49 : memref<1x40x80xi32, #tpu.memory_space<hbm>> -> memref<40x80xi32, #tpu.memory_space<hbm>>
      tpu.enqueue_dma source(%dma_start3A_50 : memref<40x80xi32, #tpu.memory_space<hbm>>) target(%arg6 : memref<40x80xi32, #tpu.memory_space<vmem>>) target_semaphore(%run_scoped3A : memref<!tpu.dma_semaphore, #tpu.memory_space<semaphore_mem>>)
      %dma_wait3A_51 = arith.constant 0 : i32
      %dma_wait3A_52 = arith.constant 0 : i32
      %dma_wait3A_53 = tpu.memref_slice %arg3[%add3A, %dma_wait3A_51, %dma_wait3A_52] : memref<32x40x80xi32, #tpu.memory_space<hbm>> -> memref<1x40x80xi32, #tpu.memory_space<hbm>>
      %dma_wait3A_54 = tpu.memref_squeeze %dma_wait3A_53 : memref<1x40x80xi32, #tpu.memory_space<hbm>> -> memref<40x80xi32, #tpu.memory_space<hbm>>
      %dma_wait3A_55 = arith.constant 0 : i32
      %dma_wait3A_56 = arith.constant 0 : i32
      %dma_wait3A_57 = tpu.memref_slice %arg3[%add3A, %dma_wait3A_55, %dma_wait3A_56] : memref<32x40x80xi32, #tpu.memory_space<hbm>> -> memref<1x40x80xi32, #tpu.memory_space<hbm>>
      %dma_wait3A_58 = tpu.memref_squeeze %dma_wait3A_57 : memref<1x40x80xi32, #tpu.memory_space<hbm>> -> memref<40x80xi32, #tpu.memory_space<hbm>>
      tpu.wait_dma2 semaphore(%run_scoped3A : memref<!tpu.dma_semaphore, #tpu.memory_space<semaphore_mem>>) src(%dma_wait3A_58 : memref<40x80xi32, #tpu.memory_space<hbm>>) dst(%arg6 : memref<40x80xi32, #tpu.memory_space<vmem>>)
      tpu.yield
    }) : () -> ()
    %barrier3A = arith.constant 0 : index
    tpu.barrier barrier_id(%barrier3A)
    %mul3A_3 = arith.constant 3200 : i32
    %mul3A_4 = arith.muli %add3A, %mul3A_3 : i32
    %dma_start3A = arith.constant 0 : i32
    %dma_start3A_5 = arith.constant 0 : i32
    %dma_start3A_6 = arith.constant 0 : i32
    %dma_start3A_7 = tpu.memref_slice %arg7[%dma_start3A, %dma_start3A_5, %dma_start3A_6] : memref<2x80x128xf32, #tpu.memory_space<vmem>> -> memref<1x80x128xf32, #tpu.memory_space<vmem>>
    %dma_start3A_8 = tpu.memref_squeeze %dma_start3A_7 : memref<1x80x128xf32, #tpu.memory_space<vmem>> -> memref<80x128xf32, #tpu.memory_space<vmem>>
    %dma_start3A_9 = arith.constant 0 : i32
    %dma_start3A_10 = tpu.memref_slice %arg2[%mul3A_4, %dma_start3A_9] : memref<102400x128xf32, #tpu.memory_space<hbm>> -> memref<80x128xf32, #tpu.memory_space<hbm>>
    %dma_start3A_11 = arith.constant 0 : i32
    %dma_start3A_12 = arith.constant 0 : i32
    %dma_start3A_13 = tpu.memref_slice %arg7[%dma_start3A, %dma_start3A_11, %dma_start3A_12] : memref<2x80x128xf32, #tpu.memory_space<vmem>> -> memref<1x80x128xf32, #tpu.memory_space<vmem>>
    %dma_start3A_14 = tpu.memref_squeeze %dma_start3A_13 : memref<1x80x128xf32, #tpu.memory_space<vmem>> -> memref<80x128xf32, #tpu.memory_space<vmem>>
    %dma_start3A_15 = arith.constant 0 : i32
    %dma_start3A_16 = tpu.memref_slice %arg2[%mul3A_4, %dma_start3A_15] : memref<102400x128xf32, #tpu.memory_space<hbm>> -> memref<80x128xf32, #tpu.memory_space<hbm>>
    tpu.enqueue_dma source(%dma_start3A_16 : memref<80x128xf32, #tpu.memory_space<hbm>>) target(%dma_start3A_14 : memref<80x128xf32, #tpu.memory_space<vmem>>) target_semaphore(%arg9 : memref<!tpu.dma_semaphore, #tpu.memory_space<semaphore_mem>>)
    %scan3A = arith.constant 0 : i32
    %scan3A_17 = arith.constant 0 : i32
    %scan3A_18 = arith.constant 40 : i32
    %scan3A_19 = arith.addi %scan3A_17, %scan3A_18 : i32
    %scan3A_20 = arith.constant 1 : i32
    scf.for %scan3A_43 = %scan3A_17 to %scan3A_19 step %scan3A_20  : i32 {
      %rem3A_44 = arith.constant 2 : i32
      %rem3A_45 = arith.remsi %scan3A_43, %rem3A_44 : i32
      %dma_wait3A_46 = arith.constant 0 : i32
      %dma_wait3A_47 = arith.constant 0 : i32
      %dma_wait3A_48 = tpu.memref_slice %arg7[%rem3A_45, %dma_wait3A_46, %dma_wait3A_47] : memref<2x80x128xf32, #tpu.memory_space<vmem>> -> memref<1x80x128xf32, #tpu.memory_space<vmem>>
      %dma_wait3A_49 = tpu.memref_squeeze %dma_wait3A_48 : memref<1x80x128xf32, #tpu.memory_space<vmem>> -> memref<80x128xf32, #tpu.memory_space<vmem>>
      %dma_wait3A_50 = arith.constant 0 : i32
      %dma_wait3A_51 = arith.constant 0 : i32
      %dma_wait3A_52 = tpu.memref_slice %arg2[%dma_wait3A_50, %dma_wait3A_51] : memref<102400x128xf32, #tpu.memory_space<hbm>> -> memref<80x128xf32, #tpu.memory_space<hbm>>
      %dma_wait3A_53 = arith.constant 0 : i32
      %dma_wait3A_54 = arith.constant 0 : i32
      %dma_wait3A_55 = tpu.memref_slice %arg7[%rem3A_45, %dma_wait3A_53, %dma_wait3A_54] : memref<2x80x128xf32, #tpu.memory_space<vmem>> -> memref<1x80x128xf32, #tpu.memory_space<vmem>>
      %dma_wait3A_56 = tpu.memref_squeeze %dma_wait3A_55 : memref<1x80x128xf32, #tpu.memory_space<vmem>> -> memref<80x128xf32, #tpu.memory_space<vmem>>
      %dma_wait3A_57 = arith.constant 0 : i32
      %dma_wait3A_58 = arith.constant 0 : i32
      %dma_wait3A_59 = tpu.memref_slice %arg2[%dma_wait3A_57, %dma_wait3A_58] : memref<102400x128xf32, #tpu.memory_space<hbm>> -> memref<80x128xf32, #tpu.memory_space<hbm>>
      tpu.wait_dma2 semaphore(%arg9 : memref<!tpu.dma_semaphore, #tpu.memory_space<semaphore_mem>>) src(%dma_wait3A_59 : memref<80x128xf32, #tpu.memory_space<hbm>>) dst(%dma_wait3A_56 : memref<80x128xf32, #tpu.memory_space<vmem>>)
      %dma_start3A_60 = arith.constant 0 : i32
      %dma_start3A_61 = arith.constant 0 : i32
      %dma_start3A_62 = tpu.memref_slice %arg7[%rem3A_45, %dma_start3A_60, %dma_start3A_61] : memref<2x80x128xf32, #tpu.memory_space<vmem>> -> memref<1x80x128xf32, #tpu.memory_space<vmem>>
      %dma_start3A_63 = tpu.memref_squeeze %dma_start3A_62 : memref<1x80x128xf32, #tpu.memory_space<vmem>> -> memref<80x128xf32, #tpu.memory_space<vmem>>
      %dma_start3A_64 = arith.constant 0 : i32
      %dma_start3A_65 = tpu.memref_slice %arg6[%scan3A_43, %dma_start3A_64] : memref<40x80xi32, #tpu.memory_space<vmem>> -> memref<1x80xi32, #tpu.memory_space<vmem>>
      %dma_start3A_66 = tpu.memref_squeeze %dma_start3A_65 : memref<1x80xi32, #tpu.memory_space<vmem>> -> memref<80xi32, #tpu.memory_space<vmem>>
      %dma_start3A_67 = arith.constant 0 : i32
      %dma_start3A_68 = arith.constant 0 : i32
      %dma_start3A_69 = tpu.memref_slice %arg8[%dma_start3A_67, %dma_start3A_68] : memref<10000x128xf32, #tpu.memory_space<vmem_shared>> -> memref<10000x128xf32, #tpu.memory_space<vmem_shared>>
      tpu.enqueue_indirect_dma source(%dma_start3A_63 : memref<80x128xf32, #tpu.memory_space<vmem>>) target(%dma_start3A_69 : memref<10000x128xf32, #tpu.memory_space<vmem_shared>>) offsets(%dma_start3A_66 : memref<80xi32, #tpu.memory_space<vmem>>) semaphore(%arg10 : memref<!tpu.dma_semaphore, #tpu.memory_space<semaphore_mem>>) {add = true}
      %ge3A = arith.constant 1 : i32
      %ge3A_70 = arith.cmpi sge, %scan3A_43, %ge3A : i32
      %convert_element_type3A_71 = arith.extui %ge3A_70 : i1 to i32
      %cond3A_72 = arith.constant 0 : i32
      %cond3A_73 = arith.cmpi ne, %convert_element_type3A_71, %cond3A_72 : i32
      scf.if %cond3A_73 {
        %sub3A = arith.constant 1 : i32
        %sub3A_78 = arith.subi %sub3A, %rem3A_45 : i32
        %dma_wait3A_79 = arith.constant 0 : i32
        %dma_wait3A_80 = arith.constant 0 : i32
        %dma_wait3A_81 = tpu.memref_slice %arg7[%sub3A_78, %dma_wait3A_79, %dma_wait3A_80] : memref<2x80x128xf32, #tpu.memory_space<vmem>> -> memref<1x80x128xf32, #tpu.memory_space<vmem>>
        %dma_wait3A_82 = tpu.memref_squeeze %dma_wait3A_81 : memref<1x80x128xf32, #tpu.memory_space<vmem>> -> memref<80x128xf32, #tpu.memory_space<vmem>>
        %dma_wait3A_83 = arith.constant 0 : i32
        %dma_wait3A_84 = arith.constant 0 : i32
        %dma_wait3A_85 = tpu.memref_slice %arg2[%dma_wait3A_83, %dma_wait3A_84] : memref<102400x128xf32, #tpu.memory_space<hbm>> -> memref<80x128xf32, #tpu.memory_space<hbm>>
        %dma_wait3A_86 = arith.constant 0 : i32
        %dma_wait3A_87 = arith.constant 0 : i32
        %dma_wait3A_88 = tpu.memref_slice %arg7[%sub3A_78, %dma_wait3A_86, %dma_wait3A_87] : memref<2x80x128xf32, #tpu.memory_space<vmem>> -> memref<1x80x128xf32, #tpu.memory_space<vmem>>
        %dma_wait3A_89 = tpu.memref_squeeze %dma_wait3A_88 : memref<1x80x128xf32, #tpu.memory_space<vmem>> -> memref<80x128xf32, #tpu.memory_space<vmem>>
        %dma_wait3A_90 = arith.constant 0 : i32
        %dma_wait3A_91 = arith.constant 0 : i32
        %dma_wait3A_92 = tpu.memref_slice %arg2[%dma_wait3A_90, %dma_wait3A_91] : memref<102400x128xf32, #tpu.memory_space<hbm>> -> memref<80x128xf32, #tpu.memory_space<hbm>>
        tpu.wait_dma2 semaphore(%arg10 : memref<!tpu.dma_semaphore, #tpu.memory_space<semaphore_mem>>) src(%dma_wait3A_92 : memref<80x128xf32, #tpu.memory_space<hbm>>) dst(%dma_wait3A_89 : memref<80x128xf32, #tpu.memory_space<vmem>>)
      } else {
      }
      %lt3A = arith.constant 39 : i32
      %lt3A_74 = arith.cmpi slt, %scan3A_43, %lt3A : i32
      %convert_element_type3A_75 = arith.extui %lt3A_74 : i1 to i32
      %cond3A_76 = arith.constant 0 : i32
      %cond3A_77 = arith.cmpi ne, %convert_element_type3A_75, %cond3A_76 : i32
      scf.if %cond3A_77 {
        %add3A_78 = arith.constant 1 : i32
        %add3A_79 = arith.addi %scan3A_43, %add3A_78 : i32
        %mul3A_80 = arith.constant 80 : i32
        %mul3A_81 = arith.muli %add3A_79, %mul3A_80 : i32
        %add3A_82 = arith.addi %mul3A_4, %mul3A_81 : i32
        %sub3A = arith.constant 1 : i32
        %sub3A_83 = arith.subi %sub3A, %rem3A_45 : i32
        %dma_start3A_84 = arith.constant 0 : i32
        %dma_start3A_85 = arith.constant 0 : i32
        %dma_start3A_86 = tpu.memref_slice %arg7[%sub3A_83, %dma_start3A_84, %dma_start3A_85] : memref<2x80x128xf32, #tpu.memory_space<vmem>> -> memref<1x80x128xf32, #tpu.memory_space<vmem>>
        %dma_start3A_87 = tpu.memref_squeeze %dma_start3A_86 : memref<1x80x128xf32, #tpu.memory_space<vmem>> -> memref<80x128xf32, #tpu.memory_space<vmem>>
        %dma_start3A_88 = arith.constant 0 : i32
        %dma_start3A_89 = tpu.memref_slice %arg2[%add3A_82, %dma_start3A_88] : memref<102400x128xf32, #tpu.memory_space<hbm>> -> memref<80x128xf32, #tpu.memory_space<hbm>>
        %dma_start3A_90 = arith.constant 0 : i32
        %dma_start3A_91 = arith.constant 0 : i32
        %dma_start3A_92 = tpu.memref_slice %arg7[%sub3A_83, %dma_start3A_90, %dma_start3A_91] : memref<2x80x128xf32, #tpu.memory_space<vmem>> -> memref<1x80x128xf32, #tpu.memory_space<vmem>>
        %dma_start3A_93 = tpu.memref_squeeze %dma_start3A_92 : memref<1x80x128xf32, #tpu.memory_space<vmem>> -> memref<80x128xf32, #tpu.memory_space<vmem>>
        %dma_start3A_94 = arith.constant 0 : i32
        %dma_start3A_95 = tpu.memref_slice %arg2[%add3A_82, %dma_start3A_94] : memref<102400x128xf32, #tpu.memory_space<hbm>> -> memref<80x128xf32, #tpu.memory_space<hbm>>
        tpu.enqueue_dma source(%dma_start3A_95 : memref<80x128xf32, #tpu.memory_space<hbm>>) target(%dma_start3A_93 : memref<80x128xf32, #tpu.memory_space<vmem>>) target_semaphore(%arg9 : memref<!tpu.dma_semaphore, #tpu.memory_space<semaphore_mem>>)
      } else {
      }
    }
    %scan3A_21 = arith.constant 40 : i32
    %rem3A = arith.constant 39 : i32
    %rem3A_22 = arith.constant 2 : i32
    %rem3A_23 = arith.remsi %rem3A, %rem3A_22 : i32
    %dma_wait3A = arith.constant 0 : i32
    %dma_wait3A_24 = arith.constant 0 : i32
    %dma_wait3A_25 = tpu.memref_slice %arg7[%rem3A_23, %dma_wait3A, %dma_wait3A_24] : memref<2x80x128xf32, #tpu.memory_space<vmem>> -> memref<1x80x128xf32, #tpu.memory_space<vmem>>
    %dma_wait3A_26 = tpu.memref_squeeze %dma_wait3A_25 : memref<1x80x128xf32, #tpu.memory_space<vmem>> -> memref<80x128xf32, #tpu.memory_space<vmem>>
    %dma_wait3A_27 = arith.constant 0 : i32
    %dma_wait3A_28 = arith.constant 0 : i32
    %dma_wait3A_29 = tpu.memref_slice %arg2[%dma_wait3A_27, %dma_wait3A_28] : memref<102400x128xf32, #tpu.memory_space<hbm>> -> memref<80x128xf32, #tpu.memory_space<hbm>>
    %dma_wait3A_30 = arith.constant 0 : i32
    %dma_wait3A_31 = arith.constant 0 : i32
    %dma_wait3A_32 = tpu.memref_slice %arg7[%rem3A_23, %dma_wait3A_30, %dma_wait3A_31] : memref<2x80x128xf32, #tpu.memory_space<vmem>> -> memref<1x80x128xf32, #tpu.memory_space<vmem>>
    %dma_wait3A_33 = tpu.memref_squeeze %dma_wait3A_32 : memref<1x80x128xf32, #tpu.memory_space<vmem>> -> memref<80x128xf32, #tpu.memory_space<vmem>>
    %dma_wait3A_34 = arith.constant 0 : i32
    %dma_wait3A_35 = arith.constant 0 : i32
    %dma_wait3A_36 = tpu.memref_slice %arg2[%dma_wait3A_34, %dma_wait3A_35] : memref<102400x128xf32, #tpu.memory_space<hbm>> -> memref<80x128xf32, #tpu.memory_space<hbm>>
    tpu.wait_dma2 semaphore(%arg10 : memref<!tpu.dma_semaphore, #tpu.memory_space<semaphore_mem>>) src(%dma_wait3A_36 : memref<80x128xf32, #tpu.memory_space<hbm>>) dst(%dma_wait3A_33 : memref<80x128xf32, #tpu.memory_space<vmem>>)
    %barrier3A_37 = arith.constant 0 : index
    tpu.barrier barrier_id(%barrier3A_37)
    %eq3A_38 = arith.constant 0 : i32
    %eq3A_39 = arith.cmpi eq, %arg1, %eq3A_38 : i32
    %convert_element_type3A_40 = arith.extui %eq3A_39 : i1 to i32
    %cond3A_41 = arith.constant 0 : i32
    %cond3A_42 = arith.cmpi ne, %convert_element_type3A_40, %cond3A_41 : i32
    scf.if %cond3A_42 {
      "tpu.region"() ({
        %run_scoped3A = tpu.sem_alloc : memref<!tpu.dma_semaphore, #tpu.memory_space<semaphore_mem>>
        %dma_start3A_43 = arith.constant 0 : i32
        %dma_start3A_44 = arith.constant 0 : i32
        %dma_start3A_45 = tpu.memref_slice %arg5[%arg0, %dma_start3A_43, %dma_start3A_44] : memref<2x10000x128xf32, #tpu.memory_space<hbm>> -> memref<1x10000x128xf32, #tpu.memory_space<hbm>>
        %dma_start3A_46 = tpu.memref_squeeze %dma_start3A_45 : memref<1x10000x128xf32, #tpu.memory_space<hbm>> -> memref<10000x128xf32, #tpu.memory_space<hbm>>
        tpu.enqueue_dma source(%arg8 : memref<10000x128xf32, #tpu.memory_space<vmem_shared>>) target(%dma_start3A_46 : memref<10000x128xf32, #tpu.memory_space<hbm>>) target_semaphore(%run_scoped3A : memref<!tpu.dma_semaphore, #tpu.memory_space<semaphore_mem>>)
        %dma_wait3A_47 = arith.constant 0 : i32
        %dma_wait3A_48 = arith.constant 0 : i32
        %dma_wait3A_49 = tpu.memref_slice %arg5[%arg0, %dma_wait3A_47, %dma_wait3A_48] : memref<2x10000x128xf32, #tpu.memory_space<hbm>> -> memref<1x10000x128xf32, #tpu.memory_space<hbm>>
        %dma_wait3A_50 = tpu.memref_squeeze %dma_wait3A_49 : memref<1x10000x128xf32, #tpu.memory_space<hbm>> -> memref<10000x128xf32, #tpu.memory_space<hbm>>
        tpu.wait_dma2 semaphore(%run_scoped3A : memref<!tpu.dma_semaphore, #tpu.memory_space<semaphore_mem>>) src(%arg8 : memref<10000x128xf32, #tpu.memory_space<vmem_shared>>) dst(%dma_wait3A_50 : memref<10000x128xf32, #tpu.memory_space<hbm>>)
        tpu.yield
      }) : () -> ()
    } else {
    }
    return
  }
}

#map = affine_map<(d0, d1) -> (0, 0)>
#map1 = affine_map<(d0, d1) -> (0)>
module attributes {stable_mosaic.version = 14 : i64} {
  func.func @k(%arg0: i32, %arg1: i32, %arg2: memref<10000x128xf32, #tpu.memory_space<hbm>>, %arg3: memref<38400xi32, #tpu.memory_space<hbm>>, %arg4: memref<38400xi32, #tpu.memory_space<hbm>>, %arg5: memref<38400x128xf32, #tpu.memory_space<hbm>>, %arg6: memref<38400x128xf32, #tpu.memory_space<hbm>>, %arg7: memref<1200xi32, #tpu.memory_space<vmem>>, %arg8: memref<1200xi32, #tpu.memory_space<vmem>>, %arg9: memref<2x80x128xf32, #tpu.memory_space<vmem>>, %arg10: memref<2x80x128xf32, #tpu.memory_space<vmem>>, %arg11: memref<10000x128xf32, #tpu.memory_space<vmem_shared>>, %arg12: memref<!tpu.dma_semaphore, #tpu.memory_space<semaphore_mem>>, %arg13: memref<!tpu.dma_semaphore, #tpu.memory_space<semaphore_mem>>) attributes {dimension_semantics = [#tpu.dimension_semantics<core_parallel>, #tpu.dimension_semantics<subcore_parallel>], iteration_bounds = array<i64: 2, 16>, scalar_prefetch = 0 : i64, scratch_operands = 7 : i64, tpu.core_type = #tpu.core_type<sc_vector_subcore>, window_params = [{transform_indices = #map}, {transform_indices = #map1}, {transform_indices = #map1}, {transform_indices = #map}, {transform_indices = #map}]} {
    %mul3A = arith.constant 2 : i32
    %mul3A_0 = arith.muli %arg1, %mul3A : i32
    %add3A = arith.addi %mul3A_0, %arg0 : i32
    %mul3A_1 = arith.constant 1200 : i32
    %mul3A_2 = arith.muli %add3A, %mul3A_1 : i32
    "tpu.region"() ({
      %run_scoped3A = tpu.sem_alloc : memref<!tpu.dma_semaphore, #tpu.memory_space<semaphore_mem>>
      %dma_start3A_61 = tpu.memref_slice %arg3[%mul3A_2] : memref<38400xi32, #tpu.memory_space<hbm>> -> memref<1200xi32, #tpu.memory_space<hbm>>
      %dma_start3A_62 = tpu.memref_slice %arg3[%mul3A_2] : memref<38400xi32, #tpu.memory_space<hbm>> -> memref<1200xi32, #tpu.memory_space<hbm>>
      tpu.enqueue_dma source(%dma_start3A_62 : memref<1200xi32, #tpu.memory_space<hbm>>) target(%arg7 : memref<1200xi32, #tpu.memory_space<vmem>>) target_semaphore(%run_scoped3A : memref<!tpu.dma_semaphore, #tpu.memory_space<semaphore_mem>>)
      %dma_wait3A_63 = tpu.memref_slice %arg3[%mul3A_2] : memref<38400xi32, #tpu.memory_space<hbm>> -> memref<1200xi32, #tpu.memory_space<hbm>>
      %dma_wait3A_64 = tpu.memref_slice %arg3[%mul3A_2] : memref<38400xi32, #tpu.memory_space<hbm>> -> memref<1200xi32, #tpu.memory_space<hbm>>
      tpu.wait_dma2 semaphore(%run_scoped3A : memref<!tpu.dma_semaphore, #tpu.memory_space<semaphore_mem>>) src(%dma_wait3A_64 : memref<1200xi32, #tpu.memory_space<hbm>>) dst(%arg7 : memref<1200xi32, #tpu.memory_space<vmem>>)
      tpu.yield
    }) : () -> ()
    "tpu.region"() ({
      %run_scoped3A = tpu.sem_alloc : memref<!tpu.dma_semaphore, #tpu.memory_space<semaphore_mem>>
      %dma_start3A_61 = tpu.memref_slice %arg4[%mul3A_2] : memref<38400xi32, #tpu.memory_space<hbm>> -> memref<1200xi32, #tpu.memory_space<hbm>>
      %dma_start3A_62 = tpu.memref_slice %arg4[%mul3A_2] : memref<38400xi32, #tpu.memory_space<hbm>> -> memref<1200xi32, #tpu.memory_space<hbm>>
      tpu.enqueue_dma source(%dma_start3A_62 : memref<1200xi32, #tpu.memory_space<hbm>>) target(%arg8 : memref<1200xi32, #tpu.memory_space<vmem>>) target_semaphore(%run_scoped3A : memref<!tpu.dma_semaphore, #tpu.memory_space<semaphore_mem>>)
      %dma_wait3A_63 = tpu.memref_slice %arg4[%mul3A_2] : memref<38400xi32, #tpu.memory_space<hbm>> -> memref<1200xi32, #tpu.memory_space<hbm>>
      %dma_wait3A_64 = tpu.memref_slice %arg4[%mul3A_2] : memref<38400xi32, #tpu.memory_space<hbm>> -> memref<1200xi32, #tpu.memory_space<hbm>>
      tpu.wait_dma2 semaphore(%run_scoped3A : memref<!tpu.dma_semaphore, #tpu.memory_space<semaphore_mem>>) src(%dma_wait3A_64 : memref<1200xi32, #tpu.memory_space<hbm>>) dst(%arg8 : memref<1200xi32, #tpu.memory_space<vmem>>)
      tpu.yield
    }) : () -> ()
    %eq3A = arith.constant 0 : i32
    %eq3A_3 = arith.cmpi eq, %arg1, %eq3A : i32
    %convert_element_type3A = arith.extui %eq3A_3 : i1 to i32
    %cond3A = arith.constant 0 : i32
    %cond3A_4 = arith.cmpi ne, %convert_element_type3A, %cond3A : i32
    scf.if %cond3A_4 {
      "tpu.region"() ({
        %run_scoped3A = tpu.sem_alloc : memref<!tpu.dma_semaphore, #tpu.memory_space<semaphore_mem>>
        tpu.enqueue_dma source(%arg2 : memref<10000x128xf32, #tpu.memory_space<hbm>>) target(%arg11 : memref<10000x128xf32, #tpu.memory_space<vmem_shared>>) target_semaphore(%run_scoped3A : memref<!tpu.dma_semaphore, #tpu.memory_space<semaphore_mem>>)
        tpu.wait_dma2 semaphore(%run_scoped3A : memref<!tpu.dma_semaphore, #tpu.memory_space<semaphore_mem>>) src(%arg2 : memref<10000x128xf32, #tpu.memory_space<hbm>>) dst(%arg11 : memref<10000x128xf32, #tpu.memory_space<vmem_shared>>)
        tpu.yield
      }) : () -> ()
    } else {
    }
    %barrier3A = arith.constant 0 : index
    tpu.barrier barrier_id(%barrier3A)
    %dma_start3A = arith.constant 0 : i32
    %dma_start3A_5 = arith.constant 0 : i32
    %dma_start3A_6 = arith.constant 0 : i32
    %dma_start3A_7 = tpu.memref_slice %arg9[%dma_start3A, %dma_start3A_5, %dma_start3A_6] : memref<2x80x128xf32, #tpu.memory_space<vmem>> -> memref<1x80x128xf32, #tpu.memory_space<vmem>>
    %dma_start3A_8 = tpu.memref_squeeze %dma_start3A_7 : memref<1x80x128xf32, #tpu.memory_space<vmem>> -> memref<80x128xf32, #tpu.memory_space<vmem>>
    %dma_start3A_9 = arith.constant 0 : i32
    %dma_start3A_10 = tpu.memref_slice %arg7[%dma_start3A_9] : memref<1200xi32, #tpu.memory_space<vmem>> -> memref<80xi32, #tpu.memory_space<vmem>>
    %dma_start3A_11 = arith.constant 0 : i32
    %dma_start3A_12 = arith.constant 0 : i32
    %dma_start3A_13 = tpu.memref_slice %arg11[%dma_start3A_11, %dma_start3A_12] : memref<10000x128xf32, #tpu.memory_space<vmem_shared>> -> memref<10000x128xf32, #tpu.memory_space<vmem_shared>>
    tpu.enqueue_indirect_dma source(%dma_start3A_13 : memref<10000x128xf32, #tpu.memory_space<vmem_shared>>) target(%dma_start3A_8 : memref<80x128xf32, #tpu.memory_space<vmem>>) offsets(%dma_start3A_10 : memref<80xi32, #tpu.memory_space<vmem>>) semaphore(%arg12 : memref<!tpu.dma_semaphore, #tpu.memory_space<semaphore_mem>>)
    %dma_start3A_14 = arith.constant 0 : i32
    %dma_start3A_15 = arith.constant 0 : i32
    %dma_start3A_16 = arith.constant 0 : i32
    %dma_start3A_17 = tpu.memref_slice %arg10[%dma_start3A_14, %dma_start3A_15, %dma_start3A_16] : memref<2x80x128xf32, #tpu.memory_space<vmem>> -> memref<1x80x128xf32, #tpu.memory_space<vmem>>
    %dma_start3A_18 = tpu.memref_squeeze %dma_start3A_17 : memref<1x80x128xf32, #tpu.memory_space<vmem>> -> memref<80x128xf32, #tpu.memory_space<vmem>>
    %dma_start3A_19 = arith.constant 0 : i32
    %dma_start3A_20 = tpu.memref_slice %arg8[%dma_start3A_19] : memref<1200xi32, #tpu.memory_space<vmem>> -> memref<80xi32, #tpu.memory_space<vmem>>
    %dma_start3A_21 = arith.constant 0 : i32
    %dma_start3A_22 = arith.constant 0 : i32
    %dma_start3A_23 = tpu.memref_slice %arg11[%dma_start3A_21, %dma_start3A_22] : memref<10000x128xf32, #tpu.memory_space<vmem_shared>> -> memref<10000x128xf32, #tpu.memory_space<vmem_shared>>
    tpu.enqueue_indirect_dma source(%dma_start3A_23 : memref<10000x128xf32, #tpu.memory_space<vmem_shared>>) target(%dma_start3A_18 : memref<80x128xf32, #tpu.memory_space<vmem>>) offsets(%dma_start3A_20 : memref<80xi32, #tpu.memory_space<vmem>>) semaphore(%arg12 : memref<!tpu.dma_semaphore, #tpu.memory_space<semaphore_mem>>)
    %scan3A = arith.constant 0 : i32
    %scan3A_24 = arith.constant 0 : i32
    %scan3A_25 = arith.constant 15 : i32
    %scan3A_26 = arith.addi %scan3A_24, %scan3A_25 : i32
    %scan3A_27 = arith.constant 1 : i32
    scf.for %scan3A_61 = %scan3A_24 to %scan3A_26 step %scan3A_27  : i32 {
      %rem3A_62 = arith.constant 2 : i32
      %rem3A_63 = arith.remsi %scan3A_61, %rem3A_62 : i32
      %dma_wait3A_64 = arith.constant 0 : i32
      %dma_wait3A_65 = arith.constant 0 : i32
      %dma_wait3A_66 = tpu.memref_slice %arg9[%rem3A_63, %dma_wait3A_64, %dma_wait3A_65] : memref<2x80x128xf32, #tpu.memory_space<vmem>> -> memref<1x80x128xf32, #tpu.memory_space<vmem>>
      %dma_wait3A_67 = tpu.memref_squeeze %dma_wait3A_66 : memref<1x80x128xf32, #tpu.memory_space<vmem>> -> memref<80x128xf32, #tpu.memory_space<vmem>>
      %dma_wait3A_68 = arith.constant 0 : i32
      %dma_wait3A_69 = arith.constant 0 : i32
      %dma_wait3A_70 = tpu.memref_slice %arg5[%dma_wait3A_68, %dma_wait3A_69] : memref<38400x128xf32, #tpu.memory_space<hbm>> -> memref<80x128xf32, #tpu.memory_space<hbm>>
      %dma_wait3A_71 = arith.constant 0 : i32
      %dma_wait3A_72 = arith.constant 0 : i32
      %dma_wait3A_73 = tpu.memref_slice %arg9[%rem3A_63, %dma_wait3A_71, %dma_wait3A_72] : memref<2x80x128xf32, #tpu.memory_space<vmem>> -> memref<1x80x128xf32, #tpu.memory_space<vmem>>
      %dma_wait3A_74 = tpu.memref_squeeze %dma_wait3A_73 : memref<1x80x128xf32, #tpu.memory_space<vmem>> -> memref<80x128xf32, #tpu.memory_space<vmem>>
      %dma_wait3A_75 = arith.constant 0 : i32
      %dma_wait3A_76 = arith.constant 0 : i32
      %dma_wait3A_77 = tpu.memref_slice %arg5[%dma_wait3A_75, %dma_wait3A_76] : memref<38400x128xf32, #tpu.memory_space<hbm>> -> memref<80x128xf32, #tpu.memory_space<hbm>>
      tpu.wait_dma2 semaphore(%arg12 : memref<!tpu.dma_semaphore, #tpu.memory_space<semaphore_mem>>) src(%dma_wait3A_77 : memref<80x128xf32, #tpu.memory_space<hbm>>) dst(%dma_wait3A_74 : memref<80x128xf32, #tpu.memory_space<vmem>>)
      %dma_wait3A_78 = arith.constant 0 : i32
      %dma_wait3A_79 = arith.constant 0 : i32
      %dma_wait3A_80 = tpu.memref_slice %arg10[%rem3A_63, %dma_wait3A_78, %dma_wait3A_79] : memref<2x80x128xf32, #tpu.memory_space<vmem>> -> memref<1x80x128xf32, #tpu.memory_space<vmem>>
      %dma_wait3A_81 = tpu.memref_squeeze %dma_wait3A_80 : memref<1x80x128xf32, #tpu.memory_space<vmem>> -> memref<80x128xf32, #tpu.memory_space<vmem>>
      %dma_wait3A_82 = arith.constant 0 : i32
      %dma_wait3A_83 = arith.constant 0 : i32
      %dma_wait3A_84 = tpu.memref_slice %arg5[%dma_wait3A_82, %dma_wait3A_83] : memref<38400x128xf32, #tpu.memory_space<hbm>> -> memref<80x128xf32, #tpu.memory_space<hbm>>
      %dma_wait3A_85 = arith.constant 0 : i32
      %dma_wait3A_86 = arith.constant 0 : i32
      %dma_wait3A_87 = tpu.memref_slice %arg10[%rem3A_63, %dma_wait3A_85, %dma_wait3A_86] : memref<2x80x128xf32, #tpu.memory_space<vmem>> -> memref<1x80x128xf32, #tpu.memory_space<vmem>>
      %dma_wait3A_88 = tpu.memref_squeeze %dma_wait3A_87 : memref<1x80x128xf32, #tpu.memory_space<vmem>> -> memref<80x128xf32, #tpu.memory_space<vmem>>
      %dma_wait3A_89 = arith.constant 0 : i32
      %dma_wait3A_90 = arith.constant 0 : i32
      %dma_wait3A_91 = tpu.memref_slice %arg5[%dma_wait3A_89, %dma_wait3A_90] : memref<38400x128xf32, #tpu.memory_space<hbm>> -> memref<80x128xf32, #tpu.memory_space<hbm>>
      tpu.wait_dma2 semaphore(%arg12 : memref<!tpu.dma_semaphore, #tpu.memory_space<semaphore_mem>>) src(%dma_wait3A_91 : memref<80x128xf32, #tpu.memory_space<hbm>>) dst(%dma_wait3A_88 : memref<80x128xf32, #tpu.memory_space<vmem>>)
      %mul3A_92 = arith.constant 80 : i32
      %mul3A_93 = arith.muli %scan3A_61, %mul3A_92 : i32
      %add3A_94 = arith.addi %mul3A_2, %mul3A_93 : i32
      %dma_start3A_95 = arith.constant 0 : i32
      %dma_start3A_96 = arith.constant 0 : i32
      %dma_start3A_97 = tpu.memref_slice %arg9[%rem3A_63, %dma_start3A_95, %dma_start3A_96] : memref<2x80x128xf32, #tpu.memory_space<vmem>> -> memref<1x80x128xf32, #tpu.memory_space<vmem>>
      %dma_start3A_98 = tpu.memref_squeeze %dma_start3A_97 : memref<1x80x128xf32, #tpu.memory_space<vmem>> -> memref<80x128xf32, #tpu.memory_space<vmem>>
      %dma_start3A_99 = arith.constant 0 : i32
      %dma_start3A_100 = tpu.memref_slice %arg5[%add3A_94, %dma_start3A_99] : memref<38400x128xf32, #tpu.memory_space<hbm>> -> memref<80x128xf32, #tpu.memory_space<hbm>>
      %dma_start3A_101 = arith.constant 0 : i32
      %dma_start3A_102 = tpu.memref_slice %arg5[%add3A_94, %dma_start3A_101] : memref<38400x128xf32, #tpu.memory_space<hbm>> -> memref<80x128xf32, #tpu.memory_space<hbm>>
      %dma_start3A_103 = arith.constant 0 : i32
      %dma_start3A_104 = arith.constant 0 : i32
      %dma_start3A_105 = tpu.memref_slice %arg9[%rem3A_63, %dma_start3A_103, %dma_start3A_104] : memref<2x80x128xf32, #tpu.memory_space<vmem>> -> memref<1x80x128xf32, #tpu.memory_space<vmem>>
      %dma_start3A_106 = tpu.memref_squeeze %dma_start3A_105 : memref<1x80x128xf32, #tpu.memory_space<vmem>> -> memref<80x128xf32, #tpu.memory_space<vmem>>
      tpu.enqueue_dma source(%dma_start3A_106 : memref<80x128xf32, #tpu.memory_space<vmem>>) target(%dma_start3A_102 : memref<80x128xf32, #tpu.memory_space<hbm>>) target_semaphore(%arg13 : memref<!tpu.dma_semaphore, #tpu.memory_space<semaphore_mem>>)
      %mul3A_107 = arith.constant 80 : i32
      %mul3A_108 = arith.muli %scan3A_61, %mul3A_107 : i32
      %add3A_109 = arith.addi %mul3A_2, %mul3A_108 : i32
      %dma_start3A_110 = arith.constant 0 : i32
      %dma_start3A_111 = arith.constant 0 : i32
      %dma_start3A_112 = tpu.memref_slice %arg10[%rem3A_63, %dma_start3A_110, %dma_start3A_111] : memref<2x80x128xf32, #tpu.memory_space<vmem>> -> memref<1x80x128xf32, #tpu.memory_space<vmem>>
      %dma_start3A_113 = tpu.memref_squeeze %dma_start3A_112 : memref<1x80x128xf32, #tpu.memory_space<vmem>> -> memref<80x128xf32, #tpu.memory_space<vmem>>
      %dma_start3A_114 = arith.constant 0 : i32
      %dma_start3A_115 = tpu.memref_slice %arg6[%add3A_109, %dma_start3A_114] : memref<38400x128xf32, #tpu.memory_space<hbm>> -> memref<80x128xf32, #tpu.memory_space<hbm>>
      %dma_start3A_116 = arith.constant 0 : i32
      %dma_start3A_117 = tpu.memref_slice %arg6[%add3A_109, %dma_start3A_116] : memref<38400x128xf32, #tpu.memory_space<hbm>> -> memref<80x128xf32, #tpu.memory_space<hbm>>
      %dma_start3A_118 = arith.constant 0 : i32
      %dma_start3A_119 = arith.constant 0 : i32
      %dma_start3A_120 = tpu.memref_slice %arg10[%rem3A_63, %dma_start3A_118, %dma_start3A_119] : memref<2x80x128xf32, #tpu.memory_space<vmem>> -> memref<1x80x128xf32, #tpu.memory_space<vmem>>
      %dma_start3A_121 = tpu.memref_squeeze %dma_start3A_120 : memref<1x80x128xf32, #tpu.memory_space<vmem>> -> memref<80x128xf32, #tpu.memory_space<vmem>>
      tpu.enqueue_dma source(%dma_start3A_121 : memref<80x128xf32, #tpu.memory_space<vmem>>) target(%dma_start3A_117 : memref<80x128xf32, #tpu.memory_space<hbm>>) target_semaphore(%arg13 : memref<!tpu.dma_semaphore, #tpu.memory_space<semaphore_mem>>)
      %ge3A = arith.constant 1 : i32
      %ge3A_122 = arith.cmpi sge, %scan3A_61, %ge3A : i32
      %convert_element_type3A_123 = arith.extui %ge3A_122 : i1 to i32
      %cond3A_124 = arith.constant 0 : i32
      %cond3A_125 = arith.cmpi ne, %convert_element_type3A_123, %cond3A_124 : i32
      scf.if %cond3A_125 {
        %sub3A = arith.constant 1 : i32
        %sub3A_130 = arith.subi %sub3A, %rem3A_63 : i32
        %dma_wait3A_131 = arith.constant 0 : i32
        %dma_wait3A_132 = arith.constant 0 : i32
        %dma_wait3A_133 = tpu.memref_slice %arg9[%sub3A_130, %dma_wait3A_131, %dma_wait3A_132] : memref<2x80x128xf32, #tpu.memory_space<vmem>> -> memref<1x80x128xf32, #tpu.memory_space<vmem>>
        %dma_wait3A_134 = tpu.memref_squeeze %dma_wait3A_133 : memref<1x80x128xf32, #tpu.memory_space<vmem>> -> memref<80x128xf32, #tpu.memory_space<vmem>>
        %dma_wait3A_135 = arith.constant 0 : i32
        %dma_wait3A_136 = arith.constant 0 : i32
        %dma_wait3A_137 = tpu.memref_slice %arg5[%dma_wait3A_135, %dma_wait3A_136] : memref<38400x128xf32, #tpu.memory_space<hbm>> -> memref<80x128xf32, #tpu.memory_space<hbm>>
        %dma_wait3A_138 = arith.constant 0 : i32
        %dma_wait3A_139 = arith.constant 0 : i32
        %dma_wait3A_140 = tpu.memref_slice %arg9[%sub3A_130, %dma_wait3A_138, %dma_wait3A_139] : memref<2x80x128xf32, #tpu.memory_space<vmem>> -> memref<1x80x128xf32, #tpu.memory_space<vmem>>
        %dma_wait3A_141 = tpu.memref_squeeze %dma_wait3A_140 : memref<1x80x128xf32, #tpu.memory_space<vmem>> -> memref<80x128xf32, #tpu.memory_space<vmem>>
        %dma_wait3A_142 = arith.constant 0 : i32
        %dma_wait3A_143 = arith.constant 0 : i32
        %dma_wait3A_144 = tpu.memref_slice %arg5[%dma_wait3A_142, %dma_wait3A_143] : memref<38400x128xf32, #tpu.memory_space<hbm>> -> memref<80x128xf32, #tpu.memory_space<hbm>>
        tpu.wait_dma2 semaphore(%arg13 : memref<!tpu.dma_semaphore, #tpu.memory_space<semaphore_mem>>) src(%dma_wait3A_144 : memref<80x128xf32, #tpu.memory_space<hbm>>) dst(%dma_wait3A_141 : memref<80x128xf32, #tpu.memory_space<vmem>>)
        %sub3A_145 = arith.constant 1 : i32
        %sub3A_146 = arith.subi %sub3A_145, %rem3A_63 : i32
        %dma_wait3A_147 = arith.constant 0 : i32
        %dma_wait3A_148 = arith.constant 0 : i32
        %dma_wait3A_149 = tpu.memref_slice %arg10[%sub3A_146, %dma_wait3A_147, %dma_wait3A_148] : memref<2x80x128xf32, #tpu.memory_space<vmem>> -> memref<1x80x128xf32, #tpu.memory_space<vmem>>
        %dma_wait3A_150 = tpu.memref_squeeze %dma_wait3A_149 : memref<1x80x128xf32, #tpu.memory_space<vmem>> -> memref<80x128xf32, #tpu.memory_space<vmem>>
        %dma_wait3A_151 = arith.constant 0 : i32
        %dma_wait3A_152 = arith.constant 0 : i32
        %dma_wait3A_153 = tpu.memref_slice %arg5[%dma_wait3A_151, %dma_wait3A_152] : memref<38400x128xf32, #tpu.memory_space<hbm>> -> memref<80x128xf32, #tpu.memory_space<hbm>>
        %dma_wait3A_154 = arith.constant 0 : i32
        %dma_wait3A_155 = arith.constant 0 : i32
        %dma_wait3A_156 = tpu.memref_slice %arg10[%sub3A_146, %dma_wait3A_154, %dma_wait3A_155] : memref<2x80x128xf32, #tpu.memory_space<vmem>> -> memref<1x80x128xf32, #tpu.memory_space<vmem>>
        %dma_wait3A_157 = tpu.memref_squeeze %dma_wait3A_156 : memref<1x80x128xf32, #tpu.memory_space<vmem>> -> memref<80x128xf32, #tpu.memory_space<vmem>>
        %dma_wait3A_158 = arith.constant 0 : i32
        %dma_wait3A_159 = arith.constant 0 : i32
        %dma_wait3A_160 = tpu.memref_slice %arg5[%dma_wait3A_158, %dma_wait3A_159] : memref<38400x128xf32, #tpu.memory_space<hbm>> -> memref<80x128xf32, #tpu.memory_space<hbm>>
        tpu.wait_dma2 semaphore(%arg13 : memref<!tpu.dma_semaphore, #tpu.memory_space<semaphore_mem>>) src(%dma_wait3A_160 : memref<80x128xf32, #tpu.memory_space<hbm>>) dst(%dma_wait3A_157 : memref<80x128xf32, #tpu.memory_space<vmem>>)
      } else {
      }
      %lt3A = arith.constant 14 : i32
      %lt3A_126 = arith.cmpi slt, %scan3A_61, %lt3A : i32
      %convert_element_type3A_127 = arith.extui %lt3A_126 : i1 to i32
      %cond3A_128 = arith.constant 0 : i32
      %cond3A_129 = arith.cmpi ne, %convert_element_type3A_127, %cond3A_128 : i32
      scf.if %cond3A_129 {
        %add3A_130 = arith.constant 1 : i32
        %add3A_131 = arith.addi %scan3A_61, %add3A_130 : i32
        %sub3A = arith.constant 1 : i32
        %sub3A_132 = arith.subi %sub3A, %rem3A_63 : i32
        %mul3A_133 = arith.constant 80 : i32
        %mul3A_134 = arith.muli %add3A_131, %mul3A_133 : i32
        %dma_start3A_135 = arith.constant 0 : i32
        %dma_start3A_136 = arith.constant 0 : i32
        %dma_start3A_137 = tpu.memref_slice %arg9[%sub3A_132, %dma_start3A_135, %dma_start3A_136] : memref<2x80x128xf32, #tpu.memory_space<vmem>> -> memref<1x80x128xf32, #tpu.memory_space<vmem>>
        %dma_start3A_138 = tpu.memref_squeeze %dma_start3A_137 : memref<1x80x128xf32, #tpu.memory_space<vmem>> -> memref<80x128xf32, #tpu.memory_space<vmem>>
        %dma_start3A_139 = tpu.memref_slice %arg7[%mul3A_134] : memref<1200xi32, #tpu.memory_space<vmem>> -> memref<80xi32, #tpu.memory_space<vmem>>
        %dma_start3A_140 = arith.constant 0 : i32
        %dma_start3A_141 = arith.constant 0 : i32
        %dma_start3A_142 = tpu.memref_slice %arg11[%dma_start3A_140, %dma_start3A_141] : memref<10000x128xf32, #tpu.memory_space<vmem_shared>> -> memref<10000x128xf32, #tpu.memory_space<vmem_shared>>
        tpu.enqueue_indirect_dma source(%dma_start3A_142 : memref<10000x128xf32, #tpu.memory_space<vmem_shared>>) target(%dma_start3A_138 : memref<80x128xf32, #tpu.memory_space<vmem>>) offsets(%dma_start3A_139 : memref<80xi32, #tpu.memory_space<vmem>>) semaphore(%arg12 : memref<!tpu.dma_semaphore, #tpu.memory_space<semaphore_mem>>)
        %dma_start3A_143 = arith.constant 0 : i32
        %dma_start3A_144 = arith.constant 0 : i32
        %dma_start3A_145 = tpu.memref_slice %arg10[%sub3A_132, %dma_start3A_143, %dma_start3A_144] : memref<2x80x128xf32, #tpu.memory_space<vmem>> -> memref<1x80x128xf32, #tpu.memory_space<vmem>>
        %dma_start3A_146 = tpu.memref_squeeze %dma_start3A_145 : memref<1x80x128xf32, #tpu.memory_space<vmem>> -> memref<80x128xf32, #tpu.memory_space<vmem>>
        %dma_start3A_147 = tpu.memref_slice %arg8[%mul3A_134] : memref<1200xi32, #tpu.memory_space<vmem>> -> memref<80xi32, #tpu.memory_space<vmem>>
        %dma_start3A_148 = arith.constant 0 : i32
        %dma_start3A_149 = arith.constant 0 : i32
        %dma_start3A_150 = tpu.memref_slice %arg11[%dma_start3A_148, %dma_start3A_149] : memref<10000x128xf32, #tpu.memory_space<vmem_shared>> -> memref<10000x128xf32, #tpu.memory_space<vmem_shared>>
        tpu.enqueue_indirect_dma source(%dma_start3A_150 : memref<10000x128xf32, #tpu.memory_space<vmem_shared>>) target(%dma_start3A_146 : memref<80x128xf32, #tpu.memory_space<vmem>>) offsets(%dma_start3A_147 : memref<80xi32, #tpu.memory_space<vmem>>) semaphore(%arg12 : memref<!tpu.dma_semaphore, #tpu.memory_space<semaphore_mem>>)
      } else {
      }
    }
    %scan3A_28 = arith.constant 15 : i32
    %rem3A = arith.constant 14 : i32
    %rem3A_29 = arith.constant 2 : i32
    %rem3A_30 = arith.remsi %rem3A, %rem3A_29 : i32
    %dma_wait3A = arith.constant 0 : i32
    %dma_wait3A_31 = arith.constant 0 : i32
    %dma_wait3A_32 = tpu.memref_slice %arg9[%rem3A_30, %dma_wait3A, %dma_wait3A_31] : memref<2x80x128xf32, #tpu.memory_space<vmem>> -> memref<1x80x128xf32, #tpu.memory_space<vmem>>
    %dma_wait3A_33 = tpu.memref_squeeze %dma_wait3A_32 : memref<1x80x128xf32, #tpu.memory_space<vmem>> -> memref<80x128xf32, #tpu.memory_space<vmem>>
    %dma_wait3A_34 = arith.constant 0 : i32
    %dma_wait3A_35 = arith.constant 0 : i32
    %dma_wait3A_36 = tpu.memref_slice %arg5[%dma_wait3A_34, %dma_wait3A_35] : memref<38400x128xf32, #tpu.memory_space<hbm>> -> memref<80x128xf32, #tpu.memory_space<hbm>>
    %dma_wait3A_37 = arith.constant 0 : i32
    %dma_wait3A_38 = arith.constant 0 : i32
    %dma_wait3A_39 = tpu.memref_slice %arg9[%rem3A_30, %dma_wait3A_37, %dma_wait3A_38] : memref<2x80x128xf32, #tpu.memory_space<vmem>> -> memref<1x80x128xf32, #tpu.memory_space<vmem>>
    %dma_wait3A_40 = tpu.memref_squeeze %dma_wait3A_39 : memref<1x80x128xf32, #tpu.memory_space<vmem>> -> memref<80x128xf32, #tpu.memory_space<vmem>>
    %dma_wait3A_41 = arith.constant 0 : i32
    %dma_wait3A_42 = arith.constant 0 : i32
    %dma_wait3A_43 = tpu.memref_slice %arg5[%dma_wait3A_41, %dma_wait3A_42] : memref<38400x128xf32, #tpu.memory_space<hbm>> -> memref<80x128xf32, #tpu.memory_space<hbm>>
    tpu.wait_dma2 semaphore(%arg13 : memref<!tpu.dma_semaphore, #tpu.memory_space<semaphore_mem>>) src(%dma_wait3A_43 : memref<80x128xf32, #tpu.memory_space<hbm>>) dst(%dma_wait3A_40 : memref<80x128xf32, #tpu.memory_space<vmem>>)
    %rem3A_44 = arith.constant 14 : i32
    %rem3A_45 = arith.constant 2 : i32
    %rem3A_46 = arith.remsi %rem3A_44, %rem3A_45 : i32
    %dma_wait3A_47 = arith.constant 0 : i32
    %dma_wait3A_48 = arith.constant 0 : i32
    %dma_wait3A_49 = tpu.memref_slice %arg10[%rem3A_46, %dma_wait3A_47, %dma_wait3A_48] : memref<2x80x128xf32, #tpu.memory_space<vmem>> -> memref<1x80x128xf32, #tpu.memory_space<vmem>>
    %dma_wait3A_50 = tpu.memref_squeeze %dma_wait3A_49 : memref<1x80x128xf32, #tpu.memory_space<vmem>> -> memref<80x128xf32, #tpu.memory_space<vmem>>
    %dma_wait3A_51 = arith.constant 0 : i32
    %dma_wait3A_52 = arith.constant 0 : i32
    %dma_wait3A_53 = tpu.memref_slice %arg5[%dma_wait3A_51, %dma_wait3A_52] : memref<38400x128xf32, #tpu.memory_space<hbm>> -> memref<80x128xf32, #tpu.memory_space<hbm>>
    %dma_wait3A_54 = arith.constant 0 : i32
    %dma_wait3A_55 = arith.constant 0 : i32
    %dma_wait3A_56 = tpu.memref_slice %arg10[%rem3A_46, %dma_wait3A_54, %dma_wait3A_55] : memref<2x80x128xf32, #tpu.memory_space<vmem>> -> memref<1x80x128xf32, #tpu.memory_space<vmem>>
    %dma_wait3A_57 = tpu.memref_squeeze %dma_wait3A_56 : memref<1x80x128xf32, #tpu.memory_space<vmem>> -> memref<80x128xf32, #tpu.memory_space<vmem>>
    %dma_wait3A_58 = arith.constant 0 : i32
    %dma_wait3A_59 = arith.constant 0 : i32
    %dma_wait3A_60 = tpu.memref_slice %arg5[%dma_wait3A_58, %dma_wait3A_59] : memref<38400x128xf32, #tpu.memory_space<hbm>> -> memref<80x128xf32, #tpu.memory_space<hbm>>
    tpu.wait_dma2 semaphore(%arg13 : memref<!tpu.dma_semaphore, #tpu.memory_space<semaphore_mem>>) src(%dma_wait3A_60 : memref<80x128xf32, #tpu.memory_space<hbm>>) dst(%dma_wait3A_57 : memref<80x128xf32, #tpu.memory_space<vmem>>)
    return
  }
}

#map = affine_map<(d0, d1) -> (0, 0)>
#map1 = affine_map<(d0, d1) -> (0, 0, 0)>
module attributes {stable_mosaic.version = 14 : i64} {
  func.func @k(%arg0: i32, %arg1: i32, %arg2: memref<51200x128xf32, #tpu.memory_space<hbm>>, %arg3: memref<32x20x80xi32, #tpu.memory_space<hbm>>, %arg4: memref<2x10000x128xf32, #tpu.memory_space<hbm>>, %arg5: memref<2x10000x128xf32, #tpu.memory_space<hbm>>, %arg6: memref<20x80xi32, #tpu.memory_space<vmem>>, %arg7: memref<2x80x128xf32, #tpu.memory_space<vmem>>, %arg8: memref<10000x128xf32, #tpu.memory_space<vmem_shared>>, %arg9: memref<!tpu.dma_semaphore, #tpu.memory_space<semaphore_mem>>, %arg10: memref<!tpu.dma_semaphore, #tpu.memory_space<semaphore_mem>>) attributes {dimension_semantics = [#tpu.dimension_semantics<core_parallel>, #tpu.dimension_semantics<subcore_parallel>], iteration_bounds = array<i64: 2, 16>, scalar_prefetch = 0 : i64, scratch_operands = 5 : i64, tpu.core_type = #tpu.core_type<sc_vector_subcore>, window_params = [{transform_indices = #map}, {transform_indices = #map1}, {transform_indices = #map1}, {transform_indices = #map1}]} {
    %mul3A = arith.constant 2 : i32
    %mul3A_0 = arith.muli %arg1, %mul3A : i32
    %add3A = arith.addi %mul3A_0, %arg0 : i32
    %eq3A = arith.constant 0 : i32
    %eq3A_1 = arith.cmpi eq, %arg1, %eq3A : i32
    %convert_element_type3A = arith.extui %eq3A_1 : i1 to i32
    %cond3A = arith.constant 0 : i32
    %cond3A_2 = arith.cmpi ne, %convert_element_type3A, %cond3A : i32
    scf.if %cond3A_2 {
      "tpu.region"() ({
        %run_scoped3A = tpu.sem_alloc : memref<!tpu.dma_semaphore, #tpu.memory_space<semaphore_mem>>
        %dma_start3A_43 = arith.constant 0 : i32
        %dma_start3A_44 = arith.constant 0 : i32
        %dma_start3A_45 = tpu.memref_slice %arg4[%arg0, %dma_start3A_43, %dma_start3A_44] : memref<2x10000x128xf32, #tpu.memory_space<hbm>> -> memref<1x10000x128xf32, #tpu.memory_space<hbm>>
        %dma_start3A_46 = tpu.memref_squeeze %dma_start3A_45 : memref<1x10000x128xf32, #tpu.memory_space<hbm>> -> memref<10000x128xf32, #tpu.memory_space<hbm>>
        tpu.enqueue_dma source(%dma_start3A_46 : memref<10000x128xf32, #tpu.memory_space<hbm>>) target(%arg8 : memref<10000x128xf32, #tpu.memory_space<vmem_shared>>) target_semaphore(%run_scoped3A : memref<!tpu.dma_semaphore, #tpu.memory_space<semaphore_mem>>)
        %dma_wait3A_47 = arith.constant 0 : i32
        %dma_wait3A_48 = arith.constant 0 : i32
        %dma_wait3A_49 = tpu.memref_slice %arg4[%arg0, %dma_wait3A_47, %dma_wait3A_48] : memref<2x10000x128xf32, #tpu.memory_space<hbm>> -> memref<1x10000x128xf32, #tpu.memory_space<hbm>>
        %dma_wait3A_50 = tpu.memref_squeeze %dma_wait3A_49 : memref<1x10000x128xf32, #tpu.memory_space<hbm>> -> memref<10000x128xf32, #tpu.memory_space<hbm>>
        tpu.wait_dma2 semaphore(%run_scoped3A : memref<!tpu.dma_semaphore, #tpu.memory_space<semaphore_mem>>) src(%dma_wait3A_50 : memref<10000x128xf32, #tpu.memory_space<hbm>>) dst(%arg8 : memref<10000x128xf32, #tpu.memory_space<vmem_shared>>)
        tpu.yield
      }) : () -> ()
    } else {
    }
    "tpu.region"() ({
      %run_scoped3A = tpu.sem_alloc : memref<!tpu.dma_semaphore, #tpu.memory_space<semaphore_mem>>
      %dma_start3A_43 = arith.constant 0 : i32
      %dma_start3A_44 = arith.constant 0 : i32
      %dma_start3A_45 = tpu.memref_slice %arg3[%add3A, %dma_start3A_43, %dma_start3A_44] : memref<32x20x80xi32, #tpu.memory_space<hbm>> -> memref<1x20x80xi32, #tpu.memory_space<hbm>>
      %dma_start3A_46 = tpu.memref_squeeze %dma_start3A_45 : memref<1x20x80xi32, #tpu.memory_space<hbm>> -> memref<20x80xi32, #tpu.memory_space<hbm>>
      %dma_start3A_47 = arith.constant 0 : i32
      %dma_start3A_48 = arith.constant 0 : i32
      %dma_start3A_49 = tpu.memref_slice %arg3[%add3A, %dma_start3A_47, %dma_start3A_48] : memref<32x20x80xi32, #tpu.memory_space<hbm>> -> memref<1x20x80xi32, #tpu.memory_space<hbm>>
      %dma_start3A_50 = tpu.memref_squeeze %dma_start3A_49 : memref<1x20x80xi32, #tpu.memory_space<hbm>> -> memref<20x80xi32, #tpu.memory_space<hbm>>
      tpu.enqueue_dma source(%dma_start3A_50 : memref<20x80xi32, #tpu.memory_space<hbm>>) target(%arg6 : memref<20x80xi32, #tpu.memory_space<vmem>>) target_semaphore(%run_scoped3A : memref<!tpu.dma_semaphore, #tpu.memory_space<semaphore_mem>>)
      %dma_wait3A_51 = arith.constant 0 : i32
      %dma_wait3A_52 = arith.constant 0 : i32
      %dma_wait3A_53 = tpu.memref_slice %arg3[%add3A, %dma_wait3A_51, %dma_wait3A_52] : memref<32x20x80xi32, #tpu.memory_space<hbm>> -> memref<1x20x80xi32, #tpu.memory_space<hbm>>
      %dma_wait3A_54 = tpu.memref_squeeze %dma_wait3A_53 : memref<1x20x80xi32, #tpu.memory_space<hbm>> -> memref<20x80xi32, #tpu.memory_space<hbm>>
      %dma_wait3A_55 = arith.constant 0 : i32
      %dma_wait3A_56 = arith.constant 0 : i32
      %dma_wait3A_57 = tpu.memref_slice %arg3[%add3A, %dma_wait3A_55, %dma_wait3A_56] : memref<32x20x80xi32, #tpu.memory_space<hbm>> -> memref<1x20x80xi32, #tpu.memory_space<hbm>>
      %dma_wait3A_58 = tpu.memref_squeeze %dma_wait3A_57 : memref<1x20x80xi32, #tpu.memory_space<hbm>> -> memref<20x80xi32, #tpu.memory_space<hbm>>
      tpu.wait_dma2 semaphore(%run_scoped3A : memref<!tpu.dma_semaphore, #tpu.memory_space<semaphore_mem>>) src(%dma_wait3A_58 : memref<20x80xi32, #tpu.memory_space<hbm>>) dst(%arg6 : memref<20x80xi32, #tpu.memory_space<vmem>>)
      tpu.yield
    }) : () -> ()
    %barrier3A = arith.constant 0 : index
    tpu.barrier barrier_id(%barrier3A)
    %mul3A_3 = arith.constant 1600 : i32
    %mul3A_4 = arith.muli %add3A, %mul3A_3 : i32
    %dma_start3A = arith.constant 0 : i32
    %dma_start3A_5 = arith.constant 0 : i32
    %dma_start3A_6 = arith.constant 0 : i32
    %dma_start3A_7 = tpu.memref_slice %arg7[%dma_start3A, %dma_start3A_5, %dma_start3A_6] : memref<2x80x128xf32, #tpu.memory_space<vmem>> -> memref<1x80x128xf32, #tpu.memory_space<vmem>>
    %dma_start3A_8 = tpu.memref_squeeze %dma_start3A_7 : memref<1x80x128xf32, #tpu.memory_space<vmem>> -> memref<80x128xf32, #tpu.memory_space<vmem>>
    %dma_start3A_9 = arith.constant 0 : i32
    %dma_start3A_10 = tpu.memref_slice %arg2[%mul3A_4, %dma_start3A_9] : memref<51200x128xf32, #tpu.memory_space<hbm>> -> memref<80x128xf32, #tpu.memory_space<hbm>>
    %dma_start3A_11 = arith.constant 0 : i32
    %dma_start3A_12 = arith.constant 0 : i32
    %dma_start3A_13 = tpu.memref_slice %arg7[%dma_start3A, %dma_start3A_11, %dma_start3A_12] : memref<2x80x128xf32, #tpu.memory_space<vmem>> -> memref<1x80x128xf32, #tpu.memory_space<vmem>>
    %dma_start3A_14 = tpu.memref_squeeze %dma_start3A_13 : memref<1x80x128xf32, #tpu.memory_space<vmem>> -> memref<80x128xf32, #tpu.memory_space<vmem>>
    %dma_start3A_15 = arith.constant 0 : i32
    %dma_start3A_16 = tpu.memref_slice %arg2[%mul3A_4, %dma_start3A_15] : memref<51200x128xf32, #tpu.memory_space<hbm>> -> memref<80x128xf32, #tpu.memory_space<hbm>>
    tpu.enqueue_dma source(%dma_start3A_16 : memref<80x128xf32, #tpu.memory_space<hbm>>) target(%dma_start3A_14 : memref<80x128xf32, #tpu.memory_space<vmem>>) target_semaphore(%arg9 : memref<!tpu.dma_semaphore, #tpu.memory_space<semaphore_mem>>)
    %scan3A = arith.constant 0 : i32
    %scan3A_17 = arith.constant 0 : i32
    %scan3A_18 = arith.constant 20 : i32
    %scan3A_19 = arith.addi %scan3A_17, %scan3A_18 : i32
    %scan3A_20 = arith.constant 1 : i32
    scf.for %scan3A_43 = %scan3A_17 to %scan3A_19 step %scan3A_20  : i32 {
      %rem3A_44 = arith.constant 2 : i32
      %rem3A_45 = arith.remsi %scan3A_43, %rem3A_44 : i32
      %dma_wait3A_46 = arith.constant 0 : i32
      %dma_wait3A_47 = arith.constant 0 : i32
      %dma_wait3A_48 = tpu.memref_slice %arg7[%rem3A_45, %dma_wait3A_46, %dma_wait3A_47] : memref<2x80x128xf32, #tpu.memory_space<vmem>> -> memref<1x80x128xf32, #tpu.memory_space<vmem>>
      %dma_wait3A_49 = tpu.memref_squeeze %dma_wait3A_48 : memref<1x80x128xf32, #tpu.memory_space<vmem>> -> memref<80x128xf32, #tpu.memory_space<vmem>>
      %dma_wait3A_50 = arith.constant 0 : i32
      %dma_wait3A_51 = arith.constant 0 : i32
      %dma_wait3A_52 = tpu.memref_slice %arg2[%dma_wait3A_50, %dma_wait3A_51] : memref<51200x128xf32, #tpu.memory_space<hbm>> -> memref<80x128xf32, #tpu.memory_space<hbm>>
      %dma_wait3A_53 = arith.constant 0 : i32
      %dma_wait3A_54 = arith.constant 0 : i32
      %dma_wait3A_55 = tpu.memref_slice %arg7[%rem3A_45, %dma_wait3A_53, %dma_wait3A_54] : memref<2x80x128xf32, #tpu.memory_space<vmem>> -> memref<1x80x128xf32, #tpu.memory_space<vmem>>
      %dma_wait3A_56 = tpu.memref_squeeze %dma_wait3A_55 : memref<1x80x128xf32, #tpu.memory_space<vmem>> -> memref<80x128xf32, #tpu.memory_space<vmem>>
      %dma_wait3A_57 = arith.constant 0 : i32
      %dma_wait3A_58 = arith.constant 0 : i32
      %dma_wait3A_59 = tpu.memref_slice %arg2[%dma_wait3A_57, %dma_wait3A_58] : memref<51200x128xf32, #tpu.memory_space<hbm>> -> memref<80x128xf32, #tpu.memory_space<hbm>>
      tpu.wait_dma2 semaphore(%arg9 : memref<!tpu.dma_semaphore, #tpu.memory_space<semaphore_mem>>) src(%dma_wait3A_59 : memref<80x128xf32, #tpu.memory_space<hbm>>) dst(%dma_wait3A_56 : memref<80x128xf32, #tpu.memory_space<vmem>>)
      %dma_start3A_60 = arith.constant 0 : i32
      %dma_start3A_61 = arith.constant 0 : i32
      %dma_start3A_62 = tpu.memref_slice %arg7[%rem3A_45, %dma_start3A_60, %dma_start3A_61] : memref<2x80x128xf32, #tpu.memory_space<vmem>> -> memref<1x80x128xf32, #tpu.memory_space<vmem>>
      %dma_start3A_63 = tpu.memref_squeeze %dma_start3A_62 : memref<1x80x128xf32, #tpu.memory_space<vmem>> -> memref<80x128xf32, #tpu.memory_space<vmem>>
      %dma_start3A_64 = arith.constant 0 : i32
      %dma_start3A_65 = tpu.memref_slice %arg6[%scan3A_43, %dma_start3A_64] : memref<20x80xi32, #tpu.memory_space<vmem>> -> memref<1x80xi32, #tpu.memory_space<vmem>>
      %dma_start3A_66 = tpu.memref_squeeze %dma_start3A_65 : memref<1x80xi32, #tpu.memory_space<vmem>> -> memref<80xi32, #tpu.memory_space<vmem>>
      %dma_start3A_67 = arith.constant 0 : i32
      %dma_start3A_68 = arith.constant 0 : i32
      %dma_start3A_69 = tpu.memref_slice %arg8[%dma_start3A_67, %dma_start3A_68] : memref<10000x128xf32, #tpu.memory_space<vmem_shared>> -> memref<10000x128xf32, #tpu.memory_space<vmem_shared>>
      tpu.enqueue_indirect_dma source(%dma_start3A_63 : memref<80x128xf32, #tpu.memory_space<vmem>>) target(%dma_start3A_69 : memref<10000x128xf32, #tpu.memory_space<vmem_shared>>) offsets(%dma_start3A_66 : memref<80xi32, #tpu.memory_space<vmem>>) semaphore(%arg10 : memref<!tpu.dma_semaphore, #tpu.memory_space<semaphore_mem>>) {add = true}
      %ge3A = arith.constant 1 : i32
      %ge3A_70 = arith.cmpi sge, %scan3A_43, %ge3A : i32
      %convert_element_type3A_71 = arith.extui %ge3A_70 : i1 to i32
      %cond3A_72 = arith.constant 0 : i32
      %cond3A_73 = arith.cmpi ne, %convert_element_type3A_71, %cond3A_72 : i32
      scf.if %cond3A_73 {
        %sub3A = arith.constant 1 : i32
        %sub3A_78 = arith.subi %sub3A, %rem3A_45 : i32
        %dma_wait3A_79 = arith.constant 0 : i32
        %dma_wait3A_80 = arith.constant 0 : i32
        %dma_wait3A_81 = tpu.memref_slice %arg7[%sub3A_78, %dma_wait3A_79, %dma_wait3A_80] : memref<2x80x128xf32, #tpu.memory_space<vmem>> -> memref<1x80x128xf32, #tpu.memory_space<vmem>>
        %dma_wait3A_82 = tpu.memref_squeeze %dma_wait3A_81 : memref<1x80x128xf32, #tpu.memory_space<vmem>> -> memref<80x128xf32, #tpu.memory_space<vmem>>
        %dma_wait3A_83 = arith.constant 0 : i32
        %dma_wait3A_84 = arith.constant 0 : i32
        %dma_wait3A_85 = tpu.memref_slice %arg2[%dma_wait3A_83, %dma_wait3A_84] : memref<51200x128xf32, #tpu.memory_space<hbm>> -> memref<80x128xf32, #tpu.memory_space<hbm>>
        %dma_wait3A_86 = arith.constant 0 : i32
        %dma_wait3A_87 = arith.constant 0 : i32
        %dma_wait3A_88 = tpu.memref_slice %arg7[%sub3A_78, %dma_wait3A_86, %dma_wait3A_87] : memref<2x80x128xf32, #tpu.memory_space<vmem>> -> memref<1x80x128xf32, #tpu.memory_space<vmem>>
        %dma_wait3A_89 = tpu.memref_squeeze %dma_wait3A_88 : memref<1x80x128xf32, #tpu.memory_space<vmem>> -> memref<80x128xf32, #tpu.memory_space<vmem>>
        %dma_wait3A_90 = arith.constant 0 : i32
        %dma_wait3A_91 = arith.constant 0 : i32
        %dma_wait3A_92 = tpu.memref_slice %arg2[%dma_wait3A_90, %dma_wait3A_91] : memref<51200x128xf32, #tpu.memory_space<hbm>> -> memref<80x128xf32, #tpu.memory_space<hbm>>
        tpu.wait_dma2 semaphore(%arg10 : memref<!tpu.dma_semaphore, #tpu.memory_space<semaphore_mem>>) src(%dma_wait3A_92 : memref<80x128xf32, #tpu.memory_space<hbm>>) dst(%dma_wait3A_89 : memref<80x128xf32, #tpu.memory_space<vmem>>)
      } else {
      }
      %lt3A = arith.constant 19 : i32
      %lt3A_74 = arith.cmpi slt, %scan3A_43, %lt3A : i32
      %convert_element_type3A_75 = arith.extui %lt3A_74 : i1 to i32
      %cond3A_76 = arith.constant 0 : i32
      %cond3A_77 = arith.cmpi ne, %convert_element_type3A_75, %cond3A_76 : i32
      scf.if %cond3A_77 {
        %add3A_78 = arith.constant 1 : i32
        %add3A_79 = arith.addi %scan3A_43, %add3A_78 : i32
        %mul3A_80 = arith.constant 80 : i32
        %mul3A_81 = arith.muli %add3A_79, %mul3A_80 : i32
        %add3A_82 = arith.addi %mul3A_4, %mul3A_81 : i32
        %sub3A = arith.constant 1 : i32
        %sub3A_83 = arith.subi %sub3A, %rem3A_45 : i32
        %dma_start3A_84 = arith.constant 0 : i32
        %dma_start3A_85 = arith.constant 0 : i32
        %dma_start3A_86 = tpu.memref_slice %arg7[%sub3A_83, %dma_start3A_84, %dma_start3A_85] : memref<2x80x128xf32, #tpu.memory_space<vmem>> -> memref<1x80x128xf32, #tpu.memory_space<vmem>>
        %dma_start3A_87 = tpu.memref_squeeze %dma_start3A_86 : memref<1x80x128xf32, #tpu.memory_space<vmem>> -> memref<80x128xf32, #tpu.memory_space<vmem>>
        %dma_start3A_88 = arith.constant 0 : i32
        %dma_start3A_89 = tpu.memref_slice %arg2[%add3A_82, %dma_start3A_88] : memref<51200x128xf32, #tpu.memory_space<hbm>> -> memref<80x128xf32, #tpu.memory_space<hbm>>
        %dma_start3A_90 = arith.constant 0 : i32
        %dma_start3A_91 = arith.constant 0 : i32
        %dma_start3A_92 = tpu.memref_slice %arg7[%sub3A_83, %dma_start3A_90, %dma_start3A_91] : memref<2x80x128xf32, #tpu.memory_space<vmem>> -> memref<1x80x128xf32, #tpu.memory_space<vmem>>
        %dma_start3A_93 = tpu.memref_squeeze %dma_start3A_92 : memref<1x80x128xf32, #tpu.memory_space<vmem>> -> memref<80x128xf32, #tpu.memory_space<vmem>>
        %dma_start3A_94 = arith.constant 0 : i32
        %dma_start3A_95 = tpu.memref_slice %arg2[%add3A_82, %dma_start3A_94] : memref<51200x128xf32, #tpu.memory_space<hbm>> -> memref<80x128xf32, #tpu.memory_space<hbm>>
        tpu.enqueue_dma source(%dma_start3A_95 : memref<80x128xf32, #tpu.memory_space<hbm>>) target(%dma_start3A_93 : memref<80x128xf32, #tpu.memory_space<vmem>>) target_semaphore(%arg9 : memref<!tpu.dma_semaphore, #tpu.memory_space<semaphore_mem>>)
      } else {
      }
    }
    %scan3A_21 = arith.constant 20 : i32
    %rem3A = arith.constant 19 : i32
    %rem3A_22 = arith.constant 2 : i32
    %rem3A_23 = arith.remsi %rem3A, %rem3A_22 : i32
    %dma_wait3A = arith.constant 0 : i32
    %dma_wait3A_24 = arith.constant 0 : i32
    %dma_wait3A_25 = tpu.memref_slice %arg7[%rem3A_23, %dma_wait3A, %dma_wait3A_24] : memref<2x80x128xf32, #tpu.memory_space<vmem>> -> memref<1x80x128xf32, #tpu.memory_space<vmem>>
    %dma_wait3A_26 = tpu.memref_squeeze %dma_wait3A_25 : memref<1x80x128xf32, #tpu.memory_space<vmem>> -> memref<80x128xf32, #tpu.memory_space<vmem>>
    %dma_wait3A_27 = arith.constant 0 : i32
    %dma_wait3A_28 = arith.constant 0 : i32
    %dma_wait3A_29 = tpu.memref_slice %arg2[%dma_wait3A_27, %dma_wait3A_28] : memref<51200x128xf32, #tpu.memory_space<hbm>> -> memref<80x128xf32, #tpu.memory_space<hbm>>
    %dma_wait3A_30 = arith.constant 0 : i32
    %dma_wait3A_31 = arith.constant 0 : i32
    %dma_wait3A_32 = tpu.memref_slice %arg7[%rem3A_23, %dma_wait3A_30, %dma_wait3A_31] : memref<2x80x128xf32, #tpu.memory_space<vmem>> -> memref<1x80x128xf32, #tpu.memory_space<vmem>>
    %dma_wait3A_33 = tpu.memref_squeeze %dma_wait3A_32 : memref<1x80x128xf32, #tpu.memory_space<vmem>> -> memref<80x128xf32, #tpu.memory_space<vmem>>
    %dma_wait3A_34 = arith.constant 0 : i32
    %dma_wait3A_35 = arith.constant 0 : i32
    %dma_wait3A_36 = tpu.memref_slice %arg2[%dma_wait3A_34, %dma_wait3A_35] : memref<51200x128xf32, #tpu.memory_space<hbm>> -> memref<80x128xf32, #tpu.memory_space<hbm>>
    tpu.wait_dma2 semaphore(%arg10 : memref<!tpu.dma_semaphore, #tpu.memory_space<semaphore_mem>>) src(%dma_wait3A_36 : memref<80x128xf32, #tpu.memory_space<hbm>>) dst(%dma_wait3A_33 : memref<80x128xf32, #tpu.memory_space<vmem>>)
    %barrier3A_37 = arith.constant 0 : index
    tpu.barrier barrier_id(%barrier3A_37)
    %eq3A_38 = arith.constant 0 : i32
    %eq3A_39 = arith.cmpi eq, %arg1, %eq3A_38 : i32
    %convert_element_type3A_40 = arith.extui %eq3A_39 : i1 to i32
    %cond3A_41 = arith.constant 0 : i32
    %cond3A_42 = arith.cmpi ne, %convert_element_type3A_40, %cond3A_41 : i32
    scf.if %cond3A_42 {
      "tpu.region"() ({
        %run_scoped3A = tpu.sem_alloc : memref<!tpu.dma_semaphore, #tpu.memory_space<semaphore_mem>>
        %dma_start3A_43 = arith.constant 0 : i32
        %dma_start3A_44 = arith.constant 0 : i32
        %dma_start3A_45 = tpu.memref_slice %arg5[%arg0, %dma_start3A_43, %dma_start3A_44] : memref<2x10000x128xf32, #tpu.memory_space<hbm>> -> memref<1x10000x128xf32, #tpu.memory_space<hbm>>
        %dma_start3A_46 = tpu.memref_squeeze %dma_start3A_45 : memref<1x10000x128xf32, #tpu.memory_space<hbm>> -> memref<10000x128xf32, #tpu.memory_space<hbm>>
        tpu.enqueue_dma source(%arg8 : memref<10000x128xf32, #tpu.memory_space<vmem_shared>>) target(%dma_start3A_46 : memref<10000x128xf32, #tpu.memory_space<hbm>>) target_semaphore(%run_scoped3A : memref<!tpu.dma_semaphore, #tpu.memory_space<semaphore_mem>>)
        %dma_wait3A_47 = arith.constant 0 : i32
        %dma_wait3A_48 = arith.constant 0 : i32
        %dma_wait3A_49 = tpu.memref_slice %arg5[%arg0, %dma_wait3A_47, %dma_wait3A_48] : memref<2x10000x128xf32, #tpu.memory_space<hbm>> -> memref<1x10000x128xf32, #tpu.memory_space<hbm>>
        %dma_wait3A_50 = tpu.memref_squeeze %dma_wait3A_49 : memref<1x10000x128xf32, #tpu.memory_space<hbm>> -> memref<10000x128xf32, #tpu.memory_space<hbm>>
        tpu.wait_dma2 semaphore(%run_scoped3A : memref<!tpu.dma_semaphore, #tpu.memory_space<semaphore_mem>>) src(%arg8 : memref<10000x128xf32, #tpu.memory_space<vmem_shared>>) dst(%dma_wait3A_50 : memref<10000x128xf32, #tpu.memory_space<hbm>>)
        tpu.yield
      }) : () -> ()
    } else {
    }
    return
  }
}

#map = affine_map<(d0, d1) -> (0, 0)>
#map1 = affine_map<(d0, d1) -> (0, 0, 0)>
module attributes {stable_mosaic.version = 14 : i64} {
  func.func @k(%arg0: i32, %arg1: i32, %arg2: memref<89600x128xf32, #tpu.memory_space<hbm>>, %arg3: memref<32x35x80xi32, #tpu.memory_space<hbm>>, %arg4: memref<2x10000x128xf32, #tpu.memory_space<hbm>>, %arg5: memref<2x10000x128xf32, #tpu.memory_space<hbm>>, %arg6: memref<35x80xi32, #tpu.memory_space<vmem>>, %arg7: memref<2x80x128xf32, #tpu.memory_space<vmem>>, %arg8: memref<10000x128xf32, #tpu.memory_space<vmem_shared>>, %arg9: memref<!tpu.dma_semaphore, #tpu.memory_space<semaphore_mem>>, %arg10: memref<!tpu.dma_semaphore, #tpu.memory_space<semaphore_mem>>) attributes {dimension_semantics = [#tpu.dimension_semantics<core_parallel>, #tpu.dimension_semantics<subcore_parallel>], iteration_bounds = array<i64: 2, 16>, scalar_prefetch = 0 : i64, scratch_operands = 5 : i64, tpu.core_type = #tpu.core_type<sc_vector_subcore>, window_params = [{transform_indices = #map}, {transform_indices = #map1}, {transform_indices = #map1}, {transform_indices = #map1}]} {
    %mul3A = arith.constant 2 : i32
    %mul3A_0 = arith.muli %arg1, %mul3A : i32
    %add3A = arith.addi %mul3A_0, %arg0 : i32
    %eq3A = arith.constant 0 : i32
    %eq3A_1 = arith.cmpi eq, %arg1, %eq3A : i32
    %convert_element_type3A = arith.extui %eq3A_1 : i1 to i32
    %cond3A = arith.constant 0 : i32
    %cond3A_2 = arith.cmpi ne, %convert_element_type3A, %cond3A : i32
    scf.if %cond3A_2 {
      "tpu.region"() ({
        %run_scoped3A = tpu.sem_alloc : memref<!tpu.dma_semaphore, #tpu.memory_space<semaphore_mem>>
        %dma_start3A_43 = arith.constant 0 : i32
        %dma_start3A_44 = arith.constant 0 : i32
        %dma_start3A_45 = tpu.memref_slice %arg4[%arg0, %dma_start3A_43, %dma_start3A_44] : memref<2x10000x128xf32, #tpu.memory_space<hbm>> -> memref<1x10000x128xf32, #tpu.memory_space<hbm>>
        %dma_start3A_46 = tpu.memref_squeeze %dma_start3A_45 : memref<1x10000x128xf32, #tpu.memory_space<hbm>> -> memref<10000x128xf32, #tpu.memory_space<hbm>>
        tpu.enqueue_dma source(%dma_start3A_46 : memref<10000x128xf32, #tpu.memory_space<hbm>>) target(%arg8 : memref<10000x128xf32, #tpu.memory_space<vmem_shared>>) target_semaphore(%run_scoped3A : memref<!tpu.dma_semaphore, #tpu.memory_space<semaphore_mem>>)
        %dma_wait3A_47 = arith.constant 0 : i32
        %dma_wait3A_48 = arith.constant 0 : i32
        %dma_wait3A_49 = tpu.memref_slice %arg4[%arg0, %dma_wait3A_47, %dma_wait3A_48] : memref<2x10000x128xf32, #tpu.memory_space<hbm>> -> memref<1x10000x128xf32, #tpu.memory_space<hbm>>
        %dma_wait3A_50 = tpu.memref_squeeze %dma_wait3A_49 : memref<1x10000x128xf32, #tpu.memory_space<hbm>> -> memref<10000x128xf32, #tpu.memory_space<hbm>>
        tpu.wait_dma2 semaphore(%run_scoped3A : memref<!tpu.dma_semaphore, #tpu.memory_space<semaphore_mem>>) src(%dma_wait3A_50 : memref<10000x128xf32, #tpu.memory_space<hbm>>) dst(%arg8 : memref<10000x128xf32, #tpu.memory_space<vmem_shared>>)
        tpu.yield
      }) : () -> ()
    } else {
    }
    "tpu.region"() ({
      %run_scoped3A = tpu.sem_alloc : memref<!tpu.dma_semaphore, #tpu.memory_space<semaphore_mem>>
      %dma_start3A_43 = arith.constant 0 : i32
      %dma_start3A_44 = arith.constant 0 : i32
      %dma_start3A_45 = tpu.memref_slice %arg3[%add3A, %dma_start3A_43, %dma_start3A_44] : memref<32x35x80xi32, #tpu.memory_space<hbm>> -> memref<1x35x80xi32, #tpu.memory_space<hbm>>
      %dma_start3A_46 = tpu.memref_squeeze %dma_start3A_45 : memref<1x35x80xi32, #tpu.memory_space<hbm>> -> memref<35x80xi32, #tpu.memory_space<hbm>>
      %dma_start3A_47 = arith.constant 0 : i32
      %dma_start3A_48 = arith.constant 0 : i32
      %dma_start3A_49 = tpu.memref_slice %arg3[%add3A, %dma_start3A_47, %dma_start3A_48] : memref<32x35x80xi32, #tpu.memory_space<hbm>> -> memref<1x35x80xi32, #tpu.memory_space<hbm>>
      %dma_start3A_50 = tpu.memref_squeeze %dma_start3A_49 : memref<1x35x80xi32, #tpu.memory_space<hbm>> -> memref<35x80xi32, #tpu.memory_space<hbm>>
      tpu.enqueue_dma source(%dma_start3A_50 : memref<35x80xi32, #tpu.memory_space<hbm>>) target(%arg6 : memref<35x80xi32, #tpu.memory_space<vmem>>) target_semaphore(%run_scoped3A : memref<!tpu.dma_semaphore, #tpu.memory_space<semaphore_mem>>)
      %dma_wait3A_51 = arith.constant 0 : i32
      %dma_wait3A_52 = arith.constant 0 : i32
      %dma_wait3A_53 = tpu.memref_slice %arg3[%add3A, %dma_wait3A_51, %dma_wait3A_52] : memref<32x35x80xi32, #tpu.memory_space<hbm>> -> memref<1x35x80xi32, #tpu.memory_space<hbm>>
      %dma_wait3A_54 = tpu.memref_squeeze %dma_wait3A_53 : memref<1x35x80xi32, #tpu.memory_space<hbm>> -> memref<35x80xi32, #tpu.memory_space<hbm>>
      %dma_wait3A_55 = arith.constant 0 : i32
      %dma_wait3A_56 = arith.constant 0 : i32
      %dma_wait3A_57 = tpu.memref_slice %arg3[%add3A, %dma_wait3A_55, %dma_wait3A_56] : memref<32x35x80xi32, #tpu.memory_space<hbm>> -> memref<1x35x80xi32, #tpu.memory_space<hbm>>
      %dma_wait3A_58 = tpu.memref_squeeze %dma_wait3A_57 : memref<1x35x80xi32, #tpu.memory_space<hbm>> -> memref<35x80xi32, #tpu.memory_space<hbm>>
      tpu.wait_dma2 semaphore(%run_scoped3A : memref<!tpu.dma_semaphore, #tpu.memory_space<semaphore_mem>>) src(%dma_wait3A_58 : memref<35x80xi32, #tpu.memory_space<hbm>>) dst(%arg6 : memref<35x80xi32, #tpu.memory_space<vmem>>)
      tpu.yield
    }) : () -> ()
    %barrier3A = arith.constant 0 : index
    tpu.barrier barrier_id(%barrier3A)
    %mul3A_3 = arith.constant 2800 : i32
    %mul3A_4 = arith.muli %add3A, %mul3A_3 : i32
    %dma_start3A = arith.constant 0 : i32
    %dma_start3A_5 = arith.constant 0 : i32
    %dma_start3A_6 = arith.constant 0 : i32
    %dma_start3A_7 = tpu.memref_slice %arg7[%dma_start3A, %dma_start3A_5, %dma_start3A_6] : memref<2x80x128xf32, #tpu.memory_space<vmem>> -> memref<1x80x128xf32, #tpu.memory_space<vmem>>
    %dma_start3A_8 = tpu.memref_squeeze %dma_start3A_7 : memref<1x80x128xf32, #tpu.memory_space<vmem>> -> memref<80x128xf32, #tpu.memory_space<vmem>>
    %dma_start3A_9 = arith.constant 0 : i32
    %dma_start3A_10 = tpu.memref_slice %arg2[%mul3A_4, %dma_start3A_9] : memref<89600x128xf32, #tpu.memory_space<hbm>> -> memref<80x128xf32, #tpu.memory_space<hbm>>
    %dma_start3A_11 = arith.constant 0 : i32
    %dma_start3A_12 = arith.constant 0 : i32
    %dma_start3A_13 = tpu.memref_slice %arg7[%dma_start3A, %dma_start3A_11, %dma_start3A_12] : memref<2x80x128xf32, #tpu.memory_space<vmem>> -> memref<1x80x128xf32, #tpu.memory_space<vmem>>
    %dma_start3A_14 = tpu.memref_squeeze %dma_start3A_13 : memref<1x80x128xf32, #tpu.memory_space<vmem>> -> memref<80x128xf32, #tpu.memory_space<vmem>>
    %dma_start3A_15 = arith.constant 0 : i32
    %dma_start3A_16 = tpu.memref_slice %arg2[%mul3A_4, %dma_start3A_15] : memref<89600x128xf32, #tpu.memory_space<hbm>> -> memref<80x128xf32, #tpu.memory_space<hbm>>
    tpu.enqueue_dma source(%dma_start3A_16 : memref<80x128xf32, #tpu.memory_space<hbm>>) target(%dma_start3A_14 : memref<80x128xf32, #tpu.memory_space<vmem>>) target_semaphore(%arg9 : memref<!tpu.dma_semaphore, #tpu.memory_space<semaphore_mem>>)
    %scan3A = arith.constant 0 : i32
    %scan3A_17 = arith.constant 0 : i32
    %scan3A_18 = arith.constant 35 : i32
    %scan3A_19 = arith.addi %scan3A_17, %scan3A_18 : i32
    %scan3A_20 = arith.constant 1 : i32
    scf.for %scan3A_43 = %scan3A_17 to %scan3A_19 step %scan3A_20  : i32 {
      %rem3A_44 = arith.constant 2 : i32
      %rem3A_45 = arith.remsi %scan3A_43, %rem3A_44 : i32
      %dma_wait3A_46 = arith.constant 0 : i32
      %dma_wait3A_47 = arith.constant 0 : i32
      %dma_wait3A_48 = tpu.memref_slice %arg7[%rem3A_45, %dma_wait3A_46, %dma_wait3A_47] : memref<2x80x128xf32, #tpu.memory_space<vmem>> -> memref<1x80x128xf32, #tpu.memory_space<vmem>>
      %dma_wait3A_49 = tpu.memref_squeeze %dma_wait3A_48 : memref<1x80x128xf32, #tpu.memory_space<vmem>> -> memref<80x128xf32, #tpu.memory_space<vmem>>
      %dma_wait3A_50 = arith.constant 0 : i32
      %dma_wait3A_51 = arith.constant 0 : i32
      %dma_wait3A_52 = tpu.memref_slice %arg2[%dma_wait3A_50, %dma_wait3A_51] : memref<89600x128xf32, #tpu.memory_space<hbm>> -> memref<80x128xf32, #tpu.memory_space<hbm>>
      %dma_wait3A_53 = arith.constant 0 : i32
      %dma_wait3A_54 = arith.constant 0 : i32
      %dma_wait3A_55 = tpu.memref_slice %arg7[%rem3A_45, %dma_wait3A_53, %dma_wait3A_54] : memref<2x80x128xf32, #tpu.memory_space<vmem>> -> memref<1x80x128xf32, #tpu.memory_space<vmem>>
      %dma_wait3A_56 = tpu.memref_squeeze %dma_wait3A_55 : memref<1x80x128xf32, #tpu.memory_space<vmem>> -> memref<80x128xf32, #tpu.memory_space<vmem>>
      %dma_wait3A_57 = arith.constant 0 : i32
      %dma_wait3A_58 = arith.constant 0 : i32
      %dma_wait3A_59 = tpu.memref_slice %arg2[%dma_wait3A_57, %dma_wait3A_58] : memref<89600x128xf32, #tpu.memory_space<hbm>> -> memref<80x128xf32, #tpu.memory_space<hbm>>
      tpu.wait_dma2 semaphore(%arg9 : memref<!tpu.dma_semaphore, #tpu.memory_space<semaphore_mem>>) src(%dma_wait3A_59 : memref<80x128xf32, #tpu.memory_space<hbm>>) dst(%dma_wait3A_56 : memref<80x128xf32, #tpu.memory_space<vmem>>)
      %dma_start3A_60 = arith.constant 0 : i32
      %dma_start3A_61 = arith.constant 0 : i32
      %dma_start3A_62 = tpu.memref_slice %arg7[%rem3A_45, %dma_start3A_60, %dma_start3A_61] : memref<2x80x128xf32, #tpu.memory_space<vmem>> -> memref<1x80x128xf32, #tpu.memory_space<vmem>>
      %dma_start3A_63 = tpu.memref_squeeze %dma_start3A_62 : memref<1x80x128xf32, #tpu.memory_space<vmem>> -> memref<80x128xf32, #tpu.memory_space<vmem>>
      %dma_start3A_64 = arith.constant 0 : i32
      %dma_start3A_65 = tpu.memref_slice %arg6[%scan3A_43, %dma_start3A_64] : memref<35x80xi32, #tpu.memory_space<vmem>> -> memref<1x80xi32, #tpu.memory_space<vmem>>
      %dma_start3A_66 = tpu.memref_squeeze %dma_start3A_65 : memref<1x80xi32, #tpu.memory_space<vmem>> -> memref<80xi32, #tpu.memory_space<vmem>>
      %dma_start3A_67 = arith.constant 0 : i32
      %dma_start3A_68 = arith.constant 0 : i32
      %dma_start3A_69 = tpu.memref_slice %arg8[%dma_start3A_67, %dma_start3A_68] : memref<10000x128xf32, #tpu.memory_space<vmem_shared>> -> memref<10000x128xf32, #tpu.memory_space<vmem_shared>>
      tpu.enqueue_indirect_dma source(%dma_start3A_63 : memref<80x128xf32, #tpu.memory_space<vmem>>) target(%dma_start3A_69 : memref<10000x128xf32, #tpu.memory_space<vmem_shared>>) offsets(%dma_start3A_66 : memref<80xi32, #tpu.memory_space<vmem>>) semaphore(%arg10 : memref<!tpu.dma_semaphore, #tpu.memory_space<semaphore_mem>>) {add = true}
      %ge3A = arith.constant 1 : i32
      %ge3A_70 = arith.cmpi sge, %scan3A_43, %ge3A : i32
      %convert_element_type3A_71 = arith.extui %ge3A_70 : i1 to i32
      %cond3A_72 = arith.constant 0 : i32
      %cond3A_73 = arith.cmpi ne, %convert_element_type3A_71, %cond3A_72 : i32
      scf.if %cond3A_73 {
        %sub3A = arith.constant 1 : i32
        %sub3A_78 = arith.subi %sub3A, %rem3A_45 : i32
        %dma_wait3A_79 = arith.constant 0 : i32
        %dma_wait3A_80 = arith.constant 0 : i32
        %dma_wait3A_81 = tpu.memref_slice %arg7[%sub3A_78, %dma_wait3A_79, %dma_wait3A_80] : memref<2x80x128xf32, #tpu.memory_space<vmem>> -> memref<1x80x128xf32, #tpu.memory_space<vmem>>
        %dma_wait3A_82 = tpu.memref_squeeze %dma_wait3A_81 : memref<1x80x128xf32, #tpu.memory_space<vmem>> -> memref<80x128xf32, #tpu.memory_space<vmem>>
        %dma_wait3A_83 = arith.constant 0 : i32
        %dma_wait3A_84 = arith.constant 0 : i32
        %dma_wait3A_85 = tpu.memref_slice %arg2[%dma_wait3A_83, %dma_wait3A_84] : memref<89600x128xf32, #tpu.memory_space<hbm>> -> memref<80x128xf32, #tpu.memory_space<hbm>>
        %dma_wait3A_86 = arith.constant 0 : i32
        %dma_wait3A_87 = arith.constant 0 : i32
        %dma_wait3A_88 = tpu.memref_slice %arg7[%sub3A_78, %dma_wait3A_86, %dma_wait3A_87] : memref<2x80x128xf32, #tpu.memory_space<vmem>> -> memref<1x80x128xf32, #tpu.memory_space<vmem>>
        %dma_wait3A_89 = tpu.memref_squeeze %dma_wait3A_88 : memref<1x80x128xf32, #tpu.memory_space<vmem>> -> memref<80x128xf32, #tpu.memory_space<vmem>>
        %dma_wait3A_90 = arith.constant 0 : i32
        %dma_wait3A_91 = arith.constant 0 : i32
        %dma_wait3A_92 = tpu.memref_slice %arg2[%dma_wait3A_90, %dma_wait3A_91] : memref<89600x128xf32, #tpu.memory_space<hbm>> -> memref<80x128xf32, #tpu.memory_space<hbm>>
        tpu.wait_dma2 semaphore(%arg10 : memref<!tpu.dma_semaphore, #tpu.memory_space<semaphore_mem>>) src(%dma_wait3A_92 : memref<80x128xf32, #tpu.memory_space<hbm>>) dst(%dma_wait3A_89 : memref<80x128xf32, #tpu.memory_space<vmem>>)
      } else {
      }
      %lt3A = arith.constant 34 : i32
      %lt3A_74 = arith.cmpi slt, %scan3A_43, %lt3A : i32
      %convert_element_type3A_75 = arith.extui %lt3A_74 : i1 to i32
      %cond3A_76 = arith.constant 0 : i32
      %cond3A_77 = arith.cmpi ne, %convert_element_type3A_75, %cond3A_76 : i32
      scf.if %cond3A_77 {
        %add3A_78 = arith.constant 1 : i32
        %add3A_79 = arith.addi %scan3A_43, %add3A_78 : i32
        %mul3A_80 = arith.constant 80 : i32
        %mul3A_81 = arith.muli %add3A_79, %mul3A_80 : i32
        %add3A_82 = arith.addi %mul3A_4, %mul3A_81 : i32
        %sub3A = arith.constant 1 : i32
        %sub3A_83 = arith.subi %sub3A, %rem3A_45 : i32
        %dma_start3A_84 = arith.constant 0 : i32
        %dma_start3A_85 = arith.constant 0 : i32
        %dma_start3A_86 = tpu.memref_slice %arg7[%sub3A_83, %dma_start3A_84, %dma_start3A_85] : memref<2x80x128xf32, #tpu.memory_space<vmem>> -> memref<1x80x128xf32, #tpu.memory_space<vmem>>
        %dma_start3A_87 = tpu.memref_squeeze %dma_start3A_86 : memref<1x80x128xf32, #tpu.memory_space<vmem>> -> memref<80x128xf32, #tpu.memory_space<vmem>>
        %dma_start3A_88 = arith.constant 0 : i32
        %dma_start3A_89 = tpu.memref_slice %arg2[%add3A_82, %dma_start3A_88] : memref<89600x128xf32, #tpu.memory_space<hbm>> -> memref<80x128xf32, #tpu.memory_space<hbm>>
        %dma_start3A_90 = arith.constant 0 : i32
        %dma_start3A_91 = arith.constant 0 : i32
        %dma_start3A_92 = tpu.memref_slice %arg7[%sub3A_83, %dma_start3A_90, %dma_start3A_91] : memref<2x80x128xf32, #tpu.memory_space<vmem>> -> memref<1x80x128xf32, #tpu.memory_space<vmem>>
        %dma_start3A_93 = tpu.memref_squeeze %dma_start3A_92 : memref<1x80x128xf32, #tpu.memory_space<vmem>> -> memref<80x128xf32, #tpu.memory_space<vmem>>
        %dma_start3A_94 = arith.constant 0 : i32
        %dma_start3A_95 = tpu.memref_slice %arg2[%add3A_82, %dma_start3A_94] : memref<89600x128xf32, #tpu.memory_space<hbm>> -> memref<80x128xf32, #tpu.memory_space<hbm>>
        tpu.enqueue_dma source(%dma_start3A_95 : memref<80x128xf32, #tpu.memory_space<hbm>>) target(%dma_start3A_93 : memref<80x128xf32, #tpu.memory_space<vmem>>) target_semaphore(%arg9 : memref<!tpu.dma_semaphore, #tpu.memory_space<semaphore_mem>>)
      } else {
      }
    }
    %scan3A_21 = arith.constant 35 : i32
    %rem3A = arith.constant 34 : i32
    %rem3A_22 = arith.constant 2 : i32
    %rem3A_23 = arith.remsi %rem3A, %rem3A_22 : i32
    %dma_wait3A = arith.constant 0 : i32
    %dma_wait3A_24 = arith.constant 0 : i32
    %dma_wait3A_25 = tpu.memref_slice %arg7[%rem3A_23, %dma_wait3A, %dma_wait3A_24] : memref<2x80x128xf32, #tpu.memory_space<vmem>> -> memref<1x80x128xf32, #tpu.memory_space<vmem>>
    %dma_wait3A_26 = tpu.memref_squeeze %dma_wait3A_25 : memref<1x80x128xf32, #tpu.memory_space<vmem>> -> memref<80x128xf32, #tpu.memory_space<vmem>>
    %dma_wait3A_27 = arith.constant 0 : i32
    %dma_wait3A_28 = arith.constant 0 : i32
    %dma_wait3A_29 = tpu.memref_slice %arg2[%dma_wait3A_27, %dma_wait3A_28] : memref<89600x128xf32, #tpu.memory_space<hbm>> -> memref<80x128xf32, #tpu.memory_space<hbm>>
    %dma_wait3A_30 = arith.constant 0 : i32
    %dma_wait3A_31 = arith.constant 0 : i32
    %dma_wait3A_32 = tpu.memref_slice %arg7[%rem3A_23, %dma_wait3A_30, %dma_wait3A_31] : memref<2x80x128xf32, #tpu.memory_space<vmem>> -> memref<1x80x128xf32, #tpu.memory_space<vmem>>
    %dma_wait3A_33 = tpu.memref_squeeze %dma_wait3A_32 : memref<1x80x128xf32, #tpu.memory_space<vmem>> -> memref<80x128xf32, #tpu.memory_space<vmem>>
    %dma_wait3A_34 = arith.constant 0 : i32
    %dma_wait3A_35 = arith.constant 0 : i32
    %dma_wait3A_36 = tpu.memref_slice %arg2[%dma_wait3A_34, %dma_wait3A_35] : memref<89600x128xf32, #tpu.memory_space<hbm>> -> memref<80x128xf32, #tpu.memory_space<hbm>>
    tpu.wait_dma2 semaphore(%arg10 : memref<!tpu.dma_semaphore, #tpu.memory_space<semaphore_mem>>) src(%dma_wait3A_36 : memref<80x128xf32, #tpu.memory_space<hbm>>) dst(%dma_wait3A_33 : memref<80x128xf32, #tpu.memory_space<vmem>>)
    %barrier3A_37 = arith.constant 0 : index
    tpu.barrier barrier_id(%barrier3A_37)
    %eq3A_38 = arith.constant 0 : i32
    %eq3A_39 = arith.cmpi eq, %arg1, %eq3A_38 : i32
    %convert_element_type3A_40 = arith.extui %eq3A_39 : i1 to i32
    %cond3A_41 = arith.constant 0 : i32
    %cond3A_42 = arith.cmpi ne, %convert_element_type3A_40, %cond3A_41 : i32
    scf.if %cond3A_42 {
      "tpu.region"() ({
        %run_scoped3A = tpu.sem_alloc : memref<!tpu.dma_semaphore, #tpu.memory_space<semaphore_mem>>
        %dma_start3A_43 = arith.constant 0 : i32
        %dma_start3A_44 = arith.constant 0 : i32
        %dma_start3A_45 = tpu.memref_slice %arg5[%arg0, %dma_start3A_43, %dma_start3A_44] : memref<2x10000x128xf32, #tpu.memory_space<hbm>> -> memref<1x10000x128xf32, #tpu.memory_space<hbm>>
        %dma_start3A_46 = tpu.memref_squeeze %dma_start3A_45 : memref<1x10000x128xf32, #tpu.memory_space<hbm>> -> memref<10000x128xf32, #tpu.memory_space<hbm>>
        tpu.enqueue_dma source(%arg8 : memref<10000x128xf32, #tpu.memory_space<vmem_shared>>) target(%dma_start3A_46 : memref<10000x128xf32, #tpu.memory_space<hbm>>) target_semaphore(%run_scoped3A : memref<!tpu.dma_semaphore, #tpu.memory_space<semaphore_mem>>)
        %dma_wait3A_47 = arith.constant 0 : i32
        %dma_wait3A_48 = arith.constant 0 : i32
        %dma_wait3A_49 = tpu.memref_slice %arg5[%arg0, %dma_wait3A_47, %dma_wait3A_48] : memref<2x10000x128xf32, #tpu.memory_space<hbm>> -> memref<1x10000x128xf32, #tpu.memory_space<hbm>>
        %dma_wait3A_50 = tpu.memref_squeeze %dma_wait3A_49 : memref<1x10000x128xf32, #tpu.memory_space<hbm>> -> memref<10000x128xf32, #tpu.memory_space<hbm>>
        tpu.wait_dma2 semaphore(%run_scoped3A : memref<!tpu.dma_semaphore, #tpu.memory_space<semaphore_mem>>) src(%arg8 : memref<10000x128xf32, #tpu.memory_space<vmem_shared>>) dst(%dma_wait3A_50 : memref<10000x128xf32, #tpu.memory_space<hbm>>)
        tpu.yield
      }) : () -> ()
    } else {
    }
    return
  }
}

#map = affine_map<(d0, d1) -> (0, 0)>
#map1 = affine_map<(d0, d1) -> (0, 0, 0)>
module attributes {stable_mosaic.version = 14 : i64} {
  func.func @k(%arg0: i32, %arg1: i32, %arg2: memref<38400x128xf32, #tpu.memory_space<hbm>>, %arg3: memref<32x15x80xi32, #tpu.memory_space<hbm>>, %arg4: memref<2x10000x128xf32, #tpu.memory_space<hbm>>, %arg5: memref<2x10000x128xf32, #tpu.memory_space<hbm>>, %arg6: memref<15x80xi32, #tpu.memory_space<vmem>>, %arg7: memref<2x80x128xf32, #tpu.memory_space<vmem>>, %arg8: memref<10000x128xf32, #tpu.memory_space<vmem_shared>>, %arg9: memref<!tpu.dma_semaphore, #tpu.memory_space<semaphore_mem>>, %arg10: memref<!tpu.dma_semaphore, #tpu.memory_space<semaphore_mem>>) attributes {dimension_semantics = [#tpu.dimension_semantics<core_parallel>, #tpu.dimension_semantics<subcore_parallel>], iteration_bounds = array<i64: 2, 16>, scalar_prefetch = 0 : i64, scratch_operands = 5 : i64, tpu.core_type = #tpu.core_type<sc_vector_subcore>, window_params = [{transform_indices = #map}, {transform_indices = #map1}, {transform_indices = #map1}, {transform_indices = #map1}]} {
    %mul3A = arith.constant 2 : i32
    %mul3A_0 = arith.muli %arg1, %mul3A : i32
    %add3A = arith.addi %mul3A_0, %arg0 : i32
    %eq3A = arith.constant 0 : i32
    %eq3A_1 = arith.cmpi eq, %arg1, %eq3A : i32
    %convert_element_type3A = arith.extui %eq3A_1 : i1 to i32
    %cond3A = arith.constant 0 : i32
    %cond3A_2 = arith.cmpi ne, %convert_element_type3A, %cond3A : i32
    scf.if %cond3A_2 {
      "tpu.region"() ({
        %run_scoped3A = tpu.sem_alloc : memref<!tpu.dma_semaphore, #tpu.memory_space<semaphore_mem>>
        %dma_start3A_43 = arith.constant 0 : i32
        %dma_start3A_44 = arith.constant 0 : i32
        %dma_start3A_45 = tpu.memref_slice %arg4[%arg0, %dma_start3A_43, %dma_start3A_44] : memref<2x10000x128xf32, #tpu.memory_space<hbm>> -> memref<1x10000x128xf32, #tpu.memory_space<hbm>>
        %dma_start3A_46 = tpu.memref_squeeze %dma_start3A_45 : memref<1x10000x128xf32, #tpu.memory_space<hbm>> -> memref<10000x128xf32, #tpu.memory_space<hbm>>
        tpu.enqueue_dma source(%dma_start3A_46 : memref<10000x128xf32, #tpu.memory_space<hbm>>) target(%arg8 : memref<10000x128xf32, #tpu.memory_space<vmem_shared>>) target_semaphore(%run_scoped3A : memref<!tpu.dma_semaphore, #tpu.memory_space<semaphore_mem>>)
        %dma_wait3A_47 = arith.constant 0 : i32
        %dma_wait3A_48 = arith.constant 0 : i32
        %dma_wait3A_49 = tpu.memref_slice %arg4[%arg0, %dma_wait3A_47, %dma_wait3A_48] : memref<2x10000x128xf32, #tpu.memory_space<hbm>> -> memref<1x10000x128xf32, #tpu.memory_space<hbm>>
        %dma_wait3A_50 = tpu.memref_squeeze %dma_wait3A_49 : memref<1x10000x128xf32, #tpu.memory_space<hbm>> -> memref<10000x128xf32, #tpu.memory_space<hbm>>
        tpu.wait_dma2 semaphore(%run_scoped3A : memref<!tpu.dma_semaphore, #tpu.memory_space<semaphore_mem>>) src(%dma_wait3A_50 : memref<10000x128xf32, #tpu.memory_space<hbm>>) dst(%arg8 : memref<10000x128xf32, #tpu.memory_space<vmem_shared>>)
        tpu.yield
      }) : () -> ()
    } else {
    }
    "tpu.region"() ({
      %run_scoped3A = tpu.sem_alloc : memref<!tpu.dma_semaphore, #tpu.memory_space<semaphore_mem>>
      %dma_start3A_43 = arith.constant 0 : i32
      %dma_start3A_44 = arith.constant 0 : i32
      %dma_start3A_45 = tpu.memref_slice %arg3[%add3A, %dma_start3A_43, %dma_start3A_44] : memref<32x15x80xi32, #tpu.memory_space<hbm>> -> memref<1x15x80xi32, #tpu.memory_space<hbm>>
      %dma_start3A_46 = tpu.memref_squeeze %dma_start3A_45 : memref<1x15x80xi32, #tpu.memory_space<hbm>> -> memref<15x80xi32, #tpu.memory_space<hbm>>
      %dma_start3A_47 = arith.constant 0 : i32
      %dma_start3A_48 = arith.constant 0 : i32
      %dma_start3A_49 = tpu.memref_slice %arg3[%add3A, %dma_start3A_47, %dma_start3A_48] : memref<32x15x80xi32, #tpu.memory_space<hbm>> -> memref<1x15x80xi32, #tpu.memory_space<hbm>>
      %dma_start3A_50 = tpu.memref_squeeze %dma_start3A_49 : memref<1x15x80xi32, #tpu.memory_space<hbm>> -> memref<15x80xi32, #tpu.memory_space<hbm>>
      tpu.enqueue_dma source(%dma_start3A_50 : memref<15x80xi32, #tpu.memory_space<hbm>>) target(%arg6 : memref<15x80xi32, #tpu.memory_space<vmem>>) target_semaphore(%run_scoped3A : memref<!tpu.dma_semaphore, #tpu.memory_space<semaphore_mem>>)
      %dma_wait3A_51 = arith.constant 0 : i32
      %dma_wait3A_52 = arith.constant 0 : i32
      %dma_wait3A_53 = tpu.memref_slice %arg3[%add3A, %dma_wait3A_51, %dma_wait3A_52] : memref<32x15x80xi32, #tpu.memory_space<hbm>> -> memref<1x15x80xi32, #tpu.memory_space<hbm>>
      %dma_wait3A_54 = tpu.memref_squeeze %dma_wait3A_53 : memref<1x15x80xi32, #tpu.memory_space<hbm>> -> memref<15x80xi32, #tpu.memory_space<hbm>>
      %dma_wait3A_55 = arith.constant 0 : i32
      %dma_wait3A_56 = arith.constant 0 : i32
      %dma_wait3A_57 = tpu.memref_slice %arg3[%add3A, %dma_wait3A_55, %dma_wait3A_56] : memref<32x15x80xi32, #tpu.memory_space<hbm>> -> memref<1x15x80xi32, #tpu.memory_space<hbm>>
      %dma_wait3A_58 = tpu.memref_squeeze %dma_wait3A_57 : memref<1x15x80xi32, #tpu.memory_space<hbm>> -> memref<15x80xi32, #tpu.memory_space<hbm>>
      tpu.wait_dma2 semaphore(%run_scoped3A : memref<!tpu.dma_semaphore, #tpu.memory_space<semaphore_mem>>) src(%dma_wait3A_58 : memref<15x80xi32, #tpu.memory_space<hbm>>) dst(%arg6 : memref<15x80xi32, #tpu.memory_space<vmem>>)
      tpu.yield
    }) : () -> ()
    %barrier3A = arith.constant 0 : index
    tpu.barrier barrier_id(%barrier3A)
    %mul3A_3 = arith.constant 1200 : i32
    %mul3A_4 = arith.muli %add3A, %mul3A_3 : i32
    %dma_start3A = arith.constant 0 : i32
    %dma_start3A_5 = arith.constant 0 : i32
    %dma_start3A_6 = arith.constant 0 : i32
    %dma_start3A_7 = tpu.memref_slice %arg7[%dma_start3A, %dma_start3A_5, %dma_start3A_6] : memref<2x80x128xf32, #tpu.memory_space<vmem>> -> memref<1x80x128xf32, #tpu.memory_space<vmem>>
    %dma_start3A_8 = tpu.memref_squeeze %dma_start3A_7 : memref<1x80x128xf32, #tpu.memory_space<vmem>> -> memref<80x128xf32, #tpu.memory_space<vmem>>
    %dma_start3A_9 = arith.constant 0 : i32
    %dma_start3A_10 = tpu.memref_slice %arg2[%mul3A_4, %dma_start3A_9] : memref<38400x128xf32, #tpu.memory_space<hbm>> -> memref<80x128xf32, #tpu.memory_space<hbm>>
    %dma_start3A_11 = arith.constant 0 : i32
    %dma_start3A_12 = arith.constant 0 : i32
    %dma_start3A_13 = tpu.memref_slice %arg7[%dma_start3A, %dma_start3A_11, %dma_start3A_12] : memref<2x80x128xf32, #tpu.memory_space<vmem>> -> memref<1x80x128xf32, #tpu.memory_space<vmem>>
    %dma_start3A_14 = tpu.memref_squeeze %dma_start3A_13 : memref<1x80x128xf32, #tpu.memory_space<vmem>> -> memref<80x128xf32, #tpu.memory_space<vmem>>
    %dma_start3A_15 = arith.constant 0 : i32
    %dma_start3A_16 = tpu.memref_slice %arg2[%mul3A_4, %dma_start3A_15] : memref<38400x128xf32, #tpu.memory_space<hbm>> -> memref<80x128xf32, #tpu.memory_space<hbm>>
    tpu.enqueue_dma source(%dma_start3A_16 : memref<80x128xf32, #tpu.memory_space<hbm>>) target(%dma_start3A_14 : memref<80x128xf32, #tpu.memory_space<vmem>>) target_semaphore(%arg9 : memref<!tpu.dma_semaphore, #tpu.memory_space<semaphore_mem>>)
    %scan3A = arith.constant 0 : i32
    %scan3A_17 = arith.constant 0 : i32
    %scan3A_18 = arith.constant 15 : i32
    %scan3A_19 = arith.addi %scan3A_17, %scan3A_18 : i32
    %scan3A_20 = arith.constant 1 : i32
    scf.for %scan3A_43 = %scan3A_17 to %scan3A_19 step %scan3A_20  : i32 {
      %rem3A_44 = arith.constant 2 : i32
      %rem3A_45 = arith.remsi %scan3A_43, %rem3A_44 : i32
      %dma_wait3A_46 = arith.constant 0 : i32
      %dma_wait3A_47 = arith.constant 0 : i32
      %dma_wait3A_48 = tpu.memref_slice %arg7[%rem3A_45, %dma_wait3A_46, %dma_wait3A_47] : memref<2x80x128xf32, #tpu.memory_space<vmem>> -> memref<1x80x128xf32, #tpu.memory_space<vmem>>
      %dma_wait3A_49 = tpu.memref_squeeze %dma_wait3A_48 : memref<1x80x128xf32, #tpu.memory_space<vmem>> -> memref<80x128xf32, #tpu.memory_space<vmem>>
      %dma_wait3A_50 = arith.constant 0 : i32
      %dma_wait3A_51 = arith.constant 0 : i32
      %dma_wait3A_52 = tpu.memref_slice %arg2[%dma_wait3A_50, %dma_wait3A_51] : memref<38400x128xf32, #tpu.memory_space<hbm>> -> memref<80x128xf32, #tpu.memory_space<hbm>>
      %dma_wait3A_53 = arith.constant 0 : i32
      %dma_wait3A_54 = arith.constant 0 : i32
      %dma_wait3A_55 = tpu.memref_slice %arg7[%rem3A_45, %dma_wait3A_53, %dma_wait3A_54] : memref<2x80x128xf32, #tpu.memory_space<vmem>> -> memref<1x80x128xf32, #tpu.memory_space<vmem>>
      %dma_wait3A_56 = tpu.memref_squeeze %dma_wait3A_55 : memref<1x80x128xf32, #tpu.memory_space<vmem>> -> memref<80x128xf32, #tpu.memory_space<vmem>>
      %dma_wait3A_57 = arith.constant 0 : i32
      %dma_wait3A_58 = arith.constant 0 : i32
      %dma_wait3A_59 = tpu.memref_slice %arg2[%dma_wait3A_57, %dma_wait3A_58] : memref<38400x128xf32, #tpu.memory_space<hbm>> -> memref<80x128xf32, #tpu.memory_space<hbm>>
      tpu.wait_dma2 semaphore(%arg9 : memref<!tpu.dma_semaphore, #tpu.memory_space<semaphore_mem>>) src(%dma_wait3A_59 : memref<80x128xf32, #tpu.memory_space<hbm>>) dst(%dma_wait3A_56 : memref<80x128xf32, #tpu.memory_space<vmem>>)
      %dma_start3A_60 = arith.constant 0 : i32
      %dma_start3A_61 = arith.constant 0 : i32
      %dma_start3A_62 = tpu.memref_slice %arg7[%rem3A_45, %dma_start3A_60, %dma_start3A_61] : memref<2x80x128xf32, #tpu.memory_space<vmem>> -> memref<1x80x128xf32, #tpu.memory_space<vmem>>
      %dma_start3A_63 = tpu.memref_squeeze %dma_start3A_62 : memref<1x80x128xf32, #tpu.memory_space<vmem>> -> memref<80x128xf32, #tpu.memory_space<vmem>>
      %dma_start3A_64 = arith.constant 0 : i32
      %dma_start3A_65 = tpu.memref_slice %arg6[%scan3A_43, %dma_start3A_64] : memref<15x80xi32, #tpu.memory_space<vmem>> -> memref<1x80xi32, #tpu.memory_space<vmem>>
      %dma_start3A_66 = tpu.memref_squeeze %dma_start3A_65 : memref<1x80xi32, #tpu.memory_space<vmem>> -> memref<80xi32, #tpu.memory_space<vmem>>
      %dma_start3A_67 = arith.constant 0 : i32
      %dma_start3A_68 = arith.constant 0 : i32
      %dma_start3A_69 = tpu.memref_slice %arg8[%dma_start3A_67, %dma_start3A_68] : memref<10000x128xf32, #tpu.memory_space<vmem_shared>> -> memref<10000x128xf32, #tpu.memory_space<vmem_shared>>
      tpu.enqueue_indirect_dma source(%dma_start3A_63 : memref<80x128xf32, #tpu.memory_space<vmem>>) target(%dma_start3A_69 : memref<10000x128xf32, #tpu.memory_space<vmem_shared>>) offsets(%dma_start3A_66 : memref<80xi32, #tpu.memory_space<vmem>>) semaphore(%arg10 : memref<!tpu.dma_semaphore, #tpu.memory_space<semaphore_mem>>) {add = true}
      %ge3A = arith.constant 1 : i32
      %ge3A_70 = arith.cmpi sge, %scan3A_43, %ge3A : i32
      %convert_element_type3A_71 = arith.extui %ge3A_70 : i1 to i32
      %cond3A_72 = arith.constant 0 : i32
      %cond3A_73 = arith.cmpi ne, %convert_element_type3A_71, %cond3A_72 : i32
      scf.if %cond3A_73 {
        %sub3A = arith.constant 1 : i32
        %sub3A_78 = arith.subi %sub3A, %rem3A_45 : i32
        %dma_wait3A_79 = arith.constant 0 : i32
        %dma_wait3A_80 = arith.constant 0 : i32
        %dma_wait3A_81 = tpu.memref_slice %arg7[%sub3A_78, %dma_wait3A_79, %dma_wait3A_80] : memref<2x80x128xf32, #tpu.memory_space<vmem>> -> memref<1x80x128xf32, #tpu.memory_space<vmem>>
        %dma_wait3A_82 = tpu.memref_squeeze %dma_wait3A_81 : memref<1x80x128xf32, #tpu.memory_space<vmem>> -> memref<80x128xf32, #tpu.memory_space<vmem>>
        %dma_wait3A_83 = arith.constant 0 : i32
        %dma_wait3A_84 = arith.constant 0 : i32
        %dma_wait3A_85 = tpu.memref_slice %arg2[%dma_wait3A_83, %dma_wait3A_84] : memref<38400x128xf32, #tpu.memory_space<hbm>> -> memref<80x128xf32, #tpu.memory_space<hbm>>
        %dma_wait3A_86 = arith.constant 0 : i32
        %dma_wait3A_87 = arith.constant 0 : i32
        %dma_wait3A_88 = tpu.memref_slice %arg7[%sub3A_78, %dma_wait3A_86, %dma_wait3A_87] : memref<2x80x128xf32, #tpu.memory_space<vmem>> -> memref<1x80x128xf32, #tpu.memory_space<vmem>>
        %dma_wait3A_89 = tpu.memref_squeeze %dma_wait3A_88 : memref<1x80x128xf32, #tpu.memory_space<vmem>> -> memref<80x128xf32, #tpu.memory_space<vmem>>
        %dma_wait3A_90 = arith.constant 0 : i32
        %dma_wait3A_91 = arith.constant 0 : i32
        %dma_wait3A_92 = tpu.memref_slice %arg2[%dma_wait3A_90, %dma_wait3A_91] : memref<38400x128xf32, #tpu.memory_space<hbm>> -> memref<80x128xf32, #tpu.memory_space<hbm>>
        tpu.wait_dma2 semaphore(%arg10 : memref<!tpu.dma_semaphore, #tpu.memory_space<semaphore_mem>>) src(%dma_wait3A_92 : memref<80x128xf32, #tpu.memory_space<hbm>>) dst(%dma_wait3A_89 : memref<80x128xf32, #tpu.memory_space<vmem>>)
      } else {
      }
      %lt3A = arith.constant 14 : i32
      %lt3A_74 = arith.cmpi slt, %scan3A_43, %lt3A : i32
      %convert_element_type3A_75 = arith.extui %lt3A_74 : i1 to i32
      %cond3A_76 = arith.constant 0 : i32
      %cond3A_77 = arith.cmpi ne, %convert_element_type3A_75, %cond3A_76 : i32
      scf.if %cond3A_77 {
        %add3A_78 = arith.constant 1 : i32
        %add3A_79 = arith.addi %scan3A_43, %add3A_78 : i32
        %mul3A_80 = arith.constant 80 : i32
        %mul3A_81 = arith.muli %add3A_79, %mul3A_80 : i32
        %add3A_82 = arith.addi %mul3A_4, %mul3A_81 : i32
        %sub3A = arith.constant 1 : i32
        %sub3A_83 = arith.subi %sub3A, %rem3A_45 : i32
        %dma_start3A_84 = arith.constant 0 : i32
        %dma_start3A_85 = arith.constant 0 : i32
        %dma_start3A_86 = tpu.memref_slice %arg7[%sub3A_83, %dma_start3A_84, %dma_start3A_85] : memref<2x80x128xf32, #tpu.memory_space<vmem>> -> memref<1x80x128xf32, #tpu.memory_space<vmem>>
        %dma_start3A_87 = tpu.memref_squeeze %dma_start3A_86 : memref<1x80x128xf32, #tpu.memory_space<vmem>> -> memref<80x128xf32, #tpu.memory_space<vmem>>
        %dma_start3A_88 = arith.constant 0 : i32
        %dma_start3A_89 = tpu.memref_slice %arg2[%add3A_82, %dma_start3A_88] : memref<38400x128xf32, #tpu.memory_space<hbm>> -> memref<80x128xf32, #tpu.memory_space<hbm>>
        %dma_start3A_90 = arith.constant 0 : i32
        %dma_start3A_91 = arith.constant 0 : i32
        %dma_start3A_92 = tpu.memref_slice %arg7[%sub3A_83, %dma_start3A_90, %dma_start3A_91] : memref<2x80x128xf32, #tpu.memory_space<vmem>> -> memref<1x80x128xf32, #tpu.memory_space<vmem>>
        %dma_start3A_93 = tpu.memref_squeeze %dma_start3A_92 : memref<1x80x128xf32, #tpu.memory_space<vmem>> -> memref<80x128xf32, #tpu.memory_space<vmem>>
        %dma_start3A_94 = arith.constant 0 : i32
        %dma_start3A_95 = tpu.memref_slice %arg2[%add3A_82, %dma_start3A_94] : memref<38400x128xf32, #tpu.memory_space<hbm>> -> memref<80x128xf32, #tpu.memory_space<hbm>>
        tpu.enqueue_dma source(%dma_start3A_95 : memref<80x128xf32, #tpu.memory_space<hbm>>) target(%dma_start3A_93 : memref<80x128xf32, #tpu.memory_space<vmem>>) target_semaphore(%arg9 : memref<!tpu.dma_semaphore, #tpu.memory_space<semaphore_mem>>)
      } else {
      }
    }
    %scan3A_21 = arith.constant 15 : i32
    %rem3A = arith.constant 14 : i32
    %rem3A_22 = arith.constant 2 : i32
    %rem3A_23 = arith.remsi %rem3A, %rem3A_22 : i32
    %dma_wait3A = arith.constant 0 : i32
    %dma_wait3A_24 = arith.constant 0 : i32
    %dma_wait3A_25 = tpu.memref_slice %arg7[%rem3A_23, %dma_wait3A, %dma_wait3A_24] : memref<2x80x128xf32, #tpu.memory_space<vmem>> -> memref<1x80x128xf32, #tpu.memory_space<vmem>>
    %dma_wait3A_26 = tpu.memref_squeeze %dma_wait3A_25 : memref<1x80x128xf32, #tpu.memory_space<vmem>> -> memref<80x128xf32, #tpu.memory_space<vmem>>
    %dma_wait3A_27 = arith.constant 0 : i32
    %dma_wait3A_28 = arith.constant 0 : i32
    %dma_wait3A_29 = tpu.memref_slice %arg2[%dma_wait3A_27, %dma_wait3A_28] : memref<38400x128xf32, #tpu.memory_space<hbm>> -> memref<80x128xf32, #tpu.memory_space<hbm>>
    %dma_wait3A_30 = arith.constant 0 : i32
    %dma_wait3A_31 = arith.constant 0 : i32
    %dma_wait3A_32 = tpu.memref_slice %arg7[%rem3A_23, %dma_wait3A_30, %dma_wait3A_31] : memref<2x80x128xf32, #tpu.memory_space<vmem>> -> memref<1x80x128xf32, #tpu.memory_space<vmem>>
    %dma_wait3A_33 = tpu.memref_squeeze %dma_wait3A_32 : memref<1x80x128xf32, #tpu.memory_space<vmem>> -> memref<80x128xf32, #tpu.memory_space<vmem>>
    %dma_wait3A_34 = arith.constant 0 : i32
    %dma_wait3A_35 = arith.constant 0 : i32
    %dma_wait3A_36 = tpu.memref_slice %arg2[%dma_wait3A_34, %dma_wait3A_35] : memref<38400x128xf32, #tpu.memory_space<hbm>> -> memref<80x128xf32, #tpu.memory_space<hbm>>
    tpu.wait_dma2 semaphore(%arg10 : memref<!tpu.dma_semaphore, #tpu.memory_space<semaphore_mem>>) src(%dma_wait3A_36 : memref<80x128xf32, #tpu.memory_space<hbm>>) dst(%dma_wait3A_33 : memref<80x128xf32, #tpu.memory_space<vmem>>)
    %barrier3A_37 = arith.constant 0 : index
    tpu.barrier barrier_id(%barrier3A_37)
    %eq3A_38 = arith.constant 0 : i32
    %eq3A_39 = arith.cmpi eq, %arg1, %eq3A_38 : i32
    %convert_element_type3A_40 = arith.extui %eq3A_39 : i1 to i32
    %cond3A_41 = arith.constant 0 : i32
    %cond3A_42 = arith.cmpi ne, %convert_element_type3A_40, %cond3A_41 : i32
    scf.if %cond3A_42 {
      "tpu.region"() ({
        %run_scoped3A = tpu.sem_alloc : memref<!tpu.dma_semaphore, #tpu.memory_space<semaphore_mem>>
        %dma_start3A_43 = arith.constant 0 : i32
        %dma_start3A_44 = arith.constant 0 : i32
        %dma_start3A_45 = tpu.memref_slice %arg5[%arg0, %dma_start3A_43, %dma_start3A_44] : memref<2x10000x128xf32, #tpu.memory_space<hbm>> -> memref<1x10000x128xf32, #tpu.memory_space<hbm>>
        %dma_start3A_46 = tpu.memref_squeeze %dma_start3A_45 : memref<1x10000x128xf32, #tpu.memory_space<hbm>> -> memref<10000x128xf32, #tpu.memory_space<hbm>>
        tpu.enqueue_dma source(%arg8 : memref<10000x128xf32, #tpu.memory_space<vmem_shared>>) target(%dma_start3A_46 : memref<10000x128xf32, #tpu.memory_space<hbm>>) target_semaphore(%run_scoped3A : memref<!tpu.dma_semaphore, #tpu.memory_space<semaphore_mem>>)
        %dma_wait3A_47 = arith.constant 0 : i32
        %dma_wait3A_48 = arith.constant 0 : i32
        %dma_wait3A_49 = tpu.memref_slice %arg5[%arg0, %dma_wait3A_47, %dma_wait3A_48] : memref<2x10000x128xf32, #tpu.memory_space<hbm>> -> memref<1x10000x128xf32, #tpu.memory_space<hbm>>
        %dma_wait3A_50 = tpu.memref_squeeze %dma_wait3A_49 : memref<1x10000x128xf32, #tpu.memory_space<hbm>> -> memref<10000x128xf32, #tpu.memory_space<hbm>>
        tpu.wait_dma2 semaphore(%run_scoped3A : memref<!tpu.dma_semaphore, #tpu.memory_space<semaphore_mem>>) src(%arg8 : memref<10000x128xf32, #tpu.memory_space<vmem_shared>>) dst(%dma_wait3A_50 : memref<10000x128xf32, #tpu.memory_space<hbm>>)
        tpu.yield
      }) : () -> ()
    } else {
    }
    return
  }
}

module attributes {stable_mosaic.version = 14 : i64} {
  func.func @body(%arg0: i32, %arg1: memref<6400x128xf32, #tpu.memory_space<vmem>>, %arg2: memref<6400x128xf32, #tpu.memory_space<vmem>>, %arg3: memref<16x6400xf32, #tpu.memory_space<vmem>>, %arg4: memref<16x6400xf32, #tpu.memory_space<vmem>>, %arg5: memref<128x256xbf16, #tpu.memory_space<vmem>>, %arg6: memref<128x256xbf16, #tpu.memory_space<vmem>>, %arg7: memref<16x256xbf16, #tpu.memory_space<vmem>>, %arg8: memref<1x256xf32, #tpu.memory_space<vmem>>, %arg9: memref<256x128xbf16, #tpu.memory_space<vmem>>, %arg10: memref<1x128xf32, #tpu.memory_space<vmem>>, %arg11: memref<256x128xbf16, #tpu.memory_space<vmem>>, %arg12: memref<1x128xf32, #tpu.memory_space<vmem>>, %arg13: memref<16x128xbf16, #tpu.memory_space<vmem>>, %arg14: memref<1x128xf32, #tpu.memory_space<vmem>>, %arg15: memref<6400x128xf32, #tpu.memory_space<vmem>>) attributes {dimension_semantics = [#tpu.dimension_semantics<arbitrary>], iteration_bounds = array<i64: 6>, scalar_prefetch = 0 : i64, scratch_operands = 0 : i64, tpu.core_type = #tpu.core_type<tc>, window_params = [{transform_indices = @transform_0, window_bounds = array<i64: 6400, 128>}, {transform_indices = @transform_1, window_bounds = array<i64: 6400, 128>}, {transform_indices = @transform_2, window_bounds = array<i64: 16, 6400>}, {transform_indices = @transform_3, window_bounds = array<i64: 16, 6400>}, {pipeline_mode = #tpu.pipeline_mode<synchronous>, transform_indices = @transform_4, window_bounds = array<i64: 128, 256>}, {pipeline_mode = #tpu.pipeline_mode<synchronous>, transform_indices = @transform_5, window_bounds = array<i64: 128, 256>}, {pipeline_mode = #tpu.pipeline_mode<synchronous>, transform_indices = @transform_6, window_bounds = array<i64: 16, 256>}, {pipeline_mode = #tpu.pipeline_mode<synchronous>, transform_indices = @transform_7, window_bounds = array<i64: 1, 256>}, {pipeline_mode = #tpu.pipeline_mode<synchronous>, transform_indices = @transform_8, window_bounds = array<i64: 256, 128>}, {pipeline_mode = #tpu.pipeline_mode<synchronous>, transform_indices = @transform_9, window_bounds = array<i64: 1, 128>}, {pipeline_mode = #tpu.pipeline_mode<synchronous>, transform_indices = @transform_10, window_bounds = array<i64: 256, 128>}, {pipeline_mode = #tpu.pipeline_mode<synchronous>, transform_indices = @transform_11, window_bounds = array<i64: 1, 128>}, {pipeline_mode = #tpu.pipeline_mode<synchronous>, transform_indices = @transform_12, window_bounds = array<i64: 16, 128>}, {pipeline_mode = #tpu.pipeline_mode<synchronous>, transform_indices = @transform_13, window_bounds = array<i64: 1, 128>}, {transform_indices = @transform_14, window_bounds = array<i64: 6400, 128>}]} {
    %get3A = arith.constant 0 : index
    %get3A_0 = arith.constant 0 : index
    %get3A_1 = vector.load %arg1[%get3A, %get3A_0] : memref<6400x128xf32, #tpu.memory_space<vmem>>, vector<6400x128xf32>
    %convert_element_type3A = arith.truncf %get3A_1 : vector<6400x128xf32> to vector<6400x128xbf16>
    %get3A_2 = arith.constant 0 : index
    %get3A_3 = arith.constant 0 : index
    %get3A_4 = vector.load %arg5[%get3A_2, %get3A_3] : memref<128x256xbf16, #tpu.memory_space<vmem>>, vector<128x256xbf16>
    %dot_general3A = arith.constant dense<0.000000e+00> : vector<6400x256xf32>
    %dot_general3A_5 = tpu.matmul %convert_element_type3A, %get3A_4, %dot_general3A {dimension_numbers = #tpu.dot_dimension_numbers<[1], [0], [0], [1], [0, 0, 1, 1], [], []>, transpose_lhs_hint = false} : vector<6400x128xbf16>, vector<128x256xbf16>, vector<6400x256xf32> -> vector<6400x256xf32>
    %get3A_6 = arith.constant 0 : index
    %get3A_7 = arith.constant 0 : index
    %get3A_8 = vector.load %arg2[%get3A_6, %get3A_7] : memref<6400x128xf32, #tpu.memory_space<vmem>>, vector<6400x128xf32>
    %convert_element_type3A_9 = arith.truncf %get3A_8 : vector<6400x128xf32> to vector<6400x128xbf16>
    %get3A_10 = arith.constant 0 : index
    %get3A_11 = arith.constant 0 : index
    %get3A_12 = vector.load %arg6[%get3A_10, %get3A_11] : memref<128x256xbf16, #tpu.memory_space<vmem>>, vector<128x256xbf16>
    %dot_general3A_13 = arith.constant dense<0.000000e+00> : vector<6400x256xf32>
    %dot_general3A_14 = tpu.matmul %convert_element_type3A_9, %get3A_12, %dot_general3A_13 {dimension_numbers = #tpu.dot_dimension_numbers<[1], [0], [0], [1], [0, 0, 1, 1], [], []>, transpose_lhs_hint = false} : vector<6400x128xbf16>, vector<128x256xbf16>, vector<6400x256xf32> -> vector<6400x256xf32>
    %add3A = arith.addf %dot_general3A_5, %dot_general3A_14 : vector<6400x256xf32>
    %get3A_15 = arith.constant 0 : index
    %get3A_16 = arith.constant 0 : index
    %get3A_17 = vector.load %arg3[%get3A_15, %get3A_16] : memref<16x6400xf32, #tpu.memory_space<vmem>>, vector<16x6400xf32>
    %convert_element_type3A_18 = arith.truncf %get3A_17 : vector<16x6400xf32> to vector<16x6400xbf16>
    %get3A_19 = arith.constant 0 : index
    %get3A_20 = arith.constant 0 : index
    %get3A_21 = vector.load %arg7[%get3A_19, %get3A_20] : memref<16x256xbf16, #tpu.memory_space<vmem>>, vector<16x256xbf16>
    %dot_general3A_22 = arith.constant dense<0.000000e+00> : vector<6400x256xf32>
    %dot_general3A_23 = tpu.matmul %convert_element_type3A_18, %get3A_21, %dot_general3A_22 {dimension_numbers = #tpu.dot_dimension_numbers<[0], [0], [1], [1], [0, 1, 1, 1], [], []>, transpose_lhs_hint = false} : vector<16x6400xbf16>, vector<16x256xbf16>, vector<6400x256xf32> -> vector<6400x256xf32>
    %add3A_24 = arith.addf %add3A, %dot_general3A_23 : vector<6400x256xf32>
    %get3A_25 = arith.constant 0 : index
    %get3A_26 = arith.constant 0 : index
    %get3A_27 = vector.load %arg8[%get3A_25, %get3A_26] : memref<1x256xf32, #tpu.memory_space<vmem>>, vector<1x256xf32>
    %add3A_28 = vector.broadcast %get3A_27 : vector<1x256xf32> to vector<6400x256xf32>
    %add3A_29 = arith.addf %add3A_24, %add3A_28 : vector<6400x256xf32>
    %mul3A = arith.constant 5.000000e-01 : f32
    %mul3A_30 = vector.broadcast %mul3A : f32 to vector<6400x256xf32>
    %mul3A_31 = arith.mulf %mul3A_30, %add3A_29 : vector<6400x256xf32>
    %tanh3A = math.tanh %mul3A_31 : vector<6400x256xf32>
    %mul3A_32 = arith.constant 5.000000e-01 : f32
    %mul3A_33 = vector.broadcast %mul3A_32 : f32 to vector<6400x256xf32>
    %mul3A_34 = arith.mulf %mul3A_33, %tanh3A : vector<6400x256xf32>
    %add3A_35 = arith.constant 5.000000e-01 : f32
    %add3A_36 = vector.broadcast %add3A_35 : f32 to vector<6400x256xf32>
    %add3A_37 = arith.addf %mul3A_34, %add3A_36 : vector<6400x256xf32>
    %mul3A_38 = arith.mulf %add3A_29, %add3A_37 : vector<6400x256xf32>
    %convert_element_type3A_39 = arith.truncf %mul3A_38 : vector<6400x256xf32> to vector<6400x256xbf16>
    %get3A_40 = arith.constant 0 : index
    %get3A_41 = arith.constant 0 : index
    %get3A_42 = vector.load %arg9[%get3A_40, %get3A_41] : memref<256x128xbf16, #tpu.memory_space<vmem>>, vector<256x128xbf16>
    %dot_general3A_43 = arith.constant dense<0.000000e+00> : vector<6400x128xf32>
    %dot_general3A_44 = tpu.matmul %convert_element_type3A_39, %get3A_42, %dot_general3A_43 {dimension_numbers = #tpu.dot_dimension_numbers<[1], [0], [0], [1], [0, 0, 1, 1], [], []>, transpose_lhs_hint = false} : vector<6400x256xbf16>, vector<256x128xbf16>, vector<6400x128xf32> -> vector<6400x128xf32>
    %get3A_45 = arith.constant 0 : index
    %get3A_46 = arith.constant 0 : index
    %get3A_47 = vector.load %arg10[%get3A_45, %get3A_46] : memref<1x128xf32, #tpu.memory_space<vmem>>, vector<1x128xf32>
    %add3A_48 = vector.broadcast %get3A_47 : vector<1x128xf32> to vector<6400x128xf32>
    %add3A_49 = arith.addf %dot_general3A_44, %add3A_48 : vector<6400x128xf32>
    %get3A_50 = arith.constant 0 : index
    %get3A_51 = arith.constant 0 : index
    %get3A_52 = vector.load %arg11[%get3A_50, %get3A_51] : memref<256x128xbf16, #tpu.memory_space<vmem>>, vector<256x128xbf16>
    %dot_general3A_53 = arith.constant dense<0.000000e+00> : vector<6400x128xf32>
    %dot_general3A_54 = tpu.matmul %convert_element_type3A_39, %get3A_52, %dot_general3A_53 {dimension_numbers = #tpu.dot_dimension_numbers<[1], [0], [0], [1], [0, 0, 1, 1], [], []>, transpose_lhs_hint = false} : vector<6400x256xbf16>, vector<256x128xbf16>, vector<6400x128xf32> -> vector<6400x128xf32>
    %get3A_55 = arith.constant 0 : index
    %get3A_56 = arith.constant 0 : index
    %get3A_57 = vector.load %arg12[%get3A_55, %get3A_56] : memref<1x128xf32, #tpu.memory_space<vmem>>, vector<1x128xf32>
    %add3A_58 = vector.broadcast %get3A_57 : vector<1x128xf32> to vector<6400x128xf32>
    %add3A_59 = arith.addf %dot_general3A_54, %add3A_58 : vector<6400x128xf32>
    %get3A_60 = arith.constant 0 : index
    %get3A_61 = arith.constant 0 : index
    %get3A_62 = vector.load %arg4[%get3A_60, %get3A_61] : memref<16x6400xf32, #tpu.memory_space<vmem>>, vector<16x6400xf32>
    %convert_element_type3A_63 = arith.truncf %get3A_62 : vector<16x6400xf32> to vector<16x6400xbf16>
    %get3A_64 = arith.constant 0 : index
    %get3A_65 = arith.constant 0 : index
    %get3A_66 = vector.load %arg13[%get3A_64, %get3A_65] : memref<16x128xbf16, #tpu.memory_space<vmem>>, vector<16x128xbf16>
    %dot_general3A_67 = arith.constant dense<0.000000e+00> : vector<6400x128xf32>
    %dot_general3A_68 = tpu.matmul %convert_element_type3A_63, %get3A_66, %dot_general3A_67 {dimension_numbers = #tpu.dot_dimension_numbers<[0], [0], [1], [1], [0, 1, 1, 1], [], []>, transpose_lhs_hint = false} : vector<16x6400xbf16>, vector<16x128xbf16>, vector<6400x128xf32> -> vector<6400x128xf32>
    %get3A_69 = arith.constant 0 : index
    %get3A_70 = arith.constant 0 : index
    %get3A_71 = vector.load %arg14[%get3A_69, %get3A_70] : memref<1x128xf32, #tpu.memory_space<vmem>>, vector<1x128xf32>
    %add3A_72 = vector.broadcast %get3A_71 : vector<1x128xf32> to vector<6400x128xf32>
    %add3A_73 = arith.addf %dot_general3A_68, %add3A_72 : vector<6400x128xf32>
    %mul3A_74 = arith.constant 5.000000e-01 : f32
    %mul3A_75 = vector.broadcast %mul3A_74 : f32 to vector<6400x128xf32>
    %mul3A_76 = arith.mulf %mul3A_75, %add3A_49 : vector<6400x128xf32>
    %tanh3A_77 = math.tanh %mul3A_76 : vector<6400x128xf32>
    %mul3A_78 = arith.constant 5.000000e-01 : f32
    %mul3A_79 = vector.broadcast %mul3A_78 : f32 to vector<6400x128xf32>
    %mul3A_80 = arith.mulf %mul3A_79, %tanh3A_77 : vector<6400x128xf32>
    %add3A_81 = arith.constant 5.000000e-01 : f32
    %add3A_82 = vector.broadcast %add3A_81 : f32 to vector<6400x128xf32>
    %add3A_83 = arith.addf %mul3A_80, %add3A_82 : vector<6400x128xf32>
    %mul3A_84 = arith.mulf %add3A_49, %add3A_83 : vector<6400x128xf32>
    %mul3A_85 = arith.constant 5.000000e-01 : f32
    %mul3A_86 = vector.broadcast %mul3A_85 : f32 to vector<6400x128xf32>
    %mul3A_87 = arith.mulf %mul3A_86, %add3A_59 : vector<6400x128xf32>
    %tanh3A_88 = math.tanh %mul3A_87 : vector<6400x128xf32>
    %mul3A_89 = arith.constant 5.000000e-01 : f32
    %mul3A_90 = vector.broadcast %mul3A_89 : f32 to vector<6400x128xf32>
    %mul3A_91 = arith.mulf %mul3A_90, %tanh3A_88 : vector<6400x128xf32>
    %add3A_92 = arith.constant 5.000000e-01 : f32
    %add3A_93 = vector.broadcast %add3A_92 : f32 to vector<6400x128xf32>
    %add3A_94 = arith.addf %mul3A_91, %add3A_93 : vector<6400x128xf32>
    %mul3A_95 = arith.mulf %mul3A_84, %add3A_94 : vector<6400x128xf32>
    %mul3A_96 = arith.mulf %mul3A_95, %add3A_73 : vector<6400x128xf32>
    %swap3A = arith.constant 0 : index
    %swap3A_97 = arith.constant 0 : index
    %swap3A_98 = vector.load %arg15[%swap3A, %swap3A_97] : memref<6400x128xf32, #tpu.memory_space<vmem>>, vector<6400x128xf32>
    tpu.vector_store %arg15[%swap3A, %swap3A_97], %mul3A_96 {strides = array<i32>} : memref<6400x128xf32, #tpu.memory_space<vmem>>, vector<6400x128xf32>,
    return
  }
  func.func @transform_0(%arg0: i32) -> (i32, i32) {
    %c0_i32 = arith.constant 0 : i32
    %c0_i32_0 = arith.constant 0 : i32
    return %arg0, %c0_i32 : i32, i32
  }
  func.func @transform_1(%arg0: i32) -> (i32, i32) {
    %c0_i32 = arith.constant 0 : i32
    %c0_i32_0 = arith.constant 0 : i32
    return %arg0, %c0_i32 : i32, i32
  }
  func.func @transform_2(%arg0: i32) -> (i32, i32) {
    %add3A = arith.constant 0 : i32
    %add3A_0 = arith.addi %add3A, %arg0 : i32
    %c0_i32 = arith.constant 0 : i32
    %c0_i32_1 = arith.constant 0 : i32
    return %c0_i32, %add3A_0 : i32, i32
  }
  func.func @transform_3(%arg0: i32) -> (i32, i32) {
    %add3A = arith.constant 0 : i32
    %add3A_0 = arith.addi %add3A, %arg0 : i32
    %c0_i32 = arith.constant 0 : i32
    %c0_i32_1 = arith.constant 0 : i32
    return %c0_i32, %add3A_0 : i32, i32
  }
  func.func @transform_4(%arg0: i32) -> (i32, i32) {
    %c0_i32 = arith.constant 0 : i32
    %c0_i32_0 = arith.constant 0 : i32
    %c0_i32_1 = arith.constant 0 : i32
    return %c0_i32, %c0_i32_0 : i32, i32
  }
  func.func @transform_5(%arg0: i32) -> (i32, i32) {
    %c0_i32 = arith.constant 0 : i32
    %c0_i32_0 = arith.constant 0 : i32
    %c0_i32_1 = arith.constant 0 : i32
    return %c0_i32, %c0_i32_0 : i32, i32
  }
  func.func @transform_6(%arg0: i32) -> (i32, i32) {
    %c0_i32 = arith.constant 0 : i32
    %c0_i32_0 = arith.constant 0 : i32
    %c0_i32_1 = arith.constant 0 : i32
    return %c0_i32, %c0_i32_0 : i32, i32
  }
  func.func @transform_7(%arg0: i32) -> (i32, i32) {
    %c0_i32 = arith.constant 0 : i32
    %c0_i32_0 = arith.constant 0 : i32
    %c0_i32_1 = arith.constant 0 : i32
    return %c0_i32, %c0_i32_0 : i32, i32
  }
  func.func @transform_8(%arg0: i32) -> (i32, i32) {
    %c0_i32 = arith.constant 0 : i32
    %c0_i32_0 = arith.constant 0 : i32
    %c0_i32_1 = arith.constant 0 : i32
    return %c0_i32, %c0_i32_0 : i32, i32
  }
  func.func @transform_9(%arg0: i32) -> (i32, i32) {
    %c0_i32 = arith.constant 0 : i32
    %c0_i32_0 = arith.constant 0 : i32
    %c0_i32_1 = arith.constant 0 : i32
    return %c0_i32, %c0_i32_0 : i32, i32
  }
  func.func @transform_10(%arg0: i32) -> (i32, i32) {
    %c0_i32 = arith.constant 0 : i32
    %c0_i32_0 = arith.constant 0 : i32
    %c0_i32_1 = arith.constant 0 : i32
    return %c0_i32, %c0_i32_0 : i32, i32
  }
  func.func @transform_11(%arg0: i32) -> (i32, i32) {
    %c0_i32 = arith.constant 0 : i32
    %c0_i32_0 = arith.constant 0 : i32
    %c0_i32_1 = arith.constant 0 : i32
    return %c0_i32, %c0_i32_0 : i32, i32
  }
  func.func @transform_12(%arg0: i32) -> (i32, i32) {
    %c0_i32 = arith.constant 0 : i32
    %c0_i32_0 = arith.constant 0 : i32
    %c0_i32_1 = arith.constant 0 : i32
    return %c0_i32, %c0_i32_0 : i32, i32
  }
  func.func @transform_13(%arg0: i32) -> (i32, i32) {
    %c0_i32 = arith.constant 0 : i32
    %c0_i32_0 = arith.constant 0 : i32
    %c0_i32_1 = arith.constant 0 : i32
    return %c0_i32, %c0_i32_0 : i32, i32
  }
  func.func @transform_14(%arg0: i32) -> (i32, i32) {
    %c0_i32 = arith.constant 0 : i32
    %c0_i32_0 = arith.constant 0 : i32
    return %arg0, %c0_i32 : i32, i32
  }
}

module attributes {stable_mosaic.version = 14 : i64} {
  func.func @body(%arg0: i32, %arg1: memref<6400x128xf32, #tpu.memory_space<vmem>>, %arg2: memref<6400x128xf32, #tpu.memory_space<vmem>>, %arg3: memref<16x6400xf32, #tpu.memory_space<vmem>>, %arg4: memref<16x6400xf32, #tpu.memory_space<vmem>>, %arg5: memref<128x256xbf16, #tpu.memory_space<vmem>>, %arg6: memref<128x256xbf16, #tpu.memory_space<vmem>>, %arg7: memref<16x256xbf16, #tpu.memory_space<vmem>>, %arg8: memref<1x256xf32, #tpu.memory_space<vmem>>, %arg9: memref<256x128xbf16, #tpu.memory_space<vmem>>, %arg10: memref<1x128xf32, #tpu.memory_space<vmem>>, %arg11: memref<256x128xbf16, #tpu.memory_space<vmem>>, %arg12: memref<1x128xf32, #tpu.memory_space<vmem>>, %arg13: memref<16x128xbf16, #tpu.memory_space<vmem>>, %arg14: memref<1x128xf32, #tpu.memory_space<vmem>>, %arg15: memref<6400x128xf32, #tpu.memory_space<vmem>>) attributes {dimension_semantics = [#tpu.dimension_semantics<arbitrary>], iteration_bounds = array<i64: 16>, scalar_prefetch = 0 : i64, scratch_operands = 0 : i64, tpu.core_type = #tpu.core_type<tc>, window_params = [{transform_indices = @transform_0, window_bounds = array<i64: 6400, 128>}, {transform_indices = @transform_1, window_bounds = array<i64: 6400, 128>}, {transform_indices = @transform_2, window_bounds = array<i64: 16, 6400>}, {transform_indices = @transform_3, window_bounds = array<i64: 16, 6400>}, {pipeline_mode = #tpu.pipeline_mode<synchronous>, transform_indices = @transform_4, window_bounds = array<i64: 128, 256>}, {pipeline_mode = #tpu.pipeline_mode<synchronous>, transform_indices = @transform_5, window_bounds = array<i64: 128, 256>}, {pipeline_mode = #tpu.pipeline_mode<synchronous>, transform_indices = @transform_6, window_bounds = array<i64: 16, 256>}, {pipeline_mode = #tpu.pipeline_mode<synchronous>, transform_indices = @transform_7, window_bounds = array<i64: 1, 256>}, {pipeline_mode = #tpu.pipeline_mode<synchronous>, transform_indices = @transform_8, window_bounds = array<i64: 256, 128>}, {pipeline_mode = #tpu.pipeline_mode<synchronous>, transform_indices = @transform_9, window_bounds = array<i64: 1, 128>}, {pipeline_mode = #tpu.pipeline_mode<synchronous>, transform_indices = @transform_10, window_bounds = array<i64: 256, 128>}, {pipeline_mode = #tpu.pipeline_mode<synchronous>, transform_indices = @transform_11, window_bounds = array<i64: 1, 128>}, {pipeline_mode = #tpu.pipeline_mode<synchronous>, transform_indices = @transform_12, window_bounds = array<i64: 16, 128>}, {pipeline_mode = #tpu.pipeline_mode<synchronous>, transform_indices = @transform_13, window_bounds = array<i64: 1, 128>}, {transform_indices = @transform_14, window_bounds = array<i64: 6400, 128>}]} {
    %get3A = arith.constant 0 : index
    %get3A_0 = arith.constant 0 : index
    %get3A_1 = vector.load %arg1[%get3A, %get3A_0] : memref<6400x128xf32, #tpu.memory_space<vmem>>, vector<6400x128xf32>
    %convert_element_type3A = arith.truncf %get3A_1 : vector<6400x128xf32> to vector<6400x128xbf16>
    %get3A_2 = arith.constant 0 : index
    %get3A_3 = arith.constant 0 : index
    %get3A_4 = vector.load %arg5[%get3A_2, %get3A_3] : memref<128x256xbf16, #tpu.memory_space<vmem>>, vector<128x256xbf16>
    %dot_general3A = arith.constant dense<0.000000e+00> : vector<6400x256xf32>
    %dot_general3A_5 = tpu.matmul %convert_element_type3A, %get3A_4, %dot_general3A {dimension_numbers = #tpu.dot_dimension_numbers<[1], [0], [0], [1], [0, 0, 1, 1], [], []>, transpose_lhs_hint = false} : vector<6400x128xbf16>, vector<128x256xbf16>, vector<6400x256xf32> -> vector<6400x256xf32>
    %get3A_6 = arith.constant 0 : index
    %get3A_7 = arith.constant 0 : index
    %get3A_8 = vector.load %arg2[%get3A_6, %get3A_7] : memref<6400x128xf32, #tpu.memory_space<vmem>>, vector<6400x128xf32>
    %convert_element_type3A_9 = arith.truncf %get3A_8 : vector<6400x128xf32> to vector<6400x128xbf16>
    %get3A_10 = arith.constant 0 : index
    %get3A_11 = arith.constant 0 : index
    %get3A_12 = vector.load %arg6[%get3A_10, %get3A_11] : memref<128x256xbf16, #tpu.memory_space<vmem>>, vector<128x256xbf16>
    %dot_general3A_13 = arith.constant dense<0.000000e+00> : vector<6400x256xf32>
    %dot_general3A_14 = tpu.matmul %convert_element_type3A_9, %get3A_12, %dot_general3A_13 {dimension_numbers = #tpu.dot_dimension_numbers<[1], [0], [0], [1], [0, 0, 1, 1], [], []>, transpose_lhs_hint = false} : vector<6400x128xbf16>, vector<128x256xbf16>, vector<6400x256xf32> -> vector<6400x256xf32>
    %add3A = arith.addf %dot_general3A_5, %dot_general3A_14 : vector<6400x256xf32>
    %get3A_15 = arith.constant 0 : index
    %get3A_16 = arith.constant 0 : index
    %get3A_17 = vector.load %arg3[%get3A_15, %get3A_16] : memref<16x6400xf32, #tpu.memory_space<vmem>>, vector<16x6400xf32>
    %convert_element_type3A_18 = arith.truncf %get3A_17 : vector<16x6400xf32> to vector<16x6400xbf16>
    %get3A_19 = arith.constant 0 : index
    %get3A_20 = arith.constant 0 : index
    %get3A_21 = vector.load %arg7[%get3A_19, %get3A_20] : memref<16x256xbf16, #tpu.memory_space<vmem>>, vector<16x256xbf16>
    %dot_general3A_22 = arith.constant dense<0.000000e+00> : vector<6400x256xf32>
    %dot_general3A_23 = tpu.matmul %convert_element_type3A_18, %get3A_21, %dot_general3A_22 {dimension_numbers = #tpu.dot_dimension_numbers<[0], [0], [1], [1], [0, 1, 1, 1], [], []>, transpose_lhs_hint = false} : vector<16x6400xbf16>, vector<16x256xbf16>, vector<6400x256xf32> -> vector<6400x256xf32>
    %add3A_24 = arith.addf %add3A, %dot_general3A_23 : vector<6400x256xf32>
    %get3A_25 = arith.constant 0 : index
    %get3A_26 = arith.constant 0 : index
    %get3A_27 = vector.load %arg8[%get3A_25, %get3A_26] : memref<1x256xf32, #tpu.memory_space<vmem>>, vector<1x256xf32>
    %add3A_28 = vector.broadcast %get3A_27 : vector<1x256xf32> to vector<6400x256xf32>
    %add3A_29 = arith.addf %add3A_24, %add3A_28 : vector<6400x256xf32>
    %mul3A = arith.constant 5.000000e-01 : f32
    %mul3A_30 = vector.broadcast %mul3A : f32 to vector<6400x256xf32>
    %mul3A_31 = arith.mulf %mul3A_30, %add3A_29 : vector<6400x256xf32>
    %tanh3A = math.tanh %mul3A_31 : vector<6400x256xf32>
    %mul3A_32 = arith.constant 5.000000e-01 : f32
    %mul3A_33 = vector.broadcast %mul3A_32 : f32 to vector<6400x256xf32>
    %mul3A_34 = arith.mulf %mul3A_33, %tanh3A : vector<6400x256xf32>
    %add3A_35 = arith.constant 5.000000e-01 : f32
    %add3A_36 = vector.broadcast %add3A_35 : f32 to vector<6400x256xf32>
    %add3A_37 = arith.addf %mul3A_34, %add3A_36 : vector<6400x256xf32>
    %mul3A_38 = arith.mulf %add3A_29, %add3A_37 : vector<6400x256xf32>
    %convert_element_type3A_39 = arith.truncf %mul3A_38 : vector<6400x256xf32> to vector<6400x256xbf16>
    %get3A_40 = arith.constant 0 : index
    %get3A_41 = arith.constant 0 : index
    %get3A_42 = vector.load %arg9[%get3A_40, %get3A_41] : memref<256x128xbf16, #tpu.memory_space<vmem>>, vector<256x128xbf16>
    %dot_general3A_43 = arith.constant dense<0.000000e+00> : vector<6400x128xf32>
    %dot_general3A_44 = tpu.matmul %convert_element_type3A_39, %get3A_42, %dot_general3A_43 {dimension_numbers = #tpu.dot_dimension_numbers<[1], [0], [0], [1], [0, 0, 1, 1], [], []>, transpose_lhs_hint = false} : vector<6400x256xbf16>, vector<256x128xbf16>, vector<6400x128xf32> -> vector<6400x128xf32>
    %get3A_45 = arith.constant 0 : index
    %get3A_46 = arith.constant 0 : index
    %get3A_47 = vector.load %arg10[%get3A_45, %get3A_46] : memref<1x128xf32, #tpu.memory_space<vmem>>, vector<1x128xf32>
    %add3A_48 = vector.broadcast %get3A_47 : vector<1x128xf32> to vector<6400x128xf32>
    %add3A_49 = arith.addf %dot_general3A_44, %add3A_48 : vector<6400x128xf32>
    %get3A_50 = arith.constant 0 : index
    %get3A_51 = arith.constant 0 : index
    %get3A_52 = vector.load %arg11[%get3A_50, %get3A_51] : memref<256x128xbf16, #tpu.memory_space<vmem>>, vector<256x128xbf16>
    %dot_general3A_53 = arith.constant dense<0.000000e+00> : vector<6400x128xf32>
    %dot_general3A_54 = tpu.matmul %convert_element_type3A_39, %get3A_52, %dot_general3A_53 {dimension_numbers = #tpu.dot_dimension_numbers<[1], [0], [0], [1], [0, 0, 1, 1], [], []>, transpose_lhs_hint = false} : vector<6400x256xbf16>, vector<256x128xbf16>, vector<6400x128xf32> -> vector<6400x128xf32>
    %get3A_55 = arith.constant 0 : index
    %get3A_56 = arith.constant 0 : index
    %get3A_57 = vector.load %arg12[%get3A_55, %get3A_56] : memref<1x128xf32, #tpu.memory_space<vmem>>, vector<1x128xf32>
    %add3A_58 = vector.broadcast %get3A_57 : vector<1x128xf32> to vector<6400x128xf32>
    %add3A_59 = arith.addf %dot_general3A_54, %add3A_58 : vector<6400x128xf32>
    %get3A_60 = arith.constant 0 : index
    %get3A_61 = arith.constant 0 : index
    %get3A_62 = vector.load %arg4[%get3A_60, %get3A_61] : memref<16x6400xf32, #tpu.memory_space<vmem>>, vector<16x6400xf32>
    %convert_element_type3A_63 = arith.truncf %get3A_62 : vector<16x6400xf32> to vector<16x6400xbf16>
    %get3A_64 = arith.constant 0 : index
    %get3A_65 = arith.constant 0 : index
    %get3A_66 = vector.load %arg13[%get3A_64, %get3A_65] : memref<16x128xbf16, #tpu.memory_space<vmem>>, vector<16x128xbf16>
    %dot_general3A_67 = arith.constant dense<0.000000e+00> : vector<6400x128xf32>
    %dot_general3A_68 = tpu.matmul %convert_element_type3A_63, %get3A_66, %dot_general3A_67 {dimension_numbers = #tpu.dot_dimension_numbers<[0], [0], [1], [1], [0, 1, 1, 1], [], []>, transpose_lhs_hint = false} : vector<16x6400xbf16>, vector<16x128xbf16>, vector<6400x128xf32> -> vector<6400x128xf32>
    %get3A_69 = arith.constant 0 : index
    %get3A_70 = arith.constant 0 : index
    %get3A_71 = vector.load %arg14[%get3A_69, %get3A_70] : memref<1x128xf32, #tpu.memory_space<vmem>>, vector<1x128xf32>
    %add3A_72 = vector.broadcast %get3A_71 : vector<1x128xf32> to vector<6400x128xf32>
    %add3A_73 = arith.addf %dot_general3A_68, %add3A_72 : vector<6400x128xf32>
    %mul3A_74 = arith.constant 5.000000e-01 : f32
    %mul3A_75 = vector.broadcast %mul3A_74 : f32 to vector<6400x128xf32>
    %mul3A_76 = arith.mulf %mul3A_75, %add3A_49 : vector<6400x128xf32>
    %tanh3A_77 = math.tanh %mul3A_76 : vector<6400x128xf32>
    %mul3A_78 = arith.constant 5.000000e-01 : f32
    %mul3A_79 = vector.broadcast %mul3A_78 : f32 to vector<6400x128xf32>
    %mul3A_80 = arith.mulf %mul3A_79, %tanh3A_77 : vector<6400x128xf32>
    %add3A_81 = arith.constant 5.000000e-01 : f32
    %add3A_82 = vector.broadcast %add3A_81 : f32 to vector<6400x128xf32>
    %add3A_83 = arith.addf %mul3A_80, %add3A_82 : vector<6400x128xf32>
    %mul3A_84 = arith.mulf %add3A_49, %add3A_83 : vector<6400x128xf32>
    %mul3A_85 = arith.constant 5.000000e-01 : f32
    %mul3A_86 = vector.broadcast %mul3A_85 : f32 to vector<6400x128xf32>
    %mul3A_87 = arith.mulf %mul3A_86, %add3A_59 : vector<6400x128xf32>
    %tanh3A_88 = math.tanh %mul3A_87 : vector<6400x128xf32>
    %mul3A_89 = arith.constant 5.000000e-01 : f32
    %mul3A_90 = vector.broadcast %mul3A_89 : f32 to vector<6400x128xf32>
    %mul3A_91 = arith.mulf %mul3A_90, %tanh3A_88 : vector<6400x128xf32>
    %add3A_92 = arith.constant 5.000000e-01 : f32
    %add3A_93 = vector.broadcast %add3A_92 : f32 to vector<6400x128xf32>
    %add3A_94 = arith.addf %mul3A_91, %add3A_93 : vector<6400x128xf32>
    %mul3A_95 = arith.mulf %mul3A_84, %add3A_94 : vector<6400x128xf32>
    %mul3A_96 = arith.mulf %mul3A_95, %add3A_73 : vector<6400x128xf32>
    %swap3A = arith.constant 0 : index
    %swap3A_97 = arith.constant 0 : index
    %swap3A_98 = vector.load %arg15[%swap3A, %swap3A_97] : memref<6400x128xf32, #tpu.memory_space<vmem>>, vector<6400x128xf32>
    tpu.vector_store %arg15[%swap3A, %swap3A_97], %mul3A_96 {strides = array<i32>} : memref<6400x128xf32, #tpu.memory_space<vmem>>, vector<6400x128xf32>,
    return
  }
  func.func @transform_0(%arg0: i32) -> (i32, i32) {
    %c0_i32 = arith.constant 0 : i32
    %c0_i32_0 = arith.constant 0 : i32
    return %arg0, %c0_i32 : i32, i32
  }
  func.func @transform_1(%arg0: i32) -> (i32, i32) {
    %c0_i32 = arith.constant 0 : i32
    %c0_i32_0 = arith.constant 0 : i32
    return %arg0, %c0_i32 : i32, i32
  }
  func.func @transform_2(%arg0: i32) -> (i32, i32) {
    %add3A = arith.constant 6 : i32
    %add3A_0 = arith.addi %add3A, %arg0 : i32
    %c0_i32 = arith.constant 0 : i32
    %c0_i32_1 = arith.constant 0 : i32
    return %c0_i32, %add3A_0 : i32, i32
  }
  func.func @transform_3(%arg0: i32) -> (i32, i32) {
    %add3A = arith.constant 6 : i32
    %add3A_0 = arith.addi %add3A, %arg0 : i32
    %c0_i32 = arith.constant 0 : i32
    %c0_i32_1 = arith.constant 0 : i32
    return %c0_i32, %add3A_0 : i32, i32
  }
  func.func @transform_4(%arg0: i32) -> (i32, i32) {
    %c0_i32 = arith.constant 0 : i32
    %c0_i32_0 = arith.constant 0 : i32
    %c0_i32_1 = arith.constant 0 : i32
    return %c0_i32, %c0_i32_0 : i32, i32
  }
  func.func @transform_5(%arg0: i32) -> (i32, i32) {
    %c0_i32 = arith.constant 0 : i32
    %c0_i32_0 = arith.constant 0 : i32
    %c0_i32_1 = arith.constant 0 : i32
    return %c0_i32, %c0_i32_0 : i32, i32
  }
  func.func @transform_6(%arg0: i32) -> (i32, i32) {
    %c0_i32 = arith.constant 0 : i32
    %c0_i32_0 = arith.constant 0 : i32
    %c0_i32_1 = arith.constant 0 : i32
    return %c0_i32, %c0_i32_0 : i32, i32
  }
  func.func @transform_7(%arg0: i32) -> (i32, i32) {
    %c0_i32 = arith.constant 0 : i32
    %c0_i32_0 = arith.constant 0 : i32
    %c0_i32_1 = arith.constant 0 : i32
    return %c0_i32, %c0_i32_0 : i32, i32
  }
  func.func @transform_8(%arg0: i32) -> (i32, i32) {
    %c0_i32 = arith.constant 0 : i32
    %c0_i32_0 = arith.constant 0 : i32
    %c0_i32_1 = arith.constant 0 : i32
    return %c0_i32, %c0_i32_0 : i32, i32
  }
  func.func @transform_9(%arg0: i32) -> (i32, i32) {
    %c0_i32 = arith.constant 0 : i32
    %c0_i32_0 = arith.constant 0 : i32
    %c0_i32_1 = arith.constant 0 : i32
    return %c0_i32, %c0_i32_0 : i32, i32
  }
  func.func @transform_10(%arg0: i32) -> (i32, i32) {
    %c0_i32 = arith.constant 0 : i32
    %c0_i32_0 = arith.constant 0 : i32
    %c0_i32_1 = arith.constant 0 : i32
    return %c0_i32, %c0_i32_0 : i32, i32
  }
  func.func @transform_11(%arg0: i32) -> (i32, i32) {
    %c0_i32 = arith.constant 0 : i32
    %c0_i32_0 = arith.constant 0 : i32
    %c0_i32_1 = arith.constant 0 : i32
    return %c0_i32, %c0_i32_0 : i32, i32
  }
  func.func @transform_12(%arg0: i32) -> (i32, i32) {
    %c0_i32 = arith.constant 0 : i32
    %c0_i32_0 = arith.constant 0 : i32
    %c0_i32_1 = arith.constant 0 : i32
    return %c0_i32, %c0_i32_0 : i32, i32
  }
  func.func @transform_13(%arg0: i32) -> (i32, i32) {
    %c0_i32 = arith.constant 0 : i32
    %c0_i32_0 = arith.constant 0 : i32
    %c0_i32_1 = arith.constant 0 : i32
    return %c0_i32, %c0_i32_0 : i32, i32
  }
  func.func @transform_14(%arg0: i32) -> (i32, i32) {
    %c0_i32 = arith.constant 0 : i32
    %c0_i32_0 = arith.constant 0 : i32
    return %arg0, %c0_i32 : i32, i32
  }
}

module attributes {stable_mosaic.version = 14 : i64} {
  func.func @body(%arg0: i32, %arg1: memref<6400x128xf32, #tpu.memory_space<vmem>>, %arg2: memref<6400x128xf32, #tpu.memory_space<vmem>>, %arg3: memref<16x6400xf32, #tpu.memory_space<vmem>>, %arg4: memref<16x6400xf32, #tpu.memory_space<vmem>>, %arg5: memref<128x256xbf16, #tpu.memory_space<vmem>>, %arg6: memref<128x256xbf16, #tpu.memory_space<vmem>>, %arg7: memref<16x256xbf16, #tpu.memory_space<vmem>>, %arg8: memref<1x256xf32, #tpu.memory_space<vmem>>, %arg9: memref<256x128xbf16, #tpu.memory_space<vmem>>, %arg10: memref<1x128xf32, #tpu.memory_space<vmem>>, %arg11: memref<256x128xbf16, #tpu.memory_space<vmem>>, %arg12: memref<1x128xf32, #tpu.memory_space<vmem>>, %arg13: memref<16x128xbf16, #tpu.memory_space<vmem>>, %arg14: memref<1x128xf32, #tpu.memory_space<vmem>>, %arg15: memref<6400x128xf32, #tpu.memory_space<vmem>>) attributes {dimension_semantics = [#tpu.dimension_semantics<arbitrary>], iteration_bounds = array<i64: 14>, scalar_prefetch = 0 : i64, scratch_operands = 0 : i64, tpu.core_type = #tpu.core_type<tc>, window_params = [{transform_indices = @transform_0, window_bounds = array<i64: 6400, 128>}, {transform_indices = @transform_1, window_bounds = array<i64: 6400, 128>}, {transform_indices = @transform_2, window_bounds = array<i64: 16, 6400>}, {transform_indices = @transform_3, window_bounds = array<i64: 16, 6400>}, {pipeline_mode = #tpu.pipeline_mode<synchronous>, transform_indices = @transform_4, window_bounds = array<i64: 128, 256>}, {pipeline_mode = #tpu.pipeline_mode<synchronous>, transform_indices = @transform_5, window_bounds = array<i64: 128, 256>}, {pipeline_mode = #tpu.pipeline_mode<synchronous>, transform_indices = @transform_6, window_bounds = array<i64: 16, 256>}, {pipeline_mode = #tpu.pipeline_mode<synchronous>, transform_indices = @transform_7, window_bounds = array<i64: 1, 256>}, {pipeline_mode = #tpu.pipeline_mode<synchronous>, transform_indices = @transform_8, window_bounds = array<i64: 256, 128>}, {pipeline_mode = #tpu.pipeline_mode<synchronous>, transform_indices = @transform_9, window_bounds = array<i64: 1, 128>}, {pipeline_mode = #tpu.pipeline_mode<synchronous>, transform_indices = @transform_10, window_bounds = array<i64: 256, 128>}, {pipeline_mode = #tpu.pipeline_mode<synchronous>, transform_indices = @transform_11, window_bounds = array<i64: 1, 128>}, {pipeline_mode = #tpu.pipeline_mode<synchronous>, transform_indices = @transform_12, window_bounds = array<i64: 16, 128>}, {pipeline_mode = #tpu.pipeline_mode<synchronous>, transform_indices = @transform_13, window_bounds = array<i64: 1, 128>}, {transform_indices = @transform_14, window_bounds = array<i64: 6400, 128>}]} {
    %get3A = arith.constant 0 : index
    %get3A_0 = arith.constant 0 : index
    %get3A_1 = vector.load %arg1[%get3A, %get3A_0] : memref<6400x128xf32, #tpu.memory_space<vmem>>, vector<6400x128xf32>
    %convert_element_type3A = arith.truncf %get3A_1 : vector<6400x128xf32> to vector<6400x128xbf16>
    %get3A_2 = arith.constant 0 : index
    %get3A_3 = arith.constant 0 : index
    %get3A_4 = vector.load %arg5[%get3A_2, %get3A_3] : memref<128x256xbf16, #tpu.memory_space<vmem>>, vector<128x256xbf16>
    %dot_general3A = arith.constant dense<0.000000e+00> : vector<6400x256xf32>
    %dot_general3A_5 = tpu.matmul %convert_element_type3A, %get3A_4, %dot_general3A {dimension_numbers = #tpu.dot_dimension_numbers<[1], [0], [0], [1], [0, 0, 1, 1], [], []>, transpose_lhs_hint = false} : vector<6400x128xbf16>, vector<128x256xbf16>, vector<6400x256xf32> -> vector<6400x256xf32>
    %get3A_6 = arith.constant 0 : index
    %get3A_7 = arith.constant 0 : index
    %get3A_8 = vector.load %arg2[%get3A_6, %get3A_7] : memref<6400x128xf32, #tpu.memory_space<vmem>>, vector<6400x128xf32>
    %convert_element_type3A_9 = arith.truncf %get3A_8 : vector<6400x128xf32> to vector<6400x128xbf16>
    %get3A_10 = arith.constant 0 : index
    %get3A_11 = arith.constant 0 : index
    %get3A_12 = vector.load %arg6[%get3A_10, %get3A_11] : memref<128x256xbf16, #tpu.memory_space<vmem>>, vector<128x256xbf16>
    %dot_general3A_13 = arith.constant dense<0.000000e+00> : vector<6400x256xf32>
    %dot_general3A_14 = tpu.matmul %convert_element_type3A_9, %get3A_12, %dot_general3A_13 {dimension_numbers = #tpu.dot_dimension_numbers<[1], [0], [0], [1], [0, 0, 1, 1], [], []>, transpose_lhs_hint = false} : vector<6400x128xbf16>, vector<128x256xbf16>, vector<6400x256xf32> -> vector<6400x256xf32>
    %add3A = arith.addf %dot_general3A_5, %dot_general3A_14 : vector<6400x256xf32>
    %get3A_15 = arith.constant 0 : index
    %get3A_16 = arith.constant 0 : index
    %get3A_17 = vector.load %arg3[%get3A_15, %get3A_16] : memref<16x6400xf32, #tpu.memory_space<vmem>>, vector<16x6400xf32>
    %convert_element_type3A_18 = arith.truncf %get3A_17 : vector<16x6400xf32> to vector<16x6400xbf16>
    %get3A_19 = arith.constant 0 : index
    %get3A_20 = arith.constant 0 : index
    %get3A_21 = vector.load %arg7[%get3A_19, %get3A_20] : memref<16x256xbf16, #tpu.memory_space<vmem>>, vector<16x256xbf16>
    %dot_general3A_22 = arith.constant dense<0.000000e+00> : vector<6400x256xf32>
    %dot_general3A_23 = tpu.matmul %convert_element_type3A_18, %get3A_21, %dot_general3A_22 {dimension_numbers = #tpu.dot_dimension_numbers<[0], [0], [1], [1], [0, 1, 1, 1], [], []>, transpose_lhs_hint = false} : vector<16x6400xbf16>, vector<16x256xbf16>, vector<6400x256xf32> -> vector<6400x256xf32>
    %add3A_24 = arith.addf %add3A, %dot_general3A_23 : vector<6400x256xf32>
    %get3A_25 = arith.constant 0 : index
    %get3A_26 = arith.constant 0 : index
    %get3A_27 = vector.load %arg8[%get3A_25, %get3A_26] : memref<1x256xf32, #tpu.memory_space<vmem>>, vector<1x256xf32>
    %add3A_28 = vector.broadcast %get3A_27 : vector<1x256xf32> to vector<6400x256xf32>
    %add3A_29 = arith.addf %add3A_24, %add3A_28 : vector<6400x256xf32>
    %mul3A = arith.constant 5.000000e-01 : f32
    %mul3A_30 = vector.broadcast %mul3A : f32 to vector<6400x256xf32>
    %mul3A_31 = arith.mulf %mul3A_30, %add3A_29 : vector<6400x256xf32>
    %tanh3A = math.tanh %mul3A_31 : vector<6400x256xf32>
    %mul3A_32 = arith.constant 5.000000e-01 : f32
    %mul3A_33 = vector.broadcast %mul3A_32 : f32 to vector<6400x256xf32>
    %mul3A_34 = arith.mulf %mul3A_33, %tanh3A : vector<6400x256xf32>
    %add3A_35 = arith.constant 5.000000e-01 : f32
    %add3A_36 = vector.broadcast %add3A_35 : f32 to vector<6400x256xf32>
    %add3A_37 = arith.addf %mul3A_34, %add3A_36 : vector<6400x256xf32>
    %mul3A_38 = arith.mulf %add3A_29, %add3A_37 : vector<6400x256xf32>
    %convert_element_type3A_39 = arith.truncf %mul3A_38 : vector<6400x256xf32> to vector<6400x256xbf16>
    %get3A_40 = arith.constant 0 : index
    %get3A_41 = arith.constant 0 : index
    %get3A_42 = vector.load %arg9[%get3A_40, %get3A_41] : memref<256x128xbf16, #tpu.memory_space<vmem>>, vector<256x128xbf16>
    %dot_general3A_43 = arith.constant dense<0.000000e+00> : vector<6400x128xf32>
    %dot_general3A_44 = tpu.matmul %convert_element_type3A_39, %get3A_42, %dot_general3A_43 {dimension_numbers = #tpu.dot_dimension_numbers<[1], [0], [0], [1], [0, 0, 1, 1], [], []>, transpose_lhs_hint = false} : vector<6400x256xbf16>, vector<256x128xbf16>, vector<6400x128xf32> -> vector<6400x128xf32>
    %get3A_45 = arith.constant 0 : index
    %get3A_46 = arith.constant 0 : index
    %get3A_47 = vector.load %arg10[%get3A_45, %get3A_46] : memref<1x128xf32, #tpu.memory_space<vmem>>, vector<1x128xf32>
    %add3A_48 = vector.broadcast %get3A_47 : vector<1x128xf32> to vector<6400x128xf32>
    %add3A_49 = arith.addf %dot_general3A_44, %add3A_48 : vector<6400x128xf32>
    %get3A_50 = arith.constant 0 : index
    %get3A_51 = arith.constant 0 : index
    %get3A_52 = vector.load %arg11[%get3A_50, %get3A_51] : memref<256x128xbf16, #tpu.memory_space<vmem>>, vector<256x128xbf16>
    %dot_general3A_53 = arith.constant dense<0.000000e+00> : vector<6400x128xf32>
    %dot_general3A_54 = tpu.matmul %convert_element_type3A_39, %get3A_52, %dot_general3A_53 {dimension_numbers = #tpu.dot_dimension_numbers<[1], [0], [0], [1], [0, 0, 1, 1], [], []>, transpose_lhs_hint = false} : vector<6400x256xbf16>, vector<256x128xbf16>, vector<6400x128xf32> -> vector<6400x128xf32>
    %get3A_55 = arith.constant 0 : index
    %get3A_56 = arith.constant 0 : index
    %get3A_57 = vector.load %arg12[%get3A_55, %get3A_56] : memref<1x128xf32, #tpu.memory_space<vmem>>, vector<1x128xf32>
    %add3A_58 = vector.broadcast %get3A_57 : vector<1x128xf32> to vector<6400x128xf32>
    %add3A_59 = arith.addf %dot_general3A_54, %add3A_58 : vector<6400x128xf32>
    %get3A_60 = arith.constant 0 : index
    %get3A_61 = arith.constant 0 : index
    %get3A_62 = vector.load %arg4[%get3A_60, %get3A_61] : memref<16x6400xf32, #tpu.memory_space<vmem>>, vector<16x6400xf32>
    %convert_element_type3A_63 = arith.truncf %get3A_62 : vector<16x6400xf32> to vector<16x6400xbf16>
    %get3A_64 = arith.constant 0 : index
    %get3A_65 = arith.constant 0 : index
    %get3A_66 = vector.load %arg13[%get3A_64, %get3A_65] : memref<16x128xbf16, #tpu.memory_space<vmem>>, vector<16x128xbf16>
    %dot_general3A_67 = arith.constant dense<0.000000e+00> : vector<6400x128xf32>
    %dot_general3A_68 = tpu.matmul %convert_element_type3A_63, %get3A_66, %dot_general3A_67 {dimension_numbers = #tpu.dot_dimension_numbers<[0], [0], [1], [1], [0, 1, 1, 1], [], []>, transpose_lhs_hint = false} : vector<16x6400xbf16>, vector<16x128xbf16>, vector<6400x128xf32> -> vector<6400x128xf32>
    %get3A_69 = arith.constant 0 : index
    %get3A_70 = arith.constant 0 : index
    %get3A_71 = vector.load %arg14[%get3A_69, %get3A_70] : memref<1x128xf32, #tpu.memory_space<vmem>>, vector<1x128xf32>
    %add3A_72 = vector.broadcast %get3A_71 : vector<1x128xf32> to vector<6400x128xf32>
    %add3A_73 = arith.addf %dot_general3A_68, %add3A_72 : vector<6400x128xf32>
    %mul3A_74 = arith.constant 5.000000e-01 : f32
    %mul3A_75 = vector.broadcast %mul3A_74 : f32 to vector<6400x128xf32>
    %mul3A_76 = arith.mulf %mul3A_75, %add3A_49 : vector<6400x128xf32>
    %tanh3A_77 = math.tanh %mul3A_76 : vector<6400x128xf32>
    %mul3A_78 = arith.constant 5.000000e-01 : f32
    %mul3A_79 = vector.broadcast %mul3A_78 : f32 to vector<6400x128xf32>
    %mul3A_80 = arith.mulf %mul3A_79, %tanh3A_77 : vector<6400x128xf32>
    %add3A_81 = arith.constant 5.000000e-01 : f32
    %add3A_82 = vector.broadcast %add3A_81 : f32 to vector<6400x128xf32>
    %add3A_83 = arith.addf %mul3A_80, %add3A_82 : vector<6400x128xf32>
    %mul3A_84 = arith.mulf %add3A_49, %add3A_83 : vector<6400x128xf32>
    %mul3A_85 = arith.constant 5.000000e-01 : f32
    %mul3A_86 = vector.broadcast %mul3A_85 : f32 to vector<6400x128xf32>
    %mul3A_87 = arith.mulf %mul3A_86, %add3A_59 : vector<6400x128xf32>
    %tanh3A_88 = math.tanh %mul3A_87 : vector<6400x128xf32>
    %mul3A_89 = arith.constant 5.000000e-01 : f32
    %mul3A_90 = vector.broadcast %mul3A_89 : f32 to vector<6400x128xf32>
    %mul3A_91 = arith.mulf %mul3A_90, %tanh3A_88 : vector<6400x128xf32>
    %add3A_92 = arith.constant 5.000000e-01 : f32
    %add3A_93 = vector.broadcast %add3A_92 : f32 to vector<6400x128xf32>
    %add3A_94 = arith.addf %mul3A_91, %add3A_93 : vector<6400x128xf32>
    %mul3A_95 = arith.mulf %mul3A_84, %add3A_94 : vector<6400x128xf32>
    %mul3A_96 = arith.mulf %mul3A_95, %add3A_73 : vector<6400x128xf32>
    %swap3A = arith.constant 0 : index
    %swap3A_97 = arith.constant 0 : index
    %swap3A_98 = vector.load %arg15[%swap3A, %swap3A_97] : memref<6400x128xf32, #tpu.memory_space<vmem>>, vector<6400x128xf32>
    tpu.vector_store %arg15[%swap3A, %swap3A_97], %mul3A_96 {strides = array<i32>} : memref<6400x128xf32, #tpu.memory_space<vmem>>, vector<6400x128xf32>,
    return
  }
  func.func @transform_0(%arg0: i32) -> (i32, i32) {
    %c0_i32 = arith.constant 0 : i32
    %c0_i32_0 = arith.constant 0 : i32
    return %arg0, %c0_i32 : i32, i32
  }
  func.func @transform_1(%arg0: i32) -> (i32, i32) {
    %c0_i32 = arith.constant 0 : i32
    %c0_i32_0 = arith.constant 0 : i32
    return %arg0, %c0_i32 : i32, i32
  }
  func.func @transform_2(%arg0: i32) -> (i32, i32) {
    %add3A = arith.constant 22 : i32
    %add3A_0 = arith.addi %add3A, %arg0 : i32
    %c0_i32 = arith.constant 0 : i32
    %c0_i32_1 = arith.constant 0 : i32
    return %c0_i32, %add3A_0 : i32, i32
  }
  func.func @transform_3(%arg0: i32) -> (i32, i32) {
    %add3A = arith.constant 22 : i32
    %add3A_0 = arith.addi %add3A, %arg0 : i32
    %c0_i32 = arith.constant 0 : i32
    %c0_i32_1 = arith.constant 0 : i32
    return %c0_i32, %add3A_0 : i32, i32
  }
  func.func @transform_4(%arg0: i32) -> (i32, i32) {
    %c0_i32 = arith.constant 0 : i32
    %c0_i32_0 = arith.constant 0 : i32
    %c0_i32_1 = arith.constant 0 : i32
    return %c0_i32, %c0_i32_0 : i32, i32
  }
  func.func @transform_5(%arg0: i32) -> (i32, i32) {
    %c0_i32 = arith.constant 0 : i32
    %c0_i32_0 = arith.constant 0 : i32
    %c0_i32_1 = arith.constant 0 : i32
    return %c0_i32, %c0_i32_0 : i32, i32
  }
  func.func @transform_6(%arg0: i32) -> (i32, i32) {
    %c0_i32 = arith.constant 0 : i32
    %c0_i32_0 = arith.constant 0 : i32
    %c0_i32_1 = arith.constant 0 : i32
    return %c0_i32, %c0_i32_0 : i32, i32
  }
  func.func @transform_7(%arg0: i32) -> (i32, i32) {
    %c0_i32 = arith.constant 0 : i32
    %c0_i32_0 = arith.constant 0 : i32
    %c0_i32_1 = arith.constant 0 : i32
    return %c0_i32, %c0_i32_0 : i32, i32
  }
  func.func @transform_8(%arg0: i32) -> (i32, i32) {
    %c0_i32 = arith.constant 0 : i32
    %c0_i32_0 = arith.constant 0 : i32
    %c0_i32_1 = arith.constant 0 : i32
    return %c0_i32, %c0_i32_0 : i32, i32
  }
  func.func @transform_9(%arg0: i32) -> (i32, i32) {
    %c0_i32 = arith.constant 0 : i32
    %c0_i32_0 = arith.constant 0 : i32
    %c0_i32_1 = arith.constant 0 : i32
    return %c0_i32, %c0_i32_0 : i32, i32
  }
  func.func @transform_10(%arg0: i32) -> (i32, i32) {
    %c0_i32 = arith.constant 0 : i32
    %c0_i32_0 = arith.constant 0 : i32
    %c0_i32_1 = arith.constant 0 : i32
    return %c0_i32, %c0_i32_0 : i32, i32
  }
  func.func @transform_11(%arg0: i32) -> (i32, i32) {
    %c0_i32 = arith.constant 0 : i32
    %c0_i32_0 = arith.constant 0 : i32
    %c0_i32_1 = arith.constant 0 : i32
    return %c0_i32, %c0_i32_0 : i32, i32
  }
  func.func @transform_12(%arg0: i32) -> (i32, i32) {
    %c0_i32 = arith.constant 0 : i32
    %c0_i32_0 = arith.constant 0 : i32
    %c0_i32_1 = arith.constant 0 : i32
    return %c0_i32, %c0_i32_0 : i32, i32
  }
  func.func @transform_13(%arg0: i32) -> (i32, i32) {
    %c0_i32 = arith.constant 0 : i32
    %c0_i32_0 = arith.constant 0 : i32
    %c0_i32_1 = arith.constant 0 : i32
    return %c0_i32, %c0_i32_0 : i32, i32
  }
  func.func @transform_14(%arg0: i32) -> (i32, i32) {
    %c0_i32 = arith.constant 0 : i32
    %c0_i32_0 = arith.constant 0 : i32
    return %arg0, %c0_i32 : i32, i32
  }
}

module attributes {stable_mosaic.version = 14 : i64} {
  func.func @body(%arg0: i32, %arg1: memref<6400x128xf32, #tpu.memory_space<vmem>>, %arg2: memref<6400x128xf32, #tpu.memory_space<vmem>>, %arg3: memref<16x6400xf32, #tpu.memory_space<vmem>>, %arg4: memref<16x6400xf32, #tpu.memory_space<vmem>>, %arg5: memref<128x256xbf16, #tpu.memory_space<vmem>>, %arg6: memref<128x256xbf16, #tpu.memory_space<vmem>>, %arg7: memref<16x256xbf16, #tpu.memory_space<vmem>>, %arg8: memref<1x256xf32, #tpu.memory_space<vmem>>, %arg9: memref<256x128xbf16, #tpu.memory_space<vmem>>, %arg10: memref<1x128xf32, #tpu.memory_space<vmem>>, %arg11: memref<256x128xbf16, #tpu.memory_space<vmem>>, %arg12: memref<1x128xf32, #tpu.memory_space<vmem>>, %arg13: memref<16x128xbf16, #tpu.memory_space<vmem>>, %arg14: memref<1x128xf32, #tpu.memory_space<vmem>>, %arg15: memref<6400x128xf32, #tpu.memory_space<vmem>>) attributes {dimension_semantics = [#tpu.dimension_semantics<arbitrary>], iteration_bounds = array<i64: 8>, scalar_prefetch = 0 : i64, scratch_operands = 0 : i64, tpu.core_type = #tpu.core_type<tc>, window_params = [{transform_indices = @transform_0, window_bounds = array<i64: 6400, 128>}, {transform_indices = @transform_1, window_bounds = array<i64: 6400, 128>}, {transform_indices = @transform_2, window_bounds = array<i64: 16, 6400>}, {transform_indices = @transform_3, window_bounds = array<i64: 16, 6400>}, {pipeline_mode = #tpu.pipeline_mode<synchronous>, transform_indices = @transform_4, window_bounds = array<i64: 128, 256>}, {pipeline_mode = #tpu.pipeline_mode<synchronous>, transform_indices = @transform_5, window_bounds = array<i64: 128, 256>}, {pipeline_mode = #tpu.pipeline_mode<synchronous>, transform_indices = @transform_6, window_bounds = array<i64: 16, 256>}, {pipeline_mode = #tpu.pipeline_mode<synchronous>, transform_indices = @transform_7, window_bounds = array<i64: 1, 256>}, {pipeline_mode = #tpu.pipeline_mode<synchronous>, transform_indices = @transform_8, window_bounds = array<i64: 256, 128>}, {pipeline_mode = #tpu.pipeline_mode<synchronous>, transform_indices = @transform_9, window_bounds = array<i64: 1, 128>}, {pipeline_mode = #tpu.pipeline_mode<synchronous>, transform_indices = @transform_10, window_bounds = array<i64: 256, 128>}, {pipeline_mode = #tpu.pipeline_mode<synchronous>, transform_indices = @transform_11, window_bounds = array<i64: 1, 128>}, {pipeline_mode = #tpu.pipeline_mode<synchronous>, transform_indices = @transform_12, window_bounds = array<i64: 16, 128>}, {pipeline_mode = #tpu.pipeline_mode<synchronous>, transform_indices = @transform_13, window_bounds = array<i64: 1, 128>}, {transform_indices = @transform_14, window_bounds = array<i64: 6400, 128>}]} {
    %get3A = arith.constant 0 : index
    %get3A_0 = arith.constant 0 : index
    %get3A_1 = vector.load %arg1[%get3A, %get3A_0] : memref<6400x128xf32, #tpu.memory_space<vmem>>, vector<6400x128xf32>
    %convert_element_type3A = arith.truncf %get3A_1 : vector<6400x128xf32> to vector<6400x128xbf16>
    %get3A_2 = arith.constant 0 : index
    %get3A_3 = arith.constant 0 : index
    %get3A_4 = vector.load %arg5[%get3A_2, %get3A_3] : memref<128x256xbf16, #tpu.memory_space<vmem>>, vector<128x256xbf16>
    %dot_general3A = arith.constant dense<0.000000e+00> : vector<6400x256xf32>
    %dot_general3A_5 = tpu.matmul %convert_element_type3A, %get3A_4, %dot_general3A {dimension_numbers = #tpu.dot_dimension_numbers<[1], [0], [0], [1], [0, 0, 1, 1], [], []>, transpose_lhs_hint = false} : vector<6400x128xbf16>, vector<128x256xbf16>, vector<6400x256xf32> -> vector<6400x256xf32>
    %get3A_6 = arith.constant 0 : index
    %get3A_7 = arith.constant 0 : index
    %get3A_8 = vector.load %arg2[%get3A_6, %get3A_7] : memref<6400x128xf32, #tpu.memory_space<vmem>>, vector<6400x128xf32>
    %convert_element_type3A_9 = arith.truncf %get3A_8 : vector<6400x128xf32> to vector<6400x128xbf16>
    %get3A_10 = arith.constant 0 : index
    %get3A_11 = arith.constant 0 : index
    %get3A_12 = vector.load %arg6[%get3A_10, %get3A_11] : memref<128x256xbf16, #tpu.memory_space<vmem>>, vector<128x256xbf16>
    %dot_general3A_13 = arith.constant dense<0.000000e+00> : vector<6400x256xf32>
    %dot_general3A_14 = tpu.matmul %convert_element_type3A_9, %get3A_12, %dot_general3A_13 {dimension_numbers = #tpu.dot_dimension_numbers<[1], [0], [0], [1], [0, 0, 1, 1], [], []>, transpose_lhs_hint = false} : vector<6400x128xbf16>, vector<128x256xbf16>, vector<6400x256xf32> -> vector<6400x256xf32>
    %add3A = arith.addf %dot_general3A_5, %dot_general3A_14 : vector<6400x256xf32>
    %get3A_15 = arith.constant 0 : index
    %get3A_16 = arith.constant 0 : index
    %get3A_17 = vector.load %arg3[%get3A_15, %get3A_16] : memref<16x6400xf32, #tpu.memory_space<vmem>>, vector<16x6400xf32>
    %convert_element_type3A_18 = arith.truncf %get3A_17 : vector<16x6400xf32> to vector<16x6400xbf16>
    %get3A_19 = arith.constant 0 : index
    %get3A_20 = arith.constant 0 : index
    %get3A_21 = vector.load %arg7[%get3A_19, %get3A_20] : memref<16x256xbf16, #tpu.memory_space<vmem>>, vector<16x256xbf16>
    %dot_general3A_22 = arith.constant dense<0.000000e+00> : vector<6400x256xf32>
    %dot_general3A_23 = tpu.matmul %convert_element_type3A_18, %get3A_21, %dot_general3A_22 {dimension_numbers = #tpu.dot_dimension_numbers<[0], [0], [1], [1], [0, 1, 1, 1], [], []>, transpose_lhs_hint = false} : vector<16x6400xbf16>, vector<16x256xbf16>, vector<6400x256xf32> -> vector<6400x256xf32>
    %add3A_24 = arith.addf %add3A, %dot_general3A_23 : vector<6400x256xf32>
    %get3A_25 = arith.constant 0 : index
    %get3A_26 = arith.constant 0 : index
    %get3A_27 = vector.load %arg8[%get3A_25, %get3A_26] : memref<1x256xf32, #tpu.memory_space<vmem>>, vector<1x256xf32>
    %add3A_28 = vector.broadcast %get3A_27 : vector<1x256xf32> to vector<6400x256xf32>
    %add3A_29 = arith.addf %add3A_24, %add3A_28 : vector<6400x256xf32>
    %mul3A = arith.constant 5.000000e-01 : f32
    %mul3A_30 = vector.broadcast %mul3A : f32 to vector<6400x256xf32>
    %mul3A_31 = arith.mulf %mul3A_30, %add3A_29 : vector<6400x256xf32>
    %tanh3A = math.tanh %mul3A_31 : vector<6400x256xf32>
    %mul3A_32 = arith.constant 5.000000e-01 : f32
    %mul3A_33 = vector.broadcast %mul3A_32 : f32 to vector<6400x256xf32>
    %mul3A_34 = arith.mulf %mul3A_33, %tanh3A : vector<6400x256xf32>
    %add3A_35 = arith.constant 5.000000e-01 : f32
    %add3A_36 = vector.broadcast %add3A_35 : f32 to vector<6400x256xf32>
    %add3A_37 = arith.addf %mul3A_34, %add3A_36 : vector<6400x256xf32>
    %mul3A_38 = arith.mulf %add3A_29, %add3A_37 : vector<6400x256xf32>
    %convert_element_type3A_39 = arith.truncf %mul3A_38 : vector<6400x256xf32> to vector<6400x256xbf16>
    %get3A_40 = arith.constant 0 : index
    %get3A_41 = arith.constant 0 : index
    %get3A_42 = vector.load %arg9[%get3A_40, %get3A_41] : memref<256x128xbf16, #tpu.memory_space<vmem>>, vector<256x128xbf16>
    %dot_general3A_43 = arith.constant dense<0.000000e+00> : vector<6400x128xf32>
    %dot_general3A_44 = tpu.matmul %convert_element_type3A_39, %get3A_42, %dot_general3A_43 {dimension_numbers = #tpu.dot_dimension_numbers<[1], [0], [0], [1], [0, 0, 1, 1], [], []>, transpose_lhs_hint = false} : vector<6400x256xbf16>, vector<256x128xbf16>, vector<6400x128xf32> -> vector<6400x128xf32>
    %get3A_45 = arith.constant 0 : index
    %get3A_46 = arith.constant 0 : index
    %get3A_47 = vector.load %arg10[%get3A_45, %get3A_46] : memref<1x128xf32, #tpu.memory_space<vmem>>, vector<1x128xf32>
    %add3A_48 = vector.broadcast %get3A_47 : vector<1x128xf32> to vector<6400x128xf32>
    %add3A_49 = arith.addf %dot_general3A_44, %add3A_48 : vector<6400x128xf32>
    %get3A_50 = arith.constant 0 : index
    %get3A_51 = arith.constant 0 : index
    %get3A_52 = vector.load %arg11[%get3A_50, %get3A_51] : memref<256x128xbf16, #tpu.memory_space<vmem>>, vector<256x128xbf16>
    %dot_general3A_53 = arith.constant dense<0.000000e+00> : vector<6400x128xf32>
    %dot_general3A_54 = tpu.matmul %convert_element_type3A_39, %get3A_52, %dot_general3A_53 {dimension_numbers = #tpu.dot_dimension_numbers<[1], [0], [0], [1], [0, 0, 1, 1], [], []>, transpose_lhs_hint = false} : vector<6400x256xbf16>, vector<256x128xbf16>, vector<6400x128xf32> -> vector<6400x128xf32>
    %get3A_55 = arith.constant 0 : index
    %get3A_56 = arith.constant 0 : index
    %get3A_57 = vector.load %arg12[%get3A_55, %get3A_56] : memref<1x128xf32, #tpu.memory_space<vmem>>, vector<1x128xf32>
    %add3A_58 = vector.broadcast %get3A_57 : vector<1x128xf32> to vector<6400x128xf32>
    %add3A_59 = arith.addf %dot_general3A_54, %add3A_58 : vector<6400x128xf32>
    %get3A_60 = arith.constant 0 : index
    %get3A_61 = arith.constant 0 : index
    %get3A_62 = vector.load %arg4[%get3A_60, %get3A_61] : memref<16x6400xf32, #tpu.memory_space<vmem>>, vector<16x6400xf32>
    %convert_element_type3A_63 = arith.truncf %get3A_62 : vector<16x6400xf32> to vector<16x6400xbf16>
    %get3A_64 = arith.constant 0 : index
    %get3A_65 = arith.constant 0 : index
    %get3A_66 = vector.load %arg13[%get3A_64, %get3A_65] : memref<16x128xbf16, #tpu.memory_space<vmem>>, vector<16x128xbf16>
    %dot_general3A_67 = arith.constant dense<0.000000e+00> : vector<6400x128xf32>
    %dot_general3A_68 = tpu.matmul %convert_element_type3A_63, %get3A_66, %dot_general3A_67 {dimension_numbers = #tpu.dot_dimension_numbers<[0], [0], [1], [1], [0, 1, 1, 1], [], []>, transpose_lhs_hint = false} : vector<16x6400xbf16>, vector<16x128xbf16>, vector<6400x128xf32> -> vector<6400x128xf32>
    %get3A_69 = arith.constant 0 : index
    %get3A_70 = arith.constant 0 : index
    %get3A_71 = vector.load %arg14[%get3A_69, %get3A_70] : memref<1x128xf32, #tpu.memory_space<vmem>>, vector<1x128xf32>
    %add3A_72 = vector.broadcast %get3A_71 : vector<1x128xf32> to vector<6400x128xf32>
    %add3A_73 = arith.addf %dot_general3A_68, %add3A_72 : vector<6400x128xf32>
    %mul3A_74 = arith.constant 5.000000e-01 : f32
    %mul3A_75 = vector.broadcast %mul3A_74 : f32 to vector<6400x128xf32>
    %mul3A_76 = arith.mulf %mul3A_75, %add3A_49 : vector<6400x128xf32>
    %tanh3A_77 = math.tanh %mul3A_76 : vector<6400x128xf32>
    %mul3A_78 = arith.constant 5.000000e-01 : f32
    %mul3A_79 = vector.broadcast %mul3A_78 : f32 to vector<6400x128xf32>
    %mul3A_80 = arith.mulf %mul3A_79, %tanh3A_77 : vector<6400x128xf32>
    %add3A_81 = arith.constant 5.000000e-01 : f32
    %add3A_82 = vector.broadcast %add3A_81 : f32 to vector<6400x128xf32>
    %add3A_83 = arith.addf %mul3A_80, %add3A_82 : vector<6400x128xf32>
    %mul3A_84 = arith.mulf %add3A_49, %add3A_83 : vector<6400x128xf32>
    %mul3A_85 = arith.constant 5.000000e-01 : f32
    %mul3A_86 = vector.broadcast %mul3A_85 : f32 to vector<6400x128xf32>
    %mul3A_87 = arith.mulf %mul3A_86, %add3A_59 : vector<6400x128xf32>
    %tanh3A_88 = math.tanh %mul3A_87 : vector<6400x128xf32>
    %mul3A_89 = arith.constant 5.000000e-01 : f32
    %mul3A_90 = vector.broadcast %mul3A_89 : f32 to vector<6400x128xf32>
    %mul3A_91 = arith.mulf %mul3A_90, %tanh3A_88 : vector<6400x128xf32>
    %add3A_92 = arith.constant 5.000000e-01 : f32
    %add3A_93 = vector.broadcast %add3A_92 : f32 to vector<6400x128xf32>
    %add3A_94 = arith.addf %mul3A_91, %add3A_93 : vector<6400x128xf32>
    %mul3A_95 = arith.mulf %mul3A_84, %add3A_94 : vector<6400x128xf32>
    %mul3A_96 = arith.mulf %mul3A_95, %add3A_73 : vector<6400x128xf32>
    %swap3A = arith.constant 0 : index
    %swap3A_97 = arith.constant 0 : index
    %swap3A_98 = vector.load %arg15[%swap3A, %swap3A_97] : memref<6400x128xf32, #tpu.memory_space<vmem>>, vector<6400x128xf32>
    tpu.vector_store %arg15[%swap3A, %swap3A_97], %mul3A_96 {strides = array<i32>} : memref<6400x128xf32, #tpu.memory_space<vmem>>, vector<6400x128xf32>,
    return
  }
  func.func @transform_0(%arg0: i32) -> (i32, i32) {
    %c0_i32 = arith.constant 0 : i32
    %c0_i32_0 = arith.constant 0 : i32
    return %arg0, %c0_i32 : i32, i32
  }
  func.func @transform_1(%arg0: i32) -> (i32, i32) {
    %c0_i32 = arith.constant 0 : i32
    %c0_i32_0 = arith.constant 0 : i32
    return %arg0, %c0_i32 : i32, i32
  }
  func.func @transform_2(%arg0: i32) -> (i32, i32) {
    %add3A = arith.constant 36 : i32
    %add3A_0 = arith.addi %add3A, %arg0 : i32
    %c0_i32 = arith.constant 0 : i32
    %c0_i32_1 = arith.constant 0 : i32
    return %c0_i32, %add3A_0 : i32, i32
  }
  func.func @transform_3(%arg0: i32) -> (i32, i32) {
    %add3A = arith.constant 36 : i32
    %add3A_0 = arith.addi %add3A, %arg0 : i32
    %c0_i32 = arith.constant 0 : i32
    %c0_i32_1 = arith.constant 0 : i32
    return %c0_i32, %add3A_0 : i32, i32
  }
  func.func @transform_4(%arg0: i32) -> (i32, i32) {
    %c0_i32 = arith.constant 0 : i32
    %c0_i32_0 = arith.constant 0 : i32
    %c0_i32_1 = arith.constant 0 : i32
    return %c0_i32, %c0_i32_0 : i32, i32
  }
  func.func @transform_5(%arg0: i32) -> (i32, i32) {
    %c0_i32 = arith.constant 0 : i32
    %c0_i32_0 = arith.constant 0 : i32
    %c0_i32_1 = arith.constant 0 : i32
    return %c0_i32, %c0_i32_0 : i32, i32
  }
  func.func @transform_6(%arg0: i32) -> (i32, i32) {
    %c0_i32 = arith.constant 0 : i32
    %c0_i32_0 = arith.constant 0 : i32
    %c0_i32_1 = arith.constant 0 : i32
    return %c0_i32, %c0_i32_0 : i32, i32
  }
  func.func @transform_7(%arg0: i32) -> (i32, i32) {
    %c0_i32 = arith.constant 0 : i32
    %c0_i32_0 = arith.constant 0 : i32
    %c0_i32_1 = arith.constant 0 : i32
    return %c0_i32, %c0_i32_0 : i32, i32
  }
  func.func @transform_8(%arg0: i32) -> (i32, i32) {
    %c0_i32 = arith.constant 0 : i32
    %c0_i32_0 = arith.constant 0 : i32
    %c0_i32_1 = arith.constant 0 : i32
    return %c0_i32, %c0_i32_0 : i32, i32
  }
  func.func @transform_9(%arg0: i32) -> (i32, i32) {
    %c0_i32 = arith.constant 0 : i32
    %c0_i32_0 = arith.constant 0 : i32
    %c0_i32_1 = arith.constant 0 : i32
    return %c0_i32, %c0_i32_0 : i32, i32
  }
  func.func @transform_10(%arg0: i32) -> (i32, i32) {
    %c0_i32 = arith.constant 0 : i32
    %c0_i32_0 = arith.constant 0 : i32
    %c0_i32_1 = arith.constant 0 : i32
    return %c0_i32, %c0_i32_0 : i32, i32
  }
  func.func @transform_11(%arg0: i32) -> (i32, i32) {
    %c0_i32 = arith.constant 0 : i32
    %c0_i32_0 = arith.constant 0 : i32
    %c0_i32_1 = arith.constant 0 : i32
    return %c0_i32, %c0_i32_0 : i32, i32
  }
  func.func @transform_12(%arg0: i32) -> (i32, i32) {
    %c0_i32 = arith.constant 0 : i32
    %c0_i32_0 = arith.constant 0 : i32
    %c0_i32_1 = arith.constant 0 : i32
    return %c0_i32, %c0_i32_0 : i32, i32
  }
  func.func @transform_13(%arg0: i32) -> (i32, i32) {
    %c0_i32 = arith.constant 0 : i32
    %c0_i32_0 = arith.constant 0 : i32
    %c0_i32_1 = arith.constant 0 : i32
    return %c0_i32, %c0_i32_0 : i32, i32
  }
  func.func @transform_14(%arg0: i32) -> (i32, i32) {
    %c0_i32 = arith.constant 0 : i32
    %c0_i32_0 = arith.constant 0 : i32
    return %arg0, %c0_i32 : i32, i32
  }
}

module attributes {stable_mosaic.version = 14 : i64} {
  func.func @body(%arg0: i32, %arg1: memref<6400x128xf32, #tpu.memory_space<vmem>>, %arg2: memref<6400x128xf32, #tpu.memory_space<vmem>>, %arg3: memref<16x6400xf32, #tpu.memory_space<vmem>>, %arg4: memref<16x6400xf32, #tpu.memory_space<vmem>>, %arg5: memref<128x256xbf16, #tpu.memory_space<vmem>>, %arg6: memref<128x256xbf16, #tpu.memory_space<vmem>>, %arg7: memref<16x256xbf16, #tpu.memory_space<vmem>>, %arg8: memref<1x256xf32, #tpu.memory_space<vmem>>, %arg9: memref<256x128xbf16, #tpu.memory_space<vmem>>, %arg10: memref<1x128xf32, #tpu.memory_space<vmem>>, %arg11: memref<256x128xbf16, #tpu.memory_space<vmem>>, %arg12: memref<1x128xf32, #tpu.memory_space<vmem>>, %arg13: memref<16x128xbf16, #tpu.memory_space<vmem>>, %arg14: memref<1x128xf32, #tpu.memory_space<vmem>>, %arg15: memref<6400x128xf32, #tpu.memory_space<vmem>>) attributes {dimension_semantics = [#tpu.dimension_semantics<arbitrary>], iteration_bounds = array<i64: 6>, scalar_prefetch = 0 : i64, scratch_operands = 0 : i64, tpu.core_type = #tpu.core_type<tc>, window_params = [{transform_indices = @transform_0, window_bounds = array<i64: 6400, 128>}, {transform_indices = @transform_1, window_bounds = array<i64: 6400, 128>}, {transform_indices = @transform_2, window_bounds = array<i64: 16, 6400>}, {transform_indices = @transform_3, window_bounds = array<i64: 16, 6400>}, {pipeline_mode = #tpu.pipeline_mode<synchronous>, transform_indices = @transform_4, window_bounds = array<i64: 128, 256>}, {pipeline_mode = #tpu.pipeline_mode<synchronous>, transform_indices = @transform_5, window_bounds = array<i64: 128, 256>}, {pipeline_mode = #tpu.pipeline_mode<synchronous>, transform_indices = @transform_6, window_bounds = array<i64: 16, 256>}, {pipeline_mode = #tpu.pipeline_mode<synchronous>, transform_indices = @transform_7, window_bounds = array<i64: 1, 256>}, {pipeline_mode = #tpu.pipeline_mode<synchronous>, transform_indices = @transform_8, window_bounds = array<i64: 256, 128>}, {pipeline_mode = #tpu.pipeline_mode<synchronous>, transform_indices = @transform_9, window_bounds = array<i64: 1, 128>}, {pipeline_mode = #tpu.pipeline_mode<synchronous>, transform_indices = @transform_10, window_bounds = array<i64: 256, 128>}, {pipeline_mode = #tpu.pipeline_mode<synchronous>, transform_indices = @transform_11, window_bounds = array<i64: 1, 128>}, {pipeline_mode = #tpu.pipeline_mode<synchronous>, transform_indices = @transform_12, window_bounds = array<i64: 16, 128>}, {pipeline_mode = #tpu.pipeline_mode<synchronous>, transform_indices = @transform_13, window_bounds = array<i64: 1, 128>}, {transform_indices = @transform_14, window_bounds = array<i64: 6400, 128>}]} {
    %get3A = arith.constant 0 : index
    %get3A_0 = arith.constant 0 : index
    %get3A_1 = vector.load %arg1[%get3A, %get3A_0] : memref<6400x128xf32, #tpu.memory_space<vmem>>, vector<6400x128xf32>
    %convert_element_type3A = arith.truncf %get3A_1 : vector<6400x128xf32> to vector<6400x128xbf16>
    %get3A_2 = arith.constant 0 : index
    %get3A_3 = arith.constant 0 : index
    %get3A_4 = vector.load %arg5[%get3A_2, %get3A_3] : memref<128x256xbf16, #tpu.memory_space<vmem>>, vector<128x256xbf16>
    %dot_general3A = arith.constant dense<0.000000e+00> : vector<6400x256xf32>
    %dot_general3A_5 = tpu.matmul %convert_element_type3A, %get3A_4, %dot_general3A {dimension_numbers = #tpu.dot_dimension_numbers<[1], [0], [0], [1], [0, 0, 1, 1], [], []>, transpose_lhs_hint = false} : vector<6400x128xbf16>, vector<128x256xbf16>, vector<6400x256xf32> -> vector<6400x256xf32>
    %get3A_6 = arith.constant 0 : index
    %get3A_7 = arith.constant 0 : index
    %get3A_8 = vector.load %arg2[%get3A_6, %get3A_7] : memref<6400x128xf32, #tpu.memory_space<vmem>>, vector<6400x128xf32>
    %convert_element_type3A_9 = arith.truncf %get3A_8 : vector<6400x128xf32> to vector<6400x128xbf16>
    %get3A_10 = arith.constant 0 : index
    %get3A_11 = arith.constant 0 : index
    %get3A_12 = vector.load %arg6[%get3A_10, %get3A_11] : memref<128x256xbf16, #tpu.memory_space<vmem>>, vector<128x256xbf16>
    %dot_general3A_13 = arith.constant dense<0.000000e+00> : vector<6400x256xf32>
    %dot_general3A_14 = tpu.matmul %convert_element_type3A_9, %get3A_12, %dot_general3A_13 {dimension_numbers = #tpu.dot_dimension_numbers<[1], [0], [0], [1], [0, 0, 1, 1], [], []>, transpose_lhs_hint = false} : vector<6400x128xbf16>, vector<128x256xbf16>, vector<6400x256xf32> -> vector<6400x256xf32>
    %add3A = arith.addf %dot_general3A_5, %dot_general3A_14 : vector<6400x256xf32>
    %get3A_15 = arith.constant 0 : index
    %get3A_16 = arith.constant 0 : index
    %get3A_17 = vector.load %arg3[%get3A_15, %get3A_16] : memref<16x6400xf32, #tpu.memory_space<vmem>>, vector<16x6400xf32>
    %convert_element_type3A_18 = arith.truncf %get3A_17 : vector<16x6400xf32> to vector<16x6400xbf16>
    %get3A_19 = arith.constant 0 : index
    %get3A_20 = arith.constant 0 : index
    %get3A_21 = vector.load %arg7[%get3A_19, %get3A_20] : memref<16x256xbf16, #tpu.memory_space<vmem>>, vector<16x256xbf16>
    %dot_general3A_22 = arith.constant dense<0.000000e+00> : vector<6400x256xf32>
    %dot_general3A_23 = tpu.matmul %convert_element_type3A_18, %get3A_21, %dot_general3A_22 {dimension_numbers = #tpu.dot_dimension_numbers<[0], [0], [1], [1], [0, 1, 1, 1], [], []>, transpose_lhs_hint = false} : vector<16x6400xbf16>, vector<16x256xbf16>, vector<6400x256xf32> -> vector<6400x256xf32>
    %add3A_24 = arith.addf %add3A, %dot_general3A_23 : vector<6400x256xf32>
    %get3A_25 = arith.constant 0 : index
    %get3A_26 = arith.constant 0 : index
    %get3A_27 = vector.load %arg8[%get3A_25, %get3A_26] : memref<1x256xf32, #tpu.memory_space<vmem>>, vector<1x256xf32>
    %add3A_28 = vector.broadcast %get3A_27 : vector<1x256xf32> to vector<6400x256xf32>
    %add3A_29 = arith.addf %add3A_24, %add3A_28 : vector<6400x256xf32>
    %mul3A = arith.constant 5.000000e-01 : f32
    %mul3A_30 = vector.broadcast %mul3A : f32 to vector<6400x256xf32>
    %mul3A_31 = arith.mulf %mul3A_30, %add3A_29 : vector<6400x256xf32>
    %tanh3A = math.tanh %mul3A_31 : vector<6400x256xf32>
    %mul3A_32 = arith.constant 5.000000e-01 : f32
    %mul3A_33 = vector.broadcast %mul3A_32 : f32 to vector<6400x256xf32>
    %mul3A_34 = arith.mulf %mul3A_33, %tanh3A : vector<6400x256xf32>
    %add3A_35 = arith.constant 5.000000e-01 : f32
    %add3A_36 = vector.broadcast %add3A_35 : f32 to vector<6400x256xf32>
    %add3A_37 = arith.addf %mul3A_34, %add3A_36 : vector<6400x256xf32>
    %mul3A_38 = arith.mulf %add3A_29, %add3A_37 : vector<6400x256xf32>
    %convert_element_type3A_39 = arith.truncf %mul3A_38 : vector<6400x256xf32> to vector<6400x256xbf16>
    %get3A_40 = arith.constant 0 : index
    %get3A_41 = arith.constant 0 : index
    %get3A_42 = vector.load %arg9[%get3A_40, %get3A_41] : memref<256x128xbf16, #tpu.memory_space<vmem>>, vector<256x128xbf16>
    %dot_general3A_43 = arith.constant dense<0.000000e+00> : vector<6400x128xf32>
    %dot_general3A_44 = tpu.matmul %convert_element_type3A_39, %get3A_42, %dot_general3A_43 {dimension_numbers = #tpu.dot_dimension_numbers<[1], [0], [0], [1], [0, 0, 1, 1], [], []>, transpose_lhs_hint = false} : vector<6400x256xbf16>, vector<256x128xbf16>, vector<6400x128xf32> -> vector<6400x128xf32>
    %get3A_45 = arith.constant 0 : index
    %get3A_46 = arith.constant 0 : index
    %get3A_47 = vector.load %arg10[%get3A_45, %get3A_46] : memref<1x128xf32, #tpu.memory_space<vmem>>, vector<1x128xf32>
    %add3A_48 = vector.broadcast %get3A_47 : vector<1x128xf32> to vector<6400x128xf32>
    %add3A_49 = arith.addf %dot_general3A_44, %add3A_48 : vector<6400x128xf32>
    %get3A_50 = arith.constant 0 : index
    %get3A_51 = arith.constant 0 : index
    %get3A_52 = vector.load %arg11[%get3A_50, %get3A_51] : memref<256x128xbf16, #tpu.memory_space<vmem>>, vector<256x128xbf16>
    %dot_general3A_53 = arith.constant dense<0.000000e+00> : vector<6400x128xf32>
    %dot_general3A_54 = tpu.matmul %convert_element_type3A_39, %get3A_52, %dot_general3A_53 {dimension_numbers = #tpu.dot_dimension_numbers<[1], [0], [0], [1], [0, 0, 1, 1], [], []>, transpose_lhs_hint = false} : vector<6400x256xbf16>, vector<256x128xbf16>, vector<6400x128xf32> -> vector<6400x128xf32>
    %get3A_55 = arith.constant 0 : index
    %get3A_56 = arith.constant 0 : index
    %get3A_57 = vector.load %arg12[%get3A_55, %get3A_56] : memref<1x128xf32, #tpu.memory_space<vmem>>, vector<1x128xf32>
    %add3A_58 = vector.broadcast %get3A_57 : vector<1x128xf32> to vector<6400x128xf32>
    %add3A_59 = arith.addf %dot_general3A_54, %add3A_58 : vector<6400x128xf32>
    %get3A_60 = arith.constant 0 : index
    %get3A_61 = arith.constant 0 : index
    %get3A_62 = vector.load %arg4[%get3A_60, %get3A_61] : memref<16x6400xf32, #tpu.memory_space<vmem>>, vector<16x6400xf32>
    %convert_element_type3A_63 = arith.truncf %get3A_62 : vector<16x6400xf32> to vector<16x6400xbf16>
    %get3A_64 = arith.constant 0 : index
    %get3A_65 = arith.constant 0 : index
    %get3A_66 = vector.load %arg13[%get3A_64, %get3A_65] : memref<16x128xbf16, #tpu.memory_space<vmem>>, vector<16x128xbf16>
    %dot_general3A_67 = arith.constant dense<0.000000e+00> : vector<6400x128xf32>
    %dot_general3A_68 = tpu.matmul %convert_element_type3A_63, %get3A_66, %dot_general3A_67 {dimension_numbers = #tpu.dot_dimension_numbers<[0], [0], [1], [1], [0, 1, 1, 1], [], []>, transpose_lhs_hint = false} : vector<16x6400xbf16>, vector<16x128xbf16>, vector<6400x128xf32> -> vector<6400x128xf32>
    %get3A_69 = arith.constant 0 : index
    %get3A_70 = arith.constant 0 : index
    %get3A_71 = vector.load %arg14[%get3A_69, %get3A_70] : memref<1x128xf32, #tpu.memory_space<vmem>>, vector<1x128xf32>
    %add3A_72 = vector.broadcast %get3A_71 : vector<1x128xf32> to vector<6400x128xf32>
    %add3A_73 = arith.addf %dot_general3A_68, %add3A_72 : vector<6400x128xf32>
    %mul3A_74 = arith.constant 5.000000e-01 : f32
    %mul3A_75 = vector.broadcast %mul3A_74 : f32 to vector<6400x128xf32>
    %mul3A_76 = arith.mulf %mul3A_75, %add3A_49 : vector<6400x128xf32>
    %tanh3A_77 = math.tanh %mul3A_76 : vector<6400x128xf32>
    %mul3A_78 = arith.constant 5.000000e-01 : f32
    %mul3A_79 = vector.broadcast %mul3A_78 : f32 to vector<6400x128xf32>
    %mul3A_80 = arith.mulf %mul3A_79, %tanh3A_77 : vector<6400x128xf32>
    %add3A_81 = arith.constant 5.000000e-01 : f32
    %add3A_82 = vector.broadcast %add3A_81 : f32 to vector<6400x128xf32>
    %add3A_83 = arith.addf %mul3A_80, %add3A_82 : vector<6400x128xf32>
    %mul3A_84 = arith.mulf %add3A_49, %add3A_83 : vector<6400x128xf32>
    %mul3A_85 = arith.constant 5.000000e-01 : f32
    %mul3A_86 = vector.broadcast %mul3A_85 : f32 to vector<6400x128xf32>
    %mul3A_87 = arith.mulf %mul3A_86, %add3A_59 : vector<6400x128xf32>
    %tanh3A_88 = math.tanh %mul3A_87 : vector<6400x128xf32>
    %mul3A_89 = arith.constant 5.000000e-01 : f32
    %mul3A_90 = vector.broadcast %mul3A_89 : f32 to vector<6400x128xf32>
    %mul3A_91 = arith.mulf %mul3A_90, %tanh3A_88 : vector<6400x128xf32>
    %add3A_92 = arith.constant 5.000000e-01 : f32
    %add3A_93 = vector.broadcast %add3A_92 : f32 to vector<6400x128xf32>
    %add3A_94 = arith.addf %mul3A_91, %add3A_93 : vector<6400x128xf32>
    %mul3A_95 = arith.mulf %mul3A_84, %add3A_94 : vector<6400x128xf32>
    %mul3A_96 = arith.mulf %mul3A_95, %add3A_73 : vector<6400x128xf32>
    %swap3A = arith.constant 0 : index
    %swap3A_97 = arith.constant 0 : index
    %swap3A_98 = vector.load %arg15[%swap3A, %swap3A_97] : memref<6400x128xf32, #tpu.memory_space<vmem>>, vector<6400x128xf32>
    tpu.vector_store %arg15[%swap3A, %swap3A_97], %mul3A_96 {strides = array<i32>} : memref<6400x128xf32, #tpu.memory_space<vmem>>, vector<6400x128xf32>,
    return
  }
  func.func @transform_0(%arg0: i32) -> (i32, i32) {
    %c0_i32 = arith.constant 0 : i32
    %c0_i32_0 = arith.constant 0 : i32
    return %arg0, %c0_i32 : i32, i32
  }
  func.func @transform_1(%arg0: i32) -> (i32, i32) {
    %c0_i32 = arith.constant 0 : i32
    %c0_i32_0 = arith.constant 0 : i32
    return %arg0, %c0_i32 : i32, i32
  }
  func.func @transform_2(%arg0: i32) -> (i32, i32) {
    %add3A = arith.constant 44 : i32
    %add3A_0 = arith.addi %add3A, %arg0 : i32
    %c0_i32 = arith.constant 0 : i32
    %c0_i32_1 = arith.constant 0 : i32
    return %c0_i32, %add3A_0 : i32, i32
  }
  func.func @transform_3(%arg0: i32) -> (i32, i32) {
    %add3A = arith.constant 44 : i32
    %add3A_0 = arith.addi %add3A, %arg0 : i32
    %c0_i32 = arith.constant 0 : i32
    %c0_i32_1 = arith.constant 0 : i32
    return %c0_i32, %add3A_0 : i32, i32
  }
  func.func @transform_4(%arg0: i32) -> (i32, i32) {
    %c0_i32 = arith.constant 0 : i32
    %c0_i32_0 = arith.constant 0 : i32
    %c0_i32_1 = arith.constant 0 : i32
    return %c0_i32, %c0_i32_0 : i32, i32
  }
  func.func @transform_5(%arg0: i32) -> (i32, i32) {
    %c0_i32 = arith.constant 0 : i32
    %c0_i32_0 = arith.constant 0 : i32
    %c0_i32_1 = arith.constant 0 : i32
    return %c0_i32, %c0_i32_0 : i32, i32
  }
  func.func @transform_6(%arg0: i32) -> (i32, i32) {
    %c0_i32 = arith.constant 0 : i32
    %c0_i32_0 = arith.constant 0 : i32
    %c0_i32_1 = arith.constant 0 : i32
    return %c0_i32, %c0_i32_0 : i32, i32
  }
  func.func @transform_7(%arg0: i32) -> (i32, i32) {
    %c0_i32 = arith.constant 0 : i32
    %c0_i32_0 = arith.constant 0 : i32
    %c0_i32_1 = arith.constant 0 : i32
    return %c0_i32, %c0_i32_0 : i32, i32
  }
  func.func @transform_8(%arg0: i32) -> (i32, i32) {
    %c0_i32 = arith.constant 0 : i32
    %c0_i32_0 = arith.constant 0 : i32
    %c0_i32_1 = arith.constant 0 : i32
    return %c0_i32, %c0_i32_0 : i32, i32
  }
  func.func @transform_9(%arg0: i32) -> (i32, i32) {
    %c0_i32 = arith.constant 0 : i32
    %c0_i32_0 = arith.constant 0 : i32
    %c0_i32_1 = arith.constant 0 : i32
    return %c0_i32, %c0_i32_0 : i32, i32
  }
  func.func @transform_10(%arg0: i32) -> (i32, i32) {
    %c0_i32 = arith.constant 0 : i32
    %c0_i32_0 = arith.constant 0 : i32
    %c0_i32_1 = arith.constant 0 : i32
    return %c0_i32, %c0_i32_0 : i32, i32
  }
  func.func @transform_11(%arg0: i32) -> (i32, i32) {
    %c0_i32 = arith.constant 0 : i32
    %c0_i32_0 = arith.constant 0 : i32
    %c0_i32_1 = arith.constant 0 : i32
    return %c0_i32, %c0_i32_0 : i32, i32
  }
  func.func @transform_12(%arg0: i32) -> (i32, i32) {
    %c0_i32 = arith.constant 0 : i32
    %c0_i32_0 = arith.constant 0 : i32
    %c0_i32_1 = arith.constant 0 : i32
    return %c0_i32, %c0_i32_0 : i32, i32
  }
  func.func @transform_13(%arg0: i32) -> (i32, i32) {
    %c0_i32 = arith.constant 0 : i32
    %c0_i32_0 = arith.constant 0 : i32
    %c0_i32_1 = arith.constant 0 : i32
    return %c0_i32, %c0_i32_0 : i32, i32
  }
  func.func @transform_14(%arg0: i32) -> (i32, i32) {
    %c0_i32 = arith.constant 0 : i32
    %c0_i32_0 = arith.constant 0 : i32
    return %arg0, %c0_i32 : i32, i32
  }
}

module attributes {stable_mosaic.version = 14 : i64} {
  func.func @body(%arg0: i32, %arg1: memref<1000x128xf32, #tpu.memory_space<vmem>>, %arg2: memref<2x1000x128xf32, #tpu.memory_space<vmem>>, %arg3: memref<2x1000x128xf32, #tpu.memory_space<vmem>>, %arg4: memref<1000x128xf32, #tpu.memory_space<vmem>>) attributes {dimension_semantics = [#tpu.dimension_semantics<arbitrary>], iteration_bounds = array<i64: 10>, scalar_prefetch = 0 : i64, scratch_operands = 0 : i64, tpu.core_type = #tpu.core_type<tc>, window_params = [{transform_indices = @transform_0, window_bounds = array<i64: 1000, 128>}, {transform_indices = @transform_1, window_bounds = array<i64: 2, 1000, 128>}, {transform_indices = @transform_2, window_bounds = array<i64: 2, 1000, 128>}, {transform_indices = @transform_3, window_bounds = array<i64: 1000, 128>}]} {
    %get3A = arith.constant 0 : index
    %get3A_0 = arith.constant 0 : index
    %get3A_1 = vector.load %arg1[%get3A, %get3A_0] : memref<1000x128xf32, #tpu.memory_space<vmem>>, vector<1000x128xf32>
    %get3A_2 = arith.constant 0 : index
    %get3A_3 = arith.constant 0 : index
    %get3A_4 = arith.constant 0 : index
    %get3A_5 = vector.load %arg2[%get3A_2, %get3A_3, %get3A_4] : memref<2x1000x128xf32, #tpu.memory_space<vmem>>, vector<1x1000x128xf32>
    %get3A_6 = vector.shape_cast %get3A_5 : vector<1x1000x128xf32> to vector<1000x128xf32>
    %get3A_7 = arith.constant 1 : index
    %get3A_8 = arith.constant 0 : index
    %get3A_9 = arith.constant 0 : index
    %get3A_10 = vector.load %arg2[%get3A_7, %get3A_8, %get3A_9] : memref<2x1000x128xf32, #tpu.memory_space<vmem>>, vector<1x1000x128xf32>
    %get3A_11 = vector.shape_cast %get3A_10 : vector<1x1000x128xf32> to vector<1000x128xf32>
    %add3A = arith.addf %get3A_6, %get3A_11 : vector<1000x128xf32>
    %add3A_12 = arith.constant 0.000000e+00 : f32
    %add3A_13 = vector.broadcast %add3A_12 : f32 to vector<1000x128xf32>
    %add3A_14 = arith.addf %add3A_13, %add3A : vector<1000x128xf32>
    %get3A_15 = arith.constant 0 : index
    %get3A_16 = arith.constant 0 : index
    %get3A_17 = arith.constant 0 : index
    %get3A_18 = vector.load %arg3[%get3A_15, %get3A_16, %get3A_17] : memref<2x1000x128xf32, #tpu.memory_space<vmem>>, vector<1x1000x128xf32>
    %get3A_19 = vector.shape_cast %get3A_18 : vector<1x1000x128xf32> to vector<1000x128xf32>
    %get3A_20 = arith.constant 1 : index
    %get3A_21 = arith.constant 0 : index
    %get3A_22 = arith.constant 0 : index
    %get3A_23 = vector.load %arg3[%get3A_20, %get3A_21, %get3A_22] : memref<2x1000x128xf32, #tpu.memory_space<vmem>>, vector<1x1000x128xf32>
    %get3A_24 = vector.shape_cast %get3A_23 : vector<1x1000x128xf32> to vector<1000x128xf32>
    %add3A_25 = arith.addf %get3A_19, %get3A_24 : vector<1000x128xf32>
    %add3A_26 = arith.addf %add3A_14, %add3A_25 : vector<1000x128xf32>
    %add3A_27 = arith.addf %get3A_1, %add3A_26 : vector<1000x128xf32>
    %swap3A = arith.constant 0 : index
    %swap3A_28 = arith.constant 0 : index
    %swap3A_29 = vector.load %arg4[%swap3A, %swap3A_28] : memref<1000x128xf32, #tpu.memory_space<vmem>>, vector<1000x128xf32>
    tpu.vector_store %arg4[%swap3A, %swap3A_28], %add3A_27 {strides = array<i32>} : memref<1000x128xf32, #tpu.memory_space<vmem>>, vector<1000x128xf32>,
    return
  }
  func.func @transform_0(%arg0: i32) -> (i32, i32) {
    %c0_i32 = arith.constant 0 : i32
    %c0_i32_0 = arith.constant 0 : i32
    return %arg0, %c0_i32 : i32, i32
  }
  func.func @transform_1(%arg0: i32) -> (i32, i32, i32) {
    %c0_i32 = arith.constant 0 : i32
    %c0_i32_0 = arith.constant 0 : i32
    %c0_i32_1 = arith.constant 0 : i32
    return %c0_i32, %arg0, %c0_i32_0 : i32, i32, i32
  }
  func.func @transform_2(%arg0: i32) -> (i32, i32, i32) {
    %c0_i32 = arith.constant 0 : i32
    %c0_i32_0 = arith.constant 0 : i32
    %c0_i32_1 = arith.constant 0 : i32
    return %c0_i32, %arg0, %c0_i32_0 : i32, i32, i32
  }
  func.func @transform_3(%arg0: i32) -> (i32, i32) {
    %c0_i32 = arith.constant 0 : i32
    %c0_i32_0 = arith.constant 0 : i32
    return %arg0, %c0_i32 : i32, i32
  }
}

</mosaic_0001>

<sc_bundles>
// kernel: kernel.18.cloned.1.call-start
scs
__scs_entry_jumppad:
0x0: {  	(pc) =	sbr.rel $0x88, $3  }
0x1: {  	(tag) =	ssettag $0x0;
	lr =	simm.s32 $0x1  }
0x2: {  	[smem:$0x3F95] =	sst lr;
	_ =	strace $0xD0000000  }
0x3: {  	_ = 	snop  }
0x4: {  	_ = 	snop  }
0x5: {  	_ = 	snop  }
0x6: {  	_ = 	snop  }
0x7: {  	_ = 	snop  }
__scs_overlays_trampoline_lowered:
0x8: {  	[smem:$0x3FA4] =	sst s0  }
0x9: {  	[smem:$0x3FA5] =	sst s1  }
0xa: {  	[smem:$0x3FA6] =	sst s2  }
0xb: {  	[smem:$0x3FA7] =	sst s3  }
0xc: {  	[smem:$0x3FA8] =	sst s4  }
0xd: {  	[smem:$0x3FA9] =	sst s5  }
0xe: {  	[smem:$0x3FAA] =	sst s6  }
0xf: {  	[smem:$0x3FAB] =	sst s7  }
0x10: {  	[smem:$0x3FAC] =	sst s8  }
0x11: {  	[smem:$0x3FAD] =	sst s9;
	s0 =	simm.s32 @!p0 $0x0  }
0x12: {  	s1 =	sld [smem:$0x3F93];
	s0 =	simm.s32 @p0 $0x1  }
0x13: {  	[smem:$0x3FAE] =	sst s0;
	s0 =	simm.s32 @!p1 $0x0  }
0x14: {  	s2 =	sld [smem:$0x3F92];
	s0 =	simm.s32 @p1 $0x1  }
0x15: {  	[smem:$0x3FAF] =	sst s0;
	s0 =	simm.s32 @!p2 $0x0  }
0x16: {  	s3 =	sld [smem:$0x3FDB];
	s0 =	simm.s32 @p2 $0x1  }
0x17: {  	s4 =	simm.s32 $0x1BF5;
	[smem:$0x3FB1] =	sst s0  }
0x18: {  	s0 =	sld [smem:$0x3F94];
	_ =	swait.ge [sflag:s4], $0x0  }
0x19: {  	s7 =	sld [smem:$0x3F95]  }
0x1a: {  	s8 =	sadd.s32 $0xFFFFE003, lr  }
0x1b: {  	s9 =	sadd.s32 $0xFFFFFEF7, lr;
	s5 =	simm.s32 $0xFFFFFFFF;
	p2 =	slt.u32 s8, $0xFFFFF086  }
0x1c: {  	p1 =	slt.u32 s9, $0xF7A;
	s5 =	simm.s32 @!p2 $0x0  }
0x1d: {  	s5 =	simm.s32 @p1 $0x1;
	p0 =	seq.s32 s7, s2  }
0x1e: {  	s7 =	smul.u32 @!p0 $0xF7A, s2;
	p2 =	seq.s32 @!p0 s5, $0x0  }
0x1f: {  	s9 =	smul.u32 $0xF7A, s1;
	s8 =	simm.s32 @!p0 $0x1BF5;
	p2 =	por !p2, p0  }
0x20: {  	[sflag:s8] =	ssyncset.s32 @!p0 $0xFFFFF086;
	s6 =	sadd.s32 @!p0 s3, s7;
	s7 =	simm.s32 @!p0 $0x108  }
0x21: {  	s3 =	sadd.s32 s3, s9;
	s6 =	sadd.s32 @!p0 $0x88, s6;
	s7 =	simm.s32 @p2 $0x1082  }
0x22: {  	[simem:s7], [sflag:s8] =	dma.local @!p0 [hbm:s6], $0xF7A  }
0x23: {  	s9 =	sor.u32 $0xD0000000, s2;
	s6 =	simm.s32 $0x108;
	_ =	swait.ge @!p0 [sflag:s8], $0x0  }
0x24: {  	s3 =	sadd.s32 $0x88, s3;
	s6 =	simm.s32 @!p1 $0x1082;
	[sflag:s4] =	ssyncset.s32 $0xFFFFF086  }
0x25: {  	[simem:s6], [sflag:s4] =	dma.local [hbm:s3], $0xF7A  }
0x26: {  	[smem:$0x3F95] =	sst s1;
	(tag) =	ssettag s2;
	_ =	strace s9  }
0x27: {  	s1 =	sld [smem:$0x3FA5]  }
0x28: {  	s2 =	sld [smem:$0x3FA6]  }
0x29: {  	s4 =	sld [smem:$0x3FA8]  }
0x2a: {  	p0 =	seq.s32 s5, $0x0;
	s5 =	sld [smem:$0x3FA9]  }
0x2b: {  	s6 =	sld [smem:$0x3FAA]  }
0x2c: {  	s7 =	sld [smem:$0x3FAB]  }
0x2d: {  	s3 =	simm.s32 $0x108;
	s8 =	sld [smem:$0x3FAC]  }
0x2e: {  	s3 =	simm.s32 @!p0 $0x1082;
	s9 =	sld [smem:$0x3FAD]  }
0x2f: {  	lr =	sadd.s32 s0, s3;
	s0 =	sld [smem:$0x3FA4]  }
0x30: {  	s3 =	sld [smem:$0x3FA7]  }
0x31: {  	[smem:$0x3FB0] =	sst s10  }
0x32: {  	s10 =	sld [smem:$0x3FAE];
	_ =	sdelay $0x3  }
0x33: {  	p0 =	seq.s32 s10, $0x1;
	s10 =	sld [smem:$0x3FB0];
	_ =	sdelay $0x3  }
0x34: {  	[smem:$0x3FB0] =	sst s10  }
0x35: {  	s10 =	sld [smem:$0x3FAF];
	_ =	sdelay $0x3  }
0x36: {  	p1 =	seq.s32 s10, $0x1;
	s10 =	sld [smem:$0x3FB0];
	_ =	sdelay $0x3  }
0x37: {  	[smem:$0x3FB0] =	sst s10  }
0x38: {  	s10 =	sld [smem:$0x3FB1]  }
0x39: {  	_ = 	snop;
	(pc) =	sbr.ind lr, $3  }
0x3a: {  	_ = 	snop  }
0x3b: {  	_ = 	snop  }
0x3c: {  	p2 =	seq.s32 s10, $0x1;
	s10 =	sld [smem:$0x3FB0]  }
0x3d: {  	_ =	shalt  }
0x3e: {  	_ =	shalt  }
0x3f: {  	_ =	shalt  }
0x40: {  	_ =	shalt  }
0x41: {  	_ =	shalt  }
0x42: {  	_ =	shalt  }
0x43: {  	_ =	shalt  }
0x44: {  	_ =	shalt  }
0x45: {  	_ =	shalt  }
0x46: {  	_ =	shalt  }
0x47: {  	_ =	shalt  }
0x48: {  	_ =	shalt  }
0x49: {  	_ =	shalt  }
0x4a: {  	_ =	shalt  }
0x4b: {  	_ =	shalt  }
0x4c: {  	_ =	shalt  }
0x4d: {  	_ =	shalt  }
0x4e: {  	_ =	shalt  }
0x4f: {  	_ =	shalt  }
0x50: {  	_ =	shalt  }
0x51: {  	_ =	shalt  }
0x52: {  	_ =	shalt  }
0x53: {  	_ =	shalt  }
0x54: {  	_ =	shalt  }
0x55: {  	_ =	shalt  }
0x56: {  	_ =	shalt  }
0x57: {  	_ =	shalt  }
0x58: {  	_ =	shalt  }
0x59: {  	_ =	shalt  }
0x5a: {  	_ =	shalt  }
0x5b: {  	_ =	shalt  }
0x5c: {  	_ =	shalt  }
0x5d: {  	_ =	shalt  }
0x5e: {  	_ =	shalt  }
0x5f: {  	_ =	shalt  }
0x60: {  	_ =	shalt  }
0x61: {  	_ =	shalt  }
0x62: {  	_ =	shalt  }
0x63: {  	_ =	shalt  }
0x64: {  	_ =	shalt  }
0x65: {  	_ =	shalt  }
0x66: {  	_ =	shalt  }
0x67: {  	_ =	shalt  }
0x68: {  	_ =	shalt  }
0x69: {  	_ =	shalt  }
0x6a: {  	_ =	shalt  }
0x6b: {  	_ =	shalt  }
0x6c: {  	_ =	shalt  }
0x6d: {  	_ =	shalt  }
0x6e: {  	_ =	shalt  }
0x6f: {  	_ =	shalt  }
0x70: {  	_ =	shalt  }
0x71: {  	_ =	shalt  }
0x72: {  	_ =	shalt  }
0x73: {  	_ =	shalt  }
0x74: {  	_ =	shalt  }
0x75: {  	_ =	shalt  }
0x76: {  	_ =	shalt  }
0x77: {  	_ =	shalt  }
0x78: {  	_ =	shalt  }
0x79: {  	_ =	shalt  }
0x7a: {  	_ =	shalt  }
0x7b: {  	_ =	shalt  }
0x7c: {  	_ =	shalt  }
0x7d: {  	_ =	shalt  }
0x7e: {  	_ =	shalt  }
0x7f: {  	_ =	shalt  }
0x80: {  	_ =	shalt  }
0x81: {  	_ =	shalt  }
0x82: {  	_ =	shalt  }
0x83: {  	_ =	shalt  }
0x84: {  	_ =	shalt  }
0x85: {  	_ =	shalt  }
0x86: {  	_ =	shalt  }
0x87: {  	_ =	shalt  }
.Lfunc_end0:
.L_simem_size_0:
called_computation_lowered:
.L_overlay_start_0:
0x88: {  	s2 =	sld [smem:$0x3FD9]  }
0x89: {  	s3 =	sld [smem:$0x3FFE];
	_ =	sdelay $0x1  }
0x8a: {  	s1 =	srdreg.scid  }
0x8b: {  	s0 =	sand.u32 $0x1, s1  }
0x8c: {  	s17 =	sshll.u32 s0, $0xA;
	s2 =	sadd.s32 s3, s2  }
0x8d: {  	s2 =	sadd.s32 s2, s17  }
0x8e: {  	[smem:$0x3FBC] =	sst s2  }
0x8f: {  	_ = 	snop  }
0x90: {  	s2 =	sld [smem:$0x3FC9];
	(tm) =	ssettm $0x1  }
0x91: {  	s18 =	sld [smem:$0x3FFB];
	_ =	sdelay $0x3  }
0x92: {  	_ =	strace s18  }
0x93: {  	s3 =	sld [smem:$0x3FFC];
	_ =	sdelay $0x3  }
0x94: {  	_ =	strace s3  }
0x95: {  	s3 =	sld [smem:$0x3FFD];
	_ =	sdelay $0x3  }
0x96: {  	_ =	strace s3  }
0x97: {  	_ =	strace $0x8FFFFFFF  }
0x98: {  	s19 =	sld [smem:$0x3FDB];
	_ =	sdelay $0x1  }
0x99: {  	s4 =	simm.s32 $_scs_section_size  }
0x9a: {  	s5 =	simm.s32 $_size__tile_overlayer_lowered;
	s6 =	simm.s32 $_tile_overlayer_lowered  }
0x9b: {  	s22 =	simm.s32 $0x1BFF;
	s21 =	sshll.u32 s6, $0x1;
	s3 =	sadd.s32 s4, s19  }
0x9c: {  	s7 =	simm.s32 $0x0;
	s20 =	sshll.u32 s5, $0x1;
	s5 =	sadd.s32 s21, s3  }
0x9d: {  	[timem:s7], [sflag:s22] =	dma.local [hbm:s5], s20  }
0x9e: {  	_ =	swait.ge [sflag:s22], s20  }
0x9f: {  	s4 =	ssub.s32 $0x0, s20;
	[sflag:s22] =	ssyncset.done $0x0  }
0xa0: {  	[sflag:s22] =	ssyncadd.s32 s4;
	_ =	sdelay $0x1  }
0xa1: {  	s23 =	simm.s32 $0x1B8B  }
0xa2: {  	_ =	swait.ge [sflag:s23], $0x1  }
0xa3: {  	[sflag:s23] =	ssyncset.done $0x0  }
0xa4: {  	s25 =	simm.s32 $0x1B8E;
	s24 =	sld [smem:$0x3FFE];
	[sflag:s23] =	ssyncadd.s32 $0xFFFFFFFF  }
0xa5: {  	s26 =	simm.s32 $execute0_lowered;
	[smem:$0x3FD2] =	sst s25  }
0xa6: {  	s5 =	sshll.u32 s26, $0x1;
	_ =	strace $0x80000046;
	[dreg:$0x1] =	wrdreg $0xFFFFFFFF  }
0xa7: {  	s28 =	simm.s32 $_size_execute0_lowered;
	s3 =	sadd.s32 s3, s5;
	[dreg:$0x0] =	wrdreg $0x0  }
0xa8: {  	s5 =	sshll.u32 s28, $0x1;
	[dreg:$0x2] =	wrdreg s3  }
0xa9: {  	[dreg:$0x3] =	wrdreg s5  }
0xaa: {  	[dreg:$0x4] =	wrdreg $0xC0  }
0xab: {  	_ =	task [dreg:s7], $0x5FFFF  }
0xac: {  	[dreg:$0x1] =	wrdreg $0xFFFFFFFF  }
0xad: {  	[dreg:$0x0] =	wrdreg $0x60  }
0xae: {  	[dreg:$0x2] =	wrdreg s2  }
0xaf: {  	[dreg:$0x3] =	wrdreg s24  }
0xb0: {  	[dreg:$0x4] =	wrdreg $0xAA000  }
0xb1: {  	[dreg:$0x5] =	wrdreg $0xA  }
0xb2: {  	_ =	task.clear_ibuf [dreg:s7], $0x6FFFF;
	_ =	strace $0x90000046  }
0xb3: {  	s29 =	simm.s32 $0xA;
	_ =	strace $0x80000048  }
0xb4: {  	_ =	swait.ge [sflag:s29], $0x1  }
0xb5: {  	[sflag:s29] =	ssyncadd.s32 $0xFFFFFFFF  }
0xb6: {  	_ =	strace $0x90000048  }
0xb7: {  	_ =	sfence  }
0xb8: {  	s30 =	sld [smem:$0x0];
	_ =	sdelay $0x2  }
0xb9: {  	s31 =	sshll.u32 s1, $0xD;
	s1 =	sshrl.u32 s1, $0x2  }
0xba: {  	s3 =	sand.u32 $0x4000, s31;
	s1 =	sadd.s32 s1, s30  }
0xbb: {  	s0 =	sor.u32 s3, s0;
	s1 =	sshll.u32 s1, $0x11  }
0xbc: {  	s0 =	sor.u32 s1, s0  }
0xbd: {  	s0 =	sadd.s32 $0x8F2B, s0  }
0xbe: {  	[sflag:s0] =	ssyncadd.remote.s32 $0x1  }
0xbf: {  	_ =	sfence.sel $0xFFFF  }
0xc0: {  	[dreg:$0x0] =	wrdreg $0xFFFFFFFF;
	(pc) =	sbr.abs _section_cstart, $3  }
0xc1: {  	[dreg:$0x1] =	wrdreg $0xFFFFFFFF  }
0xc2: {  	_ =	task.clear_ibuf [dreg:s7], $0x2FFFF;
	_ =	strace $0x9FFFFFFF  }
0xc3: {  	(tm) =	ssettm $0x7FFFFFFF  }
tec
execute0_lowered:
.L_overlay_start_1:
0x0: {  	(tag) =	ssettag $0x1  }
0x1: {  	s0 =	rddreg [dreg:$0x0]  }
0x2: {  	s1 =	srdreg.scid;
	s4 =	rddreg [dreg:$0x1]  }
0x3: {  	s11 =	stileid.u32;
	s2 =	rddreg [dreg:$0x2];
	s3 =	simm.s32 $0x0  }
0x4: {  	s15 =	simm.s32 $0xA00;
	s16 =	simm.s32 $0x5A00;
	s17 =	simm.s32 $0x3200  }
0x5: {  	s18 =	simm.s32 $0x550;
	s19 =	simm.s32 $0x8200;
	s20 =	simm.s32 $0x1  }
0x6: {  	s21 =	simm.s32 $0x2;
	s7 =	sand.u32 $0x1, s1;
	s1 =	rddreg [dreg:$0x3]  }
0x7: {  	s22 =	simm.s32 $0x0;
	s26 =	sshll.u32 s11, $0x1;
	[smem:$0x7FF] =	sst s3  }
0x8: {  	s8 =	sadd.s32 $0x8E00, s4;
	s10 =	sadd.s32 $0x9EE00, s4;
	s13 =	smul.u32 $0x9600, s11  }
0x9: {  	p0 =	sne.s32 s11, $0x0;
	s5 =	sor.u32 s7, s26;
	s29 =	smul.u32 $0x4B00, s7  }
0xa: {  	s11 =	simm.s32 $0x3;
	s9 =	ssub.s32 $0x2, s7;
	s6 =	smul.u32 $0x4B0, s5  }
0xb: {  	_ =	strace $0x80000047;
	s28 =	sshrl.u32 s9, $0x1;
	s12 =	smul.u32 $0x4B00, s5  }
0xc: {  	s14 =	sadd.s32 s13, s8;
	s13 =	sadd.s32 s13, s10;
	s9 =	ssub.s32 s9, s28  }
.Ltmp0:
0xd: {  	s30 =	sadd.s32 s29, s14;
	s31 =	sadd.s32 s29, s13;
	(pc) =	sbr.rel .LBB2_1-.Ltmp0, $4  }
0xe: {  	s13 =	sshrl.u32 @!p0 s2, $0x3;
	s14 =	simm.s32 $0x50;
	s6 =	sshrl.u32 s6, $0x3  }
0xf: {  	s7 =	sadd.s32 s8, s12;
	s8 =	sadd.s32 s10, s12;
	s6 =	sadd.s32 s6, s4  }
0x10: {  	s10 =	sadd.s32 $0x500, s31;
	s12 =	simm.s32 $0x500;
	s4 =	sadd.s32 $0x7A00, s6  }
0x11: {  	s5 =	sadd.s32 $0x6600, s6;
	s6 =	smax.u32 s9, $0x1;
	s9 =	sadd.s32 $0x500, s30  }
.LBB2_4:
0x12: {  	s22 =	sadd.s32 $0x1, s22  }
0x13: {  	_ =	swait.ge [sflag:s21], $0x2800;
	p1 =	sne.s32 s22, s6  }
.Ltmp1:
0x14: {  	[sflag:s21] =	ssyncset.done $0x0;
	(pc) =	sbr.rel @!p1 .LBB2_5-.Ltmp1, $4  }
0x15: {  	[sflag:s21] =	ssyncadd.s32 $0xFFFFD800  }
0x16: {  	_ =	swait.ge [sflag:s21], $0x2800  }
0x17: {  	[sflag:s21] =	ssyncset.done $0x0  }
0x18: {  	[sflag:s21] =	ssyncadd.s32 $0xFFFFD800  }
.LBB2_1:
0x19: {  	[tilespmem:s3], [sflag:$0x3] =	stream.linear.gather [hbm4b:s4+s3], $0x4B0, $0x38;
	[tilespmem:$0x1E280] =	vst v63  }
0x1a: {  	_ =	swait.ge [sflag:s11], $0x4B0  }
0x1b: {  	[sflag:s11] =	ssyncset.done $0x0  }
0x1c: {  	[sflag:s11] =	ssyncadd.s32 $0xFFFFFB50  }
0x1d: {  	[tilespmem:s12], [sflag:$0x3] =	stream.linear.gather [hbm4b:s5+s3], $0x4B0, $0x38;
	[tilespmem:$0x1E280] =	vst v63  }
0x1e: {  	_ =	swait.ge [sflag:s11], $0x4B0  }
0x1f: {  	[sflag:s11] =	ssyncset.done $0x0  }
0x20: {  	s23 =	simm.s32 @!p0 $0x1C03;
	[sflag:s11] =	ssyncadd.s32 $0xFFFFFB50  }
0x21: {  	[spmem:s13], [sflag:s23] =	dma.local @!p0 [hbm:s0], $0x27100  }
0x22: {  	s23 =	simm.s32 @!p0 $0x3  }
0x23: {  	_ =	swait.ge @!p0 [sflag:s23], $0x27100  }
0x24: {  	[sflag:s23] =	ssyncset.done @!p0 $0x0  }
0x25: {  	[sflag:s23] =	ssyncadd.s32 @!p0 $0xFFFD8F00  }
0x26: {  	[bflag:$0x0] =	sbarrier.arrive $0xFFFF  }
0x27: {  	[tilespmem:s15], [sflag:$0x1] =	stream.indirect.gather [spmem:s2], $0x80, s3, s14, $0xb8;
	[tilespmem:$0x1E280] =	vst v63  }
0x28: {  	_ = 	snop  }
0x29: {  	[tilespmem:s16], [sflag:$0x1] =	stream.indirect.gather [spmem:s2], $0x80, s12, s14, $0xb8;
	[tilespmem:$0x1E280] =	vst v63  }
0x2a: {  	_ =	swait.ge [sflag:s20], $0x2800  }
0x2b: {  	[sflag:s20] =	ssyncset.done $0x0  }
0x2c: {  	[sflag:s20] =	ssyncadd.s32 $0xFFFFD800  }
0x2d: {  	_ =	swait.ge [sflag:s20], $0x2800  }
0x2e: {  	[sflag:s20] =	ssyncset.done $0x0  }
0x2f: {  	[sflag:s20] =	ssyncadd.s32 $0xFFFFD800  }
0x30: {  	[hbm4b:s7+s3] =	stream.linear.scatter [tilespmem:s15], [sflag:$0x2], $0x2800, $0x38;
	[tilespmem:$0x1E280] =	vst v63  }
0x31: {  	_ = 	snop  }
0x32: {  	[hbm4b:s8+s3] =	stream.linear.scatter [tilespmem:s16], [sflag:$0x2], $0x2800, $0x38;
	[tilespmem:$0x1E280] =	vst v63  }
0x33: {  	s24 =	smov.u32 s9  }
0x34: {  	[tilespmem:s17], [sflag:$0x1] =	stream.indirect.gather [spmem:s2], $0x80, s14, s14, $0xb8;
	[tilespmem:$0x1E280] =	vst v63  }
0x35: {  	s25 =	simm.s32 $0x0;
	s26 =	simm.s32 $0x1;
	s23 =	smov.u32 s10  }
0x36: {  	[tilespmem:s19], [sflag:$0x1] =	stream.indirect.gather [spmem:s2], $0x80, s18, s14, $0xb8;
	[tilespmem:$0x1E280] =	vst v63  }
.LBB2_2:
0x37: {  	_ =	swait.ge [sflag:s20], $0x2800  }
0x38: {  	[sflag:s20] =	ssyncset.done $0x0  }
0x39: {  	s28 =	sand.u32 $0x1, s26;
	[sflag:s20] =	ssyncadd.s32 $0xFFFFD800  }
0x3a: {  	s29 =	smul.u32 $0x2800, s28;
	_ =	swait.ge [sflag:s20], $0x2800  }
0x3b: {  	[sflag:s20] =	ssyncset.done $0x0  }
0x3c: {  	s30 =	sadd.s32 $0xA00, s29;
	[sflag:s20] =	ssyncadd.s32 $0xFFFFD800  }
0x3d: {  	[hbm4b:s24+s3] =	stream.linear.scatter [tilespmem:s30], [sflag:$0x2], $0x2800, $0x38;
	[tilespmem:$0x1E280] =	vst v63  }
0x3e: {  	s29 =	sadd.s32 $0x5A00, s29  }
0x3f: {  	[hbm4b:s23+s3] =	stream.linear.scatter [tilespmem:s29], [sflag:$0x2], $0x2800, $0x38;
	[tilespmem:$0x1E280] =	vst v63  }
0x40: {  	p1 =	seq.s32 s25, $0x1040;
	_ =	swait.ge [sflag:s21], $0x2800  }
.Ltmp2:
0x41: {  	[sflag:s21] =	ssyncset.done $0x0;
	(pc) =	sbr.rel @p1 .LBB2_4-.Ltmp2, $4  }
0x42: {  	[sflag:s21] =	ssyncadd.s32 $0xFFFFD800  }
0x43: {  	_ =	swait.ge [sflag:s21], $0x2800  }
0x44: {  	[sflag:s21] =	ssyncset.done $0x0  }
0x45: {  	[sflag:s21] =	ssyncadd.s32 $0xFFFFD800  }
0x46: {  	s28 =	sxor.u32 $0x1, s28  }
0x47: {  	s29 =	sshra.s32 s25, $0x2;
	s28 =	smul.u32 $0x2800, s28  }
.Ltmp3:
0x48: {  	s26 =	sadd.s32 $0x1, s26;
	s25 =	sadd.s32 $0x140, s25;
	(pc) =	sbr.rel .LBB2_2-.Ltmp3, $4  }
0x49: {  	s24 =	sadd.s32 $0x500, s24;
	s31 =	sadd.s32 $0xA0, s29;
	s30 =	sadd.s32 $0xA00, s28  }
0x4a: {  	[tilespmem:s30], [sflag:$0x1] =	stream.indirect.gather [spmem:s2], $0x80, s31, s14, $0xb8;
	[tilespmem:$0x1E280] =	vst v63  }
0x4b: {  	s23 =	sadd.s32 $0x500, s23;
	s29 =	sadd.s32 $0x5A0, s29;
	s28 =	sadd.s32 $0x5A00, s28  }
0x4c: {  	[tilespmem:s28], [sflag:$0x1] =	stream.indirect.gather [spmem:s2], $0x80, s29, s14, $0xb8;
	[tilespmem:$0x1E280] =	vst v63  }
.LBB2_5:
0x4d: {  	_ =	sfence.sel $0x180000  }
0x4e: {  	[bflag:$0x0] =	sbarrier.arrive $0xFFFF  }
0x4f: {  	_ =	strace $0x90000047  }
0x50: {  	s0 =	sadd.s32 @!p0 $0x100000, s1;
	[bflag:$0x2] =	sbarrier.arrive $0xFFFF  }
0x51: {  	[sflag:s0] =	ssyncadd.tile.s32 @!p0 $0x1;
	_ =	shalt  }
.Lfunc_end2:
_tile_overlayer_lowered:
.L_overlay_start_2:
0x52: {  	(tag) =	ssettag $0x2  }
0x53: {  	s0 =	rddreg [dreg:$0x0];
	s2 =	stileid.u32  }
0x54: {  	s1 =	rddreg [dreg:$0x1];
	p0 =	sne.s32 s2, $0x0  }
0x55: {  	s3 =	rddreg [dreg:$0x2];
	[bflag:$0x3] =	sbarrier.arrive $0xFFFF;
	s2 =	simm.s32 @!p0 $0x1C03  }
0x56: {  	[timem:s3], [sflag:s2] =	dma.local @!p0 [hbm:s0], s1  }
0x57: {  	s0 =	simm.s32 @!p0 $0x3  }
0x58: {  	_ =	swait.ge @!p0 [sflag:s0], s1  }
0x59: {  	s1 =	ssub.s32 @!p0 $0x0, s1;
	[sflag:s0] =	ssyncset.done @!p0 $0x0  }
0x5a: {  	[sflag:s0] =	ssyncadd.s32 @!p0 s1  }
0x5b: {  	[bflag:$0x3] =	sbarrier.arrive $0xFFFF  }
0x5c: {  	_ =	shalt  }

// kernel: kernel.21.cloned.1.call-start
scs
__scs_entry_jumppad:
0x0: {  	(pc) =	sbr.rel $0x88, $3  }
0x1: {  	(tag) =	ssettag $0x0;
	lr =	simm.s32 $0x1  }
0x2: {  	[smem:$0x3F95] =	sst lr;
	_ =	strace $0xD0000000  }
0x3: {  	_ = 	snop  }
0x4: {  	_ = 	snop  }
0x5: {  	_ = 	snop  }
0x6: {  	_ = 	snop  }
0x7: {  	_ = 	snop  }
__scs_overlays_trampoline_lowered:
0x8: {  	[smem:$0x3FA4] =	sst s0  }
0x9: {  	[smem:$0x3FA5] =	sst s1  }
0xa: {  	[smem:$0x3FA6] =	sst s2  }
0xb: {  	[smem:$0x3FA7] =	sst s3  }
0xc: {  	[smem:$0x3FA8] =	sst s4  }
0xd: {  	[smem:$0x3FA9] =	sst s5  }
0xe: {  	[smem:$0x3FAA] =	sst s6  }
0xf: {  	[smem:$0x3FAB] =	sst s7  }
0x10: {  	[smem:$0x3FAC] =	sst s8  }
0x11: {  	[smem:$0x3FAD] =	sst s9;
	s0 =	simm.s32 @!p0 $0x0  }
0x12: {  	s1 =	sld [smem:$0x3F93];
	s0 =	simm.s32 @p0 $0x1  }
0x13: {  	[smem:$0x3FAE] =	sst s0;
	s0 =	simm.s32 @!p1 $0x0  }
0x14: {  	s2 =	sld [smem:$0x3F92];
	s0 =	simm.s32 @p1 $0x1  }
0x15: {  	[smem:$0x3FAF] =	sst s0;
	s0 =	simm.s32 @!p2 $0x0  }
0x16: {  	s3 =	sld [smem:$0x3FDB];
	s0 =	simm.s32 @p2 $0x1  }
0x17: {  	s4 =	simm.s32 $0x1BF5;
	[smem:$0x3FB1] =	sst s0  }
0x18: {  	s0 =	sld [smem:$0x3F94];
	_ =	swait.ge [sflag:s4], $0x0  }
0x19: {  	s7 =	sld [smem:$0x3F95]  }
0x1a: {  	s8 =	sadd.s32 $0xFFFFE003, lr  }
0x1b: {  	s9 =	sadd.s32 $0xFFFFFEF7, lr;
	s5 =	simm.s32 $0xFFFFFFFF;
	p2 =	slt.u32 s8, $0xFFFFF086  }
0x1c: {  	p1 =	slt.u32 s9, $0xF7A;
	s5 =	simm.s32 @!p2 $0x0  }
0x1d: {  	s5 =	simm.s32 @p1 $0x1;
	p0 =	seq.s32 s7, s2  }
0x1e: {  	s7 =	smul.u32 @!p0 $0xF7A, s2;
	p2 =	seq.s32 @!p0 s5, $0x0  }
0x1f: {  	s9 =	smul.u32 $0xF7A, s1;
	s8 =	simm.s32 @!p0 $0x1BF5;
	p2 =	por !p2, p0  }
0x20: {  	[sflag:s8] =	ssyncset.s32 @!p0 $0xFFFFF086;
	s6 =	sadd.s32 @!p0 s3, s7;
	s7 =	simm.s32 @!p0 $0x108  }
0x21: {  	s3 =	sadd.s32 s3, s9;
	s6 =	sadd.s32 @!p0 $0x88, s6;
	s7 =	simm.s32 @p2 $0x1082  }
0x22: {  	[simem:s7], [sflag:s8] =	dma.local @!p0 [hbm:s6], $0xF7A  }
0x23: {  	s9 =	sor.u32 $0xD0000000, s2;
	s6 =	simm.s32 $0x108;
	_ =	swait.ge @!p0 [sflag:s8], $0x0  }
0x24: {  	s3 =	sadd.s32 $0x88, s3;
	s6 =	simm.s32 @!p1 $0x1082;
	[sflag:s4] =	ssyncset.s32 $0xFFFFF086  }
0x25: {  	[simem:s6], [sflag:s4] =	dma.local [hbm:s3], $0xF7A  }
0x26: {  	[smem:$0x3F95] =	sst s1;
	(tag) =	ssettag s2;
	_ =	strace s9  }
0x27: {  	s1 =	sld [smem:$0x3FA5]  }
0x28: {  	s2 =	sld [smem:$0x3FA6]  }
0x29: {  	s4 =	sld [smem:$0x3FA8]  }
0x2a: {  	p0 =	seq.s32 s5, $0x0;
	s5 =	sld [smem:$0x3FA9]  }
0x2b: {  	s6 =	sld [smem:$0x3FAA]  }
0x2c: {  	s7 =	sld [smem:$0x3FAB]  }
0x2d: {  	s3 =	simm.s32 $0x108;
	s8 =	sld [smem:$0x3FAC]  }
0x2e: {  	s3 =	simm.s32 @!p0 $0x1082;
	s9 =	sld [smem:$0x3FAD]  }
0x2f: {  	lr =	sadd.s32 s0, s3;
	s0 =	sld [smem:$0x3FA4]  }
0x30: {  	s3 =	sld [smem:$0x3FA7]  }
0x31: {  	[smem:$0x3FB0] =	sst s10  }
0x32: {  	s10 =	sld [smem:$0x3FAE];
	_ =	sdelay $0x3  }
0x33: {  	p0 =	seq.s32 s10, $0x1;
	s10 =	sld [smem:$0x3FB0];
	_ =	sdelay $0x3  }
0x34: {  	[smem:$0x3FB0] =	sst s10  }
0x35: {  	s10 =	sld [smem:$0x3FAF];
	_ =	sdelay $0x3  }
0x36: {  	p1 =	seq.s32 s10, $0x1;
	s10 =	sld [smem:$0x3FB0];
	_ =	sdelay $0x3  }
0x37: {  	[smem:$0x3FB0] =	sst s10  }
0x38: {  	s10 =	sld [smem:$0x3FB1]  }
0x39: {  	_ = 	snop;
	(pc) =	sbr.ind lr, $3  }
0x3a: {  	_ = 	snop  }
0x3b: {  	_ = 	snop  }
0x3c: {  	p2 =	seq.s32 s10, $0x1;
	s10 =	sld [smem:$0x3FB0]  }
0x3d: {  	_ =	shalt  }
0x3e: {  	_ =	shalt  }
0x3f: {  	_ =	shalt  }
0x40: {  	_ =	shalt  }
0x41: {  	_ =	shalt  }
0x42: {  	_ =	shalt  }
0x43: {  	_ =	shalt  }
0x44: {  	_ =	shalt  }
0x45: {  	_ =	shalt  }
0x46: {  	_ =	shalt  }
0x47: {  	_ =	shalt  }
0x48: {  	_ =	shalt  }
0x49: {  	_ =	shalt  }
0x4a: {  	_ =	shalt  }
0x4b: {  	_ =	shalt  }
0x4c: {  	_ =	shalt  }
0x4d: {  	_ =	shalt  }
0x4e: {  	_ =	shalt  }
0x4f: {  	_ =	shalt  }
0x50: {  	_ =	shalt  }
0x51: {  	_ =	shalt  }
0x52: {  	_ =	shalt  }
0x53: {  	_ =	shalt  }
0x54: {  	_ =	shalt  }
0x55: {  	_ =	shalt  }
0x56: {  	_ =	shalt  }
0x57: {  	_ =	shalt  }
0x58: {  	_ =	shalt  }
0x59: {  	_ =	shalt  }
0x5a: {  	_ =	shalt  }
0x5b: {  	_ =	shalt  }
0x5c: {  	_ =	shalt  }
0x5d: {  	_ =	shalt  }
0x5e: {  	_ =	shalt  }
0x5f: {  	_ =	shalt  }
0x60: {  	_ =	shalt  }
0x61: {  	_ =	shalt  }
0x62: {  	_ =	shalt  }
0x63: {  	_ =	shalt  }
0x64: {  	_ =	shalt  }
0x65: {  	_ =	shalt  }
0x66: {  	_ =	shalt  }
0x67: {  	_ =	shalt  }
0x68: {  	_ =	shalt  }
0x69: {  	_ =	shalt  }
0x6a: {  	_ =	shalt  }
0x6b: {  	_ =	shalt  }
0x6c: {  	_ =	shalt  }
0x6d: {  	_ =	shalt  }
0x6e: {  	_ =	shalt  }
0x6f: {  	_ =	shalt  }
0x70: {  	_ =	shalt  }
0x71: {  	_ =	shalt  }
0x72: {  	_ =	shalt  }
0x73: {  	_ =	shalt  }
0x74: {  	_ =	shalt  }
0x75: {  	_ =	shalt  }
0x76: {  	_ =	shalt  }
0x77: {  	_ =	shalt  }
0x78: {  	_ =	shalt  }
0x79: {  	_ =	shalt  }
0x7a: {  	_ =	shalt  }
0x7b: {  	_ =	shalt  }
0x7c: {  	_ =	shalt  }
0x7d: {  	_ =	shalt  }
0x7e: {  	_ =	shalt  }
0x7f: {  	_ =	shalt  }
0x80: {  	_ =	shalt  }
0x81: {  	_ =	shalt  }
0x82: {  	_ =	shalt  }
0x83: {  	_ =	shalt  }
0x84: {  	_ =	shalt  }
0x85: {  	_ =	shalt  }
0x86: {  	_ =	shalt  }
0x87: {  	_ =	shalt  }
.Lfunc_end0:
.L_simem_size_0:
called_computation.1_lowered:
.L_overlay_start_0:
0x88: {  	s2 =	sld [smem:$0x3FD9]  }
0x89: {  	s3 =	sld [smem:$0x3FFE];
	_ =	sdelay $0x1  }
0x8a: {  	s1 =	srdreg.scid  }
0x8b: {  	s0 =	sand.u32 $0x1, s1  }
0x8c: {  	s17 =	sshll.u32 s0, $0xA;
	s2 =	sadd.s32 s3, s2  }
0x8d: {  	s2 =	sadd.s32 s2, s17  }
0x8e: {  	[smem:$0x3FBC] =	sst s2  }
0x8f: {  	_ = 	snop  }
0x90: {  	s18 =	sld [smem:$0x3FC9]  }
0x91: {  	s4 =	sld [smem:$0x3FD0];
	(tm) =	ssettm $0x1  }
0x92: {  	s19 =	sld [smem:$0x3FFB];
	_ =	sdelay $0x3  }
0x93: {  	_ =	strace s19  }
0x94: {  	s2 =	sld [smem:$0x3FFC];
	_ =	sdelay $0x3  }
0x95: {  	_ =	strace s2  }
0x96: {  	s2 =	sld [smem:$0x3FFD];
	_ =	sdelay $0x3  }
0x97: {  	_ =	strace s2  }
0x98: {  	_ =	strace $0x8FFFFFFF  }
0x99: {  	s20 =	sld [smem:$0x3FDB];
	_ =	sdelay $0x1  }
0x9a: {  	s5 =	simm.s32 $_scs_section_size  }
0x9b: {  	s6 =	simm.s32 $_size__tile_overlayer_lowered;
	s7 =	simm.s32 $_tile_overlayer_lowered  }
0x9c: {  	s8 =	simm.s32 $0x1BFF;
	s21 =	sshll.u32 s7, $0x1;
	s5 =	sadd.s32 s5, s20  }
0x9d: {  	s22 =	simm.s32 $0x0;
	s6 =	sshll.u32 s6, $0x1;
	s7 =	sadd.s32 s21, s5  }
0x9e: {  	[timem:s22], [sflag:s8] =	dma.local [hbm:s7], s6  }
0x9f: {  	_ =	swait.ge [sflag:s8], s6  }
0xa0: {  	s6 =	ssub.s32 $0x0, s6;
	[sflag:s8] =	ssyncset.done $0x0  }
0xa1: {  	[sflag:s8] =	ssyncadd.s32 s6;
	_ =	sdelay $0x1  }
0xa2: {  	s23 =	simm.s32 $0x1B8B  }
0xa3: {  	_ =	swait.ge [sflag:s23], $0x1  }
0xa4: {  	[sflag:s23] =	ssyncset.done $0x0  }
0xa5: {  	[sflag:s23] =	ssyncadd.s32 $0xFFFFFFFF  }
0xa6: {  	s6 =	sld [smem:$0x0]  }
0xa7: {  	s7 =	sand.u32 $0xFFFFFFFE, s1  }
0xa8: {  	p0 =	sne.s32 s1, s7  }
0xa9: {  	s7 =	sshll.u32 @p0 s7, $0xE  }
0xaa: {  	s7 =	sadd.s32 @p0 $0x11B8D, s7;
	s8 =	sshll.u32 @p0 s6, $0x11  }
0xab: {  	s7 =	sor.u32 @p0 s8, s7  }
0xac: {  	[sflag:s7] =	ssyncadd.remote.s32 @p0 $0x1;
	_ =	sdelay $0x1  }
0xad: {  	s7 =	simm.s32 @p0 $0x1B8D  }
0xae: {  	_ =	swait.eq @p0 [sflag:s7], $0x1  }
0xaf: {  	[sflag:s7] =	ssyncadd.s32 @p0 $0xFFFFFFFF  }
0xb0: {  	s8 =	sshll.u32 @!p0 s1, $0xE  }
0xb1: {  	s8 =	sor.u32 @!p0 $0x4000, s8;
	s7 =	simm.s32 @!p0 $0x1B8D  }
0xb2: {  	s6 =	sshll.u32 @!p0 s6, $0x11;
	s8 =	sadd.s32 @!p0 $0x11B8D, s8;
	_ =	swait.eq @!p0 [sflag:s7], $0x1  }
0xb3: {  	s6 =	sor.u32 @!p0 s6, s8;
	[sflag:s7] =	ssyncadd.s32 @!p0 $0xFFFFFFFF  }
0xb4: {  	s25 =	simm.s32 $0x1B8E;
	s24 =	sld [smem:$0x3FFE];
	[sflag:s6] =	ssyncadd.remote.s32 @!p0 $0x1  }
0xb5: {  	s26 =	simm.s32 $execute0_lowered;
	[smem:$0x3FD2] =	sst s25  }
0xb6: {  	s7 =	sshll.u32 s26, $0x1;
	_ =	strace $0x80000049;
	[dreg:$0x1] =	wrdreg $0xFFFFFFFF  }
0xb7: {  	s28 =	simm.s32 $_size_execute0_lowered;
	s5 =	sadd.s32 s5, s7;
	[dreg:$0x0] =	wrdreg $0x0  }
0xb8: {  	s7 =	sshll.u32 s28, $0x1;
	[dreg:$0x2] =	wrdreg s5  }
0xb9: {  	[dreg:$0x3] =	wrdreg s7  }
0xba: {  	[dreg:$0x4] =	wrdreg $0xC0  }
0xbb: {  	_ =	task [dreg:s22], $0x5FFFF  }
0xbc: {  	[dreg:$0x1] =	wrdreg $0xFFFFFFFF  }
0xbd: {  	[dreg:$0x0] =	wrdreg $0x60  }
0xbe: {  	[dreg:$0x2] =	wrdreg s18  }
0xbf: {  	[dreg:$0x3] =	wrdreg s4  }
0xc0: {  	[dreg:$0x4] =	wrdreg s24  }
0xc1: {  	[dreg:$0x5] =	wrdreg $0xB9000  }
0xc2: {  	[dreg:$0x6] =	wrdreg $0xB  }
0xc3: {  	_ =	task.clear_ibuf [dreg:s22], $0x7FFFF;
	_ =	strace $0x90000049  }
0xc4: {  	s29 =	simm.s32 $0xB;
	_ =	strace $0x8000004B  }
0xc5: {  	_ =	swait.ge [sflag:s29], $0x1  }
0xc6: {  	[sflag:s29] =	ssyncadd.s32 $0xFFFFFFFF  }
0xc7: {  	_ =	strace $0x9000004B  }
0xc8: {  	_ =	sfence  }
0xc9: {  	s30 =	sld [smem:$0x0];
	_ =	sdelay $0x2  }
0xca: {  	s31 =	sshll.u32 s1, $0xD;
	s1 =	sshrl.u32 s1, $0x2  }
0xcb: {  	s4 =	sand.u32 $0x4000, s31;
	s1 =	sadd.s32 s1, s30  }
0xcc: {  	s0 =	sor.u32 s4, s0;
	s1 =	sshll.u32 s1, $0x11  }
0xcd: {  	s0 =	sor.u32 s1, s0  }
0xce: {  	s0 =	sadd.s32 $0x8F2B, s0  }
0xcf: {  	[sflag:s0] =	ssyncadd.remote.s32 $0x1  }
0xd0: {  	_ =	sfence.sel $0xFFFF  }
0xd1: {  	[dreg:$0x0] =	wrdreg $0xFFFFFFFF;
	(pc) =	sbr.abs _section_cstart, $3  }
0xd2: {  	[dreg:$0x1] =	wrdreg $0xFFFFFFFF  }
0xd3: {  	_ =	task.clear_ibuf [dreg:s22], $0x2FFFF;
	_ =	strace $0x9FFFFFFF  }
0xd4: {  	(tm) =	ssettm $0x7FFFFFFF  }
0xd5: {  	_ =	shalt  }
tec
execute0_lowered:
.L_overlay_start_1:
0x0: {  	(tag) =	ssettag $0x1  }
0x1: {  	s0 =	rddreg [dreg:$0x0]  }
0x2: {  	s4 =	rddreg [dreg:$0x1]  }
0x3: {  	s1 =	srdreg.scid;
	s5 =	rddreg [dreg:$0x2]  }
0x4: {  	s11 =	stileid.u32;
	s2 =	rddreg [dreg:$0x3];
	s3 =	simm.s32 $0x0  }
0x5: {  	s15 =	simm.s32 $0x1900;
	s16 =	simm.s32 $0x6900;
	s17 =	simm.s32 $0x4100  }
0x6: {  	s18 =	simm.s32 $0xCD0;
	s19 =	simm.s32 $0x9100;
	s20 =	simm.s32 $0x1  }
0x7: {  	s21 =	simm.s32 $0x2;
	s7 =	sand.u32 $0x1, s1;
	s1 =	rddreg [dreg:$0x4]  }
0x8: {  	s22 =	simm.s32 $0x0;
	s25 =	sshll.u32 s11, $0x1;
	[smem:$0x7FF] =	sst s3  }
0x9: {  	s10 =	sadd.s32 $0x138000, s5;
	s13 =	sadd.s32 $0x2C8000, s5;
	s29 =	smul.u32 $0x19000, s11  }
0xa: {  	p0 =	sne.s32 s11, $0x0;
	s11 =	simm.s32 $0x3;
	s6 =	sor.u32 s7, s25  }
0xb: {  	_ =	strace $0x8000004A;
	s12 =	ssub.s32 $0x2, s7;
	s30 =	smul.u32 $0xC800, s7  }
0xc: {  	s8 =	smul.u32 $0xC80, s6;
	s26 =	sshrl.u32 s12, $0x1;
	s31 =	sadd.s32 s29, s13  }
0xd: {  	s14 =	smul.u32 $0xC800, s6;
	s28 =	ssub.s32 s12, s26;
	s12 =	sadd.s32 s30, s31  }
.Ltmp0:
0xe: {  	s8 =	sshrl.u32 s8, $0x3;
	s6 =	smax.u32 s28, $0x1;
	(pc) =	sbr.rel .LBB2_1-.Ltmp0, $4  }
0xf: {  	s7 =	sadd.s32 s10, s14;
	s10 =	sadd.s32 s29, s10;
	s9 =	sadd.s32 s8, s5  }
0x10: {  	s4 =	sadd.s32 s4, s8;
	s8 =	sadd.s32 s13, s14;
	s10 =	sadd.s32 s30, s10  }
0x11: {  	s13 =	sshrl.u32 @!p0 s2, $0x3;
	s14 =	simm.s32 $0x50;
	s5 =	sadd.s32 $0x134E00, s9  }
0x12: {  	s9 =	sadd.s32 $0x500, s10;
	s10 =	sadd.s32 $0x500, s12;
	s12 =	simm.s32 $0xC80  }
.LBB2_4:
0x13: {  	s22 =	sadd.s32 $0x1, s22  }
0x14: {  	_ =	swait.ge [sflag:s21], $0x2800;
	p1 =	sne.s32 s22, s6  }
.Ltmp1:
0x15: {  	[sflag:s21] =	ssyncset.done $0x0;
	(pc) =	sbr.rel @!p1 .LBB2_5-.Ltmp1, $4  }
0x16: {  	[sflag:s21] =	ssyncadd.s32 $0xFFFFD800  }
0x17: {  	_ =	swait.ge [sflag:s21], $0x2800  }
0x18: {  	[sflag:s21] =	ssyncset.done $0x0  }
0x19: {  	[sflag:s21] =	ssyncadd.s32 $0xFFFFD800  }
.LBB2_1:
0x1a: {  	[tilespmem:s3], [sflag:$0x3] =	stream.linear.gather [hbm4b:s4+s3], $0xC80, $0x38;
	[tilespmem:$0x1F180] =	vst v63  }
0x1b: {  	_ =	swait.ge [sflag:s11], $0xC80  }
0x1c: {  	[sflag:s11] =	ssyncset.done $0x0  }
0x1d: {  	[sflag:s11] =	ssyncadd.s32 $0xFFFFF380  }
0x1e: {  	[tilespmem:s12], [sflag:$0x3] =	stream.linear.gather [hbm4b:s5+s3], $0xC80, $0x38;
	[tilespmem:$0x1F180] =	vst v63  }
0x1f: {  	_ =	swait.ge [sflag:s11], $0xC80  }
0x20: {  	[sflag:s11] =	ssyncset.done $0x0  }
0x21: {  	s23 =	simm.s32 @!p0 $0x1C03;
	[sflag:s11] =	ssyncadd.s32 $0xFFFFF380  }
0x22: {  	[spmem:s13], [sflag:s23] =	dma.local @!p0 [hbm:s0], $0x27100  }
0x23: {  	s23 =	simm.s32 @!p0 $0x3  }
0x24: {  	_ =	swait.ge @!p0 [sflag:s23], $0x27100  }
0x25: {  	[sflag:s23] =	ssyncset.done @!p0 $0x0  }
0x26: {  	[sflag:s23] =	ssyncadd.s32 @!p0 $0xFFFD8F00  }
0x27: {  	[bflag:$0x0] =	sbarrier.arrive $0xFFFF  }
0x28: {  	[tilespmem:s15], [sflag:$0x1] =	stream.indirect.gather [spmem:s2], $0x80, s3, s14, $0xb8;
	[tilespmem:$0x1F180] =	vst v63  }
0x29: {  	_ = 	snop  }
0x2a: {  	[tilespmem:s16], [sflag:$0x1] =	stream.indirect.gather [spmem:s2], $0x80, s12, s14, $0xb8;
	[tilespmem:$0x1F180] =	vst v63  }
0x2b: {  	_ =	swait.ge [sflag:s20], $0x2800  }
0x2c: {  	[sflag:s20] =	ssyncset.done $0x0  }
0x2d: {  	[sflag:s20] =	ssyncadd.s32 $0xFFFFD800  }
0x2e: {  	_ =	swait.ge [sflag:s20], $0x2800  }
0x2f: {  	[sflag:s20] =	ssyncset.done $0x0  }
0x30: {  	[sflag:s20] =	ssyncadd.s32 $0xFFFFD800  }
0x31: {  	[hbm4b:s7+s3] =	stream.linear.scatter [tilespmem:s15], [sflag:$0x2], $0x2800, $0x38;
	[tilespmem:$0x1F180] =	vst v63  }
0x32: {  	_ = 	snop  }
0x33: {  	[hbm4b:s8+s3] =	stream.linear.scatter [tilespmem:s16], [sflag:$0x2], $0x2800, $0x38;
	[tilespmem:$0x1F180] =	vst v63  }
0x34: {  	s24 =	smov.u32 s9  }
0x35: {  	[tilespmem:s17], [sflag:$0x1] =	stream.indirect.gather [spmem:s2], $0x80, s14, s14, $0xb8;
	[tilespmem:$0x1F180] =	vst v63  }
0x36: {  	s25 =	simm.s32 $0x0;
	s26 =	simm.s32 $0x1;
	s23 =	smov.u32 s10  }
0x37: {  	[tilespmem:s19], [sflag:$0x1] =	stream.indirect.gather [spmem:s2], $0x80, s18, s14, $0xb8;
	[tilespmem:$0x1F180] =	vst v63  }
.LBB2_2:
0x38: {  	_ =	swait.ge [sflag:s20], $0x2800  }
0x39: {  	[sflag:s20] =	ssyncset.done $0x0  }
0x3a: {  	s28 =	sand.u32 $0x1, s26;
	[sflag:s20] =	ssyncadd.s32 $0xFFFFD800  }
0x3b: {  	s29 =	smul.u32 $0x2800, s28;
	_ =	swait.ge [sflag:s20], $0x2800  }
0x3c: {  	[sflag:s20] =	ssyncset.done $0x0  }
0x3d: {  	s30 =	sadd.s32 $0x1900, s29;
	[sflag:s20] =	ssyncadd.s32 $0xFFFFD800  }
0x3e: {  	[hbm4b:s24+s3] =	stream.linear.scatter [tilespmem:s30], [sflag:$0x2], $0x2800, $0x38;
	[tilespmem:$0x1F180] =	vst v63  }
0x3f: {  	s29 =	sadd.s32 $0x6900, s29  }
0x40: {  	[hbm4b:s23+s3] =	stream.linear.scatter [tilespmem:s29], [sflag:$0x2], $0x2800, $0x38;
	[tilespmem:$0x1F180] =	vst v63  }
0x41: {  	p1 =	seq.s32 s25, $0x2F80;
	_ =	swait.ge [sflag:s21], $0x2800  }
.Ltmp2:
0x42: {  	[sflag:s21] =	ssyncset.done $0x0;
	(pc) =	sbr.rel @p1 .LBB2_4-.Ltmp2, $4  }
0x43: {  	[sflag:s21] =	ssyncadd.s32 $0xFFFFD800  }
0x44: {  	_ =	swait.ge [sflag:s21], $0x2800  }
0x45: {  	[sflag:s21] =	ssyncset.done $0x0  }
0x46: {  	[sflag:s21] =	ssyncadd.s32 $0xFFFFD800  }
0x47: {  	s28 =	sxor.u32 $0x1, s28  }
0x48: {  	s29 =	sshra.s32 s25, $0x2;
	s28 =	smul.u32 $0x2800, s28  }
.Ltmp3:
0x49: {  	s26 =	sadd.s32 $0x1, s26;
	s25 =	sadd.s32 $0x140, s25;
	(pc) =	sbr.rel .LBB2_2-.Ltmp3, $4  }
0x4a: {  	s24 =	sadd.s32 $0x500, s24;
	s31 =	sadd.s32 $0xA0, s29;
	s30 =	sadd.s32 $0x1900, s28  }
0x4b: {  	[tilespmem:s30], [sflag:$0x1] =	stream.indirect.gather [spmem:s2], $0x80, s31, s14, $0xb8;
	[tilespmem:$0x1F180] =	vst v63  }
0x4c: {  	s23 =	sadd.s32 $0x500, s23;
	s29 =	sadd.s32 $0xD20, s29;
	s28 =	sadd.s32 $0x6900, s28  }
0x4d: {  	[tilespmem:s28], [sflag:$0x1] =	stream.indirect.gather [spmem:s2], $0x80, s29, s14, $0xb8;
	[tilespmem:$0x1F180] =	vst v63  }
.LBB2_5:
0x4e: {  	_ =	sfence.sel $0x180000  }
0x4f: {  	[bflag:$0x0] =	sbarrier.arrive $0xFFFF  }
0x50: {  	_ =	strace $0x9000004A  }
0x51: {  	s0 =	sadd.s32 @!p0 $0x100000, s1;
	[bflag:$0x2] =	sbarrier.arrive $0xFFFF  }
0x52: {  	[sflag:s0] =	ssyncadd.tile.s32 @!p0 $0x1;
	_ =	shalt  }
.Lfunc_end2:
_tile_overlayer_lowered:
.L_overlay_start_2:
0x53: {  	(tag) =	ssettag $0x2  }
0x54: {  	s0 =	rddreg [dreg:$0x0];
	s2 =	stileid.u32  }
0x55: {  	s1 =	rddreg [dreg:$0x1];
	p0 =	sne.s32 s2, $0x0  }
0x56: {  	s3 =	rddreg [dreg:$0x2];
	[bflag:$0x3] =	sbarrier.arrive $0xFFFF;
	s2 =	simm.s32 @!p0 $0x1C03  }
0x57: {  	[timem:s3], [sflag:s2] =	dma.local @!p0 [hbm:s0], s1  }
0x58: {  	s0 =	simm.s32 @!p0 $0x3  }
0x59: {  	_ =	swait.ge @!p0 [sflag:s0], s1  }
0x5a: {  	s1 =	ssub.s32 @!p0 $0x0, s1;
	[sflag:s0] =	ssyncset.done @!p0 $0x0  }
0x5b: {  	[sflag:s0] =	ssyncadd.s32 @!p0 s1  }
0x5c: {  	[bflag:$0x3] =	sbarrier.arrive $0xFFFF  }
0x5d: {  	_ =	shalt  }

// kernel: kernel.24.cloned.1.call-start
scs
__scs_entry_jumppad:
0x0: {  	(pc) =	sbr.rel $0x88, $3  }
0x1: {  	(tag) =	ssettag $0x0;
	lr =	simm.s32 $0x1  }
0x2: {  	[smem:$0x3F95] =	sst lr;
	_ =	strace $0xD0000000  }
0x3: {  	_ = 	snop  }
0x4: {  	_ = 	snop  }
0x5: {  	_ = 	snop  }
0x6: {  	_ = 	snop  }
0x7: {  	_ = 	snop  }
__scs_overlays_trampoline_lowered:
0x8: {  	[smem:$0x3FA4] =	sst s0  }
0x9: {  	[smem:$0x3FA5] =	sst s1  }
0xa: {  	[smem:$0x3FA6] =	sst s2  }
0xb: {  	[smem:$0x3FA7] =	sst s3  }
0xc: {  	[smem:$0x3FA8] =	sst s4  }
0xd: {  	[smem:$0x3FA9] =	sst s5  }
0xe: {  	[smem:$0x3FAA] =	sst s6  }
0xf: {  	[smem:$0x3FAB] =	sst s7  }
0x10: {  	[smem:$0x3FAC] =	sst s8  }
0x11: {  	[smem:$0x3FAD] =	sst s9;
	s0 =	simm.s32 @!p0 $0x0  }
0x12: {  	s1 =	sld [smem:$0x3F93];
	s0 =	simm.s32 @p0 $0x1  }
0x13: {  	[smem:$0x3FAE] =	sst s0;
	s0 =	simm.s32 @!p1 $0x0  }
0x14: {  	s2 =	sld [smem:$0x3F92];
	s0 =	simm.s32 @p1 $0x1  }
0x15: {  	[smem:$0x3FAF] =	sst s0;
	s0 =	simm.s32 @!p2 $0x0  }
0x16: {  	s3 =	sld [smem:$0x3FDB];
	s0 =	simm.s32 @p2 $0x1  }
0x17: {  	s4 =	simm.s32 $0x1BF5;
	[smem:$0x3FB1] =	sst s0  }
0x18: {  	s0 =	sld [smem:$0x3F94];
	_ =	swait.ge [sflag:s4], $0x0  }
0x19: {  	s7 =	sld [smem:$0x3F95]  }
0x1a: {  	s8 =	sadd.s32 $0xFFFFE003, lr  }
0x1b: {  	s9 =	sadd.s32 $0xFFFFFEF7, lr;
	s5 =	simm.s32 $0xFFFFFFFF;
	p2 =	slt.u32 s8, $0xFFFFF086  }
0x1c: {  	p1 =	slt.u32 s9, $0xF7A;
	s5 =	simm.s32 @!p2 $0x0  }
0x1d: {  	s5 =	simm.s32 @p1 $0x1;
	p0 =	seq.s32 s7, s2  }
0x1e: {  	s7 =	smul.u32 @!p0 $0xF7A, s2;
	p2 =	seq.s32 @!p0 s5, $0x0  }
0x1f: {  	s9 =	smul.u32 $0xF7A, s1;
	s8 =	simm.s32 @!p0 $0x1BF5;
	p2 =	por !p2, p0  }
0x20: {  	[sflag:s8] =	ssyncset.s32 @!p0 $0xFFFFF086;
	s6 =	sadd.s32 @!p0 s3, s7;
	s7 =	simm.s32 @!p0 $0x108  }
0x21: {  	s3 =	sadd.s32 s3, s9;
	s6 =	sadd.s32 @!p0 $0x88, s6;
	s7 =	simm.s32 @p2 $0x1082  }
0x22: {  	[simem:s7], [sflag:s8] =	dma.local @!p0 [hbm:s6], $0xF7A  }
0x23: {  	s9 =	sor.u32 $0xD0000000, s2;
	s6 =	simm.s32 $0x108;
	_ =	swait.ge @!p0 [sflag:s8], $0x0  }
0x24: {  	s3 =	sadd.s32 $0x88, s3;
	s6 =	simm.s32 @!p1 $0x1082;
	[sflag:s4] =	ssyncset.s32 $0xFFFFF086  }
0x25: {  	[simem:s6], [sflag:s4] =	dma.local [hbm:s3], $0xF7A  }
0x26: {  	[smem:$0x3F95] =	sst s1;
	(tag) =	ssettag s2;
	_ =	strace s9  }
0x27: {  	s1 =	sld [smem:$0x3FA5]  }
0x28: {  	s2 =	sld [smem:$0x3FA6]  }
0x29: {  	s4 =	sld [smem:$0x3FA8]  }
0x2a: {  	p0 =	seq.s32 s5, $0x0;
	s5 =	sld [smem:$0x3FA9]  }
0x2b: {  	s6 =	sld [smem:$0x3FAA]  }
0x2c: {  	s7 =	sld [smem:$0x3FAB]  }
0x2d: {  	s3 =	simm.s32 $0x108;
	s8 =	sld [smem:$0x3FAC]  }
0x2e: {  	s3 =	simm.s32 @!p0 $0x1082;
	s9 =	sld [smem:$0x3FAD]  }
0x2f: {  	lr =	sadd.s32 s0, s3;
	s0 =	sld [smem:$0x3FA4]  }
0x30: {  	s3 =	sld [smem:$0x3FA7]  }
0x31: {  	[smem:$0x3FB0] =	sst s10  }
0x32: {  	s10 =	sld [smem:$0x3FAE];
	_ =	sdelay $0x3  }
0x33: {  	p0 =	seq.s32 s10, $0x1;
	s10 =	sld [smem:$0x3FB0];
	_ =	sdelay $0x3  }
0x34: {  	[smem:$0x3FB0] =	sst s10  }
0x35: {  	s10 =	sld [smem:$0x3FAF];
	_ =	sdelay $0x3  }
0x36: {  	p1 =	seq.s32 s10, $0x1;
	s10 =	sld [smem:$0x3FB0];
	_ =	sdelay $0x3  }
0x37: {  	[smem:$0x3FB0] =	sst s10  }
0x38: {  	s10 =	sld [smem:$0x3FB1]  }
0x39: {  	_ = 	snop;
	(pc) =	sbr.ind lr, $3  }
0x3a: {  	_ = 	snop  }
0x3b: {  	_ = 	snop  }
0x3c: {  	p2 =	seq.s32 s10, $0x1;
	s10 =	sld [smem:$0x3FB0]  }
0x3d: {  	_ =	shalt  }
0x3e: {  	_ =	shalt  }
0x3f: {  	_ =	shalt  }
0x40: {  	_ =	shalt  }
0x41: {  	_ =	shalt  }
0x42: {  	_ =	shalt  }
0x43: {  	_ =	shalt  }
0x44: {  	_ =	shalt  }
0x45: {  	_ =	shalt  }
0x46: {  	_ =	shalt  }
0x47: {  	_ =	shalt  }
0x48: {  	_ =	shalt  }
0x49: {  	_ =	shalt  }
0x4a: {  	_ =	shalt  }
0x4b: {  	_ =	shalt  }
0x4c: {  	_ =	shalt  }
0x4d: {  	_ =	shalt  }
0x4e: {  	_ =	shalt  }
0x4f: {  	_ =	shalt  }
0x50: {  	_ =	shalt  }
0x51: {  	_ =	shalt  }
0x52: {  	_ =	shalt  }
0x53: {  	_ =	shalt  }
0x54: {  	_ =	shalt  }
0x55: {  	_ =	shalt  }
0x56: {  	_ =	shalt  }
0x57: {  	_ =	shalt  }
0x58: {  	_ =	shalt  }
0x59: {  	_ =	shalt  }
0x5a: {  	_ =	shalt  }
0x5b: {  	_ =	shalt  }
0x5c: {  	_ =	shalt  }
0x5d: {  	_ =	shalt  }
0x5e: {  	_ =	shalt  }
0x5f: {  	_ =	shalt  }
0x60: {  	_ =	shalt  }
0x61: {  	_ =	shalt  }
0x62: {  	_ =	shalt  }
0x63: {  	_ =	shalt  }
0x64: {  	_ =	shalt  }
0x65: {  	_ =	shalt  }
0x66: {  	_ =	shalt  }
0x67: {  	_ =	shalt  }
0x68: {  	_ =	shalt  }
0x69: {  	_ =	shalt  }
0x6a: {  	_ =	shalt  }
0x6b: {  	_ =	shalt  }
0x6c: {  	_ =	shalt  }
0x6d: {  	_ =	shalt  }
0x6e: {  	_ =	shalt  }
0x6f: {  	_ =	shalt  }
0x70: {  	_ =	shalt  }
0x71: {  	_ =	shalt  }
0x72: {  	_ =	shalt  }
0x73: {  	_ =	shalt  }
0x74: {  	_ =	shalt  }
0x75: {  	_ =	shalt  }
0x76: {  	_ =	shalt  }
0x77: {  	_ =	shalt  }
0x78: {  	_ =	shalt  }
0x79: {  	_ =	shalt  }
0x7a: {  	_ =	shalt  }
0x7b: {  	_ =	shalt  }
0x7c: {  	_ =	shalt  }
0x7d: {  	_ =	shalt  }
0x7e: {  	_ =	shalt  }
0x7f: {  	_ =	shalt  }
0x80: {  	_ =	shalt  }
0x81: {  	_ =	shalt  }
0x82: {  	_ =	shalt  }
0x83: {  	_ =	shalt  }
0x84: {  	_ =	shalt  }
0x85: {  	_ =	shalt  }
0x86: {  	_ =	shalt  }
0x87: {  	_ =	shalt  }
.Lfunc_end0:
.L_simem_size_0:
called_computation.2_lowered:
.L_overlay_start_0:
0x88: {  	s2 =	sld [smem:$0x3FD9]  }
0x89: {  	s3 =	sld [smem:$0x3FFE];
	_ =	sdelay $0x1  }
0x8a: {  	s1 =	srdreg.scid  }
0x8b: {  	s0 =	sand.u32 $0x1, s1  }
0x8c: {  	s17 =	sshll.u32 s0, $0xA;
	s2 =	sadd.s32 s3, s2  }
0x8d: {  	s2 =	sadd.s32 s2, s17  }
0x8e: {  	[smem:$0x3FBC] =	sst s2  }
0x8f: {  	_ = 	snop  }
0x90: {  	s18 =	sld [smem:$0x3FC9];
	(tm) =	ssettm $0x1  }
0x91: {  	s19 =	sld [smem:$0x3FFB];
	_ =	sdelay $0x3  }
0x92: {  	_ =	strace s19  }
0x93: {  	s2 =	sld [smem:$0x3FFC];
	_ =	sdelay $0x3  }
0x94: {  	_ =	strace s2  }
0x95: {  	s2 =	sld [smem:$0x3FFD];
	_ =	sdelay $0x3  }
0x96: {  	_ =	strace s2  }
0x97: {  	_ =	strace $0x8FFFFFFF  }
0x98: {  	s20 =	sld [smem:$0x3FDB];
	_ =	sdelay $0x1  }
0x99: {  	s4 =	simm.s32 $_scs_section_size  }
0x9a: {  	s5 =	simm.s32 $_size__tile_overlayer_lowered;
	s6 =	simm.s32 $_tile_overlayer_lowered  }
0x9b: {  	s7 =	simm.s32 $0x1BFF;
	s21 =	sshll.u32 s6, $0x1;
	s4 =	sadd.s32 s4, s20  }
0x9c: {  	s22 =	simm.s32 $0x0;
	s5 =	sshll.u32 s5, $0x1;
	s6 =	sadd.s32 s21, s4  }
0x9d: {  	[timem:s22], [sflag:s7] =	dma.local [hbm:s6], s5  }
0x9e: {  	_ =	swait.ge [sflag:s7], s5  }
0x9f: {  	s5 =	ssub.s32 $0x0, s5;
	[sflag:s7] =	ssyncset.done $0x0  }
0xa0: {  	[sflag:s7] =	ssyncadd.s32 s5;
	_ =	sdelay $0x1  }
0xa1: {  	s23 =	simm.s32 $0x1B8B  }
0xa2: {  	_ =	swait.ge [sflag:s23], $0x1  }
0xa3: {  	[sflag:s23] =	ssyncset.done $0x0  }
0xa4: {  	[sflag:s23] =	ssyncadd.s32 $0xFFFFFFFF  }
0xa5: {  	s5 =	sld [smem:$0x0]  }
0xa6: {  	s6 =	sand.u32 $0xFFFFFFFE, s1  }
0xa7: {  	p0 =	sne.s32 s1, s6  }
0xa8: {  	s6 =	sshll.u32 @p0 s6, $0xE  }
0xa9: {  	s6 =	sadd.s32 @p0 $0x11B8D, s6;
	s7 =	sshll.u32 @p0 s5, $0x11  }
0xaa: {  	s6 =	sor.u32 @p0 s7, s6  }
0xab: {  	[sflag:s6] =	ssyncadd.remote.s32 @p0 $0x1;
	_ =	sdelay $0x1  }
0xac: {  	s6 =	simm.s32 @p0 $0x1B8D  }
0xad: {  	_ =	swait.eq @p0 [sflag:s6], $0x1  }
0xae: {  	[sflag:s6] =	ssyncadd.s32 @p0 $0xFFFFFFFF  }
0xaf: {  	s7 =	sshll.u32 @!p0 s1, $0xE  }
0xb0: {  	s7 =	sor.u32 @!p0 $0x4000, s7;
	s6 =	simm.s32 @!p0 $0x1B8D  }
0xb1: {  	s5 =	sshll.u32 @!p0 s5, $0x11;
	s7 =	sadd.s32 @!p0 $0x11B8D, s7;
	_ =	swait.eq @!p0 [sflag:s6], $0x1  }
0xb2: {  	s5 =	sor.u32 @!p0 s5, s7;
	[sflag:s6] =	ssyncadd.s32 @!p0 $0xFFFFFFFF  }
0xb3: {  	s25 =	simm.s32 $0x1B8E;
	s24 =	sld [smem:$0x3FFE];
	[sflag:s5] =	ssyncadd.remote.s32 @!p0 $0x1  }
0xb4: {  	s26 =	simm.s32 $execute0_lowered;
	[smem:$0x3FD2] =	sst s25  }
0xb5: {  	s6 =	sshll.u32 s26, $0x1;
	_ =	strace $0x8000004C;
	[dreg:$0x1] =	wrdreg $0xFFFFFFFF  }
0xb6: {  	s28 =	simm.s32 $_size_execute0_lowered;
	s4 =	sadd.s32 s4, s6;
	[dreg:$0x0] =	wrdreg $0x0  }
0xb7: {  	s6 =	sshll.u32 s28, $0x1;
	[dreg:$0x2] =	wrdreg s4  }
0xb8: {  	[dreg:$0x3] =	wrdreg s6  }
0xb9: {  	[dreg:$0x4] =	wrdreg $0xC0  }
0xba: {  	_ =	task [dreg:s22], $0x5FFFF  }
0xbb: {  	[dreg:$0x1] =	wrdreg $0xFFFFFFFF  }
0xbc: {  	[dreg:$0x0] =	wrdreg $0x60  }
0xbd: {  	[dreg:$0x2] =	wrdreg s18  }
0xbe: {  	[dreg:$0x3] =	wrdreg s24  }
0xbf: {  	[dreg:$0x4] =	wrdreg $0xB6000  }
0xc0: {  	[dreg:$0x5] =	wrdreg $0x9  }
0xc1: {  	_ =	task.clear_ibuf [dreg:s22], $0x6FFFF;
	_ =	strace $0x9000004C  }
0xc2: {  	s29 =	simm.s32 $0x9;
	_ =	strace $0x8000004E  }
0xc3: {  	_ =	swait.ge [sflag:s29], $0x1  }
0xc4: {  	[sflag:s29] =	ssyncadd.s32 $0xFFFFFFFF  }
0xc5: {  	_ =	strace $0x9000004E  }
0xc6: {  	_ =	sfence  }
0xc7: {  	s30 =	sld [smem:$0x0];
	_ =	sdelay $0x2  }
0xc8: {  	s31 =	sshll.u32 s1, $0xD;
	s1 =	sshrl.u32 s1, $0x2  }
0xc9: {  	s4 =	sand.u32 $0x4000, s31;
	s1 =	sadd.s32 s1, s30  }
0xca: {  	s0 =	sor.u32 s4, s0;
	s1 =	sshll.u32 s1, $0x11  }
0xcb: {  	s0 =	sor.u32 s1, s0  }
0xcc: {  	s0 =	sadd.s32 $0x8F2B, s0  }
0xcd: {  	[sflag:s0] =	ssyncadd.remote.s32 $0x1  }
0xce: {  	_ =	sfence.sel $0xFFFF  }
0xcf: {  	[dreg:$0x0] =	wrdreg $0xFFFFFFFF;
	(pc) =	sbr.abs _section_cstart, $3  }
0xd0: {  	[dreg:$0x1] =	wrdreg $0xFFFFFFFF  }
0xd1: {  	_ =	task.clear_ibuf [dreg:s22], $0x2FFFF;
	_ =	strace $0x9FFFFFFF  }
0xd2: {  	(tm) =	ssettm $0x7FFFFFFF  }
0xd3: {  	_ =	shalt  }
tec
execute0_lowered:
.L_overlay_start_1:
0x0: {  	(tag) =	ssettag $0x1  }
0x1: {  	s0 =	rddreg [dreg:$0x0]  }
0x2: {  	s1 =	srdreg.scid;
	s4 =	rddreg [dreg:$0x1]  }
0x3: {  	s11 =	stileid.u32;
	s2 =	rddreg [dreg:$0x2];
	s3 =	simm.s32 $0x0  }
0x4: {  	s15 =	simm.s32 $0x1600;
	s16 =	simm.s32 $0x6600;
	s17 =	simm.s32 $0x3E00  }
0x5: {  	s18 =	simm.s32 $0xB50;
	s19 =	simm.s32 $0x8E00;
	s20 =	simm.s32 $0x1  }
0x6: {  	s21 =	simm.s32 $0x2;
	s22 =	simm.s32 $0x0;
	s7 =	sand.u32 $0x1, s1  }
0x7: {  	s26 =	sshll.u32 s11, $0x1;
	s1 =	rddreg [dreg:$0x3];
	s8 =	sadd.s32 $0x45D800, s4  }
0x8: {  	[smem:$0x7FF] =	sst s3;
	s10 =	sadd.s32 $0x5BB800, s4;
	s13 =	smul.u32 $0x15E00, s11  }
0x9: {  	p0 =	sne.s32 s11, $0x0;
	s5 =	sor.u32 s7, s26;
	s29 =	smul.u32 $0xAF00, s7  }
0xa: {  	s11 =	simm.s32 $0x3;
	s9 =	ssub.s32 $0x2, s7;
	s6 =	smul.u32 $0xAF0, s5  }
0xb: {  	_ =	strace $0x8000004D;
	s28 =	sshrl.u32 s9, $0x1;
	s12 =	smul.u32 $0xAF00, s5  }
0xc: {  	s14 =	sadd.s32 s13, s8;
	s13 =	sadd.s32 s13, s10;
	s9 =	ssub.s32 s9, s28  }
.Ltmp0:
0xd: {  	s30 =	sadd.s32 s29, s14;
	s31 =	sadd.s32 s29, s13;
	(pc) =	sbr.rel .LBB2_1-.Ltmp0, $4  }
0xe: {  	s13 =	sshrl.u32 @!p0 s2, $0x3;
	s14 =	simm.s32 $0x50;
	s6 =	sshrl.u32 s6, $0x3  }
0xf: {  	s7 =	sadd.s32 s8, s12;
	s8 =	sadd.s32 s10, s12;
	s6 =	sadd.s32 s6, s4  }
0x10: {  	s10 =	sadd.s32 $0x500, s31;
	s12 =	simm.s32 $0xB00;
	s4 =	sadd.s32 $0x458000, s6  }
0x11: {  	s5 =	sadd.s32 $0x45AC00, s6;
	s6 =	smax.u32 s9, $0x1;
	s9 =	sadd.s32 $0x500, s30  }
.LBB2_4:
0x12: {  	s22 =	sadd.s32 $0x1, s22  }
0x13: {  	_ =	swait.ge [sflag:s21], $0x2800;
	p1 =	sne.s32 s22, s6  }
.Ltmp1:
0x14: {  	[sflag:s21] =	ssyncset.done $0x0;
	(pc) =	sbr.rel @!p1 .LBB2_5-.Ltmp1, $4  }
0x15: {  	[sflag:s21] =	ssyncadd.s32 $0xFFFFD800  }
0x16: {  	_ =	swait.ge [sflag:s21], $0x2800  }
0x17: {  	[sflag:s21] =	ssyncset.done $0x0  }
0x18: {  	[sflag:s21] =	ssyncadd.s32 $0xFFFFD800  }
.LBB2_1:
0x19: {  	[tilespmem:s3], [sflag:$0x3] =	stream.linear.gather [hbm4b:s4+s3], $0xAF0, $0x38;
	[tilespmem:$0x1EE80] =	vst v63  }
0x1a: {  	_ =	swait.ge [sflag:s11], $0xAF0  }
0x1b: {  	[sflag:s11] =	ssyncset.done $0x0  }
0x1c: {  	[sflag:s11] =	ssyncadd.s32 $0xFFFFF510  }
0x1d: {  	[tilespmem:s12], [sflag:$0x3] =	stream.linear.gather [hbm4b:s5+s3], $0xAF0, $0x38;
	[tilespmem:$0x1EE80] =	vst v63  }
0x1e: {  	_ =	swait.ge [sflag:s11], $0xAF0  }
0x1f: {  	[sflag:s11] =	ssyncset.done $0x0  }
0x20: {  	s23 =	simm.s32 @!p0 $0x1C03;
	[sflag:s11] =	ssyncadd.s32 $0xFFFFF510  }
0x21: {  	[spmem:s13], [sflag:s23] =	dma.local @!p0 [hbm:s0], $0x27100  }
0x22: {  	s23 =	simm.s32 @!p0 $0x3  }
0x23: {  	_ =	swait.ge @!p0 [sflag:s23], $0x27100  }
0x24: {  	[sflag:s23] =	ssyncset.done @!p0 $0x0  }
0x25: {  	[sflag:s23] =	ssyncadd.s32 @!p0 $0xFFFD8F00  }
0x26: {  	[bflag:$0x0] =	sbarrier.arrive $0xFFFF  }
0x27: {  	[tilespmem:s15], [sflag:$0x1] =	stream.indirect.gather [spmem:s2], $0x80, s3, s14, $0xb8;
	[tilespmem:$0x1EE80] =	vst v63  }
0x28: {  	_ = 	snop  }
0x29: {  	[tilespmem:s16], [sflag:$0x1] =	stream.indirect.gather [spmem:s2], $0x80, s12, s14, $0xb8;
	[tilespmem:$0x1EE80] =	vst v63  }
0x2a: {  	_ =	swait.ge [sflag:s20], $0x2800  }
0x2b: {  	[sflag:s20] =	ssyncset.done $0x0  }
0x2c: {  	[sflag:s20] =	ssyncadd.s32 $0xFFFFD800  }
0x2d: {  	_ =	swait.ge [sflag:s20], $0x2800  }
0x2e: {  	[sflag:s20] =	ssyncset.done $0x0  }
0x2f: {  	[sflag:s20] =	ssyncadd.s32 $0xFFFFD800  }
0x30: {  	[hbm4b:s7+s3] =	stream.linear.scatter [tilespmem:s15], [sflag:$0x2], $0x2800, $0x38;
	[tilespmem:$0x1EE80] =	vst v63  }
0x31: {  	_ = 	snop  }
0x32: {  	[hbm4b:s8+s3] =	stream.linear.scatter [tilespmem:s16], [sflag:$0x2], $0x2800, $0x38;
	[tilespmem:$0x1EE80] =	vst v63  }
0x33: {  	s24 =	smov.u32 s9  }
0x34: {  	[tilespmem:s17], [sflag:$0x1] =	stream.indirect.gather [spmem:s2], $0x80, s14, s14, $0xb8;
	[tilespmem:$0x1EE80] =	vst v63  }
0x35: {  	s25 =	simm.s32 $0x0;
	s26 =	simm.s32 $0x1;
	s23 =	smov.u32 s10  }
0x36: {  	[tilespmem:s19], [sflag:$0x1] =	stream.indirect.gather [spmem:s2], $0x80, s18, s14, $0xb8;
	[tilespmem:$0x1EE80] =	vst v63  }
.LBB2_2:
0x37: {  	_ =	swait.ge [sflag:s20], $0x2800  }
0x38: {  	[sflag:s20] =	ssyncset.done $0x0  }
0x39: {  	s28 =	sand.u32 $0x1, s26;
	[sflag:s20] =	ssyncadd.s32 $0xFFFFD800  }
0x3a: {  	s29 =	smul.u32 $0x2800, s28;
	_ =	swait.ge [sflag:s20], $0x2800  }
0x3b: {  	[sflag:s20] =	ssyncset.done $0x0  }
0x3c: {  	s30 =	sadd.s32 $0x1600, s29;
	[sflag:s20] =	ssyncadd.s32 $0xFFFFD800  }
0x3d: {  	[hbm4b:s24+s3] =	stream.linear.scatter [tilespmem:s30], [sflag:$0x2], $0x2800, $0x38;
	[tilespmem:$0x1EE80] =	vst v63  }
0x3e: {  	s29 =	sadd.s32 $0x6600, s29  }
0x3f: {  	[hbm4b:s23+s3] =	stream.linear.scatter [tilespmem:s29], [sflag:$0x2], $0x2800, $0x38;
	[tilespmem:$0x1EE80] =	vst v63  }
0x40: {  	p1 =	seq.s32 s25, $0x2940;
	_ =	swait.ge [sflag:s21], $0x2800  }
.Ltmp2:
0x41: {  	[sflag:s21] =	ssyncset.done $0x0;
	(pc) =	sbr.rel @p1 .LBB2_4-.Ltmp2, $4  }
0x42: {  	[sflag:s21] =	ssyncadd.s32 $0xFFFFD800  }
0x43: {  	_ =	swait.ge [sflag:s21], $0x2800  }
0x44: {  	[sflag:s21] =	ssyncset.done $0x0  }
0x45: {  	[sflag:s21] =	ssyncadd.s32 $0xFFFFD800  }
0x46: {  	s28 =	sxor.u32 $0x1, s28  }
0x47: {  	s29 =	sshra.s32 s25, $0x2;
	s28 =	smul.u32 $0x2800, s28  }
.Ltmp3:
0x48: {  	s26 =	sadd.s32 $0x1, s26;
	s25 =	sadd.s32 $0x140, s25;
	(pc) =	sbr.rel .LBB2_2-.Ltmp3, $4  }
0x49: {  	s24 =	sadd.s32 $0x500, s24;
	s31 =	sadd.s32 $0xA0, s29;
	s30 =	sadd.s32 $0x1600, s28  }
0x4a: {  	[tilespmem:s30], [sflag:$0x1] =	stream.indirect.gather [spmem:s2], $0x80, s31, s14, $0xb8;
	[tilespmem:$0x1EE80] =	vst v63  }
0x4b: {  	s23 =	sadd.s32 $0x500, s23;
	s29 =	sadd.s32 $0xBA0, s29;
	s28 =	sadd.s32 $0x6600, s28  }
0x4c: {  	[tilespmem:s28], [sflag:$0x1] =	stream.indirect.gather [spmem:s2], $0x80, s29, s14, $0xb8;
	[tilespmem:$0x1EE80] =	vst v63  }
.LBB2_5:
0x4d: {  	_ =	sfence.sel $0x180000  }
0x4e: {  	[bflag:$0x0] =	sbarrier.arrive $0xFFFF  }
0x4f: {  	_ =	strace $0x9000004D  }
0x50: {  	s0 =	sadd.s32 @!p0 $0x100000, s1;
	[bflag:$0x2] =	sbarrier.arrive $0xFFFF  }
0x51: {  	[sflag:s0] =	ssyncadd.tile.s32 @!p0 $0x1;
	_ =	shalt  }
.Lfunc_end2:
_tile_overlayer_lowered:
.L_overlay_start_2:
0x52: {  	(tag) =	ssettag $0x2  }
0x53: {  	s0 =	rddreg [dreg:$0x0];
	s2 =	stileid.u32  }
0x54: {  	s1 =	rddreg [dreg:$0x1];
	p0 =	sne.s32 s2, $0x0  }
0x55: {  	s3 =	rddreg [dreg:$0x2];
	[bflag:$0x3] =	sbarrier.arrive $0xFFFF;
	s2 =	simm.s32 @!p0 $0x1C03  }
0x56: {  	[timem:s3], [sflag:s2] =	dma.local @!p0 [hbm:s0], s1  }
0x57: {  	s0 =	simm.s32 @!p0 $0x3  }
0x58: {  	_ =	swait.ge @!p0 [sflag:s0], s1  }
0x59: {  	s1 =	ssub.s32 @!p0 $0x0, s1;
	[sflag:s0] =	ssyncset.done @!p0 $0x0  }
0x5a: {  	[sflag:s0] =	ssyncadd.s32 @!p0 s1  }
0x5b: {  	[bflag:$0x3] =	sbarrier.arrive $0xFFFF  }
0x5c: {  	_ =	shalt  }

// kernel: kernel.27.cloned.1.call-start
scs
__scs_entry_jumppad:
0x0: {  	(pc) =	sbr.rel $0x88, $3  }
0x1: {  	(tag) =	ssettag $0x0;
	lr =	simm.s32 $0x1  }
0x2: {  	[smem:$0x3F95] =	sst lr;
	_ =	strace $0xD0000000  }
0x3: {  	_ = 	snop  }
0x4: {  	_ = 	snop  }
0x5: {  	_ = 	snop  }
0x6: {  	_ = 	snop  }
0x7: {  	_ = 	snop  }
__scs_overlays_trampoline_lowered:
0x8: {  	[smem:$0x3FA4] =	sst s0  }
0x9: {  	[smem:$0x3FA5] =	sst s1  }
0xa: {  	[smem:$0x3FA6] =	sst s2  }
0xb: {  	[smem:$0x3FA7] =	sst s3  }
0xc: {  	[smem:$0x3FA8] =	sst s4  }
0xd: {  	[smem:$0x3FA9] =	sst s5  }
0xe: {  	[smem:$0x3FAA] =	sst s6  }
0xf: {  	[smem:$0x3FAB] =	sst s7  }
0x10: {  	[smem:$0x3FAC] =	sst s8  }
0x11: {  	[smem:$0x3FAD] =	sst s9;
	s0 =	simm.s32 @!p0 $0x0  }
0x12: {  	s1 =	sld [smem:$0x3F93];
	s0 =	simm.s32 @p0 $0x1  }
0x13: {  	[smem:$0x3FAE] =	sst s0;
	s0 =	simm.s32 @!p1 $0x0  }
0x14: {  	s2 =	sld [smem:$0x3F92];
	s0 =	simm.s32 @p1 $0x1  }
0x15: {  	[smem:$0x3FAF] =	sst s0;
	s0 =	simm.s32 @!p2 $0x0  }
0x16: {  	s3 =	sld [smem:$0x3FDB];
	s0 =	simm.s32 @p2 $0x1  }
0x17: {  	s4 =	simm.s32 $0x1BF5;
	[smem:$0x3FB1] =	sst s0  }
0x18: {  	s0 =	sld [smem:$0x3F94];
	_ =	swait.ge [sflag:s4], $0x0  }
0x19: {  	s7 =	sld [smem:$0x3F95]  }
0x1a: {  	s8 =	sadd.s32 $0xFFFFE003, lr  }
0x1b: {  	s9 =	sadd.s32 $0xFFFFFEF7, lr;
	s5 =	simm.s32 $0xFFFFFFFF;
	p2 =	slt.u32 s8, $0xFFFFF086  }
0x1c: {  	p1 =	slt.u32 s9, $0xF7A;
	s5 =	simm.s32 @!p2 $0x0  }
0x1d: {  	s5 =	simm.s32 @p1 $0x1;
	p0 =	seq.s32 s7, s2  }
0x1e: {  	s7 =	smul.u32 @!p0 $0xF7A, s2;
	p2 =	seq.s32 @!p0 s5, $0x0  }
0x1f: {  	s9 =	smul.u32 $0xF7A, s1;
	s8 =	simm.s32 @!p0 $0x1BF5;
	p2 =	por !p2, p0  }
0x20: {  	[sflag:s8] =	ssyncset.s32 @!p0 $0xFFFFF086;
	s6 =	sadd.s32 @!p0 s3, s7;
	s7 =	simm.s32 @!p0 $0x108  }
0x21: {  	s3 =	sadd.s32 s3, s9;
	s6 =	sadd.s32 @!p0 $0x88, s6;
	s7 =	simm.s32 @p2 $0x1082  }
0x22: {  	[simem:s7], [sflag:s8] =	dma.local @!p0 [hbm:s6], $0xF7A  }
0x23: {  	s9 =	sor.u32 $0xD0000000, s2;
	s6 =	simm.s32 $0x108;
	_ =	swait.ge @!p0 [sflag:s8], $0x0  }
0x24: {  	s3 =	sadd.s32 $0x88, s3;
	s6 =	simm.s32 @!p1 $0x1082;
	[sflag:s4] =	ssyncset.s32 $0xFFFFF086  }
0x25: {  	[simem:s6], [sflag:s4] =	dma.local [hbm:s3], $0xF7A  }
0x26: {  	[smem:$0x3F95] =	sst s1;
	(tag) =	ssettag s2;
	_ =	strace s9  }
0x27: {  	s1 =	sld [smem:$0x3FA5]  }
0x28: {  	s2 =	sld [smem:$0x3FA6]  }
0x29: {  	s4 =	sld [smem:$0x3FA8]  }
0x2a: {  	p0 =	seq.s32 s5, $0x0;
	s5 =	sld [smem:$0x3FA9]  }
0x2b: {  	s6 =	sld [smem:$0x3FAA]  }
0x2c: {  	s7 =	sld [smem:$0x3FAB]  }
0x2d: {  	s3 =	simm.s32 $0x108;
	s8 =	sld [smem:$0x3FAC]  }
0x2e: {  	s3 =	simm.s32 @!p0 $0x1082;
	s9 =	sld [smem:$0x3FAD]  }
0x2f: {  	lr =	sadd.s32 s0, s3;
	s0 =	sld [smem:$0x3FA4]  }
0x30: {  	s3 =	sld [smem:$0x3FA7]  }
0x31: {  	[smem:$0x3FB0] =	sst s10  }
0x32: {  	s10 =	sld [smem:$0x3FAE];
	_ =	sdelay $0x3  }
0x33: {  	p0 =	seq.s32 s10, $0x1;
	s10 =	sld [smem:$0x3FB0];
	_ =	sdelay $0x3  }
0x34: {  	[smem:$0x3FB0] =	sst s10  }
0x35: {  	s10 =	sld [smem:$0x3FAF];
	_ =	sdelay $0x3  }
0x36: {  	p1 =	seq.s32 s10, $0x1;
	s10 =	sld [smem:$0x3FB0];
	_ =	sdelay $0x3  }
0x37: {  	[smem:$0x3FB0] =	sst s10  }
0x38: {  	s10 =	sld [smem:$0x3FB1]  }
0x39: {  	_ = 	snop;
	(pc) =	sbr.ind lr, $3  }
0x3a: {  	_ = 	snop  }
0x3b: {  	_ = 	snop  }
0x3c: {  	p2 =	seq.s32 s10, $0x1;
	s10 =	sld [smem:$0x3FB0]  }
0x3d: {  	_ =	shalt  }
0x3e: {  	_ =	shalt  }
0x3f: {  	_ =	shalt  }
0x40: {  	_ =	shalt  }
0x41: {  	_ =	shalt  }
0x42: {  	_ =	shalt  }
0x43: {  	_ =	shalt  }
0x44: {  	_ =	shalt  }
0x45: {  	_ =	shalt  }
0x46: {  	_ =	shalt  }
0x47: {  	_ =	shalt  }
0x48: {  	_ =	shalt  }
0x49: {  	_ =	shalt  }
0x4a: {  	_ =	shalt  }
0x4b: {  	_ =	shalt  }
0x4c: {  	_ =	shalt  }
0x4d: {  	_ =	shalt  }
0x4e: {  	_ =	shalt  }
0x4f: {  	_ =	shalt  }
0x50: {  	_ =	shalt  }
0x51: {  	_ =	shalt  }
0x52: {  	_ =	shalt  }
0x53: {  	_ =	shalt  }
0x54: {  	_ =	shalt  }
0x55: {  	_ =	shalt  }
0x56: {  	_ =	shalt  }
0x57: {  	_ =	shalt  }
0x58: {  	_ =	shalt  }
0x59: {  	_ =	shalt  }
0x5a: {  	_ =	shalt  }
0x5b: {  	_ =	shalt  }
0x5c: {  	_ =	shalt  }
0x5d: {  	_ =	shalt  }
0x5e: {  	_ =	shalt  }
0x5f: {  	_ =	shalt  }
0x60: {  	_ =	shalt  }
0x61: {  	_ =	shalt  }
0x62: {  	_ =	shalt  }
0x63: {  	_ =	shalt  }
0x64: {  	_ =	shalt  }
0x65: {  	_ =	shalt  }
0x66: {  	_ =	shalt  }
0x67: {  	_ =	shalt  }
0x68: {  	_ =	shalt  }
0x69: {  	_ =	shalt  }
0x6a: {  	_ =	shalt  }
0x6b: {  	_ =	shalt  }
0x6c: {  	_ =	shalt  }
0x6d: {  	_ =	shalt  }
0x6e: {  	_ =	shalt  }
0x6f: {  	_ =	shalt  }
0x70: {  	_ =	shalt  }
0x71: {  	_ =	shalt  }
0x72: {  	_ =	shalt  }
0x73: {  	_ =	shalt  }
0x74: {  	_ =	shalt  }
0x75: {  	_ =	shalt  }
0x76: {  	_ =	shalt  }
0x77: {  	_ =	shalt  }
0x78: {  	_ =	shalt  }
0x79: {  	_ =	shalt  }
0x7a: {  	_ =	shalt  }
0x7b: {  	_ =	shalt  }
0x7c: {  	_ =	shalt  }
0x7d: {  	_ =	shalt  }
0x7e: {  	_ =	shalt  }
0x7f: {  	_ =	shalt  }
0x80: {  	_ =	shalt  }
0x81: {  	_ =	shalt  }
0x82: {  	_ =	shalt  }
0x83: {  	_ =	shalt  }
0x84: {  	_ =	shalt  }
0x85: {  	_ =	shalt  }
0x86: {  	_ =	shalt  }
0x87: {  	_ =	shalt  }
.Lfunc_end0:
.L_simem_size_0:
called_computation.3_lowered:
.L_overlay_start_0:
0x88: {  	s2 =	sld [smem:$0x3FD9]  }
0x89: {  	s3 =	sld [smem:$0x3FFE];
	_ =	sdelay $0x1  }
0x8a: {  	s1 =	srdreg.scid  }
0x8b: {  	s0 =	sand.u32 $0x1, s1  }
0x8c: {  	s17 =	sshll.u32 s0, $0xA;
	s2 =	sadd.s32 s3, s2  }
0x8d: {  	s2 =	sadd.s32 s2, s17  }
0x8e: {  	[smem:$0x3FBC] =	sst s2  }
0x8f: {  	_ = 	snop  }
0x90: {  	s18 =	sld [smem:$0x3FC9];
	(tm) =	ssettm $0x1  }
0x91: {  	s19 =	sld [smem:$0x3FFB];
	_ =	sdelay $0x3  }
0x92: {  	_ =	strace s19  }
0x93: {  	s2 =	sld [smem:$0x3FFC];
	_ =	sdelay $0x3  }
0x94: {  	_ =	strace s2  }
0x95: {  	s2 =	sld [smem:$0x3FFD];
	_ =	sdelay $0x3  }
0x96: {  	_ =	strace s2  }
0x97: {  	_ =	strace $0x8FFFFFFF  }
0x98: {  	s20 =	sld [smem:$0x3FDB];
	_ =	sdelay $0x1  }
0x99: {  	s4 =	simm.s32 $_scs_section_size  }
0x9a: {  	s5 =	simm.s32 $_size__tile_overlayer_lowered;
	s6 =	simm.s32 $_tile_overlayer_lowered  }
0x9b: {  	s7 =	simm.s32 $0x1BFF;
	s21 =	sshll.u32 s6, $0x1;
	s4 =	sadd.s32 s4, s20  }
0x9c: {  	s22 =	simm.s32 $0x0;
	s5 =	sshll.u32 s5, $0x1;
	s6 =	sadd.s32 s21, s4  }
0x9d: {  	[timem:s22], [sflag:s7] =	dma.local [hbm:s6], s5  }
0x9e: {  	_ =	swait.ge [sflag:s7], s5  }
0x9f: {  	s5 =	ssub.s32 $0x0, s5;
	[sflag:s7] =	ssyncset.done $0x0  }
0xa0: {  	[sflag:s7] =	ssyncadd.s32 s5;
	_ =	sdelay $0x1  }
0xa1: {  	s23 =	simm.s32 $0x1B8B  }
0xa2: {  	_ =	swait.ge [sflag:s23], $0x1  }
0xa3: {  	[sflag:s23] =	ssyncset.done $0x0  }
0xa4: {  	[sflag:s23] =	ssyncadd.s32 $0xFFFFFFFF  }
0xa5: {  	s5 =	sld [smem:$0x0]  }
0xa6: {  	s6 =	sand.u32 $0xFFFFFFFE, s1  }
0xa7: {  	p0 =	sne.s32 s1, s6  }
0xa8: {  	s6 =	sshll.u32 @p0 s6, $0xE  }
0xa9: {  	s6 =	sadd.s32 @p0 $0x11B8D, s6;
	s7 =	sshll.u32 @p0 s5, $0x11  }
0xaa: {  	s6 =	sor.u32 @p0 s7, s6  }
0xab: {  	[sflag:s6] =	ssyncadd.remote.s32 @p0 $0x1;
	_ =	sdelay $0x1  }
0xac: {  	s6 =	simm.s32 @p0 $0x1B8D  }
0xad: {  	_ =	swait.eq @p0 [sflag:s6], $0x1  }
0xae: {  	[sflag:s6] =	ssyncadd.s32 @p0 $0xFFFFFFFF  }
0xaf: {  	s7 =	sshll.u32 @!p0 s1, $0xE  }
0xb0: {  	s7 =	sor.u32 @!p0 $0x4000, s7;
	s6 =	simm.s32 @!p0 $0x1B8D  }
0xb1: {  	s5 =	sshll.u32 @!p0 s5, $0x11;
	s7 =	sadd.s32 @!p0 $0x11B8D, s7;
	_ =	swait.eq @!p0 [sflag:s6], $0x1  }
0xb2: {  	s5 =	sor.u32 @!p0 s5, s7;
	[sflag:s6] =	ssyncadd.s32 @!p0 $0xFFFFFFFF  }
0xb3: {  	s25 =	simm.s32 $0x1B8E;
	s24 =	sld [smem:$0x3FFE];
	[sflag:s5] =	ssyncadd.remote.s32 @!p0 $0x1  }
0xb4: {  	s26 =	simm.s32 $execute0_lowered;
	[smem:$0x3FD2] =	sst s25  }
0xb5: {  	s6 =	sshll.u32 s26, $0x1;
	_ =	strace $0x80000052;
	[dreg:$0x1] =	wrdreg $0xFFFFFFFF  }
0xb6: {  	s28 =	simm.s32 $_size_execute0_lowered;
	s4 =	sadd.s32 s4, s6;
	[dreg:$0x0] =	wrdreg $0x0  }
0xb7: {  	s6 =	sshll.u32 s28, $0x1;
	[dreg:$0x2] =	wrdreg s4  }
0xb8: {  	[dreg:$0x3] =	wrdreg s6  }
0xb9: {  	[dreg:$0x4] =	wrdreg $0xC0  }
0xba: {  	_ =	task [dreg:s22], $0x5FFFF  }
0xbb: {  	[dreg:$0x1] =	wrdreg $0xFFFFFFFF  }
0xbc: {  	[dreg:$0x0] =	wrdreg $0x60  }
0xbd: {  	[dreg:$0x2] =	wrdreg s18  }
0xbe: {  	[dreg:$0x3] =	wrdreg s24  }
0xbf: {  	[dreg:$0x4] =	wrdreg $0xAD000  }
0xc0: {  	[dreg:$0x5] =	wrdreg $0xA  }
0xc1: {  	_ =	task.clear_ibuf [dreg:s22], $0x6FFFF;
	_ =	strace $0x90000052  }
0xc2: {  	s29 =	simm.s32 $0xA;
	_ =	strace $0x80000054  }
0xc3: {  	_ =	swait.ge [sflag:s29], $0x1  }
0xc4: {  	[sflag:s29] =	ssyncadd.s32 $0xFFFFFFFF  }
0xc5: {  	_ =	strace $0x90000054  }
0xc6: {  	_ =	sfence  }
0xc7: {  	s30 =	sld [smem:$0x0];
	_ =	sdelay $0x2  }
0xc8: {  	s31 =	sshll.u32 s1, $0xD;
	s1 =	sshrl.u32 s1, $0x2  }
0xc9: {  	s4 =	sand.u32 $0x4000, s31;
	s1 =	sadd.s32 s1, s30  }
0xca: {  	s0 =	sor.u32 s4, s0;
	s1 =	sshll.u32 s1, $0x11  }
0xcb: {  	s0 =	sor.u32 s1, s0  }
0xcc: {  	s0 =	sadd.s32 $0x8F2B, s0  }
0xcd: {  	[sflag:s0] =	ssyncadd.remote.s32 $0x1  }
0xce: {  	_ =	sfence.sel $0xFFFF  }
0xcf: {  	[dreg:$0x0] =	wrdreg $0xFFFFFFFF;
	(pc) =	sbr.abs _section_cstart, $3  }
0xd0: {  	[dreg:$0x1] =	wrdreg $0xFFFFFFFF  }
0xd1: {  	_ =	task.clear_ibuf [dreg:s22], $0x2FFFF;
	_ =	strace $0x9FFFFFFF  }
0xd2: {  	(tm) =	ssettm $0x7FFFFFFF  }
0xd3: {  	_ =	shalt  }
tec
execute0_lowered:
.L_overlay_start_1:
0x0: {  	(tag) =	ssettag $0x1  }
0x1: {  	s0 =	rddreg [dreg:$0x0]  }
0x2: {  	s1 =	srdreg.scid;
	s4 =	rddreg [dreg:$0x1]  }
0x3: {  	s11 =	stileid.u32;
	s2 =	rddreg [dreg:$0x2];
	s3 =	simm.s32 $0x0  }
0x4: {  	s15 =	simm.s32 $0xD00;
	s16 =	simm.s32 $0x5D00;
	s17 =	simm.s32 $0x3500  }
0x5: {  	s18 =	simm.s32 $0x6D0;
	s19 =	simm.s32 $0x8500;
	s20 =	simm.s32 $0x1  }
0x6: {  	s21 =	simm.s32 $0x2;
	s22 =	simm.s32 $0x0;
	s7 =	sand.u32 $0x1, s1  }
0x7: {  	s26 =	sshll.u32 s11, $0x1;
	s1 =	rddreg [dreg:$0x3];
	s8 =	sadd.s32 $0x769A00, s4  }
0x8: {  	[smem:$0x7FF] =	sst s3;
	s10 =	sadd.s32 $0x831A00, s4;
	s13 =	smul.u32 $0xC800, s11  }
0x9: {  	p0 =	sne.s32 s11, $0x0;
	s5 =	sor.u32 s7, s26;
	s29 =	smul.u32 $0x6400, s7  }
0xa: {  	s11 =	simm.s32 $0x3;
	s9 =	ssub.s32 $0x2, s7;
	s6 =	smul.u32 $0x640, s5  }
0xb: {  	_ =	strace $0x80000053;
	s28 =	sshrl.u32 s9, $0x1;
	s12 =	smul.u32 $0x6400, s5  }
0xc: {  	s14 =	sadd.s32 s13, s8;
	s13 =	sadd.s32 s13, s10;
	s9 =	ssub.s32 s9, s28  }
.Ltmp0:
0xd: {  	s30 =	sadd.s32 s29, s14;
	s31 =	sadd.s32 s29, s13;
	(pc) =	sbr.rel .LBB2_1-.Ltmp0, $4  }
0xe: {  	s13 =	sshrl.u32 @!p0 s2, $0x3;
	s14 =	simm.s32 $0x50;
	s6 =	sshrl.u32 s6, $0x3  }
0xf: {  	s7 =	sadd.s32 s8, s12;
	s8 =	sadd.s32 s10, s12;
	s6 =	sadd.s32 s6, s4  }
0x10: {  	s10 =	sadd.s32 $0x500, s31;
	s12 =	simm.s32 $0x680;
	s4 =	sadd.s32 $0xEA800, s6  }
0x11: {  	s5 =	sadd.s32 $0xEC200, s6;
	s6 =	smax.u32 s9, $0x1;
	s9 =	sadd.s32 $0x500, s30  }
.LBB2_4:
0x12: {  	s22 =	sadd.s32 $0x1, s22  }
0x13: {  	_ =	swait.ge [sflag:s21], $0x2800;
	p1 =	sne.s32 s22, s6  }
.Ltmp1:
0x14: {  	[sflag:s21] =	ssyncset.done $0x0;
	(pc) =	sbr.rel @!p1 .LBB2_5-.Ltmp1, $4  }
0x15: {  	[sflag:s21] =	ssyncadd.s32 $0xFFFFD800  }
0x16: {  	_ =	swait.ge [sflag:s21], $0x2800  }
0x17: {  	[sflag:s21] =	ssyncset.done $0x0  }
0x18: {  	[sflag:s21] =	ssyncadd.s32 $0xFFFFD800  }
.LBB2_1:
0x19: {  	[tilespmem:s3], [sflag:$0x3] =	stream.linear.gather [hbm4b:s4+s3], $0x640, $0x38;
	[tilespmem:$0x1E580] =	vst v63  }
0x1a: {  	_ =	swait.ge [sflag:s11], $0x640  }
0x1b: {  	[sflag:s11] =	ssyncset.done $0x0  }
0x1c: {  	[sflag:s11] =	ssyncadd.s32 $0xFFFFF9C0  }
0x1d: {  	[tilespmem:s12], [sflag:$0x3] =	stream.linear.gather [hbm4b:s5+s3], $0x640, $0x38;
	[tilespmem:$0x1E580] =	vst v63  }
0x1e: {  	_ =	swait.ge [sflag:s11], $0x640  }
0x1f: {  	[sflag:s11] =	ssyncset.done $0x0  }
0x20: {  	s23 =	simm.s32 @!p0 $0x1C03;
	[sflag:s11] =	ssyncadd.s32 $0xFFFFF9C0  }
0x21: {  	[spmem:s13], [sflag:s23] =	dma.local @!p0 [hbm:s0], $0x27100  }
0x22: {  	s23 =	simm.s32 @!p0 $0x3  }
0x23: {  	_ =	swait.ge @!p0 [sflag:s23], $0x27100  }
0x24: {  	[sflag:s23] =	ssyncset.done @!p0 $0x0  }
0x25: {  	[sflag:s23] =	ssyncadd.s32 @!p0 $0xFFFD8F00  }
0x26: {  	[bflag:$0x0] =	sbarrier.arrive $0xFFFF  }
0x27: {  	[tilespmem:s15], [sflag:$0x1] =	stream.indirect.gather [spmem:s2], $0x80, s3, s14, $0xb8;
	[tilespmem:$0x1E580] =	vst v63  }
0x28: {  	_ = 	snop  }
0x29: {  	[tilespmem:s16], [sflag:$0x1] =	stream.indirect.gather [spmem:s2], $0x80, s12, s14, $0xb8;
	[tilespmem:$0x1E580] =	vst v63  }
0x2a: {  	_ =	swait.ge [sflag:s20], $0x2800  }
0x2b: {  	[sflag:s20] =	ssyncset.done $0x0  }
0x2c: {  	[sflag:s20] =	ssyncadd.s32 $0xFFFFD800  }
0x2d: {  	_ =	swait.ge [sflag:s20], $0x2800  }
0x2e: {  	[sflag:s20] =	ssyncset.done $0x0  }
0x2f: {  	[sflag:s20] =	ssyncadd.s32 $0xFFFFD800  }
0x30: {  	[hbm4b:s7+s3] =	stream.linear.scatter [tilespmem:s15], [sflag:$0x2], $0x2800, $0x38;
	[tilespmem:$0x1E580] =	vst v63  }
0x31: {  	_ = 	snop  }
0x32: {  	[hbm4b:s8+s3] =	stream.linear.scatter [tilespmem:s16], [sflag:$0x2], $0x2800, $0x38;
	[tilespmem:$0x1E580] =	vst v63  }
0x33: {  	s24 =	smov.u32 s9  }
0x34: {  	[tilespmem:s17], [sflag:$0x1] =	stream.indirect.gather [spmem:s2], $0x80, s14, s14, $0xb8;
	[tilespmem:$0x1E580] =	vst v63  }
0x35: {  	s25 =	simm.s32 $0x0;
	s26 =	simm.s32 $0x1;
	s23 =	smov.u32 s10  }
0x36: {  	[tilespmem:s19], [sflag:$0x1] =	stream.indirect.gather [spmem:s2], $0x80, s18, s14, $0xb8;
	[tilespmem:$0x1E580] =	vst v63  }
.LBB2_2:
0x37: {  	_ =	swait.ge [sflag:s20], $0x2800  }
0x38: {  	[sflag:s20] =	ssyncset.done $0x0  }
0x39: {  	s28 =	sand.u32 $0x1, s26;
	[sflag:s20] =	ssyncadd.s32 $0xFFFFD800  }
0x3a: {  	s29 =	smul.u32 $0x2800, s28;
	_ =	swait.ge [sflag:s20], $0x2800  }
0x3b: {  	[sflag:s20] =	ssyncset.done $0x0  }
0x3c: {  	s30 =	sadd.s32 $0xD00, s29;
	[sflag:s20] =	ssyncadd.s32 $0xFFFFD800  }
0x3d: {  	[hbm4b:s24+s3] =	stream.linear.scatter [tilespmem:s30], [sflag:$0x2], $0x2800, $0x38;
	[tilespmem:$0x1E580] =	vst v63  }
0x3e: {  	s29 =	sadd.s32 $0x5D00, s29  }
0x3f: {  	[hbm4b:s23+s3] =	stream.linear.scatter [tilespmem:s29], [sflag:$0x2], $0x2800, $0x38;
	[tilespmem:$0x1E580] =	vst v63  }
0x40: {  	p1 =	seq.s32 s25, $0x1680;
	_ =	swait.ge [sflag:s21], $0x2800  }
.Ltmp2:
0x41: {  	[sflag:s21] =	ssyncset.done $0x0;
	(pc) =	sbr.rel @p1 .LBB2_4-.Ltmp2, $4  }
0x42: {  	[sflag:s21] =	ssyncadd.s32 $0xFFFFD800  }
0x43: {  	_ =	swait.ge [sflag:s21], $0x2800  }
0x44: {  	[sflag:s21] =	ssyncset.done $0x0  }
0x45: {  	[sflag:s21] =	ssyncadd.s32 $0xFFFFD800  }
0x46: {  	s28 =	sxor.u32 $0x1, s28  }
0x47: {  	s29 =	sshra.s32 s25, $0x2;
	s28 =	smul.u32 $0x2800, s28  }
.Ltmp3:
0x48: {  	s26 =	sadd.s32 $0x1, s26;
	s25 =	sadd.s32 $0x140, s25;
	(pc) =	sbr.rel .LBB2_2-.Ltmp3, $4  }
0x49: {  	s24 =	sadd.s32 $0x500, s24;
	s31 =	sadd.s32 $0xA0, s29;
	s30 =	sadd.s32 $0xD00, s28  }
0x4a: {  	[tilespmem:s30], [sflag:$0x1] =	stream.indirect.gather [spmem:s2], $0x80, s31, s14, $0xb8;
	[tilespmem:$0x1E580] =	vst v63  }
0x4b: {  	s23 =	sadd.s32 $0x500, s23;
	s29 =	sadd.s32 $0x720, s29;
	s28 =	sadd.s32 $0x5D00, s28  }
0x4c: {  	[tilespmem:s28], [sflag:$0x1] =	stream.indirect.gather [spmem:s2], $0x80, s29, s14, $0xb8;
	[tilespmem:$0x1E580] =	vst v63  }
.LBB2_5:
0x4d: {  	_ =	sfence.sel $0x180000  }
0x4e: {  	[bflag:$0x0] =	sbarrier.arrive $0xFFFF  }
0x4f: {  	_ =	strace $0x90000053  }
0x50: {  	s0 =	sadd.s32 @!p0 $0x100000, s1;
	[bflag:$0x2] =	sbarrier.arrive $0xFFFF  }
0x51: {  	[sflag:s0] =	ssyncadd.tile.s32 @!p0 $0x1;
	_ =	shalt  }
.Lfunc_end2:
_tile_overlayer_lowered:
.L_overlay_start_2:
0x52: {  	(tag) =	ssettag $0x2  }
0x53: {  	s0 =	rddreg [dreg:$0x0];
	s2 =	stileid.u32  }
0x54: {  	s1 =	rddreg [dreg:$0x1];
	p0 =	sne.s32 s2, $0x0  }
0x55: {  	s3 =	rddreg [dreg:$0x2];
	[bflag:$0x3] =	sbarrier.arrive $0xFFFF;
	s2 =	simm.s32 @!p0 $0x1C03  }
0x56: {  	[timem:s3], [sflag:s2] =	dma.local @!p0 [hbm:s0], s1  }
0x57: {  	s0 =	simm.s32 @!p0 $0x3  }
0x58: {  	_ =	swait.ge @!p0 [sflag:s0], s1  }
0x59: {  	s1 =	ssub.s32 @!p0 $0x0, s1;
	[sflag:s0] =	ssyncset.done @!p0 $0x0  }
0x5a: {  	[sflag:s0] =	ssyncadd.s32 @!p0 s1  }
0x5b: {  	[bflag:$0x3] =	sbarrier.arrive $0xFFFF  }
0x5c: {  	_ =	shalt  }

// kernel: kernel.30.cloned.1.call-start
scs
__scs_entry_jumppad:
0x0: {  	(pc) =	sbr.rel $0x88, $3  }
0x1: {  	(tag) =	ssettag $0x0;
	lr =	simm.s32 $0x1  }
0x2: {  	[smem:$0x3F95] =	sst lr;
	_ =	strace $0xD0000000  }
0x3: {  	_ = 	snop  }
0x4: {  	_ = 	snop  }
0x5: {  	_ = 	snop  }
0x6: {  	_ = 	snop  }
0x7: {  	_ = 	snop  }
__scs_overlays_trampoline_lowered:
0x8: {  	[smem:$0x3FA4] =	sst s0  }
0x9: {  	[smem:$0x3FA5] =	sst s1  }
0xa: {  	[smem:$0x3FA6] =	sst s2  }
0xb: {  	[smem:$0x3FA7] =	sst s3  }
0xc: {  	[smem:$0x3FA8] =	sst s4  }
0xd: {  	[smem:$0x3FA9] =	sst s5  }
0xe: {  	[smem:$0x3FAA] =	sst s6  }
0xf: {  	[smem:$0x3FAB] =	sst s7  }
0x10: {  	[smem:$0x3FAC] =	sst s8  }
0x11: {  	[smem:$0x3FAD] =	sst s9;
	s0 =	simm.s32 @!p0 $0x0  }
0x12: {  	s1 =	sld [smem:$0x3F93];
	s0 =	simm.s32 @p0 $0x1  }
0x13: {  	[smem:$0x3FAE] =	sst s0;
	s0 =	simm.s32 @!p1 $0x0  }
0x14: {  	s2 =	sld [smem:$0x3F92];
	s0 =	simm.s32 @p1 $0x1  }
0x15: {  	[smem:$0x3FAF] =	sst s0;
	s0 =	simm.s32 @!p2 $0x0  }
0x16: {  	s3 =	sld [smem:$0x3FDB];
	s0 =	simm.s32 @p2 $0x1  }
0x17: {  	s4 =	simm.s32 $0x1BF5;
	[smem:$0x3FB1] =	sst s0  }
0x18: {  	s0 =	sld [smem:$0x3F94];
	_ =	swait.ge [sflag:s4], $0x0  }
0x19: {  	s7 =	sld [smem:$0x3F95]  }
0x1a: {  	s8 =	sadd.s32 $0xFFFFE003, lr  }
0x1b: {  	s9 =	sadd.s32 $0xFFFFFEF7, lr;
	s5 =	simm.s32 $0xFFFFFFFF;
	p2 =	slt.u32 s8, $0xFFFFF086  }
0x1c: {  	p1 =	slt.u32 s9, $0xF7A;
	s5 =	simm.s32 @!p2 $0x0  }
0x1d: {  	s5 =	simm.s32 @p1 $0x1;
	p0 =	seq.s32 s7, s2  }
0x1e: {  	s7 =	smul.u32 @!p0 $0xF7A, s2;
	p2 =	seq.s32 @!p0 s5, $0x0  }
0x1f: {  	s9 =	smul.u32 $0xF7A, s1;
	s8 =	simm.s32 @!p0 $0x1BF5;
	p2 =	por !p2, p0  }
0x20: {  	[sflag:s8] =	ssyncset.s32 @!p0 $0xFFFFF086;
	s6 =	sadd.s32 @!p0 s3, s7;
	s7 =	simm.s32 @!p0 $0x108  }
0x21: {  	s3 =	sadd.s32 s3, s9;
	s6 =	sadd.s32 @!p0 $0x88, s6;
	s7 =	simm.s32 @p2 $0x1082  }
0x22: {  	[simem:s7], [sflag:s8] =	dma.local @!p0 [hbm:s6], $0xF7A  }
0x23: {  	s9 =	sor.u32 $0xD0000000, s2;
	s6 =	simm.s32 $0x108;
	_ =	swait.ge @!p0 [sflag:s8], $0x0  }
0x24: {  	s3 =	sadd.s32 $0x88, s3;
	s6 =	simm.s32 @!p1 $0x1082;
	[sflag:s4] =	ssyncset.s32 $0xFFFFF086  }
0x25: {  	[simem:s6], [sflag:s4] =	dma.local [hbm:s3], $0xF7A  }
0x26: {  	[smem:$0x3F95] =	sst s1;
	(tag) =	ssettag s2;
	_ =	strace s9  }
0x27: {  	s1 =	sld [smem:$0x3FA5]  }
0x28: {  	s2 =	sld [smem:$0x3FA6]  }
0x29: {  	s4 =	sld [smem:$0x3FA8]  }
0x2a: {  	p0 =	seq.s32 s5, $0x0;
	s5 =	sld [smem:$0x3FA9]  }
0x2b: {  	s6 =	sld [smem:$0x3FAA]  }
0x2c: {  	s7 =	sld [smem:$0x3FAB]  }
0x2d: {  	s3 =	simm.s32 $0x108;
	s8 =	sld [smem:$0x3FAC]  }
0x2e: {  	s3 =	simm.s32 @!p0 $0x1082;
	s9 =	sld [smem:$0x3FAD]  }
0x2f: {  	lr =	sadd.s32 s0, s3;
	s0 =	sld [smem:$0x3FA4]  }
0x30: {  	s3 =	sld [smem:$0x3FA7]  }
0x31: {  	[smem:$0x3FB0] =	sst s10  }
0x32: {  	s10 =	sld [smem:$0x3FAE];
	_ =	sdelay $0x3  }
0x33: {  	p0 =	seq.s32 s10, $0x1;
	s10 =	sld [smem:$0x3FB0];
	_ =	sdelay $0x3  }
0x34: {  	[smem:$0x3FB0] =	sst s10  }
0x35: {  	s10 =	sld [smem:$0x3FAF];
	_ =	sdelay $0x3  }
0x36: {  	p1 =	seq.s32 s10, $0x1;
	s10 =	sld [smem:$0x3FB0];
	_ =	sdelay $0x3  }
0x37: {  	[smem:$0x3FB0] =	sst s10  }
0x38: {  	s10 =	sld [smem:$0x3FB1]  }
0x39: {  	_ = 	snop;
	(pc) =	sbr.ind lr, $3  }
0x3a: {  	_ = 	snop  }
0x3b: {  	_ = 	snop  }
0x3c: {  	p2 =	seq.s32 s10, $0x1;
	s10 =	sld [smem:$0x3FB0]  }
0x3d: {  	_ =	shalt  }
0x3e: {  	_ =	shalt  }
0x3f: {  	_ =	shalt  }
0x40: {  	_ =	shalt  }
0x41: {  	_ =	shalt  }
0x42: {  	_ =	shalt  }
0x43: {  	_ =	shalt  }
0x44: {  	_ =	shalt  }
0x45: {  	_ =	shalt  }
0x46: {  	_ =	shalt  }
0x47: {  	_ =	shalt  }
0x48: {  	_ =	shalt  }
0x49: {  	_ =	shalt  }
0x4a: {  	_ =	shalt  }
0x4b: {  	_ =	shalt  }
0x4c: {  	_ =	shalt  }
0x4d: {  	_ =	shalt  }
0x4e: {  	_ =	shalt  }
0x4f: {  	_ =	shalt  }
0x50: {  	_ =	shalt  }
0x51: {  	_ =	shalt  }
0x52: {  	_ =	shalt  }
0x53: {  	_ =	shalt  }
0x54: {  	_ =	shalt  }
0x55: {  	_ =	shalt  }
0x56: {  	_ =	shalt  }
0x57: {  	_ =	shalt  }
0x58: {  	_ =	shalt  }
0x59: {  	_ =	shalt  }
0x5a: {  	_ =	shalt  }
0x5b: {  	_ =	shalt  }
0x5c: {  	_ =	shalt  }
0x5d: {  	_ =	shalt  }
0x5e: {  	_ =	shalt  }
0x5f: {  	_ =	shalt  }
0x60: {  	_ =	shalt  }
0x61: {  	_ =	shalt  }
0x62: {  	_ =	shalt  }
0x63: {  	_ =	shalt  }
0x64: {  	_ =	shalt  }
0x65: {  	_ =	shalt  }
0x66: {  	_ =	shalt  }
0x67: {  	_ =	shalt  }
0x68: {  	_ =	shalt  }
0x69: {  	_ =	shalt  }
0x6a: {  	_ =	shalt  }
0x6b: {  	_ =	shalt  }
0x6c: {  	_ =	shalt  }
0x6d: {  	_ =	shalt  }
0x6e: {  	_ =	shalt  }
0x6f: {  	_ =	shalt  }
0x70: {  	_ =	shalt  }
0x71: {  	_ =	shalt  }
0x72: {  	_ =	shalt  }
0x73: {  	_ =	shalt  }
0x74: {  	_ =	shalt  }
0x75: {  	_ =	shalt  }
0x76: {  	_ =	shalt  }
0x77: {  	_ =	shalt  }
0x78: {  	_ =	shalt  }
0x79: {  	_ =	shalt  }
0x7a: {  	_ =	shalt  }
0x7b: {  	_ =	shalt  }
0x7c: {  	_ =	shalt  }
0x7d: {  	_ =	shalt  }
0x7e: {  	_ =	shalt  }
0x7f: {  	_ =	shalt  }
0x80: {  	_ =	shalt  }
0x81: {  	_ =	shalt  }
0x82: {  	_ =	shalt  }
0x83: {  	_ =	shalt  }
0x84: {  	_ =	shalt  }
0x85: {  	_ =	shalt  }
0x86: {  	_ =	shalt  }
0x87: {  	_ =	shalt  }
.Lfunc_end0:
.L_simem_size_0:
called_computation.4_lowered:
.L_overlay_start_0:
0x88: {  	s2 =	sld [smem:$0x3FD9]  }
0x89: {  	s3 =	sld [smem:$0x3FFE];
	_ =	sdelay $0x1  }
0x8a: {  	s1 =	srdreg.scid  }
0x8b: {  	s0 =	sand.u32 $0x1, s1  }
0x8c: {  	s17 =	sshll.u32 s0, $0xA;
	s2 =	sadd.s32 s3, s2  }
0x8d: {  	s2 =	sadd.s32 s2, s17  }
0x8e: {  	[smem:$0x3FBC] =	sst s2  }
0x8f: {  	_ = 	snop  }
0x90: {  	s18 =	sld [smem:$0x3FC9];
	(tm) =	ssettm $0x1  }
0x91: {  	s19 =	sld [smem:$0x3FFB];
	_ =	sdelay $0x3  }
0x92: {  	_ =	strace s19  }
0x93: {  	s2 =	sld [smem:$0x3FFC];
	_ =	sdelay $0x3  }
0x94: {  	_ =	strace s2  }
0x95: {  	s2 =	sld [smem:$0x3FFD];
	_ =	sdelay $0x3  }
0x96: {  	_ =	strace s2  }
0x97: {  	_ =	strace $0x8FFFFFFF  }
0x98: {  	s20 =	sld [smem:$0x3FDB];
	_ =	sdelay $0x1  }
0x99: {  	s4 =	simm.s32 $_scs_section_size  }
0x9a: {  	s5 =	simm.s32 $_size__tile_overlayer_lowered;
	s6 =	simm.s32 $_tile_overlayer_lowered  }
0x9b: {  	s7 =	simm.s32 $0x1BFF;
	s21 =	sshll.u32 s6, $0x1;
	s4 =	sadd.s32 s4, s20  }
0x9c: {  	s22 =	simm.s32 $0x0;
	s5 =	sshll.u32 s5, $0x1;
	s6 =	sadd.s32 s21, s4  }
0x9d: {  	[timem:s22], [sflag:s7] =	dma.local [hbm:s6], s5  }
0x9e: {  	_ =	swait.ge [sflag:s7], s5  }
0x9f: {  	s5 =	ssub.s32 $0x0, s5;
	[sflag:s7] =	ssyncset.done $0x0  }
0xa0: {  	[sflag:s7] =	ssyncadd.s32 s5;
	_ =	sdelay $0x1  }
0xa1: {  	s23 =	simm.s32 $0x1B8B  }
0xa2: {  	_ =	swait.ge [sflag:s23], $0x1  }
0xa3: {  	[sflag:s23] =	ssyncset.done $0x0  }
0xa4: {  	[sflag:s23] =	ssyncadd.s32 $0xFFFFFFFF  }
0xa5: {  	s5 =	sld [smem:$0x0]  }
0xa6: {  	s6 =	sand.u32 $0xFFFFFFFE, s1  }
0xa7: {  	p0 =	sne.s32 s1, s6  }
0xa8: {  	s6 =	sshll.u32 @p0 s6, $0xE  }
0xa9: {  	s6 =	sadd.s32 @p0 $0x11B8D, s6;
	s7 =	sshll.u32 @p0 s5, $0x11  }
0xaa: {  	s6 =	sor.u32 @p0 s7, s6  }
0xab: {  	[sflag:s6] =	ssyncadd.remote.s32 @p0 $0x1;
	_ =	sdelay $0x1  }
0xac: {  	s6 =	simm.s32 @p0 $0x1B8D  }
0xad: {  	_ =	swait.eq @p0 [sflag:s6], $0x1  }
0xae: {  	[sflag:s6] =	ssyncadd.s32 @p0 $0xFFFFFFFF  }
0xaf: {  	s7 =	sshll.u32 @!p0 s1, $0xE  }
0xb0: {  	s7 =	sor.u32 @!p0 $0x4000, s7;
	s6 =	simm.s32 @!p0 $0x1B8D  }
0xb1: {  	s5 =	sshll.u32 @!p0 s5, $0x11;
	s7 =	sadd.s32 @!p0 $0x11B8D, s7;
	_ =	swait.eq @!p0 [sflag:s6], $0x1  }
0xb2: {  	s5 =	sor.u32 @!p0 s5, s7;
	[sflag:s6] =	ssyncadd.s32 @!p0 $0xFFFFFFFF  }
0xb3: {  	s25 =	simm.s32 $0x1B8E;
	s24 =	sld [smem:$0x3FFE];
	[sflag:s5] =	ssyncadd.remote.s32 @!p0 $0x1  }
0xb4: {  	s26 =	simm.s32 $execute0_lowered;
	[smem:$0x3FD2] =	sst s25  }
0xb5: {  	s6 =	sshll.u32 s26, $0x1;
	_ =	strace $0x80000058;
	[dreg:$0x1] =	wrdreg $0xFFFFFFFF  }
0xb6: {  	s28 =	simm.s32 $_size_execute0_lowered;
	s4 =	sadd.s32 s4, s6;
	[dreg:$0x0] =	wrdreg $0x0  }
0xb7: {  	s6 =	sshll.u32 s28, $0x1;
	[dreg:$0x2] =	wrdreg s4  }
0xb8: {  	[dreg:$0x3] =	wrdreg s6  }
0xb9: {  	[dreg:$0x4] =	wrdreg $0xC0  }
0xba: {  	_ =	task [dreg:s22], $0x5FFFF  }
0xbb: {  	[dreg:$0x1] =	wrdreg $0xFFFFFFFF  }
0xbc: {  	[dreg:$0x0] =	wrdreg $0x60  }
0xbd: {  	[dreg:$0x2] =	wrdreg s18  }
0xbe: {  	[dreg:$0x3] =	wrdreg s24  }
0xbf: {  	[dreg:$0x4] =	wrdreg $0xAA000  }
0xc0: {  	[dreg:$0x5] =	wrdreg $0xB  }
0xc1: {  	_ =	task.clear_ibuf [dreg:s22], $0x6FFFF;
	_ =	strace $0x90000058  }
0xc2: {  	s29 =	simm.s32 $0xB;
	_ =	strace $0x8000005A  }
0xc3: {  	_ =	swait.ge [sflag:s29], $0x1  }
0xc4: {  	[sflag:s29] =	ssyncadd.s32 $0xFFFFFFFF  }
0xc5: {  	_ =	strace $0x9000005A  }
0xc6: {  	_ =	sfence  }
0xc7: {  	s30 =	sld [smem:$0x0];
	_ =	sdelay $0x2  }
0xc8: {  	s31 =	sshll.u32 s1, $0xD;
	s1 =	sshrl.u32 s1, $0x2  }
0xc9: {  	s4 =	sand.u32 $0x4000, s31;
	s1 =	sadd.s32 s1, s30  }
0xca: {  	s0 =	sor.u32 s4, s0;
	s1 =	sshll.u32 s1, $0x11  }
0xcb: {  	s0 =	sor.u32 s1, s0  }
0xcc: {  	s0 =	sadd.s32 $0x8F2B, s0  }
0xcd: {  	[sflag:s0] =	ssyncadd.remote.s32 $0x1  }
0xce: {  	_ =	sfence.sel $0xFFFF  }
0xcf: {  	[dreg:$0x0] =	wrdreg $0xFFFFFFFF;
	(pc) =	sbr.abs _section_cstart, $3  }
0xd0: {  	[dreg:$0x1] =	wrdreg $0xFFFFFFFF  }
0xd1: {  	_ =	task.clear_ibuf [dreg:s22], $0x2FFFF;
	_ =	strace $0x9FFFFFFF  }
0xd2: {  	(tm) =	ssettm $0x7FFFFFFF  }
0xd3: {  	_ =	shalt  }
tec
execute0_lowered:
.L_overlay_start_1:
0x0: {  	(tag) =	ssettag $0x1  }
0x1: {  	s0 =	rddreg [dreg:$0x0]  }
0x2: {  	s1 =	srdreg.scid;
	s4 =	rddreg [dreg:$0x1]  }
0x3: {  	s11 =	stileid.u32;
	s2 =	rddreg [dreg:$0x2];
	s3 =	simm.s32 $0x0  }
0x4: {  	s15 =	simm.s32 $0xA00;
	s16 =	simm.s32 $0x5A00;
	s17 =	simm.s32 $0x3200  }
0x5: {  	s18 =	simm.s32 $0x550;
	s19 =	simm.s32 $0x8200;
	s20 =	simm.s32 $0x1  }
0x6: {  	s21 =	simm.s32 $0x2;
	s7 =	sand.u32 $0x1, s1;
	s1 =	rddreg [dreg:$0x3]  }
0x7: {  	s22 =	simm.s32 $0x0;
	s26 =	sshll.u32 s11, $0x1;
	[smem:$0x7FF] =	sst s3  }
0x8: {  	s8 =	sadd.s32 $0x143600, s4;
	s10 =	sadd.s32 $0x1D9600, s4;
	s13 =	smul.u32 $0x9600, s11  }
0x9: {  	p0 =	sne.s32 s11, $0x0;
	s5 =	sor.u32 s7, s26;
	s29 =	smul.u32 $0x4B00, s7  }
0xa: {  	s11 =	simm.s32 $0x3;
	s9 =	ssub.s32 $0x2, s7;
	s6 =	smul.u32 $0x4B0, s5  }
0xb: {  	_ =	strace $0x80000059;
	s28 =	sshrl.u32 s9, $0x1;
	s12 =	smul.u32 $0x4B00, s5  }
0xc: {  	s14 =	sadd.s32 s13, s8;
	s13 =	sadd.s32 s13, s10;
	s9 =	ssub.s32 s9, s28  }
.Ltmp0:
0xd: {  	s30 =	sadd.s32 s29, s14;
	s31 =	sadd.s32 s29, s13;
	(pc) =	sbr.rel .LBB2_1-.Ltmp0, $4  }
0xe: {  	s13 =	sshrl.u32 @!p0 s2, $0x3;
	s14 =	simm.s32 $0x50;
	s6 =	sshrl.u32 s6, $0x3  }
0xf: {  	s7 =	sadd.s32 s8, s12;
	s8 =	sadd.s32 s10, s12;
	s6 =	sadd.s32 s6, s4  }
0x10: {  	s10 =	sadd.s32 $0x500, s31;
	s12 =	simm.s32 $0x500;
	s4 =	sadd.s32 $0x140E00, s6  }
0x11: {  	s5 =	sadd.s32 $0x142200, s6;
	s6 =	smax.u32 s9, $0x1;
	s9 =	sadd.s32 $0x500, s30  }
.LBB2_4:
0x12: {  	s22 =	sadd.s32 $0x1, s22  }
0x13: {  	_ =	swait.ge [sflag:s21], $0x2800;
	p1 =	sne.s32 s22, s6  }
.Ltmp1:
0x14: {  	[sflag:s21] =	ssyncset.done $0x0;
	(pc) =	sbr.rel @!p1 .LBB2_5-.Ltmp1, $4  }
0x15: {  	[sflag:s21] =	ssyncadd.s32 $0xFFFFD800  }
0x16: {  	_ =	swait.ge [sflag:s21], $0x2800  }
0x17: {  	[sflag:s21] =	ssyncset.done $0x0  }
0x18: {  	[sflag:s21] =	ssyncadd.s32 $0xFFFFD800  }
.LBB2_1:
0x19: {  	[tilespmem:s3], [sflag:$0x3] =	stream.linear.gather [hbm4b:s4+s3], $0x4B0, $0x38;
	[tilespmem:$0x1E280] =	vst v63  }
0x1a: {  	_ =	swait.ge [sflag:s11], $0x4B0  }
0x1b: {  	[sflag:s11] =	ssyncset.done $0x0  }
0x1c: {  	[sflag:s11] =	ssyncadd.s32 $0xFFFFFB50  }
0x1d: {  	[tilespmem:s12], [sflag:$0x3] =	stream.linear.gather [hbm4b:s5+s3], $0x4B0, $0x38;
	[tilespmem:$0x1E280] =	vst v63  }
0x1e: {  	_ =	swait.ge [sflag:s11], $0x4B0  }
0x1f: {  	[sflag:s11] =	ssyncset.done $0x0  }
0x20: {  	s23 =	simm.s32 @!p0 $0x1C03;
	[sflag:s11] =	ssyncadd.s32 $0xFFFFFB50  }
0x21: {  	[spmem:s13], [sflag:s23] =	dma.local @!p0 [hbm:s0], $0x27100  }
0x22: {  	s23 =	simm.s32 @!p0 $0x3  }
0x23: {  	_ =	swait.ge @!p0 [sflag:s23], $0x27100  }
0x24: {  	[sflag:s23] =	ssyncset.done @!p0 $0x0  }
0x25: {  	[sflag:s23] =	ssyncadd.s32 @!p0 $0xFFFD8F00  }
0x26: {  	[bflag:$0x0] =	sbarrier.arrive $0xFFFF  }
0x27: {  	[tilespmem:s15], [sflag:$0x1] =	stream.indirect.gather [spmem:s2], $0x80, s3, s14, $0xb8;
	[tilespmem:$0x1E280] =	vst v63  }
0x28: {  	_ = 	snop  }
0x29: {  	[tilespmem:s16], [sflag:$0x1] =	stream.indirect.gather [spmem:s2], $0x80, s12, s14, $0xb8;
	[tilespmem:$0x1E280] =	vst v63  }
0x2a: {  	_ =	swait.ge [sflag:s20], $0x2800  }
0x2b: {  	[sflag:s20] =	ssyncset.done $0x0  }
0x2c: {  	[sflag:s20] =	ssyncadd.s32 $0xFFFFD800  }
0x2d: {  	_ =	swait.ge [sflag:s20], $0x2800  }
0x2e: {  	[sflag:s20] =	ssyncset.done $0x0  }
0x2f: {  	[sflag:s20] =	ssyncadd.s32 $0xFFFFD800  }
0x30: {  	[hbm4b:s7+s3] =	stream.linear.scatter [tilespmem:s15], [sflag:$0x2], $0x2800, $0x38;
	[tilespmem:$0x1E280] =	vst v63  }
0x31: {  	_ = 	snop  }
0x32: {  	[hbm4b:s8+s3] =	stream.linear.scatter [tilespmem:s16], [sflag:$0x2], $0x2800, $0x38;
	[tilespmem:$0x1E280] =	vst v63  }
0x33: {  	s24 =	smov.u32 s9  }
0x34: {  	[tilespmem:s17], [sflag:$0x1] =	stream.indirect.gather [spmem:s2], $0x80, s14, s14, $0xb8;
	[tilespmem:$0x1E280] =	vst v63  }
0x35: {  	s25 =	simm.s32 $0x0;
	s26 =	simm.s32 $0x1;
	s23 =	smov.u32 s10  }
0x36: {  	[tilespmem:s19], [sflag:$0x1] =	stream.indirect.gather [spmem:s2], $0x80, s18, s14, $0xb8;
	[tilespmem:$0x1E280] =	vst v63  }
.LBB2_2:
0x37: {  	_ =	swait.ge [sflag:s20], $0x2800  }
0x38: {  	[sflag:s20] =	ssyncset.done $0x0  }
0x39: {  	s28 =	sand.u32 $0x1, s26;
	[sflag:s20] =	ssyncadd.s32 $0xFFFFD800  }
0x3a: {  	s29 =	smul.u32 $0x2800, s28;
	_ =	swait.ge [sflag:s20], $0x2800  }
0x3b: {  	[sflag:s20] =	ssyncset.done $0x0  }
0x3c: {  	s30 =	sadd.s32 $0xA00, s29;
	[sflag:s20] =	ssyncadd.s32 $0xFFFFD800  }
0x3d: {  	[hbm4b:s24+s3] =	stream.linear.scatter [tilespmem:s30], [sflag:$0x2], $0x2800, $0x38;
	[tilespmem:$0x1E280] =	vst v63  }
0x3e: {  	s29 =	sadd.s32 $0x5A00, s29  }
0x3f: {  	[hbm4b:s23+s3] =	stream.linear.scatter [tilespmem:s29], [sflag:$0x2], $0x2800, $0x38;
	[tilespmem:$0x1E280] =	vst v63  }
0x40: {  	p1 =	seq.s32 s25, $0x1040;
	_ =	swait.ge [sflag:s21], $0x2800  }
.Ltmp2:
0x41: {  	[sflag:s21] =	ssyncset.done $0x0;
	(pc) =	sbr.rel @p1 .LBB2_4-.Ltmp2, $4  }
0x42: {  	[sflag:s21] =	ssyncadd.s32 $0xFFFFD800  }
0x43: {  	_ =	swait.ge [sflag:s21], $0x2800  }
0x44: {  	[sflag:s21] =	ssyncset.done $0x0  }
0x45: {  	[sflag:s21] =	ssyncadd.s32 $0xFFFFD800  }
0x46: {  	s28 =	sxor.u32 $0x1, s28  }
0x47: {  	s29 =	sshra.s32 s25, $0x2;
	s28 =	smul.u32 $0x2800, s28  }
.Ltmp3:
0x48: {  	s26 =	sadd.s32 $0x1, s26;
	s25 =	sadd.s32 $0x140, s25;
	(pc) =	sbr.rel .LBB2_2-.Ltmp3, $4  }
0x49: {  	s24 =	sadd.s32 $0x500, s24;
	s31 =	sadd.s32 $0xA0, s29;
	s30 =	sadd.s32 $0xA00, s28  }
0x4a: {  	[tilespmem:s30], [sflag:$0x1] =	stream.indirect.gather [spmem:s2], $0x80, s31, s14, $0xb8;
	[tilespmem:$0x1E280] =	vst v63  }
0x4b: {  	s23 =	sadd.s32 $0x500, s23;
	s29 =	sadd.s32 $0x5A0, s29;
	s28 =	sadd.s32 $0x5A00, s28  }
0x4c: {  	[tilespmem:s28], [sflag:$0x1] =	stream.indirect.gather [spmem:s2], $0x80, s29, s14, $0xb8;
	[tilespmem:$0x1E280] =	vst v63  }
.LBB2_5:
0x4d: {  	_ =	sfence.sel $0x180000  }
0x4e: {  	[bflag:$0x0] =	sbarrier.arrive $0xFFFF  }
0x4f: {  	_ =	strace $0x90000059  }
0x50: {  	s0 =	sadd.s32 @!p0 $0x100000, s1;
	[bflag:$0x2] =	sbarrier.arrive $0xFFFF  }
0x51: {  	[sflag:s0] =	ssyncadd.tile.s32 @!p0 $0x1;
	_ =	shalt  }
.Lfunc_end2:
_tile_overlayer_lowered:
.L_overlay_start_2:
0x52: {  	(tag) =	ssettag $0x2  }
0x53: {  	s0 =	rddreg [dreg:$0x0];
	s2 =	stileid.u32  }
0x54: {  	s1 =	rddreg [dreg:$0x1];
	p0 =	sne.s32 s2, $0x0  }
0x55: {  	s3 =	rddreg [dreg:$0x2];
	[bflag:$0x3] =	sbarrier.arrive $0xFFFF;
	s2 =	simm.s32 @!p0 $0x1C03  }
0x56: {  	[timem:s3], [sflag:s2] =	dma.local @!p0 [hbm:s0], s1  }
0x57: {  	s0 =	simm.s32 @!p0 $0x3  }
0x58: {  	_ =	swait.ge @!p0 [sflag:s0], s1  }
0x59: {  	s1 =	ssub.s32 @!p0 $0x0, s1;
	[sflag:s0] =	ssyncset.done @!p0 $0x0  }
0x5a: {  	[sflag:s0] =	ssyncadd.s32 @!p0 s1  }
0x5b: {  	[bflag:$0x3] =	sbarrier.arrive $0xFFFF  }
0x5c: {  	_ =	shalt  }

// kernel: kernel.33.cloned.1.call-start
scs
__scs_entry_jumppad:
0x0: {  	(pc) =	sbr.rel $0x88, $3  }
0x1: {  	(tag) =	ssettag $0x0;
	lr =	simm.s32 $0x1  }
0x2: {  	[smem:$0x3F95] =	sst lr;
	_ =	strace $0xD0000000  }
0x3: {  	_ = 	snop  }
0x4: {  	_ = 	snop  }
0x5: {  	_ = 	snop  }
0x6: {  	_ = 	snop  }
0x7: {  	_ = 	snop  }
__scs_overlays_trampoline_lowered:
0x8: {  	[smem:$0x3FA4] =	sst s0  }
0x9: {  	[smem:$0x3FA5] =	sst s1  }
0xa: {  	[smem:$0x3FA6] =	sst s2  }
0xb: {  	[smem:$0x3FA7] =	sst s3  }
0xc: {  	[smem:$0x3FA8] =	sst s4  }
0xd: {  	[smem:$0x3FA9] =	sst s5  }
0xe: {  	[smem:$0x3FAA] =	sst s6  }
0xf: {  	[smem:$0x3FAB] =	sst s7  }
0x10: {  	[smem:$0x3FAC] =	sst s8  }
0x11: {  	[smem:$0x3FAD] =	sst s9;
	s0 =	simm.s32 @!p0 $0x0  }
0x12: {  	s1 =	sld [smem:$0x3F93];
	s0 =	simm.s32 @p0 $0x1  }
0x13: {  	[smem:$0x3FAE] =	sst s0;
	s0 =	simm.s32 @!p1 $0x0  }
0x14: {  	s2 =	sld [smem:$0x3F92];
	s0 =	simm.s32 @p1 $0x1  }
0x15: {  	[smem:$0x3FAF] =	sst s0;
	s0 =	simm.s32 @!p2 $0x0  }
0x16: {  	s3 =	sld [smem:$0x3FDB];
	s0 =	simm.s32 @p2 $0x1  }
0x17: {  	s4 =	simm.s32 $0x1BF5;
	[smem:$0x3FB1] =	sst s0  }
0x18: {  	s0 =	sld [smem:$0x3F94];
	_ =	swait.ge [sflag:s4], $0x0  }
0x19: {  	s7 =	sld [smem:$0x3F95]  }
0x1a: {  	s8 =	sadd.s32 $0xFFFFE003, lr  }
0x1b: {  	s9 =	sadd.s32 $0xFFFFFEF7, lr;
	s5 =	simm.s32 $0xFFFFFFFF;
	p2 =	slt.u32 s8, $0xFFFFF086  }
0x1c: {  	p1 =	slt.u32 s9, $0xF7A;
	s5 =	simm.s32 @!p2 $0x0  }
0x1d: {  	s5 =	simm.s32 @p1 $0x1;
	p0 =	seq.s32 s7, s2  }
0x1e: {  	s7 =	smul.u32 @!p0 $0xF7A, s2;
	p2 =	seq.s32 @!p0 s5, $0x0  }
0x1f: {  	s9 =	smul.u32 $0xF7A, s1;
	s8 =	simm.s32 @!p0 $0x1BF5;
	p2 =	por !p2, p0  }
0x20: {  	[sflag:s8] =	ssyncset.s32 @!p0 $0xFFFFF086;
	s6 =	sadd.s32 @!p0 s3, s7;
	s7 =	simm.s32 @!p0 $0x108  }
0x21: {  	s3 =	sadd.s32 s3, s9;
	s6 =	sadd.s32 @!p0 $0x88, s6;
	s7 =	simm.s32 @p2 $0x1082  }
0x22: {  	[simem:s7], [sflag:s8] =	dma.local @!p0 [hbm:s6], $0xF7A  }
0x23: {  	s9 =	sor.u32 $0xD0000000, s2;
	s6 =	simm.s32 $0x108;
	_ =	swait.ge @!p0 [sflag:s8], $0x0  }
0x24: {  	s3 =	sadd.s32 $0x88, s3;
	s6 =	simm.s32 @!p1 $0x1082;
	[sflag:s4] =	ssyncset.s32 $0xFFFFF086  }
0x25: {  	[simem:s6], [sflag:s4] =	dma.local [hbm:s3], $0xF7A  }
0x26: {  	[smem:$0x3F95] =	sst s1;
	(tag) =	ssettag s2;
	_ =	strace s9  }
0x27: {  	s1 =	sld [smem:$0x3FA5]  }
0x28: {  	s2 =	sld [smem:$0x3FA6]  }
0x29: {  	s4 =	sld [smem:$0x3FA8]  }
0x2a: {  	p0 =	seq.s32 s5, $0x0;
	s5 =	sld [smem:$0x3FA9]  }
0x2b: {  	s6 =	sld [smem:$0x3FAA]  }
0x2c: {  	s7 =	sld [smem:$0x3FAB]  }
0x2d: {  	s3 =	simm.s32 $0x108;
	s8 =	sld [smem:$0x3FAC]  }
0x2e: {  	s3 =	simm.s32 @!p0 $0x1082;
	s9 =	sld [smem:$0x3FAD]  }
0x2f: {  	lr =	sadd.s32 s0, s3;
	s0 =	sld [smem:$0x3FA4]  }
0x30: {  	s3 =	sld [smem:$0x3FA7]  }
0x31: {  	[smem:$0x3FB0] =	sst s10  }
0x32: {  	s10 =	sld [smem:$0x3FAE];
	_ =	sdelay $0x3  }
0x33: {  	p0 =	seq.s32 s10, $0x1;
	s10 =	sld [smem:$0x3FB0];
	_ =	sdelay $0x3  }
0x34: {  	[smem:$0x3FB0] =	sst s10  }
0x35: {  	s10 =	sld [smem:$0x3FAF];
	_ =	sdelay $0x3  }
0x36: {  	p1 =	seq.s32 s10, $0x1;
	s10 =	sld [smem:$0x3FB0];
	_ =	sdelay $0x3  }
0x37: {  	[smem:$0x3FB0] =	sst s10  }
0x38: {  	s10 =	sld [smem:$0x3FB1]  }
0x39: {  	_ = 	snop;
	(pc) =	sbr.ind lr, $3  }
0x3a: {  	_ = 	snop  }
0x3b: {  	_ = 	snop  }
0x3c: {  	p2 =	seq.s32 s10, $0x1;
	s10 =	sld [smem:$0x3FB0]  }
0x3d: {  	_ =	shalt  }
0x3e: {  	_ =	shalt  }
0x3f: {  	_ =	shalt  }
0x40: {  	_ =	shalt  }
0x41: {  	_ =	shalt  }
0x42: {  	_ =	shalt  }
0x43: {  	_ =	shalt  }
0x44: {  	_ =	shalt  }
0x45: {  	_ =	shalt  }
0x46: {  	_ =	shalt  }
0x47: {  	_ =	shalt  }
0x48: {  	_ =	shalt  }
0x49: {  	_ =	shalt  }
0x4a: {  	_ =	shalt  }
0x4b: {  	_ =	shalt  }
0x4c: {  	_ =	shalt  }
0x4d: {  	_ =	shalt  }
0x4e: {  	_ =	shalt  }
0x4f: {  	_ =	shalt  }
0x50: {  	_ =	shalt  }
0x51: {  	_ =	shalt  }
0x52: {  	_ =	shalt  }
0x53: {  	_ =	shalt  }
0x54: {  	_ =	shalt  }
0x55: {  	_ =	shalt  }
0x56: {  	_ =	shalt  }
0x57: {  	_ =	shalt  }
0x58: {  	_ =	shalt  }
0x59: {  	_ =	shalt  }
0x5a: {  	_ =	shalt  }
0x5b: {  	_ =	shalt  }
0x5c: {  	_ =	shalt  }
0x5d: {  	_ =	shalt  }
0x5e: {  	_ =	shalt  }
0x5f: {  	_ =	shalt  }
0x60: {  	_ =	shalt  }
0x61: {  	_ =	shalt  }
0x62: {  	_ =	shalt  }
0x63: {  	_ =	shalt  }
0x64: {  	_ =	shalt  }
0x65: {  	_ =	shalt  }
0x66: {  	_ =	shalt  }
0x67: {  	_ =	shalt  }
0x68: {  	_ =	shalt  }
0x69: {  	_ =	shalt  }
0x6a: {  	_ =	shalt  }
0x6b: {  	_ =	shalt  }
0x6c: {  	_ =	shalt  }
0x6d: {  	_ =	shalt  }
0x6e: {  	_ =	shalt  }
0x6f: {  	_ =	shalt  }
0x70: {  	_ =	shalt  }
0x71: {  	_ =	shalt  }
0x72: {  	_ =	shalt  }
0x73: {  	_ =	shalt  }
0x74: {  	_ =	shalt  }
0x75: {  	_ =	shalt  }
0x76: {  	_ =	shalt  }
0x77: {  	_ =	shalt  }
0x78: {  	_ =	shalt  }
0x79: {  	_ =	shalt  }
0x7a: {  	_ =	shalt  }
0x7b: {  	_ =	shalt  }
0x7c: {  	_ =	shalt  }
0x7d: {  	_ =	shalt  }
0x7e: {  	_ =	shalt  }
0x7f: {  	_ =	shalt  }
0x80: {  	_ =	shalt  }
0x81: {  	_ =	shalt  }
0x82: {  	_ =	shalt  }
0x83: {  	_ =	shalt  }
0x84: {  	_ =	shalt  }
0x85: {  	_ =	shalt  }
0x86: {  	_ =	shalt  }
0x87: {  	_ =	shalt  }
.Lfunc_end0:
.L_simem_size_0:
called_computation.5_lowered:
.L_overlay_start_0:
0x88: {  	s2 =	sld [smem:$0x3FD9]  }
0x89: {  	s3 =	sld [smem:$0x3FFE];
	_ =	sdelay $0x1  }
0x8a: {  	s1 =	srdreg.scid  }
0x8b: {  	s0 =	sand.u32 $0x1, s1  }
0x8c: {  	s17 =	sshll.u32 s0, $0xA;
	s2 =	sadd.s32 s3, s2  }
0x8d: {  	s2 =	sadd.s32 s2, s17  }
0x8e: {  	[smem:$0x3FBC] =	sst s2  }
0x8f: {  	_ = 	snop  }
0x90: {  	(tm) =	ssettm $0x1  }
0x91: {  	s18 =	sld [smem:$0x3FFB];
	_ =	sdelay $0x3  }
0x92: {  	_ =	strace s18  }
0x93: {  	s2 =	sld [smem:$0x3FFC];
	_ =	sdelay $0x3  }
0x94: {  	_ =	strace s2  }
0x95: {  	s2 =	sld [smem:$0x3FFD];
	_ =	sdelay $0x3  }
0x96: {  	_ =	strace s2  }
0x97: {  	_ =	strace $0x8FFFFFFF  }
0x98: {  	s19 =	sld [smem:$0x3FDB];
	_ =	sdelay $0x1  }
0x99: {  	s20 =	simm.s32 $_scs_section_size  }
0x9a: {  	s4 =	simm.s32 $_size__tile_overlayer_lowered;
	s5 =	simm.s32 $_tile_overlayer_lowered  }
0x9b: {  	s6 =	simm.s32 $0x1BFF;
	s21 =	sshll.u32 s5, $0x1;
	s3 =	sadd.s32 s20, s19  }
0x9c: {  	s22 =	simm.s32 $0x0;
	s4 =	sshll.u32 s4, $0x1;
	s5 =	sadd.s32 s21, s3  }
0x9d: {  	[timem:s22], [sflag:s6] =	dma.local [hbm:s5], s4  }
0x9e: {  	_ =	swait.ge [sflag:s6], s4  }
0x9f: {  	s4 =	ssub.s32 $0x0, s4;
	[sflag:s6] =	ssyncset.done $0x0  }
0xa0: {  	[sflag:s6] =	ssyncadd.s32 s4;
	_ =	sdelay $0x1  }
0xa1: {  	s23 =	simm.s32 $0x1B8B  }
0xa2: {  	_ =	swait.ge [sflag:s23], $0x1  }
0xa3: {  	[sflag:s23] =	ssyncset.done $0x0  }
0xa4: {  	[sflag:s23] =	ssyncadd.s32 $0xFFFFFFFF  }
0xa5: {  	s4 =	sld [smem:$0x0]  }
0xa6: {  	s5 =	sand.u32 $0xFFFFFFFE, s1  }
0xa7: {  	p0 =	sne.s32 s1, s5  }
0xa8: {  	s5 =	sshll.u32 @p0 s5, $0xE  }
0xa9: {  	s5 =	sadd.s32 @p0 $0x11B8D, s5;
	s6 =	sshll.u32 @p0 s4, $0x11  }
0xaa: {  	s5 =	sor.u32 @p0 s6, s5  }
0xab: {  	[sflag:s5] =	ssyncadd.remote.s32 @p0 $0x1;
	_ =	sdelay $0x1  }
0xac: {  	s5 =	simm.s32 @p0 $0x1B8D  }
0xad: {  	_ =	swait.eq @p0 [sflag:s5], $0x1  }
0xae: {  	[sflag:s5] =	ssyncadd.s32 @p0 $0xFFFFFFFF  }
0xaf: {  	s6 =	sshll.u32 @!p0 s1, $0xE  }
0xb0: {  	s6 =	sor.u32 @!p0 $0x4000, s6;
	s5 =	simm.s32 @!p0 $0x1B8D  }
0xb1: {  	s4 =	sshll.u32 @!p0 s4, $0x11;
	s6 =	sadd.s32 @!p0 $0x11B8D, s6;
	_ =	swait.eq @!p0 [sflag:s5], $0x1  }
0xb2: {  	s4 =	sor.u32 @!p0 s4, s6;
	[sflag:s5] =	ssyncadd.s32 @!p0 $0xFFFFFFFF  }
0xb3: {  	s25 =	simm.s32 $0x1B8E;
	s24 =	sld [smem:$0x3FFE];
	[sflag:s4] =	ssyncadd.remote.s32 @!p0 $0x1  }
0xb4: {  	s26 =	simm.s32 $execute0_lowered;
	[smem:$0x3FD2] =	sst s25  }
0xb5: {  	s5 =	sshll.u32 s26, $0x1;
	_ =	strace $0x8000004F;
	[dreg:$0x1] =	wrdreg $0xFFFFFFFF  }
0xb6: {  	s28 =	simm.s32 $_size_execute0_lowered;
	s3 =	sadd.s32 s3, s5;
	[dreg:$0x0] =	wrdreg $0x0  }
0xb7: {  	s5 =	sshll.u32 s28, $0x1;
	[dreg:$0x2] =	wrdreg s3  }
0xb8: {  	[dreg:$0x3] =	wrdreg s5  }
0xb9: {  	[dreg:$0x4] =	wrdreg $0xC0  }
0xba: {  	_ =	task [dreg:s22], $0x5FFFF  }
0xbb: {  	[dreg:$0x1] =	wrdreg $0xFFFFFFFF  }
0xbc: {  	[dreg:$0x0] =	wrdreg $0x60  }
0xbd: {  	[dreg:$0x2] =	wrdreg s24  }
0xbe: {  	[dreg:$0x3] =	wrdreg $0x58000  }
0xbf: {  	[dreg:$0x4] =	wrdreg $0xC  }
0xc0: {  	_ =	task.clear_ibuf [dreg:s22], $0x5FFFF;
	_ =	strace $0x9000004F  }
0xc1: {  	s29 =	simm.s32 $0xC;
	_ =	strace $0x80000051  }
0xc2: {  	_ =	swait.ge [sflag:s29], $0x1  }
0xc3: {  	[sflag:s29] =	ssyncadd.s32 $0xFFFFFFFF  }
0xc4: {  	_ =	strace $0x90000051  }
0xc5: {  	_ =	sfence  }
0xc6: {  	s30 =	sld [smem:$0x0];
	_ =	sdelay $0x2  }
0xc7: {  	s31 =	sshll.u32 s1, $0xD;
	s1 =	sshrl.u32 s1, $0x2  }
0xc8: {  	s4 =	sand.u32 $0x4000, s31;
	s1 =	sadd.s32 s1, s30  }
0xc9: {  	s0 =	sor.u32 s4, s0;
	s1 =	sshll.u32 s1, $0x11  }
0xca: {  	s0 =	sor.u32 s1, s0  }
0xcb: {  	s0 =	sadd.s32 $0x8F2B, s0  }
0xcc: {  	[sflag:s0] =	ssyncadd.remote.s32 $0x1  }
0xcd: {  	_ =	sfence.sel $0xFFFF  }
0xce: {  	[dreg:$0x0] =	wrdreg $0xFFFFFFFF;
	(pc) =	sbr.abs _section_cstart, $3  }
0xcf: {  	[dreg:$0x1] =	wrdreg $0xFFFFFFFF  }
0xd0: {  	_ =	task.clear_ibuf [dreg:s22], $0x2FFFF;
	_ =	strace $0x9FFFFFFF  }
0xd1: {  	(tm) =	ssettm $0x7FFFFFFF  }
tec
execute0_lowered:
.L_overlay_start_1:
0x0: {  	(tag) =	ssettag $0x1  }
0x1: {  	s3 =	rddreg [dreg:$0x0]  }
0x2: {  	s1 =	rddreg [dreg:$0x1]  }
0x3: {  	s0 =	rddreg [dreg:$0x2];
	s2 =	simm.s32 $0x0;
	s4 =	srdreg.scid  }
0x4: {  	s10 =	stileid.u32;
	s13 =	simm.s32 $0x50;
	s14 =	simm.s32 $0x3000  }
0x5: {  	s15 =	simm.s32 $0x80;
	s16 =	simm.s32 $0x1;
	s17 =	simm.s32 $0x2  }
0x6: {  	s18 =	simm.s32 $0x0;
	[smem:$0x7FF] =	sst s2;
	s4 =	sand.u32 $0x1, s4  }
0x7: {  	s5 =	sshll.u32 s10, $0x1;
	s6 =	sadd.s32 $0x6600, s3;
	s11 =	smul.u32 $0x9600, s10  }
0x8: {  	p0 =	sne.s32 s10, $0x0;
	_ =	strace $0x80000050;
	s8 =	smul.u32 $0x27100, s4  }
0x9: {  	s5 =	sor.u32 s4, s5;
	s9 =	ssub.s32 $0x2, s4;
	s12 =	smul.u32 $0x4B00, s4  }
0xa: {  	s10 =	sshrl.u32 @!p0 s1, $0x3;
	s7 =	sshll.u32 s5, $0x8;
	s5 =	smul.u32 $0x4B00, s5  }
0xb: {  	s30 =	sshrl.u32 s9, $0x1;
	s11 =	sadd.s32 s11, s6;
	s7 =	sadd.s32 s7, s3  }
0xc: {  	s8 =	sadd.s32 s8, s3;
	s9 =	ssub.s32 s9, s30;
	s31 =	sadd.s32 s12, s11  }
0xd: {  	s11 =	simm.s32 $0x3;
	s12 =	simm.s32 $0x800;
	s3 =	sadd.s32 $0x9C600, s8  }
0xe: {  	s4 =	sadd.s32 $0x719800, s7;
	s5 =	sadd.s32 s6, s5;
	s6 =	sadd.s32 $0x71B800, s8  }
0xf: {  	s7 =	smax.u32 s9, $0x1;
	s9 =	sadd.s32 $0xA00, s31;
	s8 =	sadd.s32 $0x500, s5  }
.LBB2_1:
0x10: {  	s19 =	simm.s32 @!p0 $0x1C03  }
0x11: {  	[spmem:s10], [sflag:s19] =	dma.local @!p0 [hbm:s3], $0x27100  }
0x12: {  	s19 =	simm.s32 @!p0 $0x3  }
0x13: {  	_ =	swait.ge @!p0 [sflag:s19], $0x27100  }
0x14: {  	[sflag:s19] =	ssyncset.done @!p0 $0x0  }
0x15: {  	[sflag:s19] =	ssyncadd.s32 @!p0 $0xFFFD8F00  }
0x16: {  	[tilespmem:s2], [sflag:$0x3] =	stream.linear.gather [hbm4b:s4+s2], $0x780, $0x38;
	[tilespmem:$0x19080] =	vst v63  }
0x17: {  	_ =	swait.ge [sflag:s11], $0x780  }
0x18: {  	[sflag:s11] =	ssyncset.done $0x0  }
0x19: {  	[sflag:s11] =	ssyncadd.s32 $0xFFFFF880  }
0x1a: {  	[bflag:$0x0] =	sbarrier.arrive $0xFFFF  }
0x1b: {  	[tilespmem:s12], [sflag:$0x1] =	stream.linear.gather [hbm4b:s5+s2], $0x2800, $0x38;
	[tilespmem:$0x19080] =	vst v63  }
0x1c: {  	_ =	swait.ge [sflag:s16], $0x2800  }
0x1d: {  	[sflag:s16] =	ssyncset.done $0x0  }
0x1e: {  	[sflag:s16] =	ssyncadd.s32 $0xFFFFD800  }
0x1f: {  	[spmem:s1] =	stream.indirect.scatter.add.f32 [tilespmem:s12], [sflag:$0x2], $0x80, s2, s13, $0xb8;
	[tilespmem:$0x19080] =	vst v63  }
0x20: {  	_ = 	snop  }
0x21: {  	[tilespmem:s14], [sflag:$0x1] =	stream.linear.gather [hbm4b:s8+s2], $0x2800, $0x38;
	[tilespmem:$0x19080] =	vst v63  }
0x22: {  	_ =	swait.ge [sflag:s16], $0x2800  }
0x23: {  	s29 =	sxor.u32 $0x1, s16;
	[sflag:s16] =	ssyncset.done $0x0  }
0x24: {  	s19 =	smul.u32 $0xA000, s29;
	[sflag:s16] =	ssyncadd.s32 $0xFFFFD800  }
0x25: {  	[spmem:s1] =	stream.indirect.scatter.add.f32 [tilespmem:s14], [sflag:$0x2], $0x80, s15, s13, $0xb8;
	[tilespmem:$0x19080] =	vst v63  }
0x26: {  	s21 =	sand.u32 $0x1, s17;
	_ =	swait.ge [sflag:s17], $0x2800  }
0x27: {  	s20 =	simm.s32 $0x100;
	s19 =	sshra.s32 s19, $0x2;
	[sflag:s17] =	ssyncset.done $0x0  }
0x28: {  	s30 =	smul.u32 $0xA000, s21;
	s19 =	sadd.s32 $0x800, s19;
	[sflag:s17] =	ssyncadd.s32 $0xFFFFD800  }
0x29: {  	[tilespmem:s19], [sflag:$0x1] =	stream.linear.gather [hbm4b:s9+s2], $0x2800, $0x38;
	[tilespmem:$0x19080] =	vst v63  }
0x2a: {  	s22 =	simm.s32 $0x3;
	s31 =	sxor.u32 $0x1, s21;
	_ =	swait.ge [sflag:s16], $0x2800  }
0x2b: {  	s21 =	smov.u32 s9;
	s19 =	sshrl.u32 s30, $0x2;
	[sflag:s16] =	ssyncset.done $0x0  }
0x2c: {  	s23 =	smul.u32 $0xA000, s31;
	s19 =	sadd.s32 $0x800, s19;
	[sflag:s16] =	ssyncadd.s32 $0xFFFFD800  }
0x2d: {  	[spmem:s1] =	stream.indirect.scatter.add.f32 [tilespmem:s19], [sflag:$0x2], $0x80, s20, s13, $0xb8;
	[tilespmem:$0x19080] =	vst v63  }
0x2e: {  	s20 =	simm.s32 $0x4;
	s19 =	simm.s32 $0x180;
	_ =	swait.ge [sflag:s17], $0x2800  }
.LBB2_2:
0x2f: {  	s23 =	sshra.s32 s23, $0x2  }
0x30: {  	[sflag:s17] =	ssyncset.done $0x0;
	s21 =	sadd.s32 $0x500, s21;
	s24 =	smov.u32 s20  }
0x31: {  	s22 =	sand.u32 $0x1, s22;
	s23 =	sadd.s32 $0x800, s23;
	[sflag:s17] =	ssyncadd.s32 $0xFFFFD800  }
0x32: {  	[tilespmem:s23], [sflag:$0x1] =	stream.linear.gather [hbm4b:s21+s2], $0x2800, $0x38;
	[tilespmem:$0x19080] =	vst v63  }
0x33: {  	p1 =	sne.s32 s20, $0xE;
	s23 =	smul.u32 $0xA000, s22;
	_ =	swait.ge [sflag:s16], $0x2800  }
.Ltmp0:
0x34: {  	s20 =	sadd.s32 $0x1, s20;
	[sflag:s16] =	ssyncset.done $0x0;
	(pc) =	sbr.rel @p1 .LBB2_2-.Ltmp0, $4  }
0x35: {  	s22 =	sxor.u32 $0x1, s22;
	s25 =	sshrl.u32 s23, $0x2;
	[sflag:s16] =	ssyncadd.s32 $0xFFFFD800  }
0x36: {  	s23 =	smul.u32 $0xA000, s22;
	s22 =	smov.u32 s24;
	s25 =	sadd.s32 $0x800, s25  }
0x37: {  	[spmem:s1] =	stream.indirect.scatter.add.f32 [tilespmem:s25], [sflag:$0x2], $0x80, s19, s13, $0xb8;
	[tilespmem:$0x19080] =	vst v63  }
0x38: {  	s19 =	sadd.s32 $0x80, s19;
	_ =	swait.ge [sflag:s17], $0x2800  }
0x39: {  	s20 =	sshra.s32 s23, $0x2  }
0x3a: {  	[sflag:s17] =	ssyncset.done $0x0;
	s21 =	sadd.s32 $0x500, s21;
	s22 =	sand.u32 $0x1, s22  }
0x3b: {  	s20 =	sadd.s32 $0x800, s20;
	[sflag:s17] =	ssyncadd.s32 $0xFFFFD800;
	s31 =	smul.u32 $0xA000, s22  }
0x3c: {  	[tilespmem:s20], [sflag:$0x1] =	stream.linear.gather [hbm4b:s21+s2], $0x2800, $0x38;
	[tilespmem:$0x19080] =	vst v63  }
0x3d: {  	_ =	swait.ge [sflag:s16], $0x2800  }
0x3e: {  	s20 =	sshrl.u32 s31, $0x2;
	[sflag:s16] =	ssyncset.done $0x0  }
0x3f: {  	s20 =	sadd.s32 $0x800, s20;
	[sflag:s16] =	ssyncadd.s32 $0xFFFFD800  }
0x40: {  	[spmem:s1] =	stream.indirect.scatter.add.f32 [tilespmem:s20], [sflag:$0x2], $0x80, s19, s13, $0xb8;
	[tilespmem:$0x19080] =	vst v63  }
0x41: {  	_ =	swait.ge [sflag:s17], $0x2800  }
0x42: {  	[sflag:s17] =	ssyncset.done $0x0  }
0x43: {  	[sflag:s17] =	ssyncadd.s32 $0xFFFFD800  }
0x44: {  	_ =	swait.ge [sflag:s17], $0x2800  }
0x45: {  	[sflag:s17] =	ssyncset.done $0x0  }
0x46: {  	s18 =	sadd.s32 $0x1, s18;
	[sflag:s17] =	ssyncadd.s32 $0xFFFFD800  }
0x47: {  	p1 =	sne.s32 s18, s7;
	s19 =	simm.s32 @!p0 $0x1C03;
	[bflag:$0x0] =	sbarrier.arrive $0xFFFF  }
0x48: {  	[hbm:s6], [sflag:s19] =	dma.local @!p0 [spmem:s10], $0x27100  }
.Ltmp1:
0x49: {  	_ = 	snop;
	(pc) =	sbr.rel @p1 .LBB2_1-.Ltmp1, $4  }
0x4a: {  	s19 =	simm.s32 @!p0 $0x3  }
0x4b: {  	_ =	swait.ge @!p0 [sflag:s19], $0x27100  }
0x4c: {  	[sflag:s19] =	ssyncset.done @!p0 $0x0  }
0x4d: {  	[sflag:s19] =	ssyncadd.s32 @!p0 $0xFFFD8F00  }
0x4e: {  	_ =	sfence.sel $0x180000  }
0x4f: {  	[bflag:$0x0] =	sbarrier.arrive $0xFFFF  }
0x50: {  	_ =	strace $0x90000050  }
0x51: {  	s0 =	sadd.s32 @!p0 $0x100000, s0;
	[bflag:$0x2] =	sbarrier.arrive $0xFFFF  }
0x52: {  	[sflag:s0] =	ssyncadd.tile.s32 @!p0 $0x1;
	_ =	shalt  }
.Lfunc_end2:
_tile_overlayer_lowered:
.L_overlay_start_2:
0x53: {  	(tag) =	ssettag $0x2  }
0x54: {  	s0 =	rddreg [dreg:$0x0];
	s2 =	stileid.u32  }
0x55: {  	s1 =	rddreg [dreg:$0x1];
	p0 =	sne.s32 s2, $0x0  }
0x56: {  	s3 =	rddreg [dreg:$0x2];
	[bflag:$0x3] =	sbarrier.arrive $0xFFFF;
	s2 =	simm.s32 @!p0 $0x1C03  }
0x57: {  	[timem:s3], [sflag:s2] =	dma.local @!p0 [hbm:s0], s1  }
0x58: {  	s0 =	simm.s32 @!p0 $0x3  }
0x59: {  	_ =	swait.ge @!p0 [sflag:s0], s1  }
0x5a: {  	s1 =	ssub.s32 @!p0 $0x0, s1;
	[sflag:s0] =	ssyncset.done @!p0 $0x0  }
0x5b: {  	[sflag:s0] =	ssyncadd.s32 @!p0 s1  }
0x5c: {  	[bflag:$0x3] =	sbarrier.arrive $0xFFFF  }
0x5d: {  	_ =	shalt  }

// kernel: kernel.36.cloned.1.call-start
scs
__scs_entry_jumppad:
0x0: {  	(pc) =	sbr.rel $0x88, $3  }
0x1: {  	(tag) =	ssettag $0x0;
	lr =	simm.s32 $0x1  }
0x2: {  	[smem:$0x3F95] =	sst lr;
	_ =	strace $0xD0000000  }
0x3: {  	_ = 	snop  }
0x4: {  	_ = 	snop  }
0x5: {  	_ = 	snop  }
0x6: {  	_ = 	snop  }
0x7: {  	_ = 	snop  }
__scs_overlays_trampoline_lowered:
0x8: {  	[smem:$0x3FA4] =	sst s0  }
0x9: {  	[smem:$0x3FA5] =	sst s1  }
0xa: {  	[smem:$0x3FA6] =	sst s2  }
0xb: {  	[smem:$0x3FA7] =	sst s3  }
0xc: {  	[smem:$0x3FA8] =	sst s4  }
0xd: {  	[smem:$0x3FA9] =	sst s5  }
0xe: {  	[smem:$0x3FAA] =	sst s6  }
0xf: {  	[smem:$0x3FAB] =	sst s7  }
0x10: {  	[smem:$0x3FAC] =	sst s8  }
0x11: {  	[smem:$0x3FAD] =	sst s9;
	s0 =	simm.s32 @!p0 $0x0  }
0x12: {  	s1 =	sld [smem:$0x3F93];
	s0 =	simm.s32 @p0 $0x1  }
0x13: {  	[smem:$0x3FAE] =	sst s0;
	s0 =	simm.s32 @!p1 $0x0  }
0x14: {  	s2 =	sld [smem:$0x3F92];
	s0 =	simm.s32 @p1 $0x1  }
0x15: {  	[smem:$0x3FAF] =	sst s0;
	s0 =	simm.s32 @!p2 $0x0  }
0x16: {  	s3 =	sld [smem:$0x3FDB];
	s0 =	simm.s32 @p2 $0x1  }
0x17: {  	s4 =	simm.s32 $0x1BF5;
	[smem:$0x3FB1] =	sst s0  }
0x18: {  	s0 =	sld [smem:$0x3F94];
	_ =	swait.ge [sflag:s4], $0x0  }
0x19: {  	s7 =	sld [smem:$0x3F95]  }
0x1a: {  	s8 =	sadd.s32 $0xFFFFE003, lr  }
0x1b: {  	s9 =	sadd.s32 $0xFFFFFEF7, lr;
	s5 =	simm.s32 $0xFFFFFFFF;
	p2 =	slt.u32 s8, $0xFFFFF086  }
0x1c: {  	p1 =	slt.u32 s9, $0xF7A;
	s5 =	simm.s32 @!p2 $0x0  }
0x1d: {  	s5 =	simm.s32 @p1 $0x1;
	p0 =	seq.s32 s7, s2  }
0x1e: {  	s7 =	smul.u32 @!p0 $0xF7A, s2;
	p2 =	seq.s32 @!p0 s5, $0x0  }
0x1f: {  	s9 =	smul.u32 $0xF7A, s1;
	s8 =	simm.s32 @!p0 $0x1BF5;
	p2 =	por !p2, p0  }
0x20: {  	[sflag:s8] =	ssyncset.s32 @!p0 $0xFFFFF086;
	s6 =	sadd.s32 @!p0 s3, s7;
	s7 =	simm.s32 @!p0 $0x108  }
0x21: {  	s3 =	sadd.s32 s3, s9;
	s6 =	sadd.s32 @!p0 $0x88, s6;
	s7 =	simm.s32 @p2 $0x1082  }
0x22: {  	[simem:s7], [sflag:s8] =	dma.local @!p0 [hbm:s6], $0xF7A  }
0x23: {  	s9 =	sor.u32 $0xD0000000, s2;
	s6 =	simm.s32 $0x108;
	_ =	swait.ge @!p0 [sflag:s8], $0x0  }
0x24: {  	s3 =	sadd.s32 $0x88, s3;
	s6 =	simm.s32 @!p1 $0x1082;
	[sflag:s4] =	ssyncset.s32 $0xFFFFF086  }
0x25: {  	[simem:s6], [sflag:s4] =	dma.local [hbm:s3], $0xF7A  }
0x26: {  	[smem:$0x3F95] =	sst s1;
	(tag) =	ssettag s2;
	_ =	strace s9  }
0x27: {  	s1 =	sld [smem:$0x3FA5]  }
0x28: {  	s2 =	sld [smem:$0x3FA6]  }
0x29: {  	s4 =	sld [smem:$0x3FA8]  }
0x2a: {  	p0 =	seq.s32 s5, $0x0;
	s5 =	sld [smem:$0x3FA9]  }
0x2b: {  	s6 =	sld [smem:$0x3FAA]  }
0x2c: {  	s7 =	sld [smem:$0x3FAB]  }
0x2d: {  	s3 =	simm.s32 $0x108;
	s8 =	sld [smem:$0x3FAC]  }
0x2e: {  	s3 =	simm.s32 @!p0 $0x1082;
	s9 =	sld [smem:$0x3FAD]  }
0x2f: {  	lr =	sadd.s32 s0, s3;
	s0 =	sld [smem:$0x3FA4]  }
0x30: {  	s3 =	sld [smem:$0x3FA7]  }
0x31: {  	[smem:$0x3FB0] =	sst s10  }
0x32: {  	s10 =	sld [smem:$0x3FAE];
	_ =	sdelay $0x3  }
0x33: {  	p0 =	seq.s32 s10, $0x1;
	s10 =	sld [smem:$0x3FB0];
	_ =	sdelay $0x3  }
0x34: {  	[smem:$0x3FB0] =	sst s10  }
0x35: {  	s10 =	sld [smem:$0x3FAF];
	_ =	sdelay $0x3  }
0x36: {  	p1 =	seq.s32 s10, $0x1;
	s10 =	sld [smem:$0x3FB0];
	_ =	sdelay $0x3  }
0x37: {  	[smem:$0x3FB0] =	sst s10  }
0x38: {  	s10 =	sld [smem:$0x3FB1]  }
0x39: {  	_ = 	snop;
	(pc) =	sbr.ind lr, $3  }
0x3a: {  	_ = 	snop  }
0x3b: {  	_ = 	snop  }
0x3c: {  	p2 =	seq.s32 s10, $0x1;
	s10 =	sld [smem:$0x3FB0]  }
0x3d: {  	_ =	shalt  }
0x3e: {  	_ =	shalt  }
0x3f: {  	_ =	shalt  }
0x40: {  	_ =	shalt  }
0x41: {  	_ =	shalt  }
0x42: {  	_ =	shalt  }
0x43: {  	_ =	shalt  }
0x44: {  	_ =	shalt  }
0x45: {  	_ =	shalt  }
0x46: {  	_ =	shalt  }
0x47: {  	_ =	shalt  }
0x48: {  	_ =	shalt  }
0x49: {  	_ =	shalt  }
0x4a: {  	_ =	shalt  }
0x4b: {  	_ =	shalt  }
0x4c: {  	_ =	shalt  }
0x4d: {  	_ =	shalt  }
0x4e: {  	_ =	shalt  }
0x4f: {  	_ =	shalt  }
0x50: {  	_ =	shalt  }
0x51: {  	_ =	shalt  }
0x52: {  	_ =	shalt  }
0x53: {  	_ =	shalt  }
0x54: {  	_ =	shalt  }
0x55: {  	_ =	shalt  }
0x56: {  	_ =	shalt  }
0x57: {  	_ =	shalt  }
0x58: {  	_ =	shalt  }
0x59: {  	_ =	shalt  }
0x5a: {  	_ =	shalt  }
0x5b: {  	_ =	shalt  }
0x5c: {  	_ =	shalt  }
0x5d: {  	_ =	shalt  }
0x5e: {  	_ =	shalt  }
0x5f: {  	_ =	shalt  }
0x60: {  	_ =	shalt  }
0x61: {  	_ =	shalt  }
0x62: {  	_ =	shalt  }
0x63: {  	_ =	shalt  }
0x64: {  	_ =	shalt  }
0x65: {  	_ =	shalt  }
0x66: {  	_ =	shalt  }
0x67: {  	_ =	shalt  }
0x68: {  	_ =	shalt  }
0x69: {  	_ =	shalt  }
0x6a: {  	_ =	shalt  }
0x6b: {  	_ =	shalt  }
0x6c: {  	_ =	shalt  }
0x6d: {  	_ =	shalt  }
0x6e: {  	_ =	shalt  }
0x6f: {  	_ =	shalt  }
0x70: {  	_ =	shalt  }
0x71: {  	_ =	shalt  }
0x72: {  	_ =	shalt  }
0x73: {  	_ =	shalt  }
0x74: {  	_ =	shalt  }
0x75: {  	_ =	shalt  }
0x76: {  	_ =	shalt  }
0x77: {  	_ =	shalt  }
0x78: {  	_ =	shalt  }
0x79: {  	_ =	shalt  }
0x7a: {  	_ =	shalt  }
0x7b: {  	_ =	shalt  }
0x7c: {  	_ =	shalt  }
0x7d: {  	_ =	shalt  }
0x7e: {  	_ =	shalt  }
0x7f: {  	_ =	shalt  }
0x80: {  	_ =	shalt  }
0x81: {  	_ =	shalt  }
0x82: {  	_ =	shalt  }
0x83: {  	_ =	shalt  }
0x84: {  	_ =	shalt  }
0x85: {  	_ =	shalt  }
0x86: {  	_ =	shalt  }
0x87: {  	_ =	shalt  }
.Lfunc_end0:
.L_simem_size_0:
called_computation.6_lowered:
.L_overlay_start_0:
0x88: {  	s2 =	sld [smem:$0x3FD9]  }
0x89: {  	s3 =	sld [smem:$0x3FFE];
	_ =	sdelay $0x1  }
0x8a: {  	s1 =	srdreg.scid  }
0x8b: {  	s0 =	sand.u32 $0x1, s1  }
0x8c: {  	s17 =	sshll.u32 s0, $0xA;
	s2 =	sadd.s32 s3, s2  }
0x8d: {  	s2 =	sadd.s32 s2, s17  }
0x8e: {  	[smem:$0x3FBC] =	sst s2  }
0x8f: {  	_ = 	snop  }
0x90: {  	s18 =	sld [smem:$0x3FD0];
	(tm) =	ssettm $0x1  }
0x91: {  	s19 =	sld [smem:$0x3FFB];
	_ =	sdelay $0x3  }
0x92: {  	_ =	strace s19  }
0x93: {  	s2 =	sld [smem:$0x3FFC];
	_ =	sdelay $0x3  }
0x94: {  	_ =	strace s2  }
0x95: {  	s2 =	sld [smem:$0x3FFD];
	_ =	sdelay $0x3  }
0x96: {  	_ =	strace s2  }
0x97: {  	_ =	strace $0x8FFFFFFF  }
0x98: {  	s20 =	sld [smem:$0x3FDB];
	_ =	sdelay $0x1  }
0x99: {  	s4 =	simm.s32 $_scs_section_size  }
0x9a: {  	s5 =	simm.s32 $_size__tile_overlayer_lowered;
	s6 =	simm.s32 $_tile_overlayer_lowered  }
0x9b: {  	s7 =	simm.s32 $0x1BFF;
	s21 =	sshll.u32 s6, $0x1;
	s4 =	sadd.s32 s4, s20  }
0x9c: {  	s22 =	simm.s32 $0x0;
	s5 =	sshll.u32 s5, $0x1;
	s6 =	sadd.s32 s21, s4  }
0x9d: {  	[timem:s22], [sflag:s7] =	dma.local [hbm:s6], s5  }
0x9e: {  	_ =	swait.ge [sflag:s7], s5  }
0x9f: {  	s5 =	ssub.s32 $0x0, s5;
	[sflag:s7] =	ssyncset.done $0x0  }
0xa0: {  	[sflag:s7] =	ssyncadd.s32 s5;
	_ =	sdelay $0x1  }
0xa1: {  	s23 =	simm.s32 $0x1B8B  }
0xa2: {  	_ =	swait.ge [sflag:s23], $0x1  }
0xa3: {  	[sflag:s23] =	ssyncset.done $0x0  }
0xa4: {  	[sflag:s23] =	ssyncadd.s32 $0xFFFFFFFF  }
0xa5: {  	s5 =	sld [smem:$0x0]  }
0xa6: {  	s6 =	sand.u32 $0xFFFFFFFE, s1  }
0xa7: {  	p0 =	sne.s32 s1, s6  }
0xa8: {  	s6 =	sshll.u32 @p0 s6, $0xE  }
0xa9: {  	s6 =	sadd.s32 @p0 $0x11B8D, s6;
	s7 =	sshll.u32 @p0 s5, $0x11  }
0xaa: {  	s6 =	sor.u32 @p0 s7, s6  }
0xab: {  	[sflag:s6] =	ssyncadd.remote.s32 @p0 $0x1;
	_ =	sdelay $0x1  }
0xac: {  	s6 =	simm.s32 @p0 $0x1B8D  }
0xad: {  	_ =	swait.eq @p0 [sflag:s6], $0x1  }
0xae: {  	[sflag:s6] =	ssyncadd.s32 @p0 $0xFFFFFFFF  }
0xaf: {  	s7 =	sshll.u32 @!p0 s1, $0xE  }
0xb0: {  	s7 =	sor.u32 @!p0 $0x4000, s7;
	s6 =	simm.s32 @!p0 $0x1B8D  }
0xb1: {  	s5 =	sshll.u32 @!p0 s5, $0x11;
	s7 =	sadd.s32 @!p0 $0x11B8D, s7;
	_ =	swait.eq @!p0 [sflag:s6], $0x1  }
0xb2: {  	s5 =	sor.u32 @!p0 s5, s7;
	[sflag:s6] =	ssyncadd.s32 @!p0 $0xFFFFFFFF  }
0xb3: {  	s25 =	simm.s32 $0x1B8E;
	s24 =	sld [smem:$0x3FFE];
	[sflag:s5] =	ssyncadd.remote.s32 @!p0 $0x1  }
0xb4: {  	s26 =	simm.s32 $execute0_lowered;
	[smem:$0x3FD2] =	sst s25  }
0xb5: {  	s6 =	sshll.u32 s26, $0x1;
	_ =	strace $0x8000005B;
	[dreg:$0x1] =	wrdreg $0xFFFFFFFF  }
0xb6: {  	s28 =	simm.s32 $_size_execute0_lowered;
	s4 =	sadd.s32 s4, s6;
	[dreg:$0x0] =	wrdreg $0x0  }
0xb7: {  	s6 =	sshll.u32 s28, $0x1;
	[dreg:$0x2] =	wrdreg s4  }
0xb8: {  	[dreg:$0x3] =	wrdreg s6  }
0xb9: {  	[dreg:$0x4] =	wrdreg $0xC0  }
0xba: {  	_ =	task [dreg:s22], $0x5FFFF  }
0xbb: {  	[dreg:$0x1] =	wrdreg $0xFFFFFFFF  }
0xbc: {  	[dreg:$0x0] =	wrdreg $0x60  }
0xbd: {  	[dreg:$0x2] =	wrdreg s24  }
0xbe: {  	[dreg:$0x3] =	wrdreg s18  }
0xbf: {  	[dreg:$0x4] =	wrdreg $0x64000  }
0xc0: {  	[dreg:$0x5] =	wrdreg $0x9  }
0xc1: {  	_ =	task.clear_ibuf [dreg:s22], $0x6FFFF;
	_ =	strace $0x9000005B  }
0xc2: {  	s29 =	simm.s32 $0x9;
	_ =	strace $0x8000005D  }
0xc3: {  	_ =	swait.ge [sflag:s29], $0x1  }
0xc4: {  	[sflag:s29] =	ssyncadd.s32 $0xFFFFFFFF  }
0xc5: {  	_ =	strace $0x9000005D  }
0xc6: {  	_ =	sfence  }
0xc7: {  	s30 =	sld [smem:$0x0];
	_ =	sdelay $0x2  }
0xc8: {  	s31 =	sshll.u32 s1, $0xD;
	s1 =	sshrl.u32 s1, $0x2  }
0xc9: {  	s4 =	sand.u32 $0x4000, s31;
	s1 =	sadd.s32 s1, s30  }
0xca: {  	s0 =	sor.u32 s4, s0;
	s1 =	sshll.u32 s1, $0x11  }
0xcb: {  	s0 =	sor.u32 s1, s0  }
0xcc: {  	s0 =	sadd.s32 $0x8F2B, s0  }
0xcd: {  	[sflag:s0] =	ssyncadd.remote.s32 $0x1  }
0xce: {  	_ =	sfence.sel $0xFFFF  }
0xcf: {  	[dreg:$0x0] =	wrdreg $0xFFFFFFFF;
	(pc) =	sbr.abs _section_cstart, $3  }
0xd0: {  	[dreg:$0x1] =	wrdreg $0xFFFFFFFF  }
0xd1: {  	_ =	task.clear_ibuf [dreg:s22], $0x2FFFF;
	_ =	strace $0x9FFFFFFF  }
0xd2: {  	(tm) =	ssettm $0x7FFFFFFF  }
0xd3: {  	_ =	shalt  }
tec
execute0_lowered:
.L_overlay_start_1:
0x0: {  	(tag) =	ssettag $0x1  }
0x1: {  	s3 =	rddreg [dreg:$0x0]  }
0x2: {  	s4 =	rddreg [dreg:$0x1]  }
0x3: {  	s1 =	rddreg [dreg:$0x2]  }
0x4: {  	s0 =	rddreg [dreg:$0x3];
	s5 =	srdreg.scid  }
0x5: {  	s10 =	stileid.u32;
	s2 =	simm.s32 $0x0;
	s14 =	simm.s32 $0x3C00  }
0x6: {  	s15 =	simm.s32 $0x80;
	s16 =	simm.s32 $0x1;
	s17 =	simm.s32 $0x2  }
0x7: {  	s18 =	simm.s32 $0x0;
	s5 =	sand.u32 $0x1, s5;
	s12 =	smul.u32 $0x15E00, s10  }
0x8: {  	s6 =	sshll.u32 s10, $0x1;
	[smem:$0x7FF] =	sst s2;
	s7 =	smul.u32 $0x27100, s5  }
0x9: {  	s9 =	sadd.s32 $0x26F600, s3;
	s6 =	sor.u32 s5, s6;
	s13 =	smul.u32 $0xAF00, s5  }
0xa: {  	p0 =	sne.s32 s10, $0x0;
	_ =	strace $0x8000005C;
	s8 =	smul.u32 $0x280, s6  }
0xb: {  	s11 =	ssub.s32 $0x2, s5;
	s10 =	sshrl.u32 @!p0 s1, $0x3;
	s6 =	smul.u32 $0xAF00, s6  }
0xc: {  	s30 =	sshrl.u32 s11, $0x1;
	s31 =	sadd.s32 s12, s9;
	s7 =	sadd.s32 s7, s3  }
0xd: {  	s12 =	simm.s32 $0x1400;
	s11 =	ssub.s32 s11, s30;
	s3 =	sadd.s32 $0x71B800, s7  }
0xe: {  	s4 =	sadd.s32 s4, s8;
	s5 =	sadd.s32 s9, s6;
	s6 =	sadd.s32 $0x6600, s7  }
0xf: {  	s7 =	smax.u32 s11, $0x1;
	s9 =	sadd.s32 s13, s31;
	s11 =	simm.s32 $0x3  }
0x10: {  	s13 =	simm.s32 $0x50;
	s8 =	sadd.s32 $0x500, s5;
	s9 =	sadd.s32 $0xA00, s9  }
.LBB2_1:
0x11: {  	s19 =	simm.s32 @!p0 $0x1C03  }
0x12: {  	[spmem:s10], [sflag:s19] =	dma.local @!p0 [hbm:s3], $0x27100  }
0x13: {  	s19 =	simm.s32 @!p0 $0x3  }
0x14: {  	_ =	swait.ge @!p0 [sflag:s19], $0x27100  }
0x15: {  	[sflag:s19] =	ssyncset.done @!p0 $0x0  }
0x16: {  	[sflag:s19] =	ssyncadd.s32 @!p0 $0xFFFD8F00  }
0x17: {  	[tilespmem:s2], [sflag:$0x3] =	stream.linear.gather [hbm4b:s4+s2], $0x1180, $0x38;
	[tilespmem:$0x19C80] =	vst v63  }
0x18: {  	_ =	swait.ge [sflag:s11], $0x1180  }
0x19: {  	[sflag:s11] =	ssyncset.done $0x0  }
0x1a: {  	[sflag:s11] =	ssyncadd.s32 $0xFFFFEE80  }
0x1b: {  	[bflag:$0x0] =	sbarrier.arrive $0xFFFF  }
0x1c: {  	[tilespmem:s12], [sflag:$0x1] =	stream.linear.gather [hbm4b:s5+s2], $0x2800, $0x38;
	[tilespmem:$0x19C80] =	vst v63  }
0x1d: {  	_ =	swait.ge [sflag:s16], $0x2800  }
0x1e: {  	[sflag:s16] =	ssyncset.done $0x0  }
0x1f: {  	[sflag:s16] =	ssyncadd.s32 $0xFFFFD800  }
0x20: {  	[spmem:s1] =	stream.indirect.scatter.add.f32 [tilespmem:s12], [sflag:$0x2], $0x80, s2, s13, $0xb8;
	[tilespmem:$0x19C80] =	vst v63  }
0x21: {  	_ = 	snop  }
0x22: {  	[tilespmem:s14], [sflag:$0x1] =	stream.linear.gather [hbm4b:s8+s2], $0x2800, $0x38;
	[tilespmem:$0x19C80] =	vst v63  }
0x23: {  	_ =	swait.ge [sflag:s16], $0x2800  }
0x24: {  	s29 =	sxor.u32 $0x1, s16;
	[sflag:s16] =	ssyncset.done $0x0  }
0x25: {  	s19 =	smul.u32 $0xA000, s29;
	[sflag:s16] =	ssyncadd.s32 $0xFFFFD800  }
0x26: {  	[spmem:s1] =	stream.indirect.scatter.add.f32 [tilespmem:s14], [sflag:$0x2], $0x80, s15, s13, $0xb8;
	[tilespmem:$0x19C80] =	vst v63  }
0x27: {  	s21 =	sand.u32 $0x1, s17;
	_ =	swait.ge [sflag:s17], $0x2800  }
0x28: {  	s20 =	simm.s32 $0x100;
	s19 =	sshra.s32 s19, $0x2;
	[sflag:s17] =	ssyncset.done $0x0  }
0x29: {  	s30 =	smul.u32 $0xA000, s21;
	s19 =	sadd.s32 $0x1400, s19;
	[sflag:s17] =	ssyncadd.s32 $0xFFFFD800  }
0x2a: {  	[tilespmem:s19], [sflag:$0x1] =	stream.linear.gather [hbm4b:s9+s2], $0x2800, $0x38;
	[tilespmem:$0x19C80] =	vst v63  }
0x2b: {  	s22 =	simm.s32 $0x3;
	s31 =	sxor.u32 $0x1, s21;
	_ =	swait.ge [sflag:s16], $0x2800  }
0x2c: {  	s21 =	smov.u32 s9;
	s19 =	sshrl.u32 s30, $0x2;
	[sflag:s16] =	ssyncset.done $0x0  }
0x2d: {  	s23 =	smul.u32 $0xA000, s31;
	s19 =	sadd.s32 $0x1400, s19;
	[sflag:s16] =	ssyncadd.s32 $0xFFFFD800  }
0x2e: {  	[spmem:s1] =	stream.indirect.scatter.add.f32 [tilespmem:s19], [sflag:$0x2], $0x80, s20, s13, $0xb8;
	[tilespmem:$0x19C80] =	vst v63  }
0x2f: {  	s20 =	simm.s32 $0x4;
	s19 =	simm.s32 $0x180;
	_ =	swait.ge [sflag:s17], $0x2800  }
.LBB2_2:
0x30: {  	s23 =	sshra.s32 s23, $0x2  }
0x31: {  	[sflag:s17] =	ssyncset.done $0x0;
	s21 =	sadd.s32 $0x500, s21;
	s24 =	smov.u32 s20  }
0x32: {  	s22 =	sand.u32 $0x1, s22;
	s23 =	sadd.s32 $0x1400, s23;
	[sflag:s17] =	ssyncadd.s32 $0xFFFFD800  }
0x33: {  	[tilespmem:s23], [sflag:$0x1] =	stream.linear.gather [hbm4b:s21+s2], $0x2800, $0x38;
	[tilespmem:$0x19C80] =	vst v63  }
0x34: {  	p1 =	sne.s32 s20, $0x22;
	s23 =	smul.u32 $0xA000, s22;
	_ =	swait.ge [sflag:s16], $0x2800  }
.Ltmp0:
0x35: {  	s20 =	sadd.s32 $0x1, s20;
	[sflag:s16] =	ssyncset.done $0x0;
	(pc) =	sbr.rel @p1 .LBB2_2-.Ltmp0, $4  }
0x36: {  	s22 =	sxor.u32 $0x1, s22;
	s25 =	sshrl.u32 s23, $0x2;
	[sflag:s16] =	ssyncadd.s32 $0xFFFFD800  }
0x37: {  	s23 =	smul.u32 $0xA000, s22;
	s22 =	smov.u32 s24;
	s25 =	sadd.s32 $0x1400, s25  }
0x38: {  	[spmem:s1] =	stream.indirect.scatter.add.f32 [tilespmem:s25], [sflag:$0x2], $0x80, s19, s13, $0xb8;
	[tilespmem:$0x19C80] =	vst v63  }
0x39: {  	s19 =	sadd.s32 $0x80, s19;
	_ =	swait.ge [sflag:s17], $0x2800  }
0x3a: {  	s20 =	sshra.s32 s23, $0x2  }
0x3b: {  	[sflag:s17] =	ssyncset.done $0x0;
	s21 =	sadd.s32 $0x500, s21;
	s22 =	sand.u32 $0x1, s22  }
0x3c: {  	s20 =	sadd.s32 $0x1400, s20;
	[sflag:s17] =	ssyncadd.s32 $0xFFFFD800;
	s31 =	smul.u32 $0xA000, s22  }
0x3d: {  	[tilespmem:s20], [sflag:$0x1] =	stream.linear.gather [hbm4b:s21+s2], $0x2800, $0x38;
	[tilespmem:$0x19C80] =	vst v63  }
0x3e: {  	_ =	swait.ge [sflag:s16], $0x2800  }
0x3f: {  	s20 =	sshrl.u32 s31, $0x2;
	[sflag:s16] =	ssyncset.done $0x0  }
0x40: {  	s20 =	sadd.s32 $0x1400, s20;
	[sflag:s16] =	ssyncadd.s32 $0xFFFFD800  }
0x41: {  	[spmem:s1] =	stream.indirect.scatter.add.f32 [tilespmem:s20], [sflag:$0x2], $0x80, s19, s13, $0xb8;
	[tilespmem:$0x19C80] =	vst v63  }
0x42: {  	_ =	swait.ge [sflag:s17], $0x2800  }
0x43: {  	[sflag:s17] =	ssyncset.done $0x0  }
0x44: {  	[sflag:s17] =	ssyncadd.s32 $0xFFFFD800  }
0x45: {  	_ =	swait.ge [sflag:s17], $0x2800  }
0x46: {  	[sflag:s17] =	ssyncset.done $0x0  }
0x47: {  	s18 =	sadd.s32 $0x1, s18;
	[sflag:s17] =	ssyncadd.s32 $0xFFFFD800  }
0x48: {  	p1 =	sne.s32 s18, s7;
	s19 =	simm.s32 @!p0 $0x1C03;
	[bflag:$0x0] =	sbarrier.arrive $0xFFFF  }
0x49: {  	[hbm:s6], [sflag:s19] =	dma.local @!p0 [spmem:s10], $0x27100  }
.Ltmp1:
0x4a: {  	_ = 	snop;
	(pc) =	sbr.rel @p1 .LBB2_1-.Ltmp1, $4  }
0x4b: {  	s19 =	simm.s32 @!p0 $0x3  }
0x4c: {  	_ =	swait.ge @!p0 [sflag:s19], $0x27100  }
0x4d: {  	[sflag:s19] =	ssyncset.done @!p0 $0x0  }
0x4e: {  	[sflag:s19] =	ssyncadd.s32 @!p0 $0xFFFD8F00  }
0x4f: {  	_ =	sfence.sel $0x180000  }
0x50: {  	[bflag:$0x0] =	sbarrier.arrive $0xFFFF  }
0x51: {  	_ =	strace $0x9000005C  }
0x52: {  	s0 =	sadd.s32 @!p0 $0x100000, s0;
	[bflag:$0x2] =	sbarrier.arrive $0xFFFF  }
0x53: {  	[sflag:s0] =	ssyncadd.tile.s32 @!p0 $0x1;
	_ =	shalt  }
.Lfunc_end2:
_tile_overlayer_lowered:
.L_overlay_start_2:
0x54: {  	(tag) =	ssettag $0x2  }
0x55: {  	s0 =	rddreg [dreg:$0x0];
	s2 =	stileid.u32  }
0x56: {  	s1 =	rddreg [dreg:$0x1];
	p0 =	sne.s32 s2, $0x0  }
0x57: {  	s3 =	rddreg [dreg:$0x2];
	[bflag:$0x3] =	sbarrier.arrive $0xFFFF;
	s2 =	simm.s32 @!p0 $0x1C03  }
0x58: {  	[timem:s3], [sflag:s2] =	dma.local @!p0 [hbm:s0], s1  }
0x59: {  	s0 =	simm.s32 @!p0 $0x3  }
0x5a: {  	_ =	swait.ge @!p0 [sflag:s0], s1  }
0x5b: {  	s1 =	ssub.s32 @!p0 $0x0, s1;
	[sflag:s0] =	ssyncset.done @!p0 $0x0  }
0x5c: {  	[sflag:s0] =	ssyncadd.s32 @!p0 s1  }
0x5d: {  	[bflag:$0x3] =	sbarrier.arrive $0xFFFF  }
0x5e: {  	_ =	shalt  }

// kernel: kernel.39.cloned.1.call-start
scs
__scs_entry_jumppad:
0x0: {  	(pc) =	sbr.rel $0x88, $3  }
0x1: {  	(tag) =	ssettag $0x0;
	lr =	simm.s32 $0x1  }
0x2: {  	[smem:$0x3F95] =	sst lr;
	_ =	strace $0xD0000000  }
0x3: {  	_ = 	snop  }
0x4: {  	_ = 	snop  }
0x5: {  	_ = 	snop  }
0x6: {  	_ = 	snop  }
0x7: {  	_ = 	snop  }
__scs_overlays_trampoline_lowered:
0x8: {  	[smem:$0x3FA4] =	sst s0  }
0x9: {  	[smem:$0x3FA5] =	sst s1  }
0xa: {  	[smem:$0x3FA6] =	sst s2  }
0xb: {  	[smem:$0x3FA7] =	sst s3  }
0xc: {  	[smem:$0x3FA8] =	sst s4  }
0xd: {  	[smem:$0x3FA9] =	sst s5  }
0xe: {  	[smem:$0x3FAA] =	sst s6  }
0xf: {  	[smem:$0x3FAB] =	sst s7  }
0x10: {  	[smem:$0x3FAC] =	sst s8  }
0x11: {  	[smem:$0x3FAD] =	sst s9;
	s0 =	simm.s32 @!p0 $0x0  }
0x12: {  	s1 =	sld [smem:$0x3F93];
	s0 =	simm.s32 @p0 $0x1  }
0x13: {  	[smem:$0x3FAE] =	sst s0;
	s0 =	simm.s32 @!p1 $0x0  }
0x14: {  	s2 =	sld [smem:$0x3F92];
	s0 =	simm.s32 @p1 $0x1  }
0x15: {  	[smem:$0x3FAF] =	sst s0;
	s0 =	simm.s32 @!p2 $0x0  }
0x16: {  	s3 =	sld [smem:$0x3FDB];
	s0 =	simm.s32 @p2 $0x1  }
0x17: {  	s4 =	simm.s32 $0x1BF5;
	[smem:$0x3FB1] =	sst s0  }
0x18: {  	s0 =	sld [smem:$0x3F94];
	_ =	swait.ge [sflag:s4], $0x0  }
0x19: {  	s7 =	sld [smem:$0x3F95]  }
0x1a: {  	s8 =	sadd.s32 $0xFFFFE003, lr  }
0x1b: {  	s9 =	sadd.s32 $0xFFFFFEF7, lr;
	s5 =	simm.s32 $0xFFFFFFFF;
	p2 =	slt.u32 s8, $0xFFFFF086  }
0x1c: {  	p1 =	slt.u32 s9, $0xF7A;
	s5 =	simm.s32 @!p2 $0x0  }
0x1d: {  	s5 =	simm.s32 @p1 $0x1;
	p0 =	seq.s32 s7, s2  }
0x1e: {  	s7 =	smul.u32 @!p0 $0xF7A, s2;
	p2 =	seq.s32 @!p0 s5, $0x0  }
0x1f: {  	s9 =	smul.u32 $0xF7A, s1;
	s8 =	simm.s32 @!p0 $0x1BF5;
	p2 =	por !p2, p0  }
0x20: {  	[sflag:s8] =	ssyncset.s32 @!p0 $0xFFFFF086;
	s6 =	sadd.s32 @!p0 s3, s7;
	s7 =	simm.s32 @!p0 $0x108  }
0x21: {  	s3 =	sadd.s32 s3, s9;
	s6 =	sadd.s32 @!p0 $0x88, s6;
	s7 =	simm.s32 @p2 $0x1082  }
0x22: {  	[simem:s7], [sflag:s8] =	dma.local @!p0 [hbm:s6], $0xF7A  }
0x23: {  	s9 =	sor.u32 $0xD0000000, s2;
	s6 =	simm.s32 $0x108;
	_ =	swait.ge @!p0 [sflag:s8], $0x0  }
0x24: {  	s3 =	sadd.s32 $0x88, s3;
	s6 =	simm.s32 @!p1 $0x1082;
	[sflag:s4] =	ssyncset.s32 $0xFFFFF086  }
0x25: {  	[simem:s6], [sflag:s4] =	dma.local [hbm:s3], $0xF7A  }
0x26: {  	[smem:$0x3F95] =	sst s1;
	(tag) =	ssettag s2;
	_ =	strace s9  }
0x27: {  	s1 =	sld [smem:$0x3FA5]  }
0x28: {  	s2 =	sld [smem:$0x3FA6]  }
0x29: {  	s4 =	sld [smem:$0x3FA8]  }
0x2a: {  	p0 =	seq.s32 s5, $0x0;
	s5 =	sld [smem:$0x3FA9]  }
0x2b: {  	s6 =	sld [smem:$0x3FAA]  }
0x2c: {  	s7 =	sld [smem:$0x3FAB]  }
0x2d: {  	s3 =	simm.s32 $0x108;
	s8 =	sld [smem:$0x3FAC]  }
0x2e: {  	s3 =	simm.s32 @!p0 $0x1082;
	s9 =	sld [smem:$0x3FAD]  }
0x2f: {  	lr =	sadd.s32 s0, s3;
	s0 =	sld [smem:$0x3FA4]  }
0x30: {  	s3 =	sld [smem:$0x3FA7]  }
0x31: {  	[smem:$0x3FB0] =	sst s10  }
0x32: {  	s10 =	sld [smem:$0x3FAE];
	_ =	sdelay $0x3  }
0x33: {  	p0 =	seq.s32 s10, $0x1;
	s10 =	sld [smem:$0x3FB0];
	_ =	sdelay $0x3  }
0x34: {  	[smem:$0x3FB0] =	sst s10  }
0x35: {  	s10 =	sld [smem:$0x3FAF];
	_ =	sdelay $0x3  }
0x36: {  	p1 =	seq.s32 s10, $0x1;
	s10 =	sld [smem:$0x3FB0];
	_ =	sdelay $0x3  }
0x37: {  	[smem:$0x3FB0] =	sst s10  }
0x38: {  	s10 =	sld [smem:$0x3FB1]  }
0x39: {  	_ = 	snop;
	(pc) =	sbr.ind lr, $3  }
0x3a: {  	_ = 	snop  }
0x3b: {  	_ = 	snop  }
0x3c: {  	p2 =	seq.s32 s10, $0x1;
	s10 =	sld [smem:$0x3FB0]  }
0x3d: {  	_ =	shalt  }
0x3e: {  	_ =	shalt  }
0x3f: {  	_ =	shalt  }
0x40: {  	_ =	shalt  }
0x41: {  	_ =	shalt  }
0x42: {  	_ =	shalt  }
0x43: {  	_ =	shalt  }
0x44: {  	_ =	shalt  }
0x45: {  	_ =	shalt  }
0x46: {  	_ =	shalt  }
0x47: {  	_ =	shalt  }
0x48: {  	_ =	shalt  }
0x49: {  	_ =	shalt  }
0x4a: {  	_ =	shalt  }
0x4b: {  	_ =	shalt  }
0x4c: {  	_ =	shalt  }
0x4d: {  	_ =	shalt  }
0x4e: {  	_ =	shalt  }
0x4f: {  	_ =	shalt  }
0x50: {  	_ =	shalt  }
0x51: {  	_ =	shalt  }
0x52: {  	_ =	shalt  }
0x53: {  	_ =	shalt  }
0x54: {  	_ =	shalt  }
0x55: {  	_ =	shalt  }
0x56: {  	_ =	shalt  }
0x57: {  	_ =	shalt  }
0x58: {  	_ =	shalt  }
0x59: {  	_ =	shalt  }
0x5a: {  	_ =	shalt  }
0x5b: {  	_ =	shalt  }
0x5c: {  	_ =	shalt  }
0x5d: {  	_ =	shalt  }
0x5e: {  	_ =	shalt  }
0x5f: {  	_ =	shalt  }
0x60: {  	_ =	shalt  }
0x61: {  	_ =	shalt  }
0x62: {  	_ =	shalt  }
0x63: {  	_ =	shalt  }
0x64: {  	_ =	shalt  }
0x65: {  	_ =	shalt  }
0x66: {  	_ =	shalt  }
0x67: {  	_ =	shalt  }
0x68: {  	_ =	shalt  }
0x69: {  	_ =	shalt  }
0x6a: {  	_ =	shalt  }
0x6b: {  	_ =	shalt  }
0x6c: {  	_ =	shalt  }
0x6d: {  	_ =	shalt  }
0x6e: {  	_ =	shalt  }
0x6f: {  	_ =	shalt  }
0x70: {  	_ =	shalt  }
0x71: {  	_ =	shalt  }
0x72: {  	_ =	shalt  }
0x73: {  	_ =	shalt  }
0x74: {  	_ =	shalt  }
0x75: {  	_ =	shalt  }
0x76: {  	_ =	shalt  }
0x77: {  	_ =	shalt  }
0x78: {  	_ =	shalt  }
0x79: {  	_ =	shalt  }
0x7a: {  	_ =	shalt  }
0x7b: {  	_ =	shalt  }
0x7c: {  	_ =	shalt  }
0x7d: {  	_ =	shalt  }
0x7e: {  	_ =	shalt  }
0x7f: {  	_ =	shalt  }
0x80: {  	_ =	shalt  }
0x81: {  	_ =	shalt  }
0x82: {  	_ =	shalt  }
0x83: {  	_ =	shalt  }
0x84: {  	_ =	shalt  }
0x85: {  	_ =	shalt  }
0x86: {  	_ =	shalt  }
0x87: {  	_ =	shalt  }
.Lfunc_end0:
.L_simem_size_0:
called_computation.7_lowered:
.L_overlay_start_0:
0x88: {  	s2 =	sld [smem:$0x3FD9]  }
0x89: {  	s3 =	sld [smem:$0x3FFE];
	_ =	sdelay $0x1  }
0x8a: {  	s1 =	srdreg.scid  }
0x8b: {  	s0 =	sand.u32 $0x1, s1  }
0x8c: {  	s17 =	sshll.u32 s0, $0xA;
	s2 =	sadd.s32 s3, s2  }
0x8d: {  	s2 =	sadd.s32 s2, s17  }
0x8e: {  	[smem:$0x3FBC] =	sst s2  }
0x8f: {  	_ = 	snop  }
0x90: {  	(tm) =	ssettm $0x1  }
0x91: {  	s18 =	sld [smem:$0x3FFB];
	_ =	sdelay $0x3  }
0x92: {  	_ =	strace s18  }
0x93: {  	s2 =	sld [smem:$0x3FFC];
	_ =	sdelay $0x3  }
0x94: {  	_ =	strace s2  }
0x95: {  	s2 =	sld [smem:$0x3FFD];
	_ =	sdelay $0x3  }
0x96: {  	_ =	strace s2  }
0x97: {  	_ =	strace $0x8FFFFFFF  }
0x98: {  	s19 =	sld [smem:$0x3FDB];
	_ =	sdelay $0x1  }
0x99: {  	s20 =	simm.s32 $_scs_section_size  }
0x9a: {  	s4 =	simm.s32 $_size__tile_overlayer_lowered;
	s5 =	simm.s32 $_tile_overlayer_lowered  }
0x9b: {  	s6 =	simm.s32 $0x1BFF;
	s21 =	sshll.u32 s5, $0x1;
	s3 =	sadd.s32 s20, s19  }
0x9c: {  	s22 =	simm.s32 $0x0;
	s4 =	sshll.u32 s4, $0x1;
	s5 =	sadd.s32 s21, s3  }
0x9d: {  	[timem:s22], [sflag:s6] =	dma.local [hbm:s5], s4  }
0x9e: {  	_ =	swait.ge [sflag:s6], s4  }
0x9f: {  	s4 =	ssub.s32 $0x0, s4;
	[sflag:s6] =	ssyncset.done $0x0  }
0xa0: {  	[sflag:s6] =	ssyncadd.s32 s4;
	_ =	sdelay $0x1  }
0xa1: {  	s23 =	simm.s32 $0x1B8B  }
0xa2: {  	_ =	swait.ge [sflag:s23], $0x1  }
0xa3: {  	[sflag:s23] =	ssyncset.done $0x0  }
0xa4: {  	[sflag:s23] =	ssyncadd.s32 $0xFFFFFFFF  }
0xa5: {  	s4 =	sld [smem:$0x0]  }
0xa6: {  	s5 =	sand.u32 $0xFFFFFFFE, s1  }
0xa7: {  	p0 =	sne.s32 s1, s5  }
0xa8: {  	s5 =	sshll.u32 @p0 s5, $0xE  }
0xa9: {  	s5 =	sadd.s32 @p0 $0x11B8D, s5;
	s6 =	sshll.u32 @p0 s4, $0x11  }
0xaa: {  	s5 =	sor.u32 @p0 s6, s5  }
0xab: {  	[sflag:s5] =	ssyncadd.remote.s32 @p0 $0x1;
	_ =	sdelay $0x1  }
0xac: {  	s5 =	simm.s32 @p0 $0x1B8D  }
0xad: {  	_ =	swait.eq @p0 [sflag:s5], $0x1  }
0xae: {  	[sflag:s5] =	ssyncadd.s32 @p0 $0xFFFFFFFF  }
0xaf: {  	s6 =	sshll.u32 @!p0 s1, $0xE  }
0xb0: {  	s6 =	sor.u32 @!p0 $0x4000, s6;
	s5 =	simm.s32 @!p0 $0x1B8D  }
0xb1: {  	s4 =	sshll.u32 @!p0 s4, $0x11;
	s6 =	sadd.s32 @!p0 $0x11B8D, s6;
	_ =	swait.eq @!p0 [sflag:s5], $0x1  }
0xb2: {  	s4 =	sor.u32 @!p0 s4, s6;
	[sflag:s5] =	ssyncadd.s32 @!p0 $0xFFFFFFFF  }
0xb3: {  	s25 =	simm.s32 $0x1B8E;
	s24 =	sld [smem:$0x3FFE];
	[sflag:s4] =	ssyncadd.remote.s32 @!p0 $0x1  }
0xb4: {  	s26 =	simm.s32 $execute0_lowered;
	[smem:$0x3FD2] =	sst s25  }
0xb5: {  	s5 =	sshll.u32 s26, $0x1;
	_ =	strace $0x80000061;
	[dreg:$0x1] =	wrdreg $0xFFFFFFFF  }
0xb6: {  	s28 =	simm.s32 $_size_execute0_lowered;
	s3 =	sadd.s32 s3, s5;
	[dreg:$0x0] =	wrdreg $0x0  }
0xb7: {  	s5 =	sshll.u32 s28, $0x1;
	[dreg:$0x2] =	wrdreg s3  }
0xb8: {  	[dreg:$0x3] =	wrdreg s5  }
0xb9: {  	[dreg:$0x4] =	wrdreg $0xC0  }
0xba: {  	_ =	task [dreg:s22], $0x5FFFF  }
0xbb: {  	[dreg:$0x1] =	wrdreg $0xFFFFFFFF  }
0xbc: {  	[dreg:$0x0] =	wrdreg $0x60  }
0xbd: {  	[dreg:$0x2] =	wrdreg s24  }
0xbe: {  	[dreg:$0x3] =	wrdreg $0x58000  }
0xbf: {  	[dreg:$0x4] =	wrdreg $0x9  }
0xc0: {  	_ =	task.clear_ibuf [dreg:s22], $0x5FFFF;
	_ =	strace $0x90000061  }
0xc1: {  	s29 =	simm.s32 $0x9;
	_ =	strace $0x80000063  }
0xc2: {  	_ =	swait.ge [sflag:s29], $0x1  }
0xc3: {  	[sflag:s29] =	ssyncadd.s32 $0xFFFFFFFF  }
0xc4: {  	_ =	strace $0x90000063  }
0xc5: {  	_ =	sfence  }
0xc6: {  	s30 =	sld [smem:$0x0];
	_ =	sdelay $0x2  }
0xc7: {  	s31 =	sshll.u32 s1, $0xD;
	s1 =	sshrl.u32 s1, $0x2  }
0xc8: {  	s4 =	sand.u32 $0x4000, s31;
	s1 =	sadd.s32 s1, s30  }
0xc9: {  	s0 =	sor.u32 s4, s0;
	s1 =	sshll.u32 s1, $0x11  }
0xca: {  	s0 =	sor.u32 s1, s0  }
0xcb: {  	s0 =	sadd.s32 $0x8F2B, s0  }
0xcc: {  	[sflag:s0] =	ssyncadd.remote.s32 $0x1  }
0xcd: {  	_ =	sfence.sel $0xFFFF  }
0xce: {  	[dreg:$0x0] =	wrdreg $0xFFFFFFFF;
	(pc) =	sbr.abs _section_cstart, $3  }
0xcf: {  	[dreg:$0x1] =	wrdreg $0xFFFFFFFF  }
0xd0: {  	_ =	task.clear_ibuf [dreg:s22], $0x2FFFF;
	_ =	strace $0x9FFFFFFF  }
0xd1: {  	(tm) =	ssettm $0x7FFFFFFF  }
tec
execute0_lowered:
.L_overlay_start_1:
0x0: {  	(tag) =	ssettag $0x1  }
0x1: {  	s3 =	rddreg [dreg:$0x0]  }
0x2: {  	s1 =	rddreg [dreg:$0x1]  }
0x3: {  	s0 =	rddreg [dreg:$0x2];
	s2 =	simm.s32 $0x0;
	s4 =	srdreg.scid  }
0x4: {  	s10 =	stileid.u32;
	s13 =	simm.s32 $0x50;
	s14 =	simm.s32 $0x3000  }
0x5: {  	s15 =	simm.s32 $0x80;
	s16 =	simm.s32 $0x1;
	s17 =	simm.s32 $0x2  }
0x6: {  	s18 =	simm.s32 $0x0;
	[smem:$0x7FF] =	sst s2;
	s4 =	sand.u32 $0x1, s4  }
0x7: {  	s5 =	sshll.u32 s10, $0x1;
	s6 =	sadd.s32 $0x140E00, s3;
	s11 =	smul.u32 $0x9600, s10  }
0x8: {  	p0 =	sne.s32 s10, $0x0;
	_ =	strace $0x80000062;
	s8 =	smul.u32 $0x27100, s4  }
0x9: {  	s5 =	sor.u32 s4, s5;
	s9 =	ssub.s32 $0x2, s4;
	s12 =	smul.u32 $0x4B00, s4  }
0xa: {  	s10 =	sshrl.u32 @!p0 s1, $0x3;
	s7 =	sshll.u32 s5, $0x8;
	s5 =	smul.u32 $0x4B00, s5  }
0xb: {  	s30 =	sshrl.u32 s9, $0x1;
	s11 =	sadd.s32 s11, s6;
	s7 =	sadd.s32 s7, s3  }
0xc: {  	s8 =	sadd.s32 s8, s3;
	s9 =	ssub.s32 s9, s30;
	s31 =	sadd.s32 s12, s11  }
0xd: {  	s11 =	simm.s32 $0x3;
	s12 =	simm.s32 $0x800;
	s3 =	sadd.s32 $0x6600, s8  }
0xe: {  	s4 =	sadd.s32 $0xA5A00, s7;
	s5 =	sadd.s32 s6, s5;
	s6 =	sadd.s32 $0x1D6E00, s8  }
0xf: {  	s7 =	smax.u32 s9, $0x1;
	s9 =	sadd.s32 $0xA00, s31;
	s8 =	sadd.s32 $0x500, s5  }
.LBB2_1:
0x10: {  	s19 =	simm.s32 @!p0 $0x1C03  }
0x11: {  	[spmem:s10], [sflag:s19] =	dma.local @!p0 [hbm:s3], $0x27100  }
0x12: {  	s19 =	simm.s32 @!p0 $0x3  }
0x13: {  	_ =	swait.ge @!p0 [sflag:s19], $0x27100  }
0x14: {  	[sflag:s19] =	ssyncset.done @!p0 $0x0  }
0x15: {  	[sflag:s19] =	ssyncadd.s32 @!p0 $0xFFFD8F00  }
0x16: {  	[tilespmem:s2], [sflag:$0x3] =	stream.linear.gather [hbm4b:s4+s2], $0x780, $0x38;
	[tilespmem:$0x19080] =	vst v63  }
0x17: {  	_ =	swait.ge [sflag:s11], $0x780  }
0x18: {  	[sflag:s11] =	ssyncset.done $0x0  }
0x19: {  	[sflag:s11] =	ssyncadd.s32 $0xFFFFF880  }
0x1a: {  	[bflag:$0x0] =	sbarrier.arrive $0xFFFF  }
0x1b: {  	[tilespmem:s12], [sflag:$0x1] =	stream.linear.gather [hbm4b:s5+s2], $0x2800, $0x38;
	[tilespmem:$0x19080] =	vst v63  }
0x1c: {  	_ =	swait.ge [sflag:s16], $0x2800  }
0x1d: {  	[sflag:s16] =	ssyncset.done $0x0  }
0x1e: {  	[sflag:s16] =	ssyncadd.s32 $0xFFFFD800  }
0x1f: {  	[spmem:s1] =	stream.indirect.scatter.add.f32 [tilespmem:s12], [sflag:$0x2], $0x80, s2, s13, $0xb8;
	[tilespmem:$0x19080] =	vst v63  }
0x20: {  	_ = 	snop  }
0x21: {  	[tilespmem:s14], [sflag:$0x1] =	stream.linear.gather [hbm4b:s8+s2], $0x2800, $0x38;
	[tilespmem:$0x19080] =	vst v63  }
0x22: {  	_ =	swait.ge [sflag:s16], $0x2800  }
0x23: {  	s29 =	sxor.u32 $0x1, s16;
	[sflag:s16] =	ssyncset.done $0x0  }
0x24: {  	s19 =	smul.u32 $0xA000, s29;
	[sflag:s16] =	ssyncadd.s32 $0xFFFFD800  }
0x25: {  	[spmem:s1] =	stream.indirect.scatter.add.f32 [tilespmem:s14], [sflag:$0x2], $0x80, s15, s13, $0xb8;
	[tilespmem:$0x19080] =	vst v63  }
0x26: {  	s21 =	sand.u32 $0x1, s17;
	_ =	swait.ge [sflag:s17], $0x2800  }
0x27: {  	s20 =	simm.s32 $0x100;
	s19 =	sshra.s32 s19, $0x2;
	[sflag:s17] =	ssyncset.done $0x0  }
0x28: {  	s30 =	smul.u32 $0xA000, s21;
	s19 =	sadd.s32 $0x800, s19;
	[sflag:s17] =	ssyncadd.s32 $0xFFFFD800  }
0x29: {  	[tilespmem:s19], [sflag:$0x1] =	stream.linear.gather [hbm4b:s9+s2], $0x2800, $0x38;
	[tilespmem:$0x19080] =	vst v63  }
0x2a: {  	s22 =	simm.s32 $0x3;
	s31 =	sxor.u32 $0x1, s21;
	_ =	swait.ge [sflag:s16], $0x2800  }
0x2b: {  	s21 =	smov.u32 s9;
	s19 =	sshrl.u32 s30, $0x2;
	[sflag:s16] =	ssyncset.done $0x0  }
0x2c: {  	s23 =	smul.u32 $0xA000, s31;
	s19 =	sadd.s32 $0x800, s19;
	[sflag:s16] =	ssyncadd.s32 $0xFFFFD800  }
0x2d: {  	[spmem:s1] =	stream.indirect.scatter.add.f32 [tilespmem:s19], [sflag:$0x2], $0x80, s20, s13, $0xb8;
	[tilespmem:$0x19080] =	vst v63  }
0x2e: {  	s20 =	simm.s32 $0x4;
	s19 =	simm.s32 $0x180;
	_ =	swait.ge [sflag:s17], $0x2800  }
.LBB2_2:
0x2f: {  	s23 =	sshra.s32 s23, $0x2  }
0x30: {  	[sflag:s17] =	ssyncset.done $0x0;
	s21 =	sadd.s32 $0x500, s21;
	s24 =	smov.u32 s20  }
0x31: {  	s22 =	sand.u32 $0x1, s22;
	s23 =	sadd.s32 $0x800, s23;
	[sflag:s17] =	ssyncadd.s32 $0xFFFFD800  }
0x32: {  	[tilespmem:s23], [sflag:$0x1] =	stream.linear.gather [hbm4b:s21+s2], $0x2800, $0x38;
	[tilespmem:$0x19080] =	vst v63  }
0x33: {  	p1 =	sne.s32 s20, $0xE;
	s23 =	smul.u32 $0xA000, s22;
	_ =	swait.ge [sflag:s16], $0x2800  }
.Ltmp0:
0x34: {  	s20 =	sadd.s32 $0x1, s20;
	[sflag:s16] =	ssyncset.done $0x0;
	(pc) =	sbr.rel @p1 .LBB2_2-.Ltmp0, $4  }
0x35: {  	s22 =	sxor.u32 $0x1, s22;
	s25 =	sshrl.u32 s23, $0x2;
	[sflag:s16] =	ssyncadd.s32 $0xFFFFD800  }
0x36: {  	s23 =	smul.u32 $0xA000, s22;
	s22 =	smov.u32 s24;
	s25 =	sadd.s32 $0x800, s25  }
0x37: {  	[spmem:s1] =	stream.indirect.scatter.add.f32 [tilespmem:s25], [sflag:$0x2], $0x80, s19, s13, $0xb8;
	[tilespmem:$0x19080] =	vst v63  }
0x38: {  	s19 =	sadd.s32 $0x80, s19;
	_ =	swait.ge [sflag:s17], $0x2800  }
0x39: {  	s20 =	sshra.s32 s23, $0x2  }
0x3a: {  	[sflag:s17] =	ssyncset.done $0x0;
	s21 =	sadd.s32 $0x500, s21;
	s22 =	sand.u32 $0x1, s22  }
0x3b: {  	s20 =	sadd.s32 $0x800, s20;
	[sflag:s17] =	ssyncadd.s32 $0xFFFFD800;
	s31 =	smul.u32 $0xA000, s22  }
0x3c: {  	[tilespmem:s20], [sflag:$0x1] =	stream.linear.gather [hbm4b:s21+s2], $0x2800, $0x38;
	[tilespmem:$0x19080] =	vst v63  }
0x3d: {  	_ =	swait.ge [sflag:s16], $0x2800  }
0x3e: {  	s20 =	sshrl.u32 s31, $0x2;
	[sflag:s16] =	ssyncset.done $0x0  }
0x3f: {  	s20 =	sadd.s32 $0x800, s20;
	[sflag:s16] =	ssyncadd.s32 $0xFFFFD800  }
0x40: {  	[spmem:s1] =	stream.indirect.scatter.add.f32 [tilespmem:s20], [sflag:$0x2], $0x80, s19, s13, $0xb8;
	[tilespmem:$0x19080] =	vst v63  }
0x41: {  	_ =	swait.ge [sflag:s17], $0x2800  }
0x42: {  	[sflag:s17] =	ssyncset.done $0x0  }
0x43: {  	[sflag:s17] =	ssyncadd.s32 $0xFFFFD800  }
0x44: {  	_ =	swait.ge [sflag:s17], $0x2800  }
0x45: {  	[sflag:s17] =	ssyncset.done $0x0  }
0x46: {  	s18 =	sadd.s32 $0x1, s18;
	[sflag:s17] =	ssyncadd.s32 $0xFFFFD800  }
0x47: {  	p1 =	sne.s32 s18, s7;
	s19 =	simm.s32 @!p0 $0x1C03;
	[bflag:$0x0] =	sbarrier.arrive $0xFFFF  }
0x48: {  	[hbm:s6], [sflag:s19] =	dma.local @!p0 [spmem:s10], $0x27100  }
.Ltmp1:
0x49: {  	_ = 	snop;
	(pc) =	sbr.rel @p1 .LBB2_1-.Ltmp1, $4  }
0x4a: {  	s19 =	simm.s32 @!p0 $0x3  }
0x4b: {  	_ =	swait.ge @!p0 [sflag:s19], $0x27100  }
0x4c: {  	[sflag:s19] =	ssyncset.done @!p0 $0x0  }
0x4d: {  	[sflag:s19] =	ssyncadd.s32 @!p0 $0xFFFD8F00  }
0x4e: {  	_ =	sfence.sel $0x180000  }
0x4f: {  	[bflag:$0x0] =	sbarrier.arrive $0xFFFF  }
0x50: {  	_ =	strace $0x90000062  }
0x51: {  	s0 =	sadd.s32 @!p0 $0x100000, s0;
	[bflag:$0x2] =	sbarrier.arrive $0xFFFF  }
0x52: {  	[sflag:s0] =	ssyncadd.tile.s32 @!p0 $0x1;
	_ =	shalt  }
.Lfunc_end2:
_tile_overlayer_lowered:
.L_overlay_start_2:
0x53: {  	(tag) =	ssettag $0x2  }
0x54: {  	s0 =	rddreg [dreg:$0x0];
	s2 =	stileid.u32  }
0x55: {  	s1 =	rddreg [dreg:$0x1];
	p0 =	sne.s32 s2, $0x0  }
0x56: {  	s3 =	rddreg [dreg:$0x2];
	[bflag:$0x3] =	sbarrier.arrive $0xFFFF;
	s2 =	simm.s32 @!p0 $0x1C03  }
0x57: {  	[timem:s3], [sflag:s2] =	dma.local @!p0 [hbm:s0], s1  }
0x58: {  	s0 =	simm.s32 @!p0 $0x3  }
0x59: {  	_ =	swait.ge @!p0 [sflag:s0], s1  }
0x5a: {  	s1 =	ssub.s32 @!p0 $0x0, s1;
	[sflag:s0] =	ssyncset.done @!p0 $0x0  }
0x5b: {  	[sflag:s0] =	ssyncadd.s32 @!p0 s1  }
0x5c: {  	[bflag:$0x3] =	sbarrier.arrive $0xFFFF  }
0x5d: {  	_ =	shalt  }

// kernel: kernel.42.cloned.1.call-start
scs
__scs_entry_jumppad:
0x0: {  	(pc) =	sbr.rel $0x88, $3  }
0x1: {  	(tag) =	ssettag $0x0;
	lr =	simm.s32 $0x1  }
0x2: {  	[smem:$0x3F95] =	sst lr;
	_ =	strace $0xD0000000  }
0x3: {  	_ = 	snop  }
0x4: {  	_ = 	snop  }
0x5: {  	_ = 	snop  }
0x6: {  	_ = 	snop  }
0x7: {  	_ = 	snop  }
__scs_overlays_trampoline_lowered:
0x8: {  	[smem:$0x3FA4] =	sst s0  }
0x9: {  	[smem:$0x3FA5] =	sst s1  }
0xa: {  	[smem:$0x3FA6] =	sst s2  }
0xb: {  	[smem:$0x3FA7] =	sst s3  }
0xc: {  	[smem:$0x3FA8] =	sst s4  }
0xd: {  	[smem:$0x3FA9] =	sst s5  }
0xe: {  	[smem:$0x3FAA] =	sst s6  }
0xf: {  	[smem:$0x3FAB] =	sst s7  }
0x10: {  	[smem:$0x3FAC] =	sst s8  }
0x11: {  	[smem:$0x3FAD] =	sst s9;
	s0 =	simm.s32 @!p0 $0x0  }
0x12: {  	s1 =	sld [smem:$0x3F93];
	s0 =	simm.s32 @p0 $0x1  }
0x13: {  	[smem:$0x3FAE] =	sst s0;
	s0 =	simm.s32 @!p1 $0x0  }
0x14: {  	s2 =	sld [smem:$0x3F92];
	s0 =	simm.s32 @p1 $0x1  }
0x15: {  	[smem:$0x3FAF] =	sst s0;
	s0 =	simm.s32 @!p2 $0x0  }
0x16: {  	s3 =	sld [smem:$0x3FDB];
	s0 =	simm.s32 @p2 $0x1  }
0x17: {  	s4 =	simm.s32 $0x1BF5;
	[smem:$0x3FB1] =	sst s0  }
0x18: {  	s0 =	sld [smem:$0x3F94];
	_ =	swait.ge [sflag:s4], $0x0  }
0x19: {  	s7 =	sld [smem:$0x3F95]  }
0x1a: {  	s8 =	sadd.s32 $0xFFFFE003, lr  }
0x1b: {  	s9 =	sadd.s32 $0xFFFFFEF7, lr;
	s5 =	simm.s32 $0xFFFFFFFF;
	p2 =	slt.u32 s8, $0xFFFFF086  }
0x1c: {  	p1 =	slt.u32 s9, $0xF7A;
	s5 =	simm.s32 @!p2 $0x0  }
0x1d: {  	s5 =	simm.s32 @p1 $0x1;
	p0 =	seq.s32 s7, s2  }
0x1e: {  	s7 =	smul.u32 @!p0 $0xF7A, s2;
	p2 =	seq.s32 @!p0 s5, $0x0  }
0x1f: {  	s9 =	smul.u32 $0xF7A, s1;
	s8 =	simm.s32 @!p0 $0x1BF5;
	p2 =	por !p2, p0  }
0x20: {  	[sflag:s8] =	ssyncset.s32 @!p0 $0xFFFFF086;
	s6 =	sadd.s32 @!p0 s3, s7;
	s7 =	simm.s32 @!p0 $0x108  }
0x21: {  	s3 =	sadd.s32 s3, s9;
	s6 =	sadd.s32 @!p0 $0x88, s6;
	s7 =	simm.s32 @p2 $0x1082  }
0x22: {  	[simem:s7], [sflag:s8] =	dma.local @!p0 [hbm:s6], $0xF7A  }
0x23: {  	s9 =	sor.u32 $0xD0000000, s2;
	s6 =	simm.s32 $0x108;
	_ =	swait.ge @!p0 [sflag:s8], $0x0  }
0x24: {  	s3 =	sadd.s32 $0x88, s3;
	s6 =	simm.s32 @!p1 $0x1082;
	[sflag:s4] =	ssyncset.s32 $0xFFFFF086  }
0x25: {  	[simem:s6], [sflag:s4] =	dma.local [hbm:s3], $0xF7A  }
0x26: {  	[smem:$0x3F95] =	sst s1;
	(tag) =	ssettag s2;
	_ =	strace s9  }
0x27: {  	s1 =	sld [smem:$0x3FA5]  }
0x28: {  	s2 =	sld [smem:$0x3FA6]  }
0x29: {  	s4 =	sld [smem:$0x3FA8]  }
0x2a: {  	p0 =	seq.s32 s5, $0x0;
	s5 =	sld [smem:$0x3FA9]  }
0x2b: {  	s6 =	sld [smem:$0x3FAA]  }
0x2c: {  	s7 =	sld [smem:$0x3FAB]  }
0x2d: {  	s3 =	simm.s32 $0x108;
	s8 =	sld [smem:$0x3FAC]  }
0x2e: {  	s3 =	simm.s32 @!p0 $0x1082;
	s9 =	sld [smem:$0x3FAD]  }
0x2f: {  	lr =	sadd.s32 s0, s3;
	s0 =	sld [smem:$0x3FA4]  }
0x30: {  	s3 =	sld [smem:$0x3FA7]  }
0x31: {  	[smem:$0x3FB0] =	sst s10  }
0x32: {  	s10 =	sld [smem:$0x3FAE];
	_ =	sdelay $0x3  }
0x33: {  	p0 =	seq.s32 s10, $0x1;
	s10 =	sld [smem:$0x3FB0];
	_ =	sdelay $0x3  }
0x34: {  	[smem:$0x3FB0] =	sst s10  }
0x35: {  	s10 =	sld [smem:$0x3FAF];
	_ =	sdelay $0x3  }
0x36: {  	p1 =	seq.s32 s10, $0x1;
	s10 =	sld [smem:$0x3FB0];
	_ =	sdelay $0x3  }
0x37: {  	[smem:$0x3FB0] =	sst s10  }
0x38: {  	s10 =	sld [smem:$0x3FB1]  }
0x39: {  	_ = 	snop;
	(pc) =	sbr.ind lr, $3  }
0x3a: {  	_ = 	snop  }
0x3b: {  	_ = 	snop  }
0x3c: {  	p2 =	seq.s32 s10, $0x1;
	s10 =	sld [smem:$0x3FB0]  }
0x3d: {  	_ =	shalt  }
0x3e: {  	_ =	shalt  }
0x3f: {  	_ =	shalt  }
0x40: {  	_ =	shalt  }
0x41: {  	_ =	shalt  }
0x42: {  	_ =	shalt  }
0x43: {  	_ =	shalt  }
0x44: {  	_ =	shalt  }
0x45: {  	_ =	shalt  }
0x46: {  	_ =	shalt  }
0x47: {  	_ =	shalt  }
0x48: {  	_ =	shalt  }
0x49: {  	_ =	shalt  }
0x4a: {  	_ =	shalt  }
0x4b: {  	_ =	shalt  }
0x4c: {  	_ =	shalt  }
0x4d: {  	_ =	shalt  }
0x4e: {  	_ =	shalt  }
0x4f: {  	_ =	shalt  }
0x50: {  	_ =	shalt  }
0x51: {  	_ =	shalt  }
0x52: {  	_ =	shalt  }
0x53: {  	_ =	shalt  }
0x54: {  	_ =	shalt  }
0x55: {  	_ =	shalt  }
0x56: {  	_ =	shalt  }
0x57: {  	_ =	shalt  }
0x58: {  	_ =	shalt  }
0x59: {  	_ =	shalt  }
0x5a: {  	_ =	shalt  }
0x5b: {  	_ =	shalt  }
0x5c: {  	_ =	shalt  }
0x5d: {  	_ =	shalt  }
0x5e: {  	_ =	shalt  }
0x5f: {  	_ =	shalt  }
0x60: {  	_ =	shalt  }
0x61: {  	_ =	shalt  }
0x62: {  	_ =	shalt  }
0x63: {  	_ =	shalt  }
0x64: {  	_ =	shalt  }
0x65: {  	_ =	shalt  }
0x66: {  	_ =	shalt  }
0x67: {  	_ =	shalt  }
0x68: {  	_ =	shalt  }
0x69: {  	_ =	shalt  }
0x6a: {  	_ =	shalt  }
0x6b: {  	_ =	shalt  }
0x6c: {  	_ =	shalt  }
0x6d: {  	_ =	shalt  }
0x6e: {  	_ =	shalt  }
0x6f: {  	_ =	shalt  }
0x70: {  	_ =	shalt  }
0x71: {  	_ =	shalt  }
0x72: {  	_ =	shalt  }
0x73: {  	_ =	shalt  }
0x74: {  	_ =	shalt  }
0x75: {  	_ =	shalt  }
0x76: {  	_ =	shalt  }
0x77: {  	_ =	shalt  }
0x78: {  	_ =	shalt  }
0x79: {  	_ =	shalt  }
0x7a: {  	_ =	shalt  }
0x7b: {  	_ =	shalt  }
0x7c: {  	_ =	shalt  }
0x7d: {  	_ =	shalt  }
0x7e: {  	_ =	shalt  }
0x7f: {  	_ =	shalt  }
0x80: {  	_ =	shalt  }
0x81: {  	_ =	shalt  }
0x82: {  	_ =	shalt  }
0x83: {  	_ =	shalt  }
0x84: {  	_ =	shalt  }
0x85: {  	_ =	shalt  }
0x86: {  	_ =	shalt  }
0x87: {  	_ =	shalt  }
.Lfunc_end0:
.L_simem_size_0:
called_computation.8_lowered:
.L_overlay_start_0:
0x88: {  	s2 =	sld [smem:$0x3FD9]  }
0x89: {  	s3 =	sld [smem:$0x3FFE];
	_ =	sdelay $0x1  }
0x8a: {  	s1 =	srdreg.scid  }
0x8b: {  	s0 =	sand.u32 $0x1, s1  }
0x8c: {  	s17 =	sshll.u32 s0, $0xA;
	s2 =	sadd.s32 s3, s2  }
0x8d: {  	s2 =	sadd.s32 s2, s17  }
0x8e: {  	[smem:$0x3FBC] =	sst s2  }
0x8f: {  	_ = 	snop  }
0x90: {  	(tm) =	ssettm $0x1  }
0x91: {  	s18 =	sld [smem:$0x3FFB];
	_ =	sdelay $0x3  }
0x92: {  	_ =	strace s18  }
0x93: {  	s2 =	sld [smem:$0x3FFC];
	_ =	sdelay $0x3  }
0x94: {  	_ =	strace s2  }
0x95: {  	s2 =	sld [smem:$0x3FFD];
	_ =	sdelay $0x3  }
0x96: {  	_ =	strace s2  }
0x97: {  	_ =	strace $0x8FFFFFFF  }
0x98: {  	s19 =	sld [smem:$0x3FDB];
	_ =	sdelay $0x1  }
0x99: {  	s20 =	simm.s32 $_scs_section_size  }
0x9a: {  	s4 =	simm.s32 $_size__tile_overlayer_lowered;
	s5 =	simm.s32 $_tile_overlayer_lowered  }
0x9b: {  	s6 =	simm.s32 $0x1BFF;
	s21 =	sshll.u32 s5, $0x1;
	s3 =	sadd.s32 s20, s19  }
0x9c: {  	s22 =	simm.s32 $0x0;
	s4 =	sshll.u32 s4, $0x1;
	s5 =	sadd.s32 s21, s3  }
0x9d: {  	[timem:s22], [sflag:s6] =	dma.local [hbm:s5], s4  }
0x9e: {  	_ =	swait.ge [sflag:s6], s4  }
0x9f: {  	s4 =	ssub.s32 $0x0, s4;
	[sflag:s6] =	ssyncset.done $0x0  }
0xa0: {  	[sflag:s6] =	ssyncadd.s32 s4;
	_ =	sdelay $0x1  }
0xa1: {  	s23 =	simm.s32 $0x1B8B  }
0xa2: {  	_ =	swait.ge [sflag:s23], $0x1  }
0xa3: {  	[sflag:s23] =	ssyncset.done $0x0  }
0xa4: {  	[sflag:s23] =	ssyncadd.s32 $0xFFFFFFFF  }
0xa5: {  	s4 =	sld [smem:$0x0]  }
0xa6: {  	s5 =	sand.u32 $0xFFFFFFFE, s1  }
0xa7: {  	p0 =	sne.s32 s1, s5  }
0xa8: {  	s5 =	sshll.u32 @p0 s5, $0xE  }
0xa9: {  	s5 =	sadd.s32 @p0 $0x11B8D, s5;
	s6 =	sshll.u32 @p0 s4, $0x11  }
0xaa: {  	s5 =	sor.u32 @p0 s6, s5  }
0xab: {  	[sflag:s5] =	ssyncadd.remote.s32 @p0 $0x1;
	_ =	sdelay $0x1  }
0xac: {  	s5 =	simm.s32 @p0 $0x1B8D  }
0xad: {  	_ =	swait.eq @p0 [sflag:s5], $0x1  }
0xae: {  	[sflag:s5] =	ssyncadd.s32 @p0 $0xFFFFFFFF  }
0xaf: {  	s6 =	sshll.u32 @!p0 s1, $0xE  }
0xb0: {  	s6 =	sor.u32 @!p0 $0x4000, s6;
	s5 =	simm.s32 @!p0 $0x1B8D  }
0xb1: {  	s4 =	sshll.u32 @!p0 s4, $0x11;
	s6 =	sadd.s32 @!p0 $0x11B8D, s6;
	_ =	swait.eq @!p0 [sflag:s5], $0x1  }
0xb2: {  	s4 =	sor.u32 @!p0 s4, s6;
	[sflag:s5] =	ssyncadd.s32 @!p0 $0xFFFFFFFF  }
0xb3: {  	s25 =	simm.s32 $0x1B8E;
	s24 =	sld [smem:$0x3FFE];
	[sflag:s4] =	ssyncadd.remote.s32 @!p0 $0x1  }
0xb4: {  	s26 =	simm.s32 $execute0_lowered;
	[smem:$0x3FD2] =	sst s25  }
0xb5: {  	s5 =	sshll.u32 s26, $0x1;
	_ =	strace $0x80000055;
	[dreg:$0x1] =	wrdreg $0xFFFFFFFF  }
0xb6: {  	s28 =	simm.s32 $_size_execute0_lowered;
	s3 =	sadd.s32 s3, s5;
	[dreg:$0x0] =	wrdreg $0x0  }
0xb7: {  	s5 =	sshll.u32 s28, $0x1;
	[dreg:$0x2] =	wrdreg s3  }
0xb8: {  	[dreg:$0x3] =	wrdreg s5  }
0xb9: {  	[dreg:$0x4] =	wrdreg $0xC0  }
0xba: {  	_ =	task [dreg:s22], $0x5FFFF  }
0xbb: {  	[dreg:$0x1] =	wrdreg $0xFFFFFFFF  }
0xbc: {  	[dreg:$0x0] =	wrdreg $0x60  }
0xbd: {  	[dreg:$0x2] =	wrdreg s24  }
0xbe: {  	[dreg:$0x3] =	wrdreg $0x64000  }
0xbf: {  	[dreg:$0x4] =	wrdreg $0xD  }
0xc0: {  	_ =	task.clear_ibuf [dreg:s22], $0x5FFFF;
	_ =	strace $0x90000055  }
0xc1: {  	s29 =	simm.s32 $0xD;
	_ =	strace $0x80000057  }
0xc2: {  	_ =	swait.ge [sflag:s29], $0x1  }
0xc3: {  	[sflag:s29] =	ssyncadd.s32 $0xFFFFFFFF  }
0xc4: {  	_ =	strace $0x90000057  }
0xc5: {  	_ =	sfence  }
0xc6: {  	s30 =	sld [smem:$0x0];
	_ =	sdelay $0x2  }
0xc7: {  	s31 =	sshll.u32 s1, $0xD;
	s1 =	sshrl.u32 s1, $0x2  }
0xc8: {  	s4 =	sand.u32 $0x4000, s31;
	s1 =	sadd.s32 s1, s30  }
0xc9: {  	s0 =	sor.u32 s4, s0;
	s1 =	sshll.u32 s1, $0x11  }
0xca: {  	s0 =	sor.u32 s1, s0  }
0xcb: {  	s0 =	sadd.s32 $0x8F2B, s0  }
0xcc: {  	[sflag:s0] =	ssyncadd.remote.s32 $0x1  }
0xcd: {  	_ =	sfence.sel $0xFFFF  }
0xce: {  	[dreg:$0x0] =	wrdreg $0xFFFFFFFF;
	(pc) =	sbr.abs _section_cstart, $3  }
0xcf: {  	[dreg:$0x1] =	wrdreg $0xFFFFFFFF  }
0xd0: {  	_ =	task.clear_ibuf [dreg:s22], $0x2FFFF;
	_ =	strace $0x9FFFFFFF  }
0xd1: {  	(tm) =	ssettm $0x7FFFFFFF  }
tec
execute0_lowered:
.L_overlay_start_1:
0x0: {  	(tag) =	ssettag $0x1  }
0x1: {  	s3 =	rddreg [dreg:$0x0]  }
0x2: {  	s1 =	rddreg [dreg:$0x1]  }
0x3: {  	s0 =	rddreg [dreg:$0x2]  }
0x4: {  	s4 =	srdreg.scid;
	s10 =	stileid.u32  }
0x5: {  	s2 =	simm.s32 $0x0;
	s13 =	simm.s32 $0x50;
	s14 =	simm.s32 $0x3C00  }
0x6: {  	s15 =	simm.s32 $0x80;
	s16 =	simm.s32 $0x1;
	s17 =	simm.s32 $0x2  }
0x7: {  	s18 =	simm.s32 $0x0;
	s4 =	sand.u32 $0x1, s4;
	s11 =	smul.u32 $0x19000, s10  }
0x8: {  	s5 =	sshll.u32 s10, $0x1;
	[smem:$0x7FF] =	sst s2;
	s8 =	smul.u32 $0x27100, s4  }
0x9: {  	s7 =	sadd.s32 $0x8F9A00, s3;
	s5 =	sor.u32 s4, s5;
	s12 =	smul.u32 $0xC800, s4  }
0xa: {  	p0 =	sne.s32 s10, $0x0;
	_ =	strace $0x80000056;
	s6 =	smul.u32 $0x280, s5  }
0xb: {  	s9 =	ssub.s32 $0x2, s4;
	s10 =	sshrl.u32 @!p0 s1, $0x3;
	s5 =	smul.u32 $0xC800, s5  }
0xc: {  	s30 =	sshrl.u32 s9, $0x1;
	s11 =	sadd.s32 s11, s7;
	s8 =	sadd.s32 s8, s3  }
0xd: {  	s9 =	ssub.s32 s9, s30;
	s31 =	sadd.s32 s12, s11;
	s11 =	simm.s32 $0x3  }
0xe: {  	s12 =	simm.s32 $0x1400;
	s6 =	sadd.s32 s6, s3;
	s3 =	sadd.s32 $0x9C600, s8  }
0xf: {  	s5 =	sadd.s32 s7, s5;
	s7 =	smax.u32 s9, $0x1;
	s9 =	sadd.s32 $0xA00, s31  }
0x10: {  	s4 =	sadd.s32 $0xEDC00, s6;
	s6 =	sadd.s32 $0xF2C00, s8;
	s8 =	sadd.s32 $0x500, s5  }
.LBB2_1:
0x11: {  	s19 =	simm.s32 @!p0 $0x1C03  }
0x12: {  	[spmem:s10], [sflag:s19] =	dma.local @!p0 [hbm:s3], $0x27100  }
0x13: {  	s19 =	simm.s32 @!p0 $0x3  }
0x14: {  	_ =	swait.ge @!p0 [sflag:s19], $0x27100  }
0x15: {  	[sflag:s19] =	ssyncset.done @!p0 $0x0  }
0x16: {  	[sflag:s19] =	ssyncadd.s32 @!p0 $0xFFFD8F00  }
0x17: {  	[tilespmem:s2], [sflag:$0x3] =	stream.linear.gather [hbm4b:s4+s2], $0x1400, $0x38;
	[tilespmem:$0x19C80] =	vst v63  }
0x18: {  	_ =	swait.ge [sflag:s11], $0x1400  }
0x19: {  	[sflag:s11] =	ssyncset.done $0x0  }
0x1a: {  	[sflag:s11] =	ssyncadd.s32 $0xFFFFEC00  }
0x1b: {  	[bflag:$0x0] =	sbarrier.arrive $0xFFFF  }
0x1c: {  	[tilespmem:s12], [sflag:$0x1] =	stream.linear.gather [hbm4b:s5+s2], $0x2800, $0x38;
	[tilespmem:$0x19C80] =	vst v63  }
0x1d: {  	_ =	swait.ge [sflag:s16], $0x2800  }
0x1e: {  	[sflag:s16] =	ssyncset.done $0x0  }
0x1f: {  	[sflag:s16] =	ssyncadd.s32 $0xFFFFD800  }
0x20: {  	[spmem:s1] =	stream.indirect.scatter.add.f32 [tilespmem:s12], [sflag:$0x2], $0x80, s2, s13, $0xb8;
	[tilespmem:$0x19C80] =	vst v63  }
0x21: {  	_ = 	snop  }
0x22: {  	[tilespmem:s14], [sflag:$0x1] =	stream.linear.gather [hbm4b:s8+s2], $0x2800, $0x38;
	[tilespmem:$0x19C80] =	vst v63  }
0x23: {  	_ =	swait.ge [sflag:s16], $0x2800  }
0x24: {  	s29 =	sxor.u32 $0x1, s16;
	[sflag:s16] =	ssyncset.done $0x0  }
0x25: {  	s19 =	smul.u32 $0xA000, s29;
	[sflag:s16] =	ssyncadd.s32 $0xFFFFD800  }
0x26: {  	[spmem:s1] =	stream.indirect.scatter.add.f32 [tilespmem:s14], [sflag:$0x2], $0x80, s15, s13, $0xb8;
	[tilespmem:$0x19C80] =	vst v63  }
0x27: {  	s21 =	sand.u32 $0x1, s17;
	_ =	swait.ge [sflag:s17], $0x2800  }
0x28: {  	s20 =	simm.s32 $0x100;
	s19 =	sshra.s32 s19, $0x2;
	[sflag:s17] =	ssyncset.done $0x0  }
0x29: {  	s30 =	smul.u32 $0xA000, s21;
	s19 =	sadd.s32 $0x1400, s19;
	[sflag:s17] =	ssyncadd.s32 $0xFFFFD800  }
0x2a: {  	[tilespmem:s19], [sflag:$0x1] =	stream.linear.gather [hbm4b:s9+s2], $0x2800, $0x38;
	[tilespmem:$0x19C80] =	vst v63  }
0x2b: {  	s22 =	simm.s32 $0x3;
	s31 =	sxor.u32 $0x1, s21;
	_ =	swait.ge [sflag:s16], $0x2800  }
0x2c: {  	s21 =	smov.u32 s9;
	s19 =	sshrl.u32 s30, $0x2;
	[sflag:s16] =	ssyncset.done $0x0  }
0x2d: {  	s23 =	smul.u32 $0xA000, s31;
	s19 =	sadd.s32 $0x1400, s19;
	[sflag:s16] =	ssyncadd.s32 $0xFFFFD800  }
0x2e: {  	[spmem:s1] =	stream.indirect.scatter.add.f32 [tilespmem:s19], [sflag:$0x2], $0x80, s20, s13, $0xb8;
	[tilespmem:$0x19C80] =	vst v63  }
0x2f: {  	s20 =	simm.s32 $0x4;
	s19 =	simm.s32 $0x180;
	_ =	swait.ge [sflag:s17], $0x2800  }
.LBB2_2:
0x30: {  	s23 =	sshra.s32 s23, $0x2  }
0x31: {  	[sflag:s17] =	ssyncset.done $0x0;
	s21 =	sadd.s32 $0x500, s21;
	s24 =	smov.u32 s20  }
0x32: {  	s22 =	sand.u32 $0x1, s22;
	s23 =	sadd.s32 $0x1400, s23;
	[sflag:s17] =	ssyncadd.s32 $0xFFFFD800  }
0x33: {  	[tilespmem:s23], [sflag:$0x1] =	stream.linear.gather [hbm4b:s21+s2], $0x2800, $0x38;
	[tilespmem:$0x19C80] =	vst v63  }
0x34: {  	p1 =	sne.s32 s20, $0x27;
	s23 =	smul.u32 $0xA000, s22;
	_ =	swait.ge [sflag:s16], $0x2800  }
.Ltmp0:
0x35: {  	s20 =	sadd.s32 $0x1, s20;
	[sflag:s16] =	ssyncset.done $0x0;
	(pc) =	sbr.rel @p1 .LBB2_2-.Ltmp0, $4  }
0x36: {  	s22 =	sxor.u32 $0x1, s22;
	s25 =	sshrl.u32 s23, $0x2;
	[sflag:s16] =	ssyncadd.s32 $0xFFFFD800  }
0x37: {  	s23 =	smul.u32 $0xA000, s22;
	s22 =	smov.u32 s24;
	s25 =	sadd.s32 $0x1400, s25  }
0x38: {  	[spmem:s1] =	stream.indirect.scatter.add.f32 [tilespmem:s25], [sflag:$0x2], $0x80, s19, s13, $0xb8;
	[tilespmem:$0x19C80] =	vst v63  }
0x39: {  	s19 =	sadd.s32 $0x80, s19;
	_ =	swait.ge [sflag:s17], $0x2800  }
0x3a: {  	s20 =	sshra.s32 s23, $0x2  }
0x3b: {  	[sflag:s17] =	ssyncset.done $0x0;
	s21 =	sadd.s32 $0x500, s21;
	s22 =	sand.u32 $0x1, s22  }
0x3c: {  	s20 =	sadd.s32 $0x1400, s20;
	[sflag:s17] =	ssyncadd.s32 $0xFFFFD800;
	s31 =	smul.u32 $0xA000, s22  }
0x3d: {  	[tilespmem:s20], [sflag:$0x1] =	stream.linear.gather [hbm4b:s21+s2], $0x2800, $0x38;
	[tilespmem:$0x19C80] =	vst v63  }
0x3e: {  	_ =	swait.ge [sflag:s16], $0x2800  }
0x3f: {  	s20 =	sshrl.u32 s31, $0x2;
	[sflag:s16] =	ssyncset.done $0x0  }
0x40: {  	s20 =	sadd.s32 $0x1400, s20;
	[sflag:s16] =	ssyncadd.s32 $0xFFFFD800  }
0x41: {  	[spmem:s1] =	stream.indirect.scatter.add.f32 [tilespmem:s20], [sflag:$0x2], $0x80, s19, s13, $0xb8;
	[tilespmem:$0x19C80] =	vst v63  }
0x42: {  	_ =	swait.ge [sflag:s17], $0x2800  }
0x43: {  	[sflag:s17] =	ssyncset.done $0x0  }
0x44: {  	[sflag:s17] =	ssyncadd.s32 $0xFFFFD800  }
0x45: {  	_ =	swait.ge [sflag:s17], $0x2800  }
0x46: {  	[sflag:s17] =	ssyncset.done $0x0  }
0x47: {  	s18 =	sadd.s32 $0x1, s18;
	[sflag:s17] =	ssyncadd.s32 $0xFFFFD800  }
0x48: {  	p1 =	sne.s32 s18, s7;
	s19 =	simm.s32 @!p0 $0x1C03;
	[bflag:$0x0] =	sbarrier.arrive $0xFFFF  }
0x49: {  	[hbm:s6], [sflag:s19] =	dma.local @!p0 [spmem:s10], $0x27100  }
.Ltmp1:
0x4a: {  	_ = 	snop;
	(pc) =	sbr.rel @p1 .LBB2_1-.Ltmp1, $4  }
0x4b: {  	s19 =	simm.s32 @!p0 $0x3  }
0x4c: {  	_ =	swait.ge @!p0 [sflag:s19], $0x27100  }
0x4d: {  	[sflag:s19] =	ssyncset.done @!p0 $0x0  }
0x4e: {  	[sflag:s19] =	ssyncadd.s32 @!p0 $0xFFFD8F00  }
0x4f: {  	_ =	sfence.sel $0x180000  }
0x50: {  	[bflag:$0x0] =	sbarrier.arrive $0xFFFF  }
0x51: {  	_ =	strace $0x90000056  }
0x52: {  	s0 =	sadd.s32 @!p0 $0x100000, s0;
	[bflag:$0x2] =	sbarrier.arrive $0xFFFF  }
0x53: {  	[sflag:s0] =	ssyncadd.tile.s32 @!p0 $0x1;
	_ =	shalt  }
.Lfunc_end2:
_tile_overlayer_lowered:
.L_overlay_start_2:
0x54: {  	(tag) =	ssettag $0x2  }
0x55: {  	s0 =	rddreg [dreg:$0x0];
	s2 =	stileid.u32  }
0x56: {  	s1 =	rddreg [dreg:$0x1];
	p0 =	sne.s32 s2, $0x0  }
0x57: {  	s3 =	rddreg [dreg:$0x2];
	[bflag:$0x3] =	sbarrier.arrive $0xFFFF;
	s2 =	simm.s32 @!p0 $0x1C03  }
0x58: {  	[timem:s3], [sflag:s2] =	dma.local @!p0 [hbm:s0], s1  }
0x59: {  	s0 =	simm.s32 @!p0 $0x3  }
0x5a: {  	_ =	swait.ge @!p0 [sflag:s0], s1  }
0x5b: {  	s1 =	ssub.s32 @!p0 $0x0, s1;
	[sflag:s0] =	ssyncset.done @!p0 $0x0  }
0x5c: {  	[sflag:s0] =	ssyncadd.s32 @!p0 s1  }
0x5d: {  	[bflag:$0x3] =	sbarrier.arrive $0xFFFF  }
0x5e: {  	_ =	shalt  }

// kernel: kernel.45.cloned.1.call-start
scs
__scs_entry_jumppad:
0x0: {  	(pc) =	sbr.rel $0x88, $3  }
0x1: {  	(tag) =	ssettag $0x0;
	lr =	simm.s32 $0x1  }
0x2: {  	[smem:$0x3F95] =	sst lr;
	_ =	strace $0xD0000000  }
0x3: {  	_ = 	snop  }
0x4: {  	_ = 	snop  }
0x5: {  	_ = 	snop  }
0x6: {  	_ = 	snop  }
0x7: {  	_ = 	snop  }
__scs_overlays_trampoline_lowered:
0x8: {  	[smem:$0x3FA4] =	sst s0  }
0x9: {  	[smem:$0x3FA5] =	sst s1  }
0xa: {  	[smem:$0x3FA6] =	sst s2  }
0xb: {  	[smem:$0x3FA7] =	sst s3  }
0xc: {  	[smem:$0x3FA8] =	sst s4  }
0xd: {  	[smem:$0x3FA9] =	sst s5  }
0xe: {  	[smem:$0x3FAA] =	sst s6  }
0xf: {  	[smem:$0x3FAB] =	sst s7  }
0x10: {  	[smem:$0x3FAC] =	sst s8  }
0x11: {  	[smem:$0x3FAD] =	sst s9;
	s0 =	simm.s32 @!p0 $0x0  }
0x12: {  	s1 =	sld [smem:$0x3F93];
	s0 =	simm.s32 @p0 $0x1  }
0x13: {  	[smem:$0x3FAE] =	sst s0;
	s0 =	simm.s32 @!p1 $0x0  }
0x14: {  	s2 =	sld [smem:$0x3F92];
	s0 =	simm.s32 @p1 $0x1  }
0x15: {  	[smem:$0x3FAF] =	sst s0;
	s0 =	simm.s32 @!p2 $0x0  }
0x16: {  	s3 =	sld [smem:$0x3FDB];
	s0 =	simm.s32 @p2 $0x1  }
0x17: {  	s4 =	simm.s32 $0x1BF5;
	[smem:$0x3FB1] =	sst s0  }
0x18: {  	s0 =	sld [smem:$0x3F94];
	_ =	swait.ge [sflag:s4], $0x0  }
0x19: {  	s7 =	sld [smem:$0x3F95]  }
0x1a: {  	s8 =	sadd.s32 $0xFFFFE003, lr  }
0x1b: {  	s9 =	sadd.s32 $0xFFFFFEF7, lr;
	s5 =	simm.s32 $0xFFFFFFFF;
	p2 =	slt.u32 s8, $0xFFFFF086  }
0x1c: {  	p1 =	slt.u32 s9, $0xF7A;
	s5 =	simm.s32 @!p2 $0x0  }
0x1d: {  	s5 =	simm.s32 @p1 $0x1;
	p0 =	seq.s32 s7, s2  }
0x1e: {  	s7 =	smul.u32 @!p0 $0xF7A, s2;
	p2 =	seq.s32 @!p0 s5, $0x0  }
0x1f: {  	s9 =	smul.u32 $0xF7A, s1;
	s8 =	simm.s32 @!p0 $0x1BF5;
	p2 =	por !p2, p0  }
0x20: {  	[sflag:s8] =	ssyncset.s32 @!p0 $0xFFFFF086;
	s6 =	sadd.s32 @!p0 s3, s7;
	s7 =	simm.s32 @!p0 $0x108  }
0x21: {  	s3 =	sadd.s32 s3, s9;
	s6 =	sadd.s32 @!p0 $0x88, s6;
	s7 =	simm.s32 @p2 $0x1082  }
0x22: {  	[simem:s7], [sflag:s8] =	dma.local @!p0 [hbm:s6], $0xF7A  }
0x23: {  	s9 =	sor.u32 $0xD0000000, s2;
	s6 =	simm.s32 $0x108;
	_ =	swait.ge @!p0 [sflag:s8], $0x0  }
0x24: {  	s3 =	sadd.s32 $0x88, s3;
	s6 =	simm.s32 @!p1 $0x1082;
	[sflag:s4] =	ssyncset.s32 $0xFFFFF086  }
0x25: {  	[simem:s6], [sflag:s4] =	dma.local [hbm:s3], $0xF7A  }
0x26: {  	[smem:$0x3F95] =	sst s1;
	(tag) =	ssettag s2;
	_ =	strace s9  }
0x27: {  	s1 =	sld [smem:$0x3FA5]  }
0x28: {  	s2 =	sld [smem:$0x3FA6]  }
0x29: {  	s4 =	sld [smem:$0x3FA8]  }
0x2a: {  	p0 =	seq.s32 s5, $0x0;
	s5 =	sld [smem:$0x3FA9]  }
0x2b: {  	s6 =	sld [smem:$0x3FAA]  }
0x2c: {  	s7 =	sld [smem:$0x3FAB]  }
0x2d: {  	s3 =	simm.s32 $0x108;
	s8 =	sld [smem:$0x3FAC]  }
0x2e: {  	s3 =	simm.s32 @!p0 $0x1082;
	s9 =	sld [smem:$0x3FAD]  }
0x2f: {  	lr =	sadd.s32 s0, s3;
	s0 =	sld [smem:$0x3FA4]  }
0x30: {  	s3 =	sld [smem:$0x3FA7]  }
0x31: {  	[smem:$0x3FB0] =	sst s10  }
0x32: {  	s10 =	sld [smem:$0x3FAE];
	_ =	sdelay $0x3  }
0x33: {  	p0 =	seq.s32 s10, $0x1;
	s10 =	sld [smem:$0x3FB0];
	_ =	sdelay $0x3  }
0x34: {  	[smem:$0x3FB0] =	sst s10  }
0x35: {  	s10 =	sld [smem:$0x3FAF];
	_ =	sdelay $0x3  }
0x36: {  	p1 =	seq.s32 s10, $0x1;
	s10 =	sld [smem:$0x3FB0];
	_ =	sdelay $0x3  }
0x37: {  	[smem:$0x3FB0] =	sst s10  }
0x38: {  	s10 =	sld [smem:$0x3FB1]  }
0x39: {  	_ = 	snop;
	(pc) =	sbr.ind lr, $3  }
0x3a: {  	_ = 	snop  }
0x3b: {  	_ = 	snop  }
0x3c: {  	p2 =	seq.s32 s10, $0x1;
	s10 =	sld [smem:$0x3FB0]  }
0x3d: {  	_ =	shalt  }
0x3e: {  	_ =	shalt  }
0x3f: {  	_ =	shalt  }
0x40: {  	_ =	shalt  }
0x41: {  	_ =	shalt  }
0x42: {  	_ =	shalt  }
0x43: {  	_ =	shalt  }
0x44: {  	_ =	shalt  }
0x45: {  	_ =	shalt  }
0x46: {  	_ =	shalt  }
0x47: {  	_ =	shalt  }
0x48: {  	_ =	shalt  }
0x49: {  	_ =	shalt  }
0x4a: {  	_ =	shalt  }
0x4b: {  	_ =	shalt  }
0x4c: {  	_ =	shalt  }
0x4d: {  	_ =	shalt  }
0x4e: {  	_ =	shalt  }
0x4f: {  	_ =	shalt  }
0x50: {  	_ =	shalt  }
0x51: {  	_ =	shalt  }
0x52: {  	_ =	shalt  }
0x53: {  	_ =	shalt  }
0x54: {  	_ =	shalt  }
0x55: {  	_ =	shalt  }
0x56: {  	_ =	shalt  }
0x57: {  	_ =	shalt  }
0x58: {  	_ =	shalt  }
0x59: {  	_ =	shalt  }
0x5a: {  	_ =	shalt  }
0x5b: {  	_ =	shalt  }
0x5c: {  	_ =	shalt  }
0x5d: {  	_ =	shalt  }
0x5e: {  	_ =	shalt  }
0x5f: {  	_ =	shalt  }
0x60: {  	_ =	shalt  }
0x61: {  	_ =	shalt  }
0x62: {  	_ =	shalt  }
0x63: {  	_ =	shalt  }
0x64: {  	_ =	shalt  }
0x65: {  	_ =	shalt  }
0x66: {  	_ =	shalt  }
0x67: {  	_ =	shalt  }
0x68: {  	_ =	shalt  }
0x69: {  	_ =	shalt  }
0x6a: {  	_ =	shalt  }
0x6b: {  	_ =	shalt  }
0x6c: {  	_ =	shalt  }
0x6d: {  	_ =	shalt  }
0x6e: {  	_ =	shalt  }
0x6f: {  	_ =	shalt  }
0x70: {  	_ =	shalt  }
0x71: {  	_ =	shalt  }
0x72: {  	_ =	shalt  }
0x73: {  	_ =	shalt  }
0x74: {  	_ =	shalt  }
0x75: {  	_ =	shalt  }
0x76: {  	_ =	shalt  }
0x77: {  	_ =	shalt  }
0x78: {  	_ =	shalt  }
0x79: {  	_ =	shalt  }
0x7a: {  	_ =	shalt  }
0x7b: {  	_ =	shalt  }
0x7c: {  	_ =	shalt  }
0x7d: {  	_ =	shalt  }
0x7e: {  	_ =	shalt  }
0x7f: {  	_ =	shalt  }
0x80: {  	_ =	shalt  }
0x81: {  	_ =	shalt  }
0x82: {  	_ =	shalt  }
0x83: {  	_ =	shalt  }
0x84: {  	_ =	shalt  }
0x85: {  	_ =	shalt  }
0x86: {  	_ =	shalt  }
0x87: {  	_ =	shalt  }
.Lfunc_end0:
.L_simem_size_0:
called_computation.9_lowered:
.L_overlay_start_0:
0x88: {  	s2 =	sld [smem:$0x3FD9]  }
0x89: {  	s3 =	sld [smem:$0x3FFE];
	_ =	sdelay $0x1  }
0x8a: {  	s1 =	srdreg.scid  }
0x8b: {  	s0 =	sand.u32 $0x1, s1  }
0x8c: {  	s17 =	sshll.u32 s0, $0xA;
	s2 =	sadd.s32 s3, s2  }
0x8d: {  	s2 =	sadd.s32 s2, s17  }
0x8e: {  	[smem:$0x3FBC] =	sst s2  }
0x8f: {  	_ = 	snop  }
0x90: {  	(tm) =	ssettm $0x1  }
0x91: {  	s18 =	sld [smem:$0x3FFB];
	_ =	sdelay $0x3  }
0x92: {  	_ =	strace s18  }
0x93: {  	s2 =	sld [smem:$0x3FFC];
	_ =	sdelay $0x3  }
0x94: {  	_ =	strace s2  }
0x95: {  	s2 =	sld [smem:$0x3FFD];
	_ =	sdelay $0x3  }
0x96: {  	_ =	strace s2  }
0x97: {  	_ =	strace $0x8FFFFFFF  }
0x98: {  	s19 =	sld [smem:$0x3FDB];
	_ =	sdelay $0x1  }
0x99: {  	s20 =	simm.s32 $_scs_section_size  }
0x9a: {  	s4 =	simm.s32 $_size__tile_overlayer_lowered;
	s5 =	simm.s32 $_tile_overlayer_lowered  }
0x9b: {  	s6 =	simm.s32 $0x1BFF;
	s21 =	sshll.u32 s5, $0x1;
	s3 =	sadd.s32 s20, s19  }
0x9c: {  	s22 =	simm.s32 $0x0;
	s4 =	sshll.u32 s4, $0x1;
	s5 =	sadd.s32 s21, s3  }
0x9d: {  	[timem:s22], [sflag:s6] =	dma.local [hbm:s5], s4  }
0x9e: {  	_ =	swait.ge [sflag:s6], s4  }
0x9f: {  	s4 =	ssub.s32 $0x0, s4;
	[sflag:s6] =	ssyncset.done $0x0  }
0xa0: {  	[sflag:s6] =	ssyncadd.s32 s4;
	_ =	sdelay $0x1  }
0xa1: {  	s23 =	simm.s32 $0x1B8B  }
0xa2: {  	_ =	swait.ge [sflag:s23], $0x1  }
0xa3: {  	[sflag:s23] =	ssyncset.done $0x0  }
0xa4: {  	[sflag:s23] =	ssyncadd.s32 $0xFFFFFFFF  }
0xa5: {  	s4 =	sld [smem:$0x0]  }
0xa6: {  	s5 =	sand.u32 $0xFFFFFFFE, s1  }
0xa7: {  	p0 =	sne.s32 s1, s5  }
0xa8: {  	s5 =	sshll.u32 @p0 s5, $0xE  }
0xa9: {  	s5 =	sadd.s32 @p0 $0x11B8D, s5;
	s6 =	sshll.u32 @p0 s4, $0x11  }
0xaa: {  	s5 =	sor.u32 @p0 s6, s5  }
0xab: {  	[sflag:s5] =	ssyncadd.remote.s32 @p0 $0x1;
	_ =	sdelay $0x1  }
0xac: {  	s5 =	simm.s32 @p0 $0x1B8D  }
0xad: {  	_ =	swait.eq @p0 [sflag:s5], $0x1  }
0xae: {  	[sflag:s5] =	ssyncadd.s32 @p0 $0xFFFFFFFF  }
0xaf: {  	s6 =	sshll.u32 @!p0 s1, $0xE  }
0xb0: {  	s6 =	sor.u32 @!p0 $0x4000, s6;
	s5 =	simm.s32 @!p0 $0x1B8D  }
0xb1: {  	s4 =	sshll.u32 @!p0 s4, $0x11;
	s6 =	sadd.s32 @!p0 $0x11B8D, s6;
	_ =	swait.eq @!p0 [sflag:s5], $0x1  }
0xb2: {  	s4 =	sor.u32 @!p0 s4, s6;
	[sflag:s5] =	ssyncadd.s32 @!p0 $0xFFFFFFFF  }
0xb3: {  	s25 =	simm.s32 $0x1B8E;
	s24 =	sld [smem:$0x3FFE];
	[sflag:s4] =	ssyncadd.remote.s32 @!p0 $0x1  }
0xb4: {  	s26 =	simm.s32 $execute0_lowered;
	[smem:$0x3FD2] =	sst s25  }
0xb5: {  	s5 =	sshll.u32 s26, $0x1;
	_ =	strace $0x8000005E;
	[dreg:$0x1] =	wrdreg $0xFFFFFFFF  }
0xb6: {  	s28 =	simm.s32 $_size_execute0_lowered;
	s3 =	sadd.s32 s3, s5;
	[dreg:$0x0] =	wrdreg $0x0  }
0xb7: {  	s5 =	sshll.u32 s28, $0x1;
	[dreg:$0x2] =	wrdreg s3  }
0xb8: {  	[dreg:$0x3] =	wrdreg s5  }
0xb9: {  	[dreg:$0x4] =	wrdreg $0xC0  }
0xba: {  	_ =	task [dreg:s22], $0x5FFFF  }
0xbb: {  	[dreg:$0x1] =	wrdreg $0xFFFFFFFF  }
0xbc: {  	[dreg:$0x0] =	wrdreg $0x60  }
0xbd: {  	[dreg:$0x2] =	wrdreg s24  }
0xbe: {  	[dreg:$0x3] =	wrdreg $0x5C000  }
0xbf: {  	[dreg:$0x4] =	wrdreg $0xA  }
0xc0: {  	_ =	task.clear_ibuf [dreg:s22], $0x5FFFF;
	_ =	strace $0x9000005E  }
0xc1: {  	s29 =	simm.s32 $0xA;
	_ =	strace $0x80000060  }
0xc2: {  	_ =	swait.ge [sflag:s29], $0x1  }
0xc3: {  	[sflag:s29] =	ssyncadd.s32 $0xFFFFFFFF  }
0xc4: {  	_ =	strace $0x90000060  }
0xc5: {  	_ =	sfence  }
0xc6: {  	s30 =	sld [smem:$0x0];
	_ =	sdelay $0x2  }
0xc7: {  	s31 =	sshll.u32 s1, $0xD;
	s1 =	sshrl.u32 s1, $0x2  }
0xc8: {  	s4 =	sand.u32 $0x4000, s31;
	s1 =	sadd.s32 s1, s30  }
0xc9: {  	s0 =	sor.u32 s4, s0;
	s1 =	sshll.u32 s1, $0x11  }
0xca: {  	s0 =	sor.u32 s1, s0  }
0xcb: {  	s0 =	sadd.s32 $0x8F2B, s0  }
0xcc: {  	[sflag:s0] =	ssyncadd.remote.s32 $0x1  }
0xcd: {  	_ =	sfence.sel $0xFFFF  }
0xce: {  	[dreg:$0x0] =	wrdreg $0xFFFFFFFF;
	(pc) =	sbr.abs _section_cstart, $3  }
0xcf: {  	[dreg:$0x1] =	wrdreg $0xFFFFFFFF  }
0xd0: {  	_ =	task.clear_ibuf [dreg:s22], $0x2FFFF;
	_ =	strace $0x9FFFFFFF  }
0xd1: {  	(tm) =	ssettm $0x7FFFFFFF  }
tec
execute0_lowered:
.L_overlay_start_1:
0x0: {  	(tag) =	ssettag $0x1  }
0x1: {  	s3 =	rddreg [dreg:$0x0]  }
0x2: {  	s1 =	rddreg [dreg:$0x1]  }
0x3: {  	s0 =	rddreg [dreg:$0x2]  }
0x4: {  	s4 =	srdreg.scid;
	s10 =	stileid.u32  }
0x5: {  	s2 =	simm.s32 $0x0;
	s13 =	simm.s32 $0x50;
	s14 =	simm.s32 $0x3400  }
0x6: {  	s15 =	simm.s32 $0x80;
	s16 =	simm.s32 $0x1;
	s17 =	simm.s32 $0x2  }
0x7: {  	s18 =	simm.s32 $0x0;
	s4 =	sand.u32 $0x1, s4;
	s11 =	smul.u32 $0xC800, s10  }
0x8: {  	s5 =	sshll.u32 s10, $0x1;
	[smem:$0x7FF] =	sst s2;
	s8 =	smul.u32 $0x27100, s4  }
0x9: {  	s7 =	sadd.s32 $0x3CD600, s3;
	s5 =	sor.u32 s4, s5;
	s12 =	smul.u32 $0x6400, s4  }
0xa: {  	p0 =	sne.s32 s10, $0x0;
	_ =	strace $0x8000005F;
	s6 =	smul.u32 $0x180, s5  }
0xb: {  	s9 =	ssub.s32 $0x2, s4;
	s10 =	sshrl.u32 @!p0 s1, $0x3;
	s5 =	smul.u32 $0x6400, s5  }
0xc: {  	s30 =	sshrl.u32 s9, $0x1;
	s11 =	sadd.s32 s11, s7;
	s8 =	sadd.s32 s8, s3  }
0xd: {  	s9 =	ssub.s32 s9, s30;
	s31 =	sadd.s32 s12, s11;
	s11 =	simm.s32 $0x3  }
0xe: {  	s12 =	simm.s32 $0xC00;
	s6 =	sadd.s32 s6, s3;
	s3 =	sadd.s32 $0xF2C00, s8  }
0xf: {  	s5 =	sadd.s32 s7, s5;
	s7 =	smax.u32 s9, $0x1;
	s9 =	sadd.s32 $0xA00, s31  }
0x10: {  	s4 =	sadd.s32 $0x54800, s6;
	s6 =	sadd.s32 $0x57800, s8;
	s8 =	sadd.s32 $0x500, s5  }
.LBB2_1:
0x11: {  	s19 =	simm.s32 @!p0 $0x1C03  }
0x12: {  	[spmem:s10], [sflag:s19] =	dma.local @!p0 [hbm:s3], $0x27100  }
0x13: {  	s19 =	simm.s32 @!p0 $0x3  }
0x14: {  	_ =	swait.ge @!p0 [sflag:s19], $0x27100  }
0x15: {  	[sflag:s19] =	ssyncset.done @!p0 $0x0  }
0x16: {  	[sflag:s19] =	ssyncadd.s32 @!p0 $0xFFFD8F00  }
0x17: {  	[tilespmem:s2], [sflag:$0x3] =	stream.linear.gather [hbm4b:s4+s2], $0xA00, $0x38;
	[tilespmem:$0x19480] =	vst v63  }
0x18: {  	_ =	swait.ge [sflag:s11], $0xA00  }
0x19: {  	[sflag:s11] =	ssyncset.done $0x0  }
0x1a: {  	[sflag:s11] =	ssyncadd.s32 $0xFFFFF600  }
0x1b: {  	[bflag:$0x0] =	sbarrier.arrive $0xFFFF  }
0x1c: {  	[tilespmem:s12], [sflag:$0x1] =	stream.linear.gather [hbm4b:s5+s2], $0x2800, $0x38;
	[tilespmem:$0x19480] =	vst v63  }
0x1d: {  	_ =	swait.ge [sflag:s16], $0x2800  }
0x1e: {  	[sflag:s16] =	ssyncset.done $0x0  }
0x1f: {  	[sflag:s16] =	ssyncadd.s32 $0xFFFFD800  }
0x20: {  	[spmem:s1] =	stream.indirect.scatter.add.f32 [tilespmem:s12], [sflag:$0x2], $0x80, s2, s13, $0xb8;
	[tilespmem:$0x19480] =	vst v63  }
0x21: {  	_ = 	snop  }
0x22: {  	[tilespmem:s14], [sflag:$0x1] =	stream.linear.gather [hbm4b:s8+s2], $0x2800, $0x38;
	[tilespmem:$0x19480] =	vst v63  }
0x23: {  	_ =	swait.ge [sflag:s16], $0x2800  }
0x24: {  	s29 =	sxor.u32 $0x1, s16;
	[sflag:s16] =	ssyncset.done $0x0  }
0x25: {  	s19 =	smul.u32 $0xA000, s29;
	[sflag:s16] =	ssyncadd.s32 $0xFFFFD800  }
0x26: {  	[spmem:s1] =	stream.indirect.scatter.add.f32 [tilespmem:s14], [sflag:$0x2], $0x80, s15, s13, $0xb8;
	[tilespmem:$0x19480] =	vst v63  }
0x27: {  	s21 =	sand.u32 $0x1, s17;
	_ =	swait.ge [sflag:s17], $0x2800  }
0x28: {  	s20 =	simm.s32 $0x100;
	s19 =	sshra.s32 s19, $0x2;
	[sflag:s17] =	ssyncset.done $0x0  }
0x29: {  	s30 =	smul.u32 $0xA000, s21;
	s19 =	sadd.s32 $0xC00, s19;
	[sflag:s17] =	ssyncadd.s32 $0xFFFFD800  }
0x2a: {  	[tilespmem:s19], [sflag:$0x1] =	stream.linear.gather [hbm4b:s9+s2], $0x2800, $0x38;
	[tilespmem:$0x19480] =	vst v63  }
0x2b: {  	s22 =	simm.s32 $0x3;
	s31 =	sxor.u32 $0x1, s21;
	_ =	swait.ge [sflag:s16], $0x2800  }
0x2c: {  	s21 =	smov.u32 s9;
	s19 =	sshrl.u32 s30, $0x2;
	[sflag:s16] =	ssyncset.done $0x0  }
0x2d: {  	s23 =	smul.u32 $0xA000, s31;
	s19 =	sadd.s32 $0xC00, s19;
	[sflag:s16] =	ssyncadd.s32 $0xFFFFD800  }
0x2e: {  	[spmem:s1] =	stream.indirect.scatter.add.f32 [tilespmem:s19], [sflag:$0x2], $0x80, s20, s13, $0xb8;
	[tilespmem:$0x19480] =	vst v63  }
0x2f: {  	s20 =	simm.s32 $0x4;
	s19 =	simm.s32 $0x180;
	_ =	swait.ge [sflag:s17], $0x2800  }
.LBB2_2:
0x30: {  	s23 =	sshra.s32 s23, $0x2  }
0x31: {  	[sflag:s17] =	ssyncset.done $0x0;
	s21 =	sadd.s32 $0x500, s21;
	s24 =	smov.u32 s20  }
0x32: {  	s22 =	sand.u32 $0x1, s22;
	s23 =	sadd.s32 $0xC00, s23;
	[sflag:s17] =	ssyncadd.s32 $0xFFFFD800  }
0x33: {  	[tilespmem:s23], [sflag:$0x1] =	stream.linear.gather [hbm4b:s21+s2], $0x2800, $0x38;
	[tilespmem:$0x19480] =	vst v63  }
0x34: {  	p1 =	sne.s32 s20, $0x13;
	s23 =	smul.u32 $0xA000, s22;
	_ =	swait.ge [sflag:s16], $0x2800  }
.Ltmp0:
0x35: {  	s20 =	sadd.s32 $0x1, s20;
	[sflag:s16] =	ssyncset.done $0x0;
	(pc) =	sbr.rel @p1 .LBB2_2-.Ltmp0, $4  }
0x36: {  	s22 =	sxor.u32 $0x1, s22;
	s25 =	sshrl.u32 s23, $0x2;
	[sflag:s16] =	ssyncadd.s32 $0xFFFFD800  }
0x37: {  	s23 =	smul.u32 $0xA000, s22;
	s22 =	smov.u32 s24;
	s25 =	sadd.s32 $0xC00, s25  }
0x38: {  	[spmem:s1] =	stream.indirect.scatter.add.f32 [tilespmem:s25], [sflag:$0x2], $0x80, s19, s13, $0xb8;
	[tilespmem:$0x19480] =	vst v63  }
0x39: {  	s19 =	sadd.s32 $0x80, s19;
	_ =	swait.ge [sflag:s17], $0x2800  }
0x3a: {  	s20 =	sshra.s32 s23, $0x2  }
0x3b: {  	[sflag:s17] =	ssyncset.done $0x0;
	s21 =	sadd.s32 $0x500, s21;
	s22 =	sand.u32 $0x1, s22  }
0x3c: {  	s20 =	sadd.s32 $0xC00, s20;
	[sflag:s17] =	ssyncadd.s32 $0xFFFFD800;
	s31 =	smul.u32 $0xA000, s22  }
0x3d: {  	[tilespmem:s20], [sflag:$0x1] =	stream.linear.gather [hbm4b:s21+s2], $0x2800, $0x38;
	[tilespmem:$0x19480] =	vst v63  }
0x3e: {  	_ =	swait.ge [sflag:s16], $0x2800  }
0x3f: {  	s20 =	sshrl.u32 s31, $0x2;
	[sflag:s16] =	ssyncset.done $0x0  }
0x40: {  	s20 =	sadd.s32 $0xC00, s20;
	[sflag:s16] =	ssyncadd.s32 $0xFFFFD800  }
0x41: {  	[spmem:s1] =	stream.indirect.scatter.add.f32 [tilespmem:s20], [sflag:$0x2], $0x80, s19, s13, $0xb8;
	[tilespmem:$0x19480] =	vst v63  }
0x42: {  	_ =	swait.ge [sflag:s17], $0x2800  }
0x43: {  	[sflag:s17] =	ssyncset.done $0x0  }
0x44: {  	[sflag:s17] =	ssyncadd.s32 $0xFFFFD800  }
0x45: {  	_ =	swait.ge [sflag:s17], $0x2800  }
0x46: {  	[sflag:s17] =	ssyncset.done $0x0  }
0x47: {  	s18 =	sadd.s32 $0x1, s18;
	[sflag:s17] =	ssyncadd.s32 $0xFFFFD800  }
0x48: {  	p1 =	sne.s32 s18, s7;
	s19 =	simm.s32 @!p0 $0x1C03;
	[bflag:$0x0] =	sbarrier.arrive $0xFFFF  }
0x49: {  	[hbm:s6], [sflag:s19] =	dma.local @!p0 [spmem:s10], $0x27100  }
.Ltmp1:
0x4a: {  	_ = 	snop;
	(pc) =	sbr.rel @p1 .LBB2_1-.Ltmp1, $4  }
0x4b: {  	s19 =	simm.s32 @!p0 $0x3  }
0x4c: {  	_ =	swait.ge @!p0 [sflag:s19], $0x27100  }
0x4d: {  	[sflag:s19] =	ssyncset.done @!p0 $0x0  }
0x4e: {  	[sflag:s19] =	ssyncadd.s32 @!p0 $0xFFFD8F00  }
0x4f: {  	_ =	sfence.sel $0x180000  }
0x50: {  	[bflag:$0x0] =	sbarrier.arrive $0xFFFF  }
0x51: {  	_ =	strace $0x9000005F  }
0x52: {  	s0 =	sadd.s32 @!p0 $0x100000, s0;
	[bflag:$0x2] =	sbarrier.arrive $0xFFFF  }
0x53: {  	[sflag:s0] =	ssyncadd.tile.s32 @!p0 $0x1;
	_ =	shalt  }
.Lfunc_end2:
_tile_overlayer_lowered:
.L_overlay_start_2:
0x54: {  	(tag) =	ssettag $0x2  }
0x55: {  	s0 =	rddreg [dreg:$0x0];
	s2 =	stileid.u32  }
0x56: {  	s1 =	rddreg [dreg:$0x1];
	p0 =	sne.s32 s2, $0x0  }
0x57: {  	s3 =	rddreg [dreg:$0x2];
	[bflag:$0x3] =	sbarrier.arrive $0xFFFF;
	s2 =	simm.s32 @!p0 $0x1C03  }
0x58: {  	[timem:s3], [sflag:s2] =	dma.local @!p0 [hbm:s0], s1  }
0x59: {  	s0 =	simm.s32 @!p0 $0x3  }
0x5a: {  	_ =	swait.ge @!p0 [sflag:s0], s1  }
0x5b: {  	s1 =	ssub.s32 @!p0 $0x0, s1;
	[sflag:s0] =	ssyncset.done @!p0 $0x0  }
0x5c: {  	[sflag:s0] =	ssyncadd.s32 @!p0 s1  }
0x5d: {  	[bflag:$0x3] =	sbarrier.arrive $0xFFFF  }
0x5e: {  	_ =	shalt  }

</sc_bundles>
